<compile_context>
chip_gen: v7x
topology: tpu7x:2x2x1
jax: 0.10.2.dev20260603
libtpu: 0.0.44.dev20260713+nightly
codegen_flags: <defaults>
</compile_context>

<pallas_src>
import functools

import jax
import jax.numpy as jnp
from jax import lax
from jax.experimental import pallas as pl
from jax.experimental.pallas import tpu as pltpu
from jax.experimental.pallas import tpu_sc as plsc

SPELL_LEN = 9
HIDDEN = 128

NC = 2
NS = 16
NW = NC * NS
CH = 128
NBUF = 6


@functools.lru_cache(maxsize=None)
def _make(batch, rows):
    per_tile = batch // NW
    qch = per_tile // CH
    nch = SPELL_LEN * qch
    mesh = plsc.VectorSubcoreMesh(core_axis_name="c", subcore_axis_name="s")

    @functools.partial(
        pl.kernel,
        mesh=mesh,
        out_type=jax.ShapeDtypeStruct((SPELL_LEN, batch, HIDDEN), jnp.float32),
        compiler_params=pltpu.CompilerParams(use_tc_tiling_on_sc=True),
        scratch_types=[
            pltpu.VMEM((per_tile,), jnp.int32),
            pltpu.VMEM((per_tile * SPELL_LEN,), jnp.int32),
        ]
        + [pltpu.VMEM((CH, HIDDEN), jnp.float32) for _ in range(NBUF)]
        + [pltpu.SemaphoreType.DMA for _ in range(2 * NBUF)],
    )
    def k(rs_hbm, table_hbm, out_hbm, rs_v, idx_v, *rest):
        bufs = rest[:NBUF]
        gsems = rest[NBUF : 2 * NBUF]
        wsems = rest[2 * NBUF :]
        wid = lax.axis_index("s") * NC + lax.axis_index("c")
        base = wid * per_tile
        pltpu.sync_copy(rs_hbm.at[pl.ds(base, per_tile)], rs_v)

        for v in range(per_tile // 16):
            r9 = rs_v[pl.ds(v * 16, 16)] * SPELL_LEN
            for s in range(SPELL_LEN):
                idx_v[pl.ds(s * per_tile + v * 16, 16)] = r9 + s

        def gather(c, b):
            return pltpu.async_copy(
                table_hbm.at[idx_v.at[pl.ds(c * CH, CH)]],
                bufs[b],
                gsems[b],
            )

        def write(c, b):
            s, q = divmod(c, qch)
            return pltpu.async_copy(
                bufs[b],
                out_hbm.at[s, pl.ds(base + q * CH, CH)],
                wsems[b],
            )

        gdesc, wdesc = {}, {}
        depth = min(NBUF - 1, nch)
        for c in range(depth):
            gdesc[c % NBUF] = gather(c, c % NBUF)
        for c in range(nch):
            b = c % NBUF
            gdesc[b].wait()
            wdesc[b] = write(c, b)
            f = c + depth
            if f < nch:
                bf = f % NBUF
                if bf in wdesc:
                    wdesc[bf].wait()
                gdesc[bf] = gather(f, bf)
        for c in range(max(nch - NBUF, 0), nch):
            wdesc[c % NBUF].wait()

    return k


def kernel(rs_tensor, embedding_relation):
    batch = rs_tensor.shape[0]
    rows = embedding_relation.shape[0]
    out9 = _make(batch, rows)(rs_tensor, embedding_relation)
    return jnp.transpose(out9, (1, 0, 2))

# --- scband reference (transcript-rebuilt; emitter-appended) ---
"""Pipeline reference for scband-keprompt-encoder-14800457302488 (READ-ONLY COPY).

The authoritative reference and input builder live on the scoring server;
editing this copy changes nothing except your own understanding.
"""

import jax, jax.numpy as jnp
import numpy as np

TEMPLATE = [3, 3, 3]
SPELL_LEN = sum(TEMPLATE)  # 9
RELATION_NUM = 100000
HIDDEN = 128
BATCH = 16384


def setup_inputs(seed: int = 0) -> dict:
    key = jax.random.key(seed)
    k1, k2 = jax.random.split(key)
    rs_tensor = jax.random.randint(k1, (BATCH,), 0, RELATION_NUM, dtype=jnp.int32)
    embedding_relation = jax.random.normal(k2, (SPELL_LEN * RELATION_NUM, HIDDEN), dtype=jnp.float32) * 0.02
    return {"rs_tensor": rs_tensor, "embedding_relation": embedding_relation}


def reference(rs_tensor, embedding_relation):
    # seq_indices_relation: [0..spell_len)
    seq_indices = jnp.arange(SPELL_LEN, dtype=rs_tensor.dtype)
    # [B, spell_len] = seq[None,:] + rs[:,None] * spell_len
    seq_indices_relation_spec = seq_indices[None, :] + rs_tensor[:, None] * SPELL_LEN
    # embedding lookup (gather rows)
    input_embeds = jnp.take(embedding_relation, seq_indices_relation_spec, axis=0)
    return input_embeds

if __name__ == "__main__":
    import jax
    _d = setup_inputs()
    print(jax.jit(kernel)(*tuple(_d.values())))

</pallas_src>

<mosaic_0001>
#map = affine_map<(d0, d1) -> (0)>
#map1 = affine_map<(d0, d1) -> (0, 0)>
#map2 = affine_map<(d0, d1) -> (0, 0, 0)>
module attributes {stable_mosaic.version = 14 : i64} {
  func.func @k(%arg0: i32, %arg1: i32, %arg2: memref<16384xi32, #tpu.memory_space<hbm>>, %arg3: memref<900000x128xf32, #tpu.memory_space<hbm>>, %arg4: memref<9x16384x128xf32, #tpu.memory_space<hbm>>, %arg5: memref<512xi32, #tpu.memory_space<vmem>>, %arg6: memref<4608xi32, #tpu.memory_space<vmem>>, %arg7: memref<128x128xf32, #tpu.memory_space<vmem>>, %arg8: memref<128x128xf32, #tpu.memory_space<vmem>>, %arg9: memref<128x128xf32, #tpu.memory_space<vmem>>, %arg10: memref<128x128xf32, #tpu.memory_space<vmem>>, %arg11: memref<128x128xf32, #tpu.memory_space<vmem>>, %arg12: memref<128x128xf32, #tpu.memory_space<vmem>>, %arg13: memref<!tpu.dma_semaphore, #tpu.memory_space<semaphore_mem>>, %arg14: memref<!tpu.dma_semaphore, #tpu.memory_space<semaphore_mem>>, %arg15: memref<!tpu.dma_semaphore, #tpu.memory_space<semaphore_mem>>, %arg16: memref<!tpu.dma_semaphore, #tpu.memory_space<semaphore_mem>>, %arg17: memref<!tpu.dma_semaphore, #tpu.memory_space<semaphore_mem>>, %arg18: memref<!tpu.dma_semaphore, #tpu.memory_space<semaphore_mem>>, %arg19: memref<!tpu.dma_semaphore, #tpu.memory_space<semaphore_mem>>, %arg20: memref<!tpu.dma_semaphore, #tpu.memory_space<semaphore_mem>>, %arg21: memref<!tpu.dma_semaphore, #tpu.memory_space<semaphore_mem>>, %arg22: memref<!tpu.dma_semaphore, #tpu.memory_space<semaphore_mem>>, %arg23: memref<!tpu.dma_semaphore, #tpu.memory_space<semaphore_mem>>, %arg24: memref<!tpu.dma_semaphore, #tpu.memory_space<semaphore_mem>>) attributes {dimension_semantics = [#tpu.dimension_semantics<core_parallel>, #tpu.dimension_semantics<subcore_parallel>], iteration_bounds = array<i64: 2, 16>, scalar_prefetch = 0 : i64, scratch_operands = 20 : i64, tpu.core_type = #tpu.core_type<sc_vector_subcore>, window_params = [{transform_indices = #map}, {transform_indices = #map1}, {transform_indices = #map2}]} {
    %mul3A = arith.constant 2 : i32
    %mul3A_0 = arith.muli %arg1, %mul3A : i32
    %add3A = arith.addi %mul3A_0, %arg0 : i32
    %mul3A_1 = arith.constant 512 : i32
    %mul3A_2 = arith.muli %add3A, %mul3A_1 : i32
    "tpu.region"() ({
      %run_scoped3A = tpu.sem_alloc : memref<!tpu.dma_semaphore, #tpu.memory_space<semaphore_mem>>
      %dma_start3A_3143 = tpu.memref_slice %arg2[%mul3A_2] : memref<16384xi32, #tpu.memory_space<hbm>> -> memref<512xi32, #tpu.memory_space<hbm>>
      %dma_start3A_3144 = tpu.memref_slice %arg2[%mul3A_2] : memref<16384xi32, #tpu.memory_space<hbm>> -> memref<512xi32, #tpu.memory_space<hbm>>
      tpu.enqueue_dma source(%dma_start3A_3144 : memref<512xi32, #tpu.memory_space<hbm>>) target(%arg5 : memref<512xi32, #tpu.memory_space<vmem>>) target_semaphore(%run_scoped3A : memref<!tpu.dma_semaphore, #tpu.memory_space<semaphore_mem>>)
      %dma_wait3A_3145 = tpu.memref_slice %arg2[%mul3A_2] : memref<16384xi32, #tpu.memory_space<hbm>> -> memref<512xi32, #tpu.memory_space<hbm>>
      %dma_wait3A_3146 = tpu.memref_slice %arg2[%mul3A_2] : memref<16384xi32, #tpu.memory_space<hbm>> -> memref<512xi32, #tpu.memory_space<hbm>>
      tpu.wait_dma2 semaphore(%run_scoped3A : memref<!tpu.dma_semaphore, #tpu.memory_space<semaphore_mem>>) src(%dma_wait3A_3146 : memref<512xi32, #tpu.memory_space<hbm>>) dst(%arg5 : memref<512xi32, #tpu.memory_space<vmem>>)
      tpu.yield
    }) : () -> ()
    %get3A = arith.constant 0 : index
    %get3A_3 = tpu.vector_load %arg5[%get3A] {strides = array<i32>} : memref<512xi32, #tpu.memory_space<vmem>>, vector<16xi32>,
    %get3A_4 = vector.shape_cast %get3A_3 : vector<16xi32> to vector<16xi32>
    %mul3A_5 = arith.constant 9 : i32
    %mul3A_6 = vector.broadcast %mul3A_5 : i32 to vector<16xi32>
    %mul3A_7 = arith.muli %get3A_4, %mul3A_6 : vector<16xi32>
    %add3A_8 = arith.constant 0 : i32
    %add3A_9 = vector.broadcast %add3A_8 : i32 to vector<16xi32>
    %add3A_10 = arith.addi %mul3A_7, %add3A_9 : vector<16xi32>
    %swap3A = arith.constant 0 : index
    %swap3A_11 = tpu.vector_load %arg6[%swap3A] {strides = array<i32>} : memref<4608xi32, #tpu.memory_space<vmem>>, vector<16xi32>,
    %swap3A_12 = vector.shape_cast %swap3A_11 : vector<16xi32> to vector<16xi32>
    %swap3A_13 = vector.shape_cast %add3A_10 : vector<16xi32> to vector<16xi32>
    tpu.vector_store %arg6[%swap3A], %swap3A_13 {strides = array<i32>} : memref<4608xi32, #tpu.memory_space<vmem>>, vector<16xi32>,
    %add3A_14 = arith.constant 1 : i32
    %add3A_15 = vector.broadcast %add3A_14 : i32 to vector<16xi32>
    %add3A_16 = arith.addi %mul3A_7, %add3A_15 : vector<16xi32>
    %swap3A_17 = arith.constant 512 : index
    %swap3A_18 = tpu.vector_load %arg6[%swap3A_17] {strides = array<i32>} : memref<4608xi32, #tpu.memory_space<vmem>>, vector<16xi32>,
    %swap3A_19 = vector.shape_cast %swap3A_18 : vector<16xi32> to vector<16xi32>
    %swap3A_20 = vector.shape_cast %add3A_16 : vector<16xi32> to vector<16xi32>
    tpu.vector_store %arg6[%swap3A_17], %swap3A_20 {strides = array<i32>} : memref<4608xi32, #tpu.memory_space<vmem>>, vector<16xi32>,
    %add3A_21 = arith.constant 2 : i32
    %add3A_22 = vector.broadcast %add3A_21 : i32 to vector<16xi32>
    %add3A_23 = arith.addi %mul3A_7, %add3A_22 : vector<16xi32>
    %swap3A_24 = arith.constant 1024 : index
    %swap3A_25 = tpu.vector_load %arg6[%swap3A_24] {strides = array<i32>} : memref<4608xi32, #tpu.memory_space<vmem>>, vector<16xi32>,
    %swap3A_26 = vector.shape_cast %swap3A_25 : vector<16xi32> to vector<16xi32>
    %swap3A_27 = vector.shape_cast %add3A_23 : vector<16xi32> to vector<16xi32>
    tpu.vector_store %arg6[%swap3A_24], %swap3A_27 {strides = array<i32>} : memref<4608xi32, #tpu.memory_space<vmem>>, vector<16xi32>,
    %add3A_28 = arith.constant 3 : i32
    %add3A_29 = vector.broadcast %add3A_28 : i32 to vector<16xi32>
    %add3A_30 = arith.addi %mul3A_7, %add3A_29 : vector<16xi32>
    %swap3A_31 = arith.constant 1536 : index
    %swap3A_32 = tpu.vector_load %arg6[%swap3A_31] {strides = array<i32>} : memref<4608xi32, #tpu.memory_space<vmem>>, vector<16xi32>,
    %swap3A_33 = vector.shape_cast %swap3A_32 : vector<16xi32> to vector<16xi32>
    %swap3A_34 = vector.shape_cast %add3A_30 : vector<16xi32> to vector<16xi32>
    tpu.vector_store %arg6[%swap3A_31], %swap3A_34 {strides = array<i32>} : memref<4608xi32, #tpu.memory_space<vmem>>, vector<16xi32>,
    %add3A_35 = arith.constant 4 : i32
    %add3A_36 = vector.broadcast %add3A_35 : i32 to vector<16xi32>
    %add3A_37 = arith.addi %mul3A_7, %add3A_36 : vector<16xi32>
    %swap3A_38 = arith.constant 2048 : index
    %swap3A_39 = tpu.vector_load %arg6[%swap3A_38] {strides = array<i32>} : memref<4608xi32, #tpu.memory_space<vmem>>, vector<16xi32>,
    %swap3A_40 = vector.shape_cast %swap3A_39 : vector<16xi32> to vector<16xi32>
    %swap3A_41 = vector.shape_cast %add3A_37 : vector<16xi32> to vector<16xi32>
    tpu.vector_store %arg6[%swap3A_38], %swap3A_41 {strides = array<i32>} : memref<4608xi32, #tpu.memory_space<vmem>>, vector<16xi32>,
    %add3A_42 = arith.constant 5 : i32
    %add3A_43 = vector.broadcast %add3A_42 : i32 to vector<16xi32>
    %add3A_44 = arith.addi %mul3A_7, %add3A_43 : vector<16xi32>
    %swap3A_45 = arith.constant 2560 : index
    %swap3A_46 = tpu.vector_load %arg6[%swap3A_45] {strides = array<i32>} : memref<4608xi32, #tpu.memory_space<vmem>>, vector<16xi32>,
    %swap3A_47 = vector.shape_cast %swap3A_46 : vector<16xi32> to vector<16xi32>
    %swap3A_48 = vector.shape_cast %add3A_44 : vector<16xi32> to vector<16xi32>
    tpu.vector_store %arg6[%swap3A_45], %swap3A_48 {strides = array<i32>} : memref<4608xi32, #tpu.memory_space<vmem>>, vector<16xi32>,
    %add3A_49 = arith.constant 6 : i32
    %add3A_50 = vector.broadcast %add3A_49 : i32 to vector<16xi32>
    %add3A_51 = arith.addi %mul3A_7, %add3A_50 : vector<16xi32>
    %swap3A_52 = arith.constant 3072 : index
    %swap3A_53 = tpu.vector_load %arg6[%swap3A_52] {strides = array<i32>} : memref<4608xi32, #tpu.memory_space<vmem>>, vector<16xi32>,
    %swap3A_54 = vector.shape_cast %swap3A_53 : vector<16xi32> to vector<16xi32>
    %swap3A_55 = vector.shape_cast %add3A_51 : vector<16xi32> to vector<16xi32>
    tpu.vector_store %arg6[%swap3A_52], %swap3A_55 {strides = array<i32>} : memref<4608xi32, #tpu.memory_space<vmem>>, vector<16xi32>,
    %add3A_56 = arith.constant 7 : i32
    %add3A_57 = vector.broadcast %add3A_56 : i32 to vector<16xi32>
    %add3A_58 = arith.addi %mul3A_7, %add3A_57 : vector<16xi32>
    %swap3A_59 = arith.constant 3584 : index
    %swap3A_60 = tpu.vector_load %arg6[%swap3A_59] {strides = array<i32>} : memref<4608xi32, #tpu.memory_space<vmem>>, vector<16xi32>,
    %swap3A_61 = vector.shape_cast %swap3A_60 : vector<16xi32> to vector<16xi32>
    %swap3A_62 = vector.shape_cast %add3A_58 : vector<16xi32> to vector<16xi32>
    tpu.vector_store %arg6[%swap3A_59], %swap3A_62 {strides = array<i32>} : memref<4608xi32, #tpu.memory_space<vmem>>, vector<16xi32>,
    %add3A_63 = arith.constant 8 : i32
    %add3A_64 = vector.broadcast %add3A_63 : i32 to vector<16xi32>
    %add3A_65 = arith.addi %mul3A_7, %add3A_64 : vector<16xi32>
    %swap3A_66 = arith.constant 4096 : index
    %swap3A_67 = tpu.vector_load %arg6[%swap3A_66] {strides = array<i32>} : memref<4608xi32, #tpu.memory_space<vmem>>, vector<16xi32>,
    %swap3A_68 = vector.shape_cast %swap3A_67 : vector<16xi32> to vector<16xi32>
    %swap3A_69 = vector.shape_cast %add3A_65 : vector<16xi32> to vector<16xi32>
    tpu.vector_store %arg6[%swap3A_66], %swap3A_69 {strides = array<i32>} : memref<4608xi32, #tpu.memory_space<vmem>>, vector<16xi32>,
    %get3A_70 = arith.constant 16 : index
    %get3A_71 = tpu.vector_load %arg5[%get3A_70] {strides = array<i32>} : memref<512xi32, #tpu.memory_space<vmem>>, vector<16xi32>,
    %get3A_72 = vector.shape_cast %get3A_71 : vector<16xi32> to vector<16xi32>
    %mul3A_73 = arith.constant 9 : i32
    %mul3A_74 = vector.broadcast %mul3A_73 : i32 to vector<16xi32>
    %mul3A_75 = arith.muli %get3A_72, %mul3A_74 : vector<16xi32>
    %add3A_76 = arith.constant 0 : i32
    %add3A_77 = vector.broadcast %add3A_76 : i32 to vector<16xi32>
    %add3A_78 = arith.addi %mul3A_75, %add3A_77 : vector<16xi32>
    %swap3A_79 = arith.constant 16 : index
    %swap3A_80 = tpu.vector_load %arg6[%swap3A_79] {strides = array<i32>} : memref<4608xi32, #tpu.memory_space<vmem>>, vector<16xi32>,
    %swap3A_81 = vector.shape_cast %swap3A_80 : vector<16xi32> to vector<16xi32>
    %swap3A_82 = vector.shape_cast %add3A_78 : vector<16xi32> to vector<16xi32>
    tpu.vector_store %arg6[%swap3A_79], %swap3A_82 {strides = array<i32>} : memref<4608xi32, #tpu.memory_space<vmem>>, vector<16xi32>,
    %add3A_83 = arith.constant 1 : i32
    %add3A_84 = vector.broadcast %add3A_83 : i32 to vector<16xi32>
    %add3A_85 = arith.addi %mul3A_75, %add3A_84 : vector<16xi32>
    %swap3A_86 = arith.constant 528 : index
    %swap3A_87 = tpu.vector_load %arg6[%swap3A_86] {strides = array<i32>} : memref<4608xi32, #tpu.memory_space<vmem>>, vector<16xi32>,
    %swap3A_88 = vector.shape_cast %swap3A_87 : vector<16xi32> to vector<16xi32>
    %swap3A_89 = vector.shape_cast %add3A_85 : vector<16xi32> to vector<16xi32>
    tpu.vector_store %arg6[%swap3A_86], %swap3A_89 {strides = array<i32>} : memref<4608xi32, #tpu.memory_space<vmem>>, vector<16xi32>,
    %add3A_90 = arith.constant 2 : i32
    %add3A_91 = vector.broadcast %add3A_90 : i32 to vector<16xi32>
    %add3A_92 = arith.addi %mul3A_75, %add3A_91 : vector<16xi32>
    %swap3A_93 = arith.constant 1040 : index
    %swap3A_94 = tpu.vector_load %arg6[%swap3A_93] {strides = array<i32>} : memref<4608xi32, #tpu.memory_space<vmem>>, vector<16xi32>,
    %swap3A_95 = vector.shape_cast %swap3A_94 : vector<16xi32> to vector<16xi32>
    %swap3A_96 = vector.shape_cast %add3A_92 : vector<16xi32> to vector<16xi32>
    tpu.vector_store %arg6[%swap3A_93], %swap3A_96 {strides = array<i32>} : memref<4608xi32, #tpu.memory_space<vmem>>, vector<16xi32>,
    %add3A_97 = arith.constant 3 : i32
    %add3A_98 = vector.broadcast %add3A_97 : i32 to vector<16xi32>
    %add3A_99 = arith.addi %mul3A_75, %add3A_98 : vector<16xi32>
    %swap3A_100 = arith.constant 1552 : index
    %swap3A_101 = tpu.vector_load %arg6[%swap3A_100] {strides = array<i32>} : memref<4608xi32, #tpu.memory_space<vmem>>, vector<16xi32>,
    %swap3A_102 = vector.shape_cast %swap3A_101 : vector<16xi32> to vector<16xi32>
    %swap3A_103 = vector.shape_cast %add3A_99 : vector<16xi32> to vector<16xi32>
    tpu.vector_store %arg6[%swap3A_100], %swap3A_103 {strides = array<i32>} : memref<4608xi32, #tpu.memory_space<vmem>>, vector<16xi32>,
    %add3A_104 = arith.constant 4 : i32
    %add3A_105 = vector.broadcast %add3A_104 : i32 to vector<16xi32>
    %add3A_106 = arith.addi %mul3A_75, %add3A_105 : vector<16xi32>
    %swap3A_107 = arith.constant 2064 : index
    %swap3A_108 = tpu.vector_load %arg6[%swap3A_107] {strides = array<i32>} : memref<4608xi32, #tpu.memory_space<vmem>>, vector<16xi32>,
    %swap3A_109 = vector.shape_cast %swap3A_108 : vector<16xi32> to vector<16xi32>
    %swap3A_110 = vector.shape_cast %add3A_106 : vector<16xi32> to vector<16xi32>
    tpu.vector_store %arg6[%swap3A_107], %swap3A_110 {strides = array<i32>} : memref<4608xi32, #tpu.memory_space<vmem>>, vector<16xi32>,
    %add3A_111 = arith.constant 5 : i32
    %add3A_112 = vector.broadcast %add3A_111 : i32 to vector<16xi32>
    %add3A_113 = arith.addi %mul3A_75, %add3A_112 : vector<16xi32>
    %swap3A_114 = arith.constant 2576 : index
    %swap3A_115 = tpu.vector_load %arg6[%swap3A_114] {strides = array<i32>} : memref<4608xi32, #tpu.memory_space<vmem>>, vector<16xi32>,
    %swap3A_116 = vector.shape_cast %swap3A_115 : vector<16xi32> to vector<16xi32>
    %swap3A_117 = vector.shape_cast %add3A_113 : vector<16xi32> to vector<16xi32>
    tpu.vector_store %arg6[%swap3A_114], %swap3A_117 {strides = array<i32>} : memref<4608xi32, #tpu.memory_space<vmem>>, vector<16xi32>,
    %add3A_118 = arith.constant 6 : i32
    %add3A_119 = vector.broadcast %add3A_118 : i32 to vector<16xi32>
    %add3A_120 = arith.addi %mul3A_75, %add3A_119 : vector<16xi32>
    %swap3A_121 = arith.constant 3088 : index
    %swap3A_122 = tpu.vector_load %arg6[%swap3A_121] {strides = array<i32>} : memref<4608xi32, #tpu.memory_space<vmem>>, vector<16xi32>,
    %swap3A_123 = vector.shape_cast %swap3A_122 : vector<16xi32> to vector<16xi32>
    %swap3A_124 = vector.shape_cast %add3A_120 : vector<16xi32> to vector<16xi32>
    tpu.vector_store %arg6[%swap3A_121], %swap3A_124 {strides = array<i32>} : memref<4608xi32, #tpu.memory_space<vmem>>, vector<16xi32>,
    %add3A_125 = arith.constant 7 : i32
    %add3A_126 = vector.broadcast %add3A_125 : i32 to vector<16xi32>
    %add3A_127 = arith.addi %mul3A_75, %add3A_126 : vector<16xi32>
    %swap3A_128 = arith.constant 3600 : index
    %swap3A_129 = tpu.vector_load %arg6[%swap3A_128] {strides = array<i32>} : memref<4608xi32, #tpu.memory_space<vmem>>, vector<16xi32>,
    %swap3A_130 = vector.shape_cast %swap3A_129 : vector<16xi32> to vector<16xi32>
    %swap3A_131 = vector.shape_cast %add3A_127 : vector<16xi32> to vector<16xi32>
    tpu.vector_store %arg6[%swap3A_128], %swap3A_131 {strides = array<i32>} : memref<4608xi32, #tpu.memory_space<vmem>>, vector<16xi32>,
    %add3A_132 = arith.constant 8 : i32
    %add3A_133 = vector.broadcast %add3A_132 : i32 to vector<16xi32>
    %add3A_134 = arith.addi %mul3A_75, %add3A_133 : vector<16xi32>
    %swap3A_135 = arith.constant 4112 : index
    %swap3A_136 = tpu.vector_load %arg6[%swap3A_135] {strides = array<i32>} : memref<4608xi32, #tpu.memory_space<vmem>>, vector<16xi32>,
    %swap3A_137 = vector.shape_cast %swap3A_136 : vector<16xi32> to vector<16xi32>
    %swap3A_138 = vector.shape_cast %add3A_134 : vector<16xi32> to vector<16xi32>
    tpu.vector_store %arg6[%swap3A_135], %swap3A_138 {strides = array<i32>} : memref<4608xi32, #tpu.memory_space<vmem>>, vector<16xi32>,
    %get3A_139 = arith.constant 32 : index
    %get3A_140 = tpu.vector_load %arg5[%get3A_139] {strides = array<i32>} : memref<512xi32, #tpu.memory_space<vmem>>, vector<16xi32>,
    %get3A_141 = vector.shape_cast %get3A_140 : vector<16xi32> to vector<16xi32>
    %mul3A_142 = arith.constant 9 : i32
    %mul3A_143 = vector.broadcast %mul3A_142 : i32 to vector<16xi32>
    %mul3A_144 = arith.muli %get3A_141, %mul3A_143 : vector<16xi32>
    %add3A_145 = arith.constant 0 : i32
    %add3A_146 = vector.broadcast %add3A_145 : i32 to vector<16xi32>
    %add3A_147 = arith.addi %mul3A_144, %add3A_146 : vector<16xi32>
    %swap3A_148 = arith.constant 32 : index
    %swap3A_149 = tpu.vector_load %arg6[%swap3A_148] {strides = array<i32>} : memref<4608xi32, #tpu.memory_space<vmem>>, vector<16xi32>,
    %swap3A_150 = vector.shape_cast %swap3A_149 : vector<16xi32> to vector<16xi32>
    %swap3A_151 = vector.shape_cast %add3A_147 : vector<16xi32> to vector<16xi32>
    tpu.vector_store %arg6[%swap3A_148], %swap3A_151 {strides = array<i32>} : memref<4608xi32, #tpu.memory_space<vmem>>, vector<16xi32>,
    %add3A_152 = arith.constant 1 : i32
    %add3A_153 = vector.broadcast %add3A_152 : i32 to vector<16xi32>
    %add3A_154 = arith.addi %mul3A_144, %add3A_153 : vector<16xi32>
    %swap3A_155 = arith.constant 544 : index
    %swap3A_156 = tpu.vector_load %arg6[%swap3A_155] {strides = array<i32>} : memref<4608xi32, #tpu.memory_space<vmem>>, vector<16xi32>,
    %swap3A_157 = vector.shape_cast %swap3A_156 : vector<16xi32> to vector<16xi32>
    %swap3A_158 = vector.shape_cast %add3A_154 : vector<16xi32> to vector<16xi32>
    tpu.vector_store %arg6[%swap3A_155], %swap3A_158 {strides = array<i32>} : memref<4608xi32, #tpu.memory_space<vmem>>, vector<16xi32>,
    %add3A_159 = arith.constant 2 : i32
    %add3A_160 = vector.broadcast %add3A_159 : i32 to vector<16xi32>
    %add3A_161 = arith.addi %mul3A_144, %add3A_160 : vector<16xi32>
    %swap3A_162 = arith.constant 1056 : index
    %swap3A_163 = tpu.vector_load %arg6[%swap3A_162] {strides = array<i32>} : memref<4608xi32, #tpu.memory_space<vmem>>, vector<16xi32>,
    %swap3A_164 = vector.shape_cast %swap3A_163 : vector<16xi32> to vector<16xi32>
    %swap3A_165 = vector.shape_cast %add3A_161 : vector<16xi32> to vector<16xi32>
    tpu.vector_store %arg6[%swap3A_162], %swap3A_165 {strides = array<i32>} : memref<4608xi32, #tpu.memory_space<vmem>>, vector<16xi32>,
    %add3A_166 = arith.constant 3 : i32
    %add3A_167 = vector.broadcast %add3A_166 : i32 to vector<16xi32>
    %add3A_168 = arith.addi %mul3A_144, %add3A_167 : vector<16xi32>
    %swap3A_169 = arith.constant 1568 : index
    %swap3A_170 = tpu.vector_load %arg6[%swap3A_169] {strides = array<i32>} : memref<4608xi32, #tpu.memory_space<vmem>>, vector<16xi32>,
    %swap3A_171 = vector.shape_cast %swap3A_170 : vector<16xi32> to vector<16xi32>
    %swap3A_172 = vector.shape_cast %add3A_168 : vector<16xi32> to vector<16xi32>
    tpu.vector_store %arg6[%swap3A_169], %swap3A_172 {strides = array<i32>} : memref<4608xi32, #tpu.memory_space<vmem>>, vector<16xi32>,
    %add3A_173 = arith.constant 4 : i32
    %add3A_174 = vector.broadcast %add3A_173 : i32 to vector<16xi32>
    %add3A_175 = arith.addi %mul3A_144, %add3A_174 : vector<16xi32>
    %swap3A_176 = arith.constant 2080 : index
    %swap3A_177 = tpu.vector_load %arg6[%swap3A_176] {strides = array<i32>} : memref<4608xi32, #tpu.memory_space<vmem>>, vector<16xi32>,
    %swap3A_178 = vector.shape_cast %swap3A_177 : vector<16xi32> to vector<16xi32>
    %swap3A_179 = vector.shape_cast %add3A_175 : vector<16xi32> to vector<16xi32>
    tpu.vector_store %arg6[%swap3A_176], %swap3A_179 {strides = array<i32>} : memref<4608xi32, #tpu.memory_space<vmem>>, vector<16xi32>,
    %add3A_180 = arith.constant 5 : i32
    %add3A_181 = vector.broadcast %add3A_180 : i32 to vector<16xi32>
    %add3A_182 = arith.addi %mul3A_144, %add3A_181 : vector<16xi32>
    %swap3A_183 = arith.constant 2592 : index
    %swap3A_184 = tpu.vector_load %arg6[%swap3A_183] {strides = array<i32>} : memref<4608xi32, #tpu.memory_space<vmem>>, vector<16xi32>,
    %swap3A_185 = vector.shape_cast %swap3A_184 : vector<16xi32> to vector<16xi32>
    %swap3A_186 = vector.shape_cast %add3A_182 : vector<16xi32> to vector<16xi32>
    tpu.vector_store %arg6[%swap3A_183], %swap3A_186 {strides = array<i32>} : memref<4608xi32, #tpu.memory_space<vmem>>, vector<16xi32>,
    %add3A_187 = arith.constant 6 : i32
    %add3A_188 = vector.broadcast %add3A_187 : i32 to vector<16xi32>
    %add3A_189 = arith.addi %mul3A_144, %add3A_188 : vector<16xi32>
    %swap3A_190 = arith.constant 3104 : index
    %swap3A_191 = tpu.vector_load %arg6[%swap3A_190] {strides = array<i32>} : memref<4608xi32, #tpu.memory_space<vmem>>, vector<16xi32>,
    %swap3A_192 = vector.shape_cast %swap3A_191 : vector<16xi32> to vector<16xi32>
    %swap3A_193 = vector.shape_cast %add3A_189 : vector<16xi32> to vector<16xi32>
    tpu.vector_store %arg6[%swap3A_190], %swap3A_193 {strides = array<i32>} : memref<4608xi32, #tpu.memory_space<vmem>>, vector<16xi32>,
    %add3A_194 = arith.constant 7 : i32
    %add3A_195 = vector.broadcast %add3A_194 : i32 to vector<16xi32>
    %add3A_196 = arith.addi %mul3A_144, %add3A_195 : vector<16xi32>
    %swap3A_197 = arith.constant 3616 : index
    %swap3A_198 = tpu.vector_load %arg6[%swap3A_197] {strides = array<i32>} : memref<4608xi32, #tpu.memory_space<vmem>>, vector<16xi32>,
    %swap3A_199 = vector.shape_cast %swap3A_198 : vector<16xi32> to vector<16xi32>
    %swap3A_200 = vector.shape_cast %add3A_196 : vector<16xi32> to vector<16xi32>
    tpu.vector_store %arg6[%swap3A_197], %swap3A_200 {strides = array<i32>} : memref<4608xi32, #tpu.memory_space<vmem>>, vector<16xi32>,
    %add3A_201 = arith.constant 8 : i32
    %add3A_202 = vector.broadcast %add3A_201 : i32 to vector<16xi32>
    %add3A_203 = arith.addi %mul3A_144, %add3A_202 : vector<16xi32>
    %swap3A_204 = arith.constant 4128 : index
    %swap3A_205 = tpu.vector_load %arg6[%swap3A_204] {strides = array<i32>} : memref<4608xi32, #tpu.memory_space<vmem>>, vector<16xi32>,
    %swap3A_206 = vector.shape_cast %swap3A_205 : vector<16xi32> to vector<16xi32>
    %swap3A_207 = vector.shape_cast %add3A_203 : vector<16xi32> to vector<16xi32>
    tpu.vector_store %arg6[%swap3A_204], %swap3A_207 {strides = array<i32>} : memref<4608xi32, #tpu.memory_space<vmem>>, vector<16xi32>,
    %get3A_208 = arith.constant 48 : index
    %get3A_209 = tpu.vector_load %arg5[%get3A_208] {strides = array<i32>} : memref<512xi32, #tpu.memory_space<vmem>>, vector<16xi32>,
    %get3A_210 = vector.shape_cast %get3A_209 : vector<16xi32> to vector<16xi32>
    %mul3A_211 = arith.constant 9 : i32
    %mul3A_212 = vector.broadcast %mul3A_211 : i32 to vector<16xi32>
    %mul3A_213 = arith.muli %get3A_210, %mul3A_212 : vector<16xi32>
    %add3A_214 = arith.constant 0 : i32
    %add3A_215 = vector.broadcast %add3A_214 : i32 to vector<16xi32>
    %add3A_216 = arith.addi %mul3A_213, %add3A_215 : vector<16xi32>
    %swap3A_217 = arith.constant 48 : index
    %swap3A_218 = tpu.vector_load %arg6[%swap3A_217] {strides = array<i32>} : memref<4608xi32, #tpu.memory_space<vmem>>, vector<16xi32>,
    %swap3A_219 = vector.shape_cast %swap3A_218 : vector<16xi32> to vector<16xi32>
    %swap3A_220 = vector.shape_cast %add3A_216 : vector<16xi32> to vector<16xi32>
    tpu.vector_store %arg6[%swap3A_217], %swap3A_220 {strides = array<i32>} : memref<4608xi32, #tpu.memory_space<vmem>>, vector<16xi32>,
    %add3A_221 = arith.constant 1 : i32
    %add3A_222 = vector.broadcast %add3A_221 : i32 to vector<16xi32>
    %add3A_223 = arith.addi %mul3A_213, %add3A_222 : vector<16xi32>
    %swap3A_224 = arith.constant 560 : index
    %swap3A_225 = tpu.vector_load %arg6[%swap3A_224] {strides = array<i32>} : memref<4608xi32, #tpu.memory_space<vmem>>, vector<16xi32>,
    %swap3A_226 = vector.shape_cast %swap3A_225 : vector<16xi32> to vector<16xi32>
    %swap3A_227 = vector.shape_cast %add3A_223 : vector<16xi32> to vector<16xi32>
    tpu.vector_store %arg6[%swap3A_224], %swap3A_227 {strides = array<i32>} : memref<4608xi32, #tpu.memory_space<vmem>>, vector<16xi32>,
    %add3A_228 = arith.constant 2 : i32
    %add3A_229 = vector.broadcast %add3A_228 : i32 to vector<16xi32>
    %add3A_230 = arith.addi %mul3A_213, %add3A_229 : vector<16xi32>
    %swap3A_231 = arith.constant 1072 : index
    %swap3A_232 = tpu.vector_load %arg6[%swap3A_231] {strides = array<i32>} : memref<4608xi32, #tpu.memory_space<vmem>>, vector<16xi32>,
    %swap3A_233 = vector.shape_cast %swap3A_232 : vector<16xi32> to vector<16xi32>
    %swap3A_234 = vector.shape_cast %add3A_230 : vector<16xi32> to vector<16xi32>
    tpu.vector_store %arg6[%swap3A_231], %swap3A_234 {strides = array<i32>} : memref<4608xi32, #tpu.memory_space<vmem>>, vector<16xi32>,
    %add3A_235 = arith.constant 3 : i32
    %add3A_236 = vector.broadcast %add3A_235 : i32 to vector<16xi32>
    %add3A_237 = arith.addi %mul3A_213, %add3A_236 : vector<16xi32>
    %swap3A_238 = arith.constant 1584 : index
    %swap3A_239 = tpu.vector_load %arg6[%swap3A_238] {strides = array<i32>} : memref<4608xi32, #tpu.memory_space<vmem>>, vector<16xi32>,
    %swap3A_240 = vector.shape_cast %swap3A_239 : vector<16xi32> to vector<16xi32>
    %swap3A_241 = vector.shape_cast %add3A_237 : vector<16xi32> to vector<16xi32>
    tpu.vector_store %arg6[%swap3A_238], %swap3A_241 {strides = array<i32>} : memref<4608xi32, #tpu.memory_space<vmem>>, vector<16xi32>,
    %add3A_242 = arith.constant 4 : i32
    %add3A_243 = vector.broadcast %add3A_242 : i32 to vector<16xi32>
    %add3A_244 = arith.addi %mul3A_213, %add3A_243 : vector<16xi32>
    %swap3A_245 = arith.constant 2096 : index
    %swap3A_246 = tpu.vector_load %arg6[%swap3A_245] {strides = array<i32>} : memref<4608xi32, #tpu.memory_space<vmem>>, vector<16xi32>,
    %swap3A_247 = vector.shape_cast %swap3A_246 : vector<16xi32> to vector<16xi32>
    %swap3A_248 = vector.shape_cast %add3A_244 : vector<16xi32> to vector<16xi32>
    tpu.vector_store %arg6[%swap3A_245], %swap3A_248 {strides = array<i32>} : memref<4608xi32, #tpu.memory_space<vmem>>, vector<16xi32>,
    %add3A_249 = arith.constant 5 : i32
    %add3A_250 = vector.broadcast %add3A_249 : i32 to vector<16xi32>
    %add3A_251 = arith.addi %mul3A_213, %add3A_250 : vector<16xi32>
    %swap3A_252 = arith.constant 2608 : index
    %swap3A_253 = tpu.vector_load %arg6[%swap3A_252] {strides = array<i32>} : memref<4608xi32, #tpu.memory_space<vmem>>, vector<16xi32>,
    %swap3A_254 = vector.shape_cast %swap3A_253 : vector<16xi32> to vector<16xi32>
    %swap3A_255 = vector.shape_cast %add3A_251 : vector<16xi32> to vector<16xi32>
    tpu.vector_store %arg6[%swap3A_252], %swap3A_255 {strides = array<i32>} : memref<4608xi32, #tpu.memory_space<vmem>>, vector<16xi32>,
    %add3A_256 = arith.constant 6 : i32
    %add3A_257 = vector.broadcast %add3A_256 : i32 to vector<16xi32>
    %add3A_258 = arith.addi %mul3A_213, %add3A_257 : vector<16xi32>
    %swap3A_259 = arith.constant 3120 : index
    %swap3A_260 = tpu.vector_load %arg6[%swap3A_259] {strides = array<i32>} : memref<4608xi32, #tpu.memory_space<vmem>>, vector<16xi32>,
    %swap3A_261 = vector.shape_cast %swap3A_260 : vector<16xi32> to vector<16xi32>
    %swap3A_262 = vector.shape_cast %add3A_258 : vector<16xi32> to vector<16xi32>
    tpu.vector_store %arg6[%swap3A_259], %swap3A_262 {strides = array<i32>} : memref<4608xi32, #tpu.memory_space<vmem>>, vector<16xi32>,
    %add3A_263 = arith.constant 7 : i32
    %add3A_264 = vector.broadcast %add3A_263 : i32 to vector<16xi32>
    %add3A_265 = arith.addi %mul3A_213, %add3A_264 : vector<16xi32>
    %swap3A_266 = arith.constant 3632 : index
    %swap3A_267 = tpu.vector_load %arg6[%swap3A_266] {strides = array<i32>} : memref<4608xi32, #tpu.memory_space<vmem>>, vector<16xi32>,
    %swap3A_268 = vector.shape_cast %swap3A_267 : vector<16xi32> to vector<16xi32>
    %swap3A_269 = vector.shape_cast %add3A_265 : vector<16xi32> to vector<16xi32>
    tpu.vector_store %arg6[%swap3A_266], %swap3A_269 {strides = array<i32>} : memref<4608xi32, #tpu.memory_space<vmem>>, vector<16xi32>,
    %add3A_270 = arith.constant 8 : i32
    %add3A_271 = vector.broadcast %add3A_270 : i32 to vector<16xi32>
    %add3A_272 = arith.addi %mul3A_213, %add3A_271 : vector<16xi32>
    %swap3A_273 = arith.constant 4144 : index
    %swap3A_274 = tpu.vector_load %arg6[%swap3A_273] {strides = array<i32>} : memref<4608xi32, #tpu.memory_space<vmem>>, vector<16xi32>,
    %swap3A_275 = vector.shape_cast %swap3A_274 : vector<16xi32> to vector<16xi32>
    %swap3A_276 = vector.shape_cast %add3A_272 : vector<16xi32> to vector<16xi32>
    tpu.vector_store %arg6[%swap3A_273], %swap3A_276 {strides = array<i32>} : memref<4608xi32, #tpu.memory_space<vmem>>, vector<16xi32>,
    %get3A_277 = arith.constant 64 : index
    %get3A_278 = tpu.vector_load %arg5[%get3A_277] {strides = array<i32>} : memref<512xi32, #tpu.memory_space<vmem>>, vector<16xi32>,
    %get3A_279 = vector.shape_cast %get3A_278 : vector<16xi32> to vector<16xi32>
    %mul3A_280 = arith.constant 9 : i32
    %mul3A_281 = vector.broadcast %mul3A_280 : i32 to vector<16xi32>
    %mul3A_282 = arith.muli %get3A_279, %mul3A_281 : vector<16xi32>
    %add3A_283 = arith.constant 0 : i32
    %add3A_284 = vector.broadcast %add3A_283 : i32 to vector<16xi32>
    %add3A_285 = arith.addi %mul3A_282, %add3A_284 : vector<16xi32>
    %swap3A_286 = arith.constant 64 : index
    %swap3A_287 = tpu.vector_load %arg6[%swap3A_286] {strides = array<i32>} : memref<4608xi32, #tpu.memory_space<vmem>>, vector<16xi32>,
    %swap3A_288 = vector.shape_cast %swap3A_287 : vector<16xi32> to vector<16xi32>
    %swap3A_289 = vector.shape_cast %add3A_285 : vector<16xi32> to vector<16xi32>
    tpu.vector_store %arg6[%swap3A_286], %swap3A_289 {strides = array<i32>} : memref<4608xi32, #tpu.memory_space<vmem>>, vector<16xi32>,
    %add3A_290 = arith.constant 1 : i32
    %add3A_291 = vector.broadcast %add3A_290 : i32 to vector<16xi32>
    %add3A_292 = arith.addi %mul3A_282, %add3A_291 : vector<16xi32>
    %swap3A_293 = arith.constant 576 : index
    %swap3A_294 = tpu.vector_load %arg6[%swap3A_293] {strides = array<i32>} : memref<4608xi32, #tpu.memory_space<vmem>>, vector<16xi32>,
    %swap3A_295 = vector.shape_cast %swap3A_294 : vector<16xi32> to vector<16xi32>
    %swap3A_296 = vector.shape_cast %add3A_292 : vector<16xi32> to vector<16xi32>
    tpu.vector_store %arg6[%swap3A_293], %swap3A_296 {strides = array<i32>} : memref<4608xi32, #tpu.memory_space<vmem>>, vector<16xi32>,
    %add3A_297 = arith.constant 2 : i32
    %add3A_298 = vector.broadcast %add3A_297 : i32 to vector<16xi32>
    %add3A_299 = arith.addi %mul3A_282, %add3A_298 : vector<16xi32>
    %swap3A_300 = arith.constant 1088 : index
    %swap3A_301 = tpu.vector_load %arg6[%swap3A_300] {strides = array<i32>} : memref<4608xi32, #tpu.memory_space<vmem>>, vector<16xi32>,
    %swap3A_302 = vector.shape_cast %swap3A_301 : vector<16xi32> to vector<16xi32>
    %swap3A_303 = vector.shape_cast %add3A_299 : vector<16xi32> to vector<16xi32>
    tpu.vector_store %arg6[%swap3A_300], %swap3A_303 {strides = array<i32>} : memref<4608xi32, #tpu.memory_space<vmem>>, vector<16xi32>,
    %add3A_304 = arith.constant 3 : i32
    %add3A_305 = vector.broadcast %add3A_304 : i32 to vector<16xi32>
    %add3A_306 = arith.addi %mul3A_282, %add3A_305 : vector<16xi32>
    %swap3A_307 = arith.constant 1600 : index
    %swap3A_308 = tpu.vector_load %arg6[%swap3A_307] {strides = array<i32>} : memref<4608xi32, #tpu.memory_space<vmem>>, vector<16xi32>,
    %swap3A_309 = vector.shape_cast %swap3A_308 : vector<16xi32> to vector<16xi32>
    %swap3A_310 = vector.shape_cast %add3A_306 : vector<16xi32> to vector<16xi32>
    tpu.vector_store %arg6[%swap3A_307], %swap3A_310 {strides = array<i32>} : memref<4608xi32, #tpu.memory_space<vmem>>, vector<16xi32>,
    %add3A_311 = arith.constant 4 : i32
    %add3A_312 = vector.broadcast %add3A_311 : i32 to vector<16xi32>
    %add3A_313 = arith.addi %mul3A_282, %add3A_312 : vector<16xi32>
    %swap3A_314 = arith.constant 2112 : index
    %swap3A_315 = tpu.vector_load %arg6[%swap3A_314] {strides = array<i32>} : memref<4608xi32, #tpu.memory_space<vmem>>, vector<16xi32>,
    %swap3A_316 = vector.shape_cast %swap3A_315 : vector<16xi32> to vector<16xi32>
    %swap3A_317 = vector.shape_cast %add3A_313 : vector<16xi32> to vector<16xi32>
    tpu.vector_store %arg6[%swap3A_314], %swap3A_317 {strides = array<i32>} : memref<4608xi32, #tpu.memory_space<vmem>>, vector<16xi32>,
    %add3A_318 = arith.constant 5 : i32
    %add3A_319 = vector.broadcast %add3A_318 : i32 to vector<16xi32>
    %add3A_320 = arith.addi %mul3A_282, %add3A_319 : vector<16xi32>
    %swap3A_321 = arith.constant 2624 : index
    %swap3A_322 = tpu.vector_load %arg6[%swap3A_321] {strides = array<i32>} : memref<4608xi32, #tpu.memory_space<vmem>>, vector<16xi32>,
    %swap3A_323 = vector.shape_cast %swap3A_322 : vector<16xi32> to vector<16xi32>
    %swap3A_324 = vector.shape_cast %add3A_320 : vector<16xi32> to vector<16xi32>
    tpu.vector_store %arg6[%swap3A_321], %swap3A_324 {strides = array<i32>} : memref<4608xi32, #tpu.memory_space<vmem>>, vector<16xi32>,
    %add3A_325 = arith.constant 6 : i32
    %add3A_326 = vector.broadcast %add3A_325 : i32 to vector<16xi32>
    %add3A_327 = arith.addi %mul3A_282, %add3A_326 : vector<16xi32>
    %swap3A_328 = arith.constant 3136 : index
    %swap3A_329 = tpu.vector_load %arg6[%swap3A_328] {strides = array<i32>} : memref<4608xi32, #tpu.memory_space<vmem>>, vector<16xi32>,
    %swap3A_330 = vector.shape_cast %swap3A_329 : vector<16xi32> to vector<16xi32>
    %swap3A_331 = vector.shape_cast %add3A_327 : vector<16xi32> to vector<16xi32>
    tpu.vector_store %arg6[%swap3A_328], %swap3A_331 {strides = array<i32>} : memref<4608xi32, #tpu.memory_space<vmem>>, vector<16xi32>,
    %add3A_332 = arith.constant 7 : i32
    %add3A_333 = vector.broadcast %add3A_332 : i32 to vector<16xi32>
    %add3A_334 = arith.addi %mul3A_282, %add3A_333 : vector<16xi32>
    %swap3A_335 = arith.constant 3648 : index
    %swap3A_336 = tpu.vector_load %arg6[%swap3A_335] {strides = array<i32>} : memref<4608xi32, #tpu.memory_space<vmem>>, vector<16xi32>,
    %swap3A_337 = vector.shape_cast %swap3A_336 : vector<16xi32> to vector<16xi32>
    %swap3A_338 = vector.shape_cast %add3A_334 : vector<16xi32> to vector<16xi32>
    tpu.vector_store %arg6[%swap3A_335], %swap3A_338 {strides = array<i32>} : memref<4608xi32, #tpu.memory_space<vmem>>, vector<16xi32>,
    %add3A_339 = arith.constant 8 : i32
    %add3A_340 = vector.broadcast %add3A_339 : i32 to vector<16xi32>
    %add3A_341 = arith.addi %mul3A_282, %add3A_340 : vector<16xi32>
    %swap3A_342 = arith.constant 4160 : index
    %swap3A_343 = tpu.vector_load %arg6[%swap3A_342] {strides = array<i32>} : memref<4608xi32, #tpu.memory_space<vmem>>, vector<16xi32>,
    %swap3A_344 = vector.shape_cast %swap3A_343 : vector<16xi32> to vector<16xi32>
    %swap3A_345 = vector.shape_cast %add3A_341 : vector<16xi32> to vector<16xi32>
    tpu.vector_store %arg6[%swap3A_342], %swap3A_345 {strides = array<i32>} : memref<4608xi32, #tpu.memory_space<vmem>>, vector<16xi32>,
    %get3A_346 = arith.constant 80 : index
    %get3A_347 = tpu.vector_load %arg5[%get3A_346] {strides = array<i32>} : memref<512xi32, #tpu.memory_space<vmem>>, vector<16xi32>,
    %get3A_348 = vector.shape_cast %get3A_347 : vector<16xi32> to vector<16xi32>
    %mul3A_349 = arith.constant 9 : i32
    %mul3A_350 = vector.broadcast %mul3A_349 : i32 to vector<16xi32>
    %mul3A_351 = arith.muli %get3A_348, %mul3A_350 : vector<16xi32>
    %add3A_352 = arith.constant 0 : i32
    %add3A_353 = vector.broadcast %add3A_352 : i32 to vector<16xi32>
    %add3A_354 = arith.addi %mul3A_351, %add3A_353 : vector<16xi32>
    %swap3A_355 = arith.constant 80 : index
    %swap3A_356 = tpu.vector_load %arg6[%swap3A_355] {strides = array<i32>} : memref<4608xi32, #tpu.memory_space<vmem>>, vector<16xi32>,
    %swap3A_357 = vector.shape_cast %swap3A_356 : vector<16xi32> to vector<16xi32>
    %swap3A_358 = vector.shape_cast %add3A_354 : vector<16xi32> to vector<16xi32>
    tpu.vector_store %arg6[%swap3A_355], %swap3A_358 {strides = array<i32>} : memref<4608xi32, #tpu.memory_space<vmem>>, vector<16xi32>,
    %add3A_359 = arith.constant 1 : i32
    %add3A_360 = vector.broadcast %add3A_359 : i32 to vector<16xi32>
    %add3A_361 = arith.addi %mul3A_351, %add3A_360 : vector<16xi32>
    %swap3A_362 = arith.constant 592 : index
    %swap3A_363 = tpu.vector_load %arg6[%swap3A_362] {strides = array<i32>} : memref<4608xi32, #tpu.memory_space<vmem>>, vector<16xi32>,
    %swap3A_364 = vector.shape_cast %swap3A_363 : vector<16xi32> to vector<16xi32>
    %swap3A_365 = vector.shape_cast %add3A_361 : vector<16xi32> to vector<16xi32>
    tpu.vector_store %arg6[%swap3A_362], %swap3A_365 {strides = array<i32>} : memref<4608xi32, #tpu.memory_space<vmem>>, vector<16xi32>,
    %add3A_366 = arith.constant 2 : i32
    %add3A_367 = vector.broadcast %add3A_366 : i32 to vector<16xi32>
    %add3A_368 = arith.addi %mul3A_351, %add3A_367 : vector<16xi32>
    %swap3A_369 = arith.constant 1104 : index
    %swap3A_370 = tpu.vector_load %arg6[%swap3A_369] {strides = array<i32>} : memref<4608xi32, #tpu.memory_space<vmem>>, vector<16xi32>,
    %swap3A_371 = vector.shape_cast %swap3A_370 : vector<16xi32> to vector<16xi32>
    %swap3A_372 = vector.shape_cast %add3A_368 : vector<16xi32> to vector<16xi32>
    tpu.vector_store %arg6[%swap3A_369], %swap3A_372 {strides = array<i32>} : memref<4608xi32, #tpu.memory_space<vmem>>, vector<16xi32>,
    %add3A_373 = arith.constant 3 : i32
    %add3A_374 = vector.broadcast %add3A_373 : i32 to vector<16xi32>
    %add3A_375 = arith.addi %mul3A_351, %add3A_374 : vector<16xi32>
    %swap3A_376 = arith.constant 1616 : index
    %swap3A_377 = tpu.vector_load %arg6[%swap3A_376] {strides = array<i32>} : memref<4608xi32, #tpu.memory_space<vmem>>, vector<16xi32>,
    %swap3A_378 = vector.shape_cast %swap3A_377 : vector<16xi32> to vector<16xi32>
    %swap3A_379 = vector.shape_cast %add3A_375 : vector<16xi32> to vector<16xi32>
    tpu.vector_store %arg6[%swap3A_376], %swap3A_379 {strides = array<i32>} : memref<4608xi32, #tpu.memory_space<vmem>>, vector<16xi32>,
    %add3A_380 = arith.constant 4 : i32
    %add3A_381 = vector.broadcast %add3A_380 : i32 to vector<16xi32>
    %add3A_382 = arith.addi %mul3A_351, %add3A_381 : vector<16xi32>
    %swap3A_383 = arith.constant 2128 : index
    %swap3A_384 = tpu.vector_load %arg6[%swap3A_383] {strides = array<i32>} : memref<4608xi32, #tpu.memory_space<vmem>>, vector<16xi32>,
    %swap3A_385 = vector.shape_cast %swap3A_384 : vector<16xi32> to vector<16xi32>
    %swap3A_386 = vector.shape_cast %add3A_382 : vector<16xi32> to vector<16xi32>
    tpu.vector_store %arg6[%swap3A_383], %swap3A_386 {strides = array<i32>} : memref<4608xi32, #tpu.memory_space<vmem>>, vector<16xi32>,
    %add3A_387 = arith.constant 5 : i32
    %add3A_388 = vector.broadcast %add3A_387 : i32 to vector<16xi32>
    %add3A_389 = arith.addi %mul3A_351, %add3A_388 : vector<16xi32>
    %swap3A_390 = arith.constant 2640 : index
    %swap3A_391 = tpu.vector_load %arg6[%swap3A_390] {strides = array<i32>} : memref<4608xi32, #tpu.memory_space<vmem>>, vector<16xi32>,
    %swap3A_392 = vector.shape_cast %swap3A_391 : vector<16xi32> to vector<16xi32>
    %swap3A_393 = vector.shape_cast %add3A_389 : vector<16xi32> to vector<16xi32>
    tpu.vector_store %arg6[%swap3A_390], %swap3A_393 {strides = array<i32>} : memref<4608xi32, #tpu.memory_space<vmem>>, vector<16xi32>,
    %add3A_394 = arith.constant 6 : i32
    %add3A_395 = vector.broadcast %add3A_394 : i32 to vector<16xi32>
    %add3A_396 = arith.addi %mul3A_351, %add3A_395 : vector<16xi32>
    %swap3A_397 = arith.constant 3152 : index
    %swap3A_398 = tpu.vector_load %arg6[%swap3A_397] {strides = array<i32>} : memref<4608xi32, #tpu.memory_space<vmem>>, vector<16xi32>,
    %swap3A_399 = vector.shape_cast %swap3A_398 : vector<16xi32> to vector<16xi32>
    %swap3A_400 = vector.shape_cast %add3A_396 : vector<16xi32> to vector<16xi32>
    tpu.vector_store %arg6[%swap3A_397], %swap3A_400 {strides = array<i32>} : memref<4608xi32, #tpu.memory_space<vmem>>, vector<16xi32>,
    %add3A_401 = arith.constant 7 : i32
    %add3A_402 = vector.broadcast %add3A_401 : i32 to vector<16xi32>
    %add3A_403 = arith.addi %mul3A_351, %add3A_402 : vector<16xi32>
    %swap3A_404 = arith.constant 3664 : index
    %swap3A_405 = tpu.vector_load %arg6[%swap3A_404] {strides = array<i32>} : memref<4608xi32, #tpu.memory_space<vmem>>, vector<16xi32>,
    %swap3A_406 = vector.shape_cast %swap3A_405 : vector<16xi32> to vector<16xi32>
    %swap3A_407 = vector.shape_cast %add3A_403 : vector<16xi32> to vector<16xi32>
    tpu.vector_store %arg6[%swap3A_404], %swap3A_407 {strides = array<i32>} : memref<4608xi32, #tpu.memory_space<vmem>>, vector<16xi32>,
    %add3A_408 = arith.constant 8 : i32
    %add3A_409 = vector.broadcast %add3A_408 : i32 to vector<16xi32>
    %add3A_410 = arith.addi %mul3A_351, %add3A_409 : vector<16xi32>
    %swap3A_411 = arith.constant 4176 : index
    %swap3A_412 = tpu.vector_load %arg6[%swap3A_411] {strides = array<i32>} : memref<4608xi32, #tpu.memory_space<vmem>>, vector<16xi32>,
    %swap3A_413 = vector.shape_cast %swap3A_412 : vector<16xi32> to vector<16xi32>
    %swap3A_414 = vector.shape_cast %add3A_410 : vector<16xi32> to vector<16xi32>
    tpu.vector_store %arg6[%swap3A_411], %swap3A_414 {strides = array<i32>} : memref<4608xi32, #tpu.memory_space<vmem>>, vector<16xi32>,
    %get3A_415 = arith.constant 96 : index
    %get3A_416 = tpu.vector_load %arg5[%get3A_415] {strides = array<i32>} : memref<512xi32, #tpu.memory_space<vmem>>, vector<16xi32>,
    %get3A_417 = vector.shape_cast %get3A_416 : vector<16xi32> to vector<16xi32>
    %mul3A_418 = arith.constant 9 : i32
    %mul3A_419 = vector.broadcast %mul3A_418 : i32 to vector<16xi32>
    %mul3A_420 = arith.muli %get3A_417, %mul3A_419 : vector<16xi32>
    %add3A_421 = arith.constant 0 : i32
    %add3A_422 = vector.broadcast %add3A_421 : i32 to vector<16xi32>
    %add3A_423 = arith.addi %mul3A_420, %add3A_422 : vector<16xi32>
    %swap3A_424 = arith.constant 96 : index
    %swap3A_425 = tpu.vector_load %arg6[%swap3A_424] {strides = array<i32>} : memref<4608xi32, #tpu.memory_space<vmem>>, vector<16xi32>,
    %swap3A_426 = vector.shape_cast %swap3A_425 : vector<16xi32> to vector<16xi32>
    %swap3A_427 = vector.shape_cast %add3A_423 : vector<16xi32> to vector<16xi32>
    tpu.vector_store %arg6[%swap3A_424], %swap3A_427 {strides = array<i32>} : memref<4608xi32, #tpu.memory_space<vmem>>, vector<16xi32>,
    %add3A_428 = arith.constant 1 : i32
    %add3A_429 = vector.broadcast %add3A_428 : i32 to vector<16xi32>
    %add3A_430 = arith.addi %mul3A_420, %add3A_429 : vector<16xi32>
    %swap3A_431 = arith.constant 608 : index
    %swap3A_432 = tpu.vector_load %arg6[%swap3A_431] {strides = array<i32>} : memref<4608xi32, #tpu.memory_space<vmem>>, vector<16xi32>,
    %swap3A_433 = vector.shape_cast %swap3A_432 : vector<16xi32> to vector<16xi32>
    %swap3A_434 = vector.shape_cast %add3A_430 : vector<16xi32> to vector<16xi32>
    tpu.vector_store %arg6[%swap3A_431], %swap3A_434 {strides = array<i32>} : memref<4608xi32, #tpu.memory_space<vmem>>, vector<16xi32>,
    %add3A_435 = arith.constant 2 : i32
    %add3A_436 = vector.broadcast %add3A_435 : i32 to vector<16xi32>
    %add3A_437 = arith.addi %mul3A_420, %add3A_436 : vector<16xi32>
    %swap3A_438 = arith.constant 1120 : index
    %swap3A_439 = tpu.vector_load %arg6[%swap3A_438] {strides = array<i32>} : memref<4608xi32, #tpu.memory_space<vmem>>, vector<16xi32>,
    %swap3A_440 = vector.shape_cast %swap3A_439 : vector<16xi32> to vector<16xi32>
    %swap3A_441 = vector.shape_cast %add3A_437 : vector<16xi32> to vector<16xi32>
    tpu.vector_store %arg6[%swap3A_438], %swap3A_441 {strides = array<i32>} : memref<4608xi32, #tpu.memory_space<vmem>>, vector<16xi32>,
    %add3A_442 = arith.constant 3 : i32
    %add3A_443 = vector.broadcast %add3A_442 : i32 to vector<16xi32>
    %add3A_444 = arith.addi %mul3A_420, %add3A_443 : vector<16xi32>
    %swap3A_445 = arith.constant 1632 : index
    %swap3A_446 = tpu.vector_load %arg6[%swap3A_445] {strides = array<i32>} : memref<4608xi32, #tpu.memory_space<vmem>>, vector<16xi32>,
    %swap3A_447 = vector.shape_cast %swap3A_446 : vector<16xi32> to vector<16xi32>
    %swap3A_448 = vector.shape_cast %add3A_444 : vector<16xi32> to vector<16xi32>
    tpu.vector_store %arg6[%swap3A_445], %swap3A_448 {strides = array<i32>} : memref<4608xi32, #tpu.memory_space<vmem>>, vector<16xi32>,
    %add3A_449 = arith.constant 4 : i32
    %add3A_450 = vector.broadcast %add3A_449 : i32 to vector<16xi32>
    %add3A_451 = arith.addi %mul3A_420, %add3A_450 : vector<16xi32>
    %swap3A_452 = arith.constant 2144 : index
    %swap3A_453 = tpu.vector_load %arg6[%swap3A_452] {strides = array<i32>} : memref<4608xi32, #tpu.memory_space<vmem>>, vector<16xi32>,
    %swap3A_454 = vector.shape_cast %swap3A_453 : vector<16xi32> to vector<16xi32>
    %swap3A_455 = vector.shape_cast %add3A_451 : vector<16xi32> to vector<16xi32>
    tpu.vector_store %arg6[%swap3A_452], %swap3A_455 {strides = array<i32>} : memref<4608xi32, #tpu.memory_space<vmem>>, vector<16xi32>,
    %add3A_456 = arith.constant 5 : i32
    %add3A_457 = vector.broadcast %add3A_456 : i32 to vector<16xi32>
    %add3A_458 = arith.addi %mul3A_420, %add3A_457 : vector<16xi32>
    %swap3A_459 = arith.constant 2656 : index
    %swap3A_460 = tpu.vector_load %arg6[%swap3A_459] {strides = array<i32>} : memref<4608xi32, #tpu.memory_space<vmem>>, vector<16xi32>,
    %swap3A_461 = vector.shape_cast %swap3A_460 : vector<16xi32> to vector<16xi32>
    %swap3A_462 = vector.shape_cast %add3A_458 : vector<16xi32> to vector<16xi32>
    tpu.vector_store %arg6[%swap3A_459], %swap3A_462 {strides = array<i32>} : memref<4608xi32, #tpu.memory_space<vmem>>, vector<16xi32>,
    %add3A_463 = arith.constant 6 : i32
    %add3A_464 = vector.broadcast %add3A_463 : i32 to vector<16xi32>
    %add3A_465 = arith.addi %mul3A_420, %add3A_464 : vector<16xi32>
    %swap3A_466 = arith.constant 3168 : index
    %swap3A_467 = tpu.vector_load %arg6[%swap3A_466] {strides = array<i32>} : memref<4608xi32, #tpu.memory_space<vmem>>, vector<16xi32>,
    %swap3A_468 = vector.shape_cast %swap3A_467 : vector<16xi32> to vector<16xi32>
    %swap3A_469 = vector.shape_cast %add3A_465 : vector<16xi32> to vector<16xi32>
    tpu.vector_store %arg6[%swap3A_466], %swap3A_469 {strides = array<i32>} : memref<4608xi32, #tpu.memory_space<vmem>>, vector<16xi32>,
    %add3A_470 = arith.constant 7 : i32
    %add3A_471 = vector.broadcast %add3A_470 : i32 to vector<16xi32>
    %add3A_472 = arith.addi %mul3A_420, %add3A_471 : vector<16xi32>
    %swap3A_473 = arith.constant 3680 : index
    %swap3A_474 = tpu.vector_load %arg6[%swap3A_473] {strides = array<i32>} : memref<4608xi32, #tpu.memory_space<vmem>>, vector<16xi32>,
    %swap3A_475 = vector.shape_cast %swap3A_474 : vector<16xi32> to vector<16xi32>
    %swap3A_476 = vector.shape_cast %add3A_472 : vector<16xi32> to vector<16xi32>
    tpu.vector_store %arg6[%swap3A_473], %swap3A_476 {strides = array<i32>} : memref<4608xi32, #tpu.memory_space<vmem>>, vector<16xi32>,
    %add3A_477 = arith.constant 8 : i32
    %add3A_478 = vector.broadcast %add3A_477 : i32 to vector<16xi32>
    %add3A_479 = arith.addi %mul3A_420, %add3A_478 : vector<16xi32>
    %swap3A_480 = arith.constant 4192 : index
    %swap3A_481 = tpu.vector_load %arg6[%swap3A_480] {strides = array<i32>} : memref<4608xi32, #tpu.memory_space<vmem>>, vector<16xi32>,
    %swap3A_482 = vector.shape_cast %swap3A_481 : vector<16xi32> to vector<16xi32>
    %swap3A_483 = vector.shape_cast %add3A_479 : vector<16xi32> to vector<16xi32>
    tpu.vector_store %arg6[%swap3A_480], %swap3A_483 {strides = array<i32>} : memref<4608xi32, #tpu.memory_space<vmem>>, vector<16xi32>,
    %get3A_484 = arith.constant 112 : index
    %get3A_485 = tpu.vector_load %arg5[%get3A_484] {strides = array<i32>} : memref<512xi32, #tpu.memory_space<vmem>>, vector<16xi32>,
    %get3A_486 = vector.shape_cast %get3A_485 : vector<16xi32> to vector<16xi32>
    %mul3A_487 = arith.constant 9 : i32
    %mul3A_488 = vector.broadcast %mul3A_487 : i32 to vector<16xi32>
    %mul3A_489 = arith.muli %get3A_486, %mul3A_488 : vector<16xi32>
    %add3A_490 = arith.constant 0 : i32
    %add3A_491 = vector.broadcast %add3A_490 : i32 to vector<16xi32>
    %add3A_492 = arith.addi %mul3A_489, %add3A_491 : vector<16xi32>
    %swap3A_493 = arith.constant 112 : index
    %swap3A_494 = tpu.vector_load %arg6[%swap3A_493] {strides = array<i32>} : memref<4608xi32, #tpu.memory_space<vmem>>, vector<16xi32>,
    %swap3A_495 = vector.shape_cast %swap3A_494 : vector<16xi32> to vector<16xi32>
    %swap3A_496 = vector.shape_cast %add3A_492 : vector<16xi32> to vector<16xi32>
    tpu.vector_store %arg6[%swap3A_493], %swap3A_496 {strides = array<i32>} : memref<4608xi32, #tpu.memory_space<vmem>>, vector<16xi32>,
    %add3A_497 = arith.constant 1 : i32
    %add3A_498 = vector.broadcast %add3A_497 : i32 to vector<16xi32>
    %add3A_499 = arith.addi %mul3A_489, %add3A_498 : vector<16xi32>
    %swap3A_500 = arith.constant 624 : index
    %swap3A_501 = tpu.vector_load %arg6[%swap3A_500] {strides = array<i32>} : memref<4608xi32, #tpu.memory_space<vmem>>, vector<16xi32>,
    %swap3A_502 = vector.shape_cast %swap3A_501 : vector<16xi32> to vector<16xi32>
    %swap3A_503 = vector.shape_cast %add3A_499 : vector<16xi32> to vector<16xi32>
    tpu.vector_store %arg6[%swap3A_500], %swap3A_503 {strides = array<i32>} : memref<4608xi32, #tpu.memory_space<vmem>>, vector<16xi32>,
    %add3A_504 = arith.constant 2 : i32
    %add3A_505 = vector.broadcast %add3A_504 : i32 to vector<16xi32>
    %add3A_506 = arith.addi %mul3A_489, %add3A_505 : vector<16xi32>
    %swap3A_507 = arith.constant 1136 : index
    %swap3A_508 = tpu.vector_load %arg6[%swap3A_507] {strides = array<i32>} : memref<4608xi32, #tpu.memory_space<vmem>>, vector<16xi32>,
    %swap3A_509 = vector.shape_cast %swap3A_508 : vector<16xi32> to vector<16xi32>
    %swap3A_510 = vector.shape_cast %add3A_506 : vector<16xi32> to vector<16xi32>
    tpu.vector_store %arg6[%swap3A_507], %swap3A_510 {strides = array<i32>} : memref<4608xi32, #tpu.memory_space<vmem>>, vector<16xi32>,
    %add3A_511 = arith.constant 3 : i32
    %add3A_512 = vector.broadcast %add3A_511 : i32 to vector<16xi32>
    %add3A_513 = arith.addi %mul3A_489, %add3A_512 : vector<16xi32>
    %swap3A_514 = arith.constant 1648 : index
    %swap3A_515 = tpu.vector_load %arg6[%swap3A_514] {strides = array<i32>} : memref<4608xi32, #tpu.memory_space<vmem>>, vector<16xi32>,
    %swap3A_516 = vector.shape_cast %swap3A_515 : vector<16xi32> to vector<16xi32>
    %swap3A_517 = vector.shape_cast %add3A_513 : vector<16xi32> to vector<16xi32>
    tpu.vector_store %arg6[%swap3A_514], %swap3A_517 {strides = array<i32>} : memref<4608xi32, #tpu.memory_space<vmem>>, vector<16xi32>,
    %add3A_518 = arith.constant 4 : i32
    %add3A_519 = vector.broadcast %add3A_518 : i32 to vector<16xi32>
    %add3A_520 = arith.addi %mul3A_489, %add3A_519 : vector<16xi32>
    %swap3A_521 = arith.constant 2160 : index
    %swap3A_522 = tpu.vector_load %arg6[%swap3A_521] {strides = array<i32>} : memref<4608xi32, #tpu.memory_space<vmem>>, vector<16xi32>,
    %swap3A_523 = vector.shape_cast %swap3A_522 : vector<16xi32> to vector<16xi32>
    %swap3A_524 = vector.shape_cast %add3A_520 : vector<16xi32> to vector<16xi32>
    tpu.vector_store %arg6[%swap3A_521], %swap3A_524 {strides = array<i32>} : memref<4608xi32, #tpu.memory_space<vmem>>, vector<16xi32>,
    %add3A_525 = arith.constant 5 : i32
    %add3A_526 = vector.broadcast %add3A_525 : i32 to vector<16xi32>
    %add3A_527 = arith.addi %mul3A_489, %add3A_526 : vector<16xi32>
    %swap3A_528 = arith.constant 2672 : index
    %swap3A_529 = tpu.vector_load %arg6[%swap3A_528] {strides = array<i32>} : memref<4608xi32, #tpu.memory_space<vmem>>, vector<16xi32>,
    %swap3A_530 = vector.shape_cast %swap3A_529 : vector<16xi32> to vector<16xi32>
    %swap3A_531 = vector.shape_cast %add3A_527 : vector<16xi32> to vector<16xi32>
    tpu.vector_store %arg6[%swap3A_528], %swap3A_531 {strides = array<i32>} : memref<4608xi32, #tpu.memory_space<vmem>>, vector<16xi32>,
    %add3A_532 = arith.constant 6 : i32
    %add3A_533 = vector.broadcast %add3A_532 : i32 to vector<16xi32>
    %add3A_534 = arith.addi %mul3A_489, %add3A_533 : vector<16xi32>
    %swap3A_535 = arith.constant 3184 : index
    %swap3A_536 = tpu.vector_load %arg6[%swap3A_535] {strides = array<i32>} : memref<4608xi32, #tpu.memory_space<vmem>>, vector<16xi32>,
    %swap3A_537 = vector.shape_cast %swap3A_536 : vector<16xi32> to vector<16xi32>
    %swap3A_538 = vector.shape_cast %add3A_534 : vector<16xi32> to vector<16xi32>
    tpu.vector_store %arg6[%swap3A_535], %swap3A_538 {strides = array<i32>} : memref<4608xi32, #tpu.memory_space<vmem>>, vector<16xi32>,
    %add3A_539 = arith.constant 7 : i32
    %add3A_540 = vector.broadcast %add3A_539 : i32 to vector<16xi32>
    %add3A_541 = arith.addi %mul3A_489, %add3A_540 : vector<16xi32>
    %swap3A_542 = arith.constant 3696 : index
    %swap3A_543 = tpu.vector_load %arg6[%swap3A_542] {strides = array<i32>} : memref<4608xi32, #tpu.memory_space<vmem>>, vector<16xi32>,
    %swap3A_544 = vector.shape_cast %swap3A_543 : vector<16xi32> to vector<16xi32>
    %swap3A_545 = vector.shape_cast %add3A_541 : vector<16xi32> to vector<16xi32>
    tpu.vector_store %arg6[%swap3A_542], %swap3A_545 {strides = array<i32>} : memref<4608xi32, #tpu.memory_space<vmem>>, vector<16xi32>,
    %add3A_546 = arith.constant 8 : i32
    %add3A_547 = vector.broadcast %add3A_546 : i32 to vector<16xi32>
    %add3A_548 = arith.addi %mul3A_489, %add3A_547 : vector<16xi32>
    %swap3A_549 = arith.constant 4208 : index
    %swap3A_550 = tpu.vector_load %arg6[%swap3A_549] {strides = array<i32>} : memref<4608xi32, #tpu.memory_space<vmem>>, vector<16xi32>,
    %swap3A_551 = vector.shape_cast %swap3A_550 : vector<16xi32> to vector<16xi32>
    %swap3A_552 = vector.shape_cast %add3A_548 : vector<16xi32> to vector<16xi32>
    tpu.vector_store %arg6[%swap3A_549], %swap3A_552 {strides = array<i32>} : memref<4608xi32, #tpu.memory_space<vmem>>, vector<16xi32>,
    %get3A_553 = arith.constant 128 : index
    %get3A_554 = tpu.vector_load %arg5[%get3A_553] {strides = array<i32>} : memref<512xi32, #tpu.memory_space<vmem>>, vector<16xi32>,
    %get3A_555 = vector.shape_cast %get3A_554 : vector<16xi32> to vector<16xi32>
    %mul3A_556 = arith.constant 9 : i32
    %mul3A_557 = vector.broadcast %mul3A_556 : i32 to vector<16xi32>
    %mul3A_558 = arith.muli %get3A_555, %mul3A_557 : vector<16xi32>
    %add3A_559 = arith.constant 0 : i32
    %add3A_560 = vector.broadcast %add3A_559 : i32 to vector<16xi32>
    %add3A_561 = arith.addi %mul3A_558, %add3A_560 : vector<16xi32>
    %swap3A_562 = arith.constant 128 : index
    %swap3A_563 = tpu.vector_load %arg6[%swap3A_562] {strides = array<i32>} : memref<4608xi32, #tpu.memory_space<vmem>>, vector<16xi32>,
    %swap3A_564 = vector.shape_cast %swap3A_563 : vector<16xi32> to vector<16xi32>
    %swap3A_565 = vector.shape_cast %add3A_561 : vector<16xi32> to vector<16xi32>
    tpu.vector_store %arg6[%swap3A_562], %swap3A_565 {strides = array<i32>} : memref<4608xi32, #tpu.memory_space<vmem>>, vector<16xi32>,
    %add3A_566 = arith.constant 1 : i32
    %add3A_567 = vector.broadcast %add3A_566 : i32 to vector<16xi32>
    %add3A_568 = arith.addi %mul3A_558, %add3A_567 : vector<16xi32>
    %swap3A_569 = arith.constant 640 : index
    %swap3A_570 = tpu.vector_load %arg6[%swap3A_569] {strides = array<i32>} : memref<4608xi32, #tpu.memory_space<vmem>>, vector<16xi32>,
    %swap3A_571 = vector.shape_cast %swap3A_570 : vector<16xi32> to vector<16xi32>
    %swap3A_572 = vector.shape_cast %add3A_568 : vector<16xi32> to vector<16xi32>
    tpu.vector_store %arg6[%swap3A_569], %swap3A_572 {strides = array<i32>} : memref<4608xi32, #tpu.memory_space<vmem>>, vector<16xi32>,
    %add3A_573 = arith.constant 2 : i32
    %add3A_574 = vector.broadcast %add3A_573 : i32 to vector<16xi32>
    %add3A_575 = arith.addi %mul3A_558, %add3A_574 : vector<16xi32>
    %swap3A_576 = arith.constant 1152 : index
    %swap3A_577 = tpu.vector_load %arg6[%swap3A_576] {strides = array<i32>} : memref<4608xi32, #tpu.memory_space<vmem>>, vector<16xi32>,
    %swap3A_578 = vector.shape_cast %swap3A_577 : vector<16xi32> to vector<16xi32>
    %swap3A_579 = vector.shape_cast %add3A_575 : vector<16xi32> to vector<16xi32>
    tpu.vector_store %arg6[%swap3A_576], %swap3A_579 {strides = array<i32>} : memref<4608xi32, #tpu.memory_space<vmem>>, vector<16xi32>,
    %add3A_580 = arith.constant 3 : i32
    %add3A_581 = vector.broadcast %add3A_580 : i32 to vector<16xi32>
    %add3A_582 = arith.addi %mul3A_558, %add3A_581 : vector<16xi32>
    %swap3A_583 = arith.constant 1664 : index
    %swap3A_584 = tpu.vector_load %arg6[%swap3A_583] {strides = array<i32>} : memref<4608xi32, #tpu.memory_space<vmem>>, vector<16xi32>,
    %swap3A_585 = vector.shape_cast %swap3A_584 : vector<16xi32> to vector<16xi32>
    %swap3A_586 = vector.shape_cast %add3A_582 : vector<16xi32> to vector<16xi32>
    tpu.vector_store %arg6[%swap3A_583], %swap3A_586 {strides = array<i32>} : memref<4608xi32, #tpu.memory_space<vmem>>, vector<16xi32>,
    %add3A_587 = arith.constant 4 : i32
    %add3A_588 = vector.broadcast %add3A_587 : i32 to vector<16xi32>
    %add3A_589 = arith.addi %mul3A_558, %add3A_588 : vector<16xi32>
    %swap3A_590 = arith.constant 2176 : index
    %swap3A_591 = tpu.vector_load %arg6[%swap3A_590] {strides = array<i32>} : memref<4608xi32, #tpu.memory_space<vmem>>, vector<16xi32>,
    %swap3A_592 = vector.shape_cast %swap3A_591 : vector<16xi32> to vector<16xi32>
    %swap3A_593 = vector.shape_cast %add3A_589 : vector<16xi32> to vector<16xi32>
    tpu.vector_store %arg6[%swap3A_590], %swap3A_593 {strides = array<i32>} : memref<4608xi32, #tpu.memory_space<vmem>>, vector<16xi32>,
    %add3A_594 = arith.constant 5 : i32
    %add3A_595 = vector.broadcast %add3A_594 : i32 to vector<16xi32>
    %add3A_596 = arith.addi %mul3A_558, %add3A_595 : vector<16xi32>
    %swap3A_597 = arith.constant 2688 : index
    %swap3A_598 = tpu.vector_load %arg6[%swap3A_597] {strides = array<i32>} : memref<4608xi32, #tpu.memory_space<vmem>>, vector<16xi32>,
    %swap3A_599 = vector.shape_cast %swap3A_598 : vector<16xi32> to vector<16xi32>
    %swap3A_600 = vector.shape_cast %add3A_596 : vector<16xi32> to vector<16xi32>
    tpu.vector_store %arg6[%swap3A_597], %swap3A_600 {strides = array<i32>} : memref<4608xi32, #tpu.memory_space<vmem>>, vector<16xi32>,
    %add3A_601 = arith.constant 6 : i32
    %add3A_602 = vector.broadcast %add3A_601 : i32 to vector<16xi32>
    %add3A_603 = arith.addi %mul3A_558, %add3A_602 : vector<16xi32>
    %swap3A_604 = arith.constant 3200 : index
    %swap3A_605 = tpu.vector_load %arg6[%swap3A_604] {strides = array<i32>} : memref<4608xi32, #tpu.memory_space<vmem>>, vector<16xi32>,
    %swap3A_606 = vector.shape_cast %swap3A_605 : vector<16xi32> to vector<16xi32>
    %swap3A_607 = vector.shape_cast %add3A_603 : vector<16xi32> to vector<16xi32>
    tpu.vector_store %arg6[%swap3A_604], %swap3A_607 {strides = array<i32>} : memref<4608xi32, #tpu.memory_space<vmem>>, vector<16xi32>,
    %add3A_608 = arith.constant 7 : i32
    %add3A_609 = vector.broadcast %add3A_608 : i32 to vector<16xi32>
    %add3A_610 = arith.addi %mul3A_558, %add3A_609 : vector<16xi32>
    %swap3A_611 = arith.constant 3712 : index
    %swap3A_612 = tpu.vector_load %arg6[%swap3A_611] {strides = array<i32>} : memref<4608xi32, #tpu.memory_space<vmem>>, vector<16xi32>,
    %swap3A_613 = vector.shape_cast %swap3A_612 : vector<16xi32> to vector<16xi32>
    %swap3A_614 = vector.shape_cast %add3A_610 : vector<16xi32> to vector<16xi32>
    tpu.vector_store %arg6[%swap3A_611], %swap3A_614 {strides = array<i32>} : memref<4608xi32, #tpu.memory_space<vmem>>, vector<16xi32>,
    %add3A_615 = arith.constant 8 : i32
    %add3A_616 = vector.broadcast %add3A_615 : i32 to vector<16xi32>
    %add3A_617 = arith.addi %mul3A_558, %add3A_616 : vector<16xi32>
    %swap3A_618 = arith.constant 4224 : index
    %swap3A_619 = tpu.vector_load %arg6[%swap3A_618] {strides = array<i32>} : memref<4608xi32, #tpu.memory_space<vmem>>, vector<16xi32>,
    %swap3A_620 = vector.shape_cast %swap3A_619 : vector<16xi32> to vector<16xi32>
    %swap3A_621 = vector.shape_cast %add3A_617 : vector<16xi32> to vector<16xi32>
    tpu.vector_store %arg6[%swap3A_618], %swap3A_621 {strides = array<i32>} : memref<4608xi32, #tpu.memory_space<vmem>>, vector<16xi32>,
    %get3A_622 = arith.constant 144 : index
    %get3A_623 = tpu.vector_load %arg5[%get3A_622] {strides = array<i32>} : memref<512xi32, #tpu.memory_space<vmem>>, vector<16xi32>,
    %get3A_624 = vector.shape_cast %get3A_623 : vector<16xi32> to vector<16xi32>
    %mul3A_625 = arith.constant 9 : i32
    %mul3A_626 = vector.broadcast %mul3A_625 : i32 to vector<16xi32>
    %mul3A_627 = arith.muli %get3A_624, %mul3A_626 : vector<16xi32>
    %add3A_628 = arith.constant 0 : i32
    %add3A_629 = vector.broadcast %add3A_628 : i32 to vector<16xi32>
    %add3A_630 = arith.addi %mul3A_627, %add3A_629 : vector<16xi32>
    %swap3A_631 = arith.constant 144 : index
    %swap3A_632 = tpu.vector_load %arg6[%swap3A_631] {strides = array<i32>} : memref<4608xi32, #tpu.memory_space<vmem>>, vector<16xi32>,
    %swap3A_633 = vector.shape_cast %swap3A_632 : vector<16xi32> to vector<16xi32>
    %swap3A_634 = vector.shape_cast %add3A_630 : vector<16xi32> to vector<16xi32>
    tpu.vector_store %arg6[%swap3A_631], %swap3A_634 {strides = array<i32>} : memref<4608xi32, #tpu.memory_space<vmem>>, vector<16xi32>,
    %add3A_635 = arith.constant 1 : i32
    %add3A_636 = vector.broadcast %add3A_635 : i32 to vector<16xi32>
    %add3A_637 = arith.addi %mul3A_627, %add3A_636 : vector<16xi32>
    %swap3A_638 = arith.constant 656 : index
    %swap3A_639 = tpu.vector_load %arg6[%swap3A_638] {strides = array<i32>} : memref<4608xi32, #tpu.memory_space<vmem>>, vector<16xi32>,
    %swap3A_640 = vector.shape_cast %swap3A_639 : vector<16xi32> to vector<16xi32>
    %swap3A_641 = vector.shape_cast %add3A_637 : vector<16xi32> to vector<16xi32>
    tpu.vector_store %arg6[%swap3A_638], %swap3A_641 {strides = array<i32>} : memref<4608xi32, #tpu.memory_space<vmem>>, vector<16xi32>,
    %add3A_642 = arith.constant 2 : i32
    %add3A_643 = vector.broadcast %add3A_642 : i32 to vector<16xi32>
    %add3A_644 = arith.addi %mul3A_627, %add3A_643 : vector<16xi32>
    %swap3A_645 = arith.constant 1168 : index
    %swap3A_646 = tpu.vector_load %arg6[%swap3A_645] {strides = array<i32>} : memref<4608xi32, #tpu.memory_space<vmem>>, vector<16xi32>,
    %swap3A_647 = vector.shape_cast %swap3A_646 : vector<16xi32> to vector<16xi32>
    %swap3A_648 = vector.shape_cast %add3A_644 : vector<16xi32> to vector<16xi32>
    tpu.vector_store %arg6[%swap3A_645], %swap3A_648 {strides = array<i32>} : memref<4608xi32, #tpu.memory_space<vmem>>, vector<16xi32>,
    %add3A_649 = arith.constant 3 : i32
    %add3A_650 = vector.broadcast %add3A_649 : i32 to vector<16xi32>
    %add3A_651 = arith.addi %mul3A_627, %add3A_650 : vector<16xi32>
    %swap3A_652 = arith.constant 1680 : index
    %swap3A_653 = tpu.vector_load %arg6[%swap3A_652] {strides = array<i32>} : memref<4608xi32, #tpu.memory_space<vmem>>, vector<16xi32>,
    %swap3A_654 = vector.shape_cast %swap3A_653 : vector<16xi32> to vector<16xi32>
    %swap3A_655 = vector.shape_cast %add3A_651 : vector<16xi32> to vector<16xi32>
    tpu.vector_store %arg6[%swap3A_652], %swap3A_655 {strides = array<i32>} : memref<4608xi32, #tpu.memory_space<vmem>>, vector<16xi32>,
    %add3A_656 = arith.constant 4 : i32
    %add3A_657 = vector.broadcast %add3A_656 : i32 to vector<16xi32>
    %add3A_658 = arith.addi %mul3A_627, %add3A_657 : vector<16xi32>
    %swap3A_659 = arith.constant 2192 : index
    %swap3A_660 = tpu.vector_load %arg6[%swap3A_659] {strides = array<i32>} : memref<4608xi32, #tpu.memory_space<vmem>>, vector<16xi32>,
    %swap3A_661 = vector.shape_cast %swap3A_660 : vector<16xi32> to vector<16xi32>
    %swap3A_662 = vector.shape_cast %add3A_658 : vector<16xi32> to vector<16xi32>
    tpu.vector_store %arg6[%swap3A_659], %swap3A_662 {strides = array<i32>} : memref<4608xi32, #tpu.memory_space<vmem>>, vector<16xi32>,
    %add3A_663 = arith.constant 5 : i32
    %add3A_664 = vector.broadcast %add3A_663 : i32 to vector<16xi32>
    %add3A_665 = arith.addi %mul3A_627, %add3A_664 : vector<16xi32>
    %swap3A_666 = arith.constant 2704 : index
    %swap3A_667 = tpu.vector_load %arg6[%swap3A_666] {strides = array<i32>} : memref<4608xi32, #tpu.memory_space<vmem>>, vector<16xi32>,
    %swap3A_668 = vector.shape_cast %swap3A_667 : vector<16xi32> to vector<16xi32>
    %swap3A_669 = vector.shape_cast %add3A_665 : vector<16xi32> to vector<16xi32>
    tpu.vector_store %arg6[%swap3A_666], %swap3A_669 {strides = array<i32>} : memref<4608xi32, #tpu.memory_space<vmem>>, vector<16xi32>,
    %add3A_670 = arith.constant 6 : i32
    %add3A_671 = vector.broadcast %add3A_670 : i32 to vector<16xi32>
    %add3A_672 = arith.addi %mul3A_627, %add3A_671 : vector<16xi32>
    %swap3A_673 = arith.constant 3216 : index
    %swap3A_674 = tpu.vector_load %arg6[%swap3A_673] {strides = array<i32>} : memref<4608xi32, #tpu.memory_space<vmem>>, vector<16xi32>,
    %swap3A_675 = vector.shape_cast %swap3A_674 : vector<16xi32> to vector<16xi32>
    %swap3A_676 = vector.shape_cast %add3A_672 : vector<16xi32> to vector<16xi32>
    tpu.vector_store %arg6[%swap3A_673], %swap3A_676 {strides = array<i32>} : memref<4608xi32, #tpu.memory_space<vmem>>, vector<16xi32>,
    %add3A_677 = arith.constant 7 : i32
    %add3A_678 = vector.broadcast %add3A_677 : i32 to vector<16xi32>
    %add3A_679 = arith.addi %mul3A_627, %add3A_678 : vector<16xi32>
    %swap3A_680 = arith.constant 3728 : index
    %swap3A_681 = tpu.vector_load %arg6[%swap3A_680] {strides = array<i32>} : memref<4608xi32, #tpu.memory_space<vmem>>, vector<16xi32>,
    %swap3A_682 = vector.shape_cast %swap3A_681 : vector<16xi32> to vector<16xi32>
    %swap3A_683 = vector.shape_cast %add3A_679 : vector<16xi32> to vector<16xi32>
    tpu.vector_store %arg6[%swap3A_680], %swap3A_683 {strides = array<i32>} : memref<4608xi32, #tpu.memory_space<vmem>>, vector<16xi32>,
    %add3A_684 = arith.constant 8 : i32
    %add3A_685 = vector.broadcast %add3A_684 : i32 to vector<16xi32>
    %add3A_686 = arith.addi %mul3A_627, %add3A_685 : vector<16xi32>
    %swap3A_687 = arith.constant 4240 : index
    %swap3A_688 = tpu.vector_load %arg6[%swap3A_687] {strides = array<i32>} : memref<4608xi32, #tpu.memory_space<vmem>>, vector<16xi32>,
    %swap3A_689 = vector.shape_cast %swap3A_688 : vector<16xi32> to vector<16xi32>
    %swap3A_690 = vector.shape_cast %add3A_686 : vector<16xi32> to vector<16xi32>
    tpu.vector_store %arg6[%swap3A_687], %swap3A_690 {strides = array<i32>} : memref<4608xi32, #tpu.memory_space<vmem>>, vector<16xi32>,
    %get3A_691 = arith.constant 160 : index
    %get3A_692 = tpu.vector_load %arg5[%get3A_691] {strides = array<i32>} : memref<512xi32, #tpu.memory_space<vmem>>, vector<16xi32>,
    %get3A_693 = vector.shape_cast %get3A_692 : vector<16xi32> to vector<16xi32>
    %mul3A_694 = arith.constant 9 : i32
    %mul3A_695 = vector.broadcast %mul3A_694 : i32 to vector<16xi32>
    %mul3A_696 = arith.muli %get3A_693, %mul3A_695 : vector<16xi32>
    %add3A_697 = arith.constant 0 : i32
    %add3A_698 = vector.broadcast %add3A_697 : i32 to vector<16xi32>
    %add3A_699 = arith.addi %mul3A_696, %add3A_698 : vector<16xi32>
    %swap3A_700 = arith.constant 160 : index
    %swap3A_701 = tpu.vector_load %arg6[%swap3A_700] {strides = array<i32>} : memref<4608xi32, #tpu.memory_space<vmem>>, vector<16xi32>,
    %swap3A_702 = vector.shape_cast %swap3A_701 : vector<16xi32> to vector<16xi32>
    %swap3A_703 = vector.shape_cast %add3A_699 : vector<16xi32> to vector<16xi32>
    tpu.vector_store %arg6[%swap3A_700], %swap3A_703 {strides = array<i32>} : memref<4608xi32, #tpu.memory_space<vmem>>, vector<16xi32>,
    %add3A_704 = arith.constant 1 : i32
    %add3A_705 = vector.broadcast %add3A_704 : i32 to vector<16xi32>
    %add3A_706 = arith.addi %mul3A_696, %add3A_705 : vector<16xi32>
    %swap3A_707 = arith.constant 672 : index
    %swap3A_708 = tpu.vector_load %arg6[%swap3A_707] {strides = array<i32>} : memref<4608xi32, #tpu.memory_space<vmem>>, vector<16xi32>,
    %swap3A_709 = vector.shape_cast %swap3A_708 : vector<16xi32> to vector<16xi32>
    %swap3A_710 = vector.shape_cast %add3A_706 : vector<16xi32> to vector<16xi32>
    tpu.vector_store %arg6[%swap3A_707], %swap3A_710 {strides = array<i32>} : memref<4608xi32, #tpu.memory_space<vmem>>, vector<16xi32>,
    %add3A_711 = arith.constant 2 : i32
    %add3A_712 = vector.broadcast %add3A_711 : i32 to vector<16xi32>
    %add3A_713 = arith.addi %mul3A_696, %add3A_712 : vector<16xi32>
    %swap3A_714 = arith.constant 1184 : index
    %swap3A_715 = tpu.vector_load %arg6[%swap3A_714] {strides = array<i32>} : memref<4608xi32, #tpu.memory_space<vmem>>, vector<16xi32>,
    %swap3A_716 = vector.shape_cast %swap3A_715 : vector<16xi32> to vector<16xi32>
    %swap3A_717 = vector.shape_cast %add3A_713 : vector<16xi32> to vector<16xi32>
    tpu.vector_store %arg6[%swap3A_714], %swap3A_717 {strides = array<i32>} : memref<4608xi32, #tpu.memory_space<vmem>>, vector<16xi32>,
    %add3A_718 = arith.constant 3 : i32
    %add3A_719 = vector.broadcast %add3A_718 : i32 to vector<16xi32>
    %add3A_720 = arith.addi %mul3A_696, %add3A_719 : vector<16xi32>
    %swap3A_721 = arith.constant 1696 : index
    %swap3A_722 = tpu.vector_load %arg6[%swap3A_721] {strides = array<i32>} : memref<4608xi32, #tpu.memory_space<vmem>>, vector<16xi32>,
    %swap3A_723 = vector.shape_cast %swap3A_722 : vector<16xi32> to vector<16xi32>
    %swap3A_724 = vector.shape_cast %add3A_720 : vector<16xi32> to vector<16xi32>
    tpu.vector_store %arg6[%swap3A_721], %swap3A_724 {strides = array<i32>} : memref<4608xi32, #tpu.memory_space<vmem>>, vector<16xi32>,
    %add3A_725 = arith.constant 4 : i32
    %add3A_726 = vector.broadcast %add3A_725 : i32 to vector<16xi32>
    %add3A_727 = arith.addi %mul3A_696, %add3A_726 : vector<16xi32>
    %swap3A_728 = arith.constant 2208 : index
    %swap3A_729 = tpu.vector_load %arg6[%swap3A_728] {strides = array<i32>} : memref<4608xi32, #tpu.memory_space<vmem>>, vector<16xi32>,
    %swap3A_730 = vector.shape_cast %swap3A_729 : vector<16xi32> to vector<16xi32>
    %swap3A_731 = vector.shape_cast %add3A_727 : vector<16xi32> to vector<16xi32>
    tpu.vector_store %arg6[%swap3A_728], %swap3A_731 {strides = array<i32>} : memref<4608xi32, #tpu.memory_space<vmem>>, vector<16xi32>,
    %add3A_732 = arith.constant 5 : i32
    %add3A_733 = vector.broadcast %add3A_732 : i32 to vector<16xi32>
    %add3A_734 = arith.addi %mul3A_696, %add3A_733 : vector<16xi32>
    %swap3A_735 = arith.constant 2720 : index
    %swap3A_736 = tpu.vector_load %arg6[%swap3A_735] {strides = array<i32>} : memref<4608xi32, #tpu.memory_space<vmem>>, vector<16xi32>,
    %swap3A_737 = vector.shape_cast %swap3A_736 : vector<16xi32> to vector<16xi32>
    %swap3A_738 = vector.shape_cast %add3A_734 : vector<16xi32> to vector<16xi32>
    tpu.vector_store %arg6[%swap3A_735], %swap3A_738 {strides = array<i32>} : memref<4608xi32, #tpu.memory_space<vmem>>, vector<16xi32>,
    %add3A_739 = arith.constant 6 : i32
    %add3A_740 = vector.broadcast %add3A_739 : i32 to vector<16xi32>
    %add3A_741 = arith.addi %mul3A_696, %add3A_740 : vector<16xi32>
    %swap3A_742 = arith.constant 3232 : index
    %swap3A_743 = tpu.vector_load %arg6[%swap3A_742] {strides = array<i32>} : memref<4608xi32, #tpu.memory_space<vmem>>, vector<16xi32>,
    %swap3A_744 = vector.shape_cast %swap3A_743 : vector<16xi32> to vector<16xi32>
    %swap3A_745 = vector.shape_cast %add3A_741 : vector<16xi32> to vector<16xi32>
    tpu.vector_store %arg6[%swap3A_742], %swap3A_745 {strides = array<i32>} : memref<4608xi32, #tpu.memory_space<vmem>>, vector<16xi32>,
    %add3A_746 = arith.constant 7 : i32
    %add3A_747 = vector.broadcast %add3A_746 : i32 to vector<16xi32>
    %add3A_748 = arith.addi %mul3A_696, %add3A_747 : vector<16xi32>
    %swap3A_749 = arith.constant 3744 : index
    %swap3A_750 = tpu.vector_load %arg6[%swap3A_749] {strides = array<i32>} : memref<4608xi32, #tpu.memory_space<vmem>>, vector<16xi32>,
    %swap3A_751 = vector.shape_cast %swap3A_750 : vector<16xi32> to vector<16xi32>
    %swap3A_752 = vector.shape_cast %add3A_748 : vector<16xi32> to vector<16xi32>
    tpu.vector_store %arg6[%swap3A_749], %swap3A_752 {strides = array<i32>} : memref<4608xi32, #tpu.memory_space<vmem>>, vector<16xi32>,
    %add3A_753 = arith.constant 8 : i32
    %add3A_754 = vector.broadcast %add3A_753 : i32 to vector<16xi32>
    %add3A_755 = arith.addi %mul3A_696, %add3A_754 : vector<16xi32>
    %swap3A_756 = arith.constant 4256 : index
    %swap3A_757 = tpu.vector_load %arg6[%swap3A_756] {strides = array<i32>} : memref<4608xi32, #tpu.memory_space<vmem>>, vector<16xi32>,
    %swap3A_758 = vector.shape_cast %swap3A_757 : vector<16xi32> to vector<16xi32>
    %swap3A_759 = vector.shape_cast %add3A_755 : vector<16xi32> to vector<16xi32>
    tpu.vector_store %arg6[%swap3A_756], %swap3A_759 {strides = array<i32>} : memref<4608xi32, #tpu.memory_space<vmem>>, vector<16xi32>,
    %get3A_760 = arith.constant 176 : index
    %get3A_761 = tpu.vector_load %arg5[%get3A_760] {strides = array<i32>} : memref<512xi32, #tpu.memory_space<vmem>>, vector<16xi32>,
    %get3A_762 = vector.shape_cast %get3A_761 : vector<16xi32> to vector<16xi32>
    %mul3A_763 = arith.constant 9 : i32
    %mul3A_764 = vector.broadcast %mul3A_763 : i32 to vector<16xi32>
    %mul3A_765 = arith.muli %get3A_762, %mul3A_764 : vector<16xi32>
    %add3A_766 = arith.constant 0 : i32
    %add3A_767 = vector.broadcast %add3A_766 : i32 to vector<16xi32>
    %add3A_768 = arith.addi %mul3A_765, %add3A_767 : vector<16xi32>
    %swap3A_769 = arith.constant 176 : index
    %swap3A_770 = tpu.vector_load %arg6[%swap3A_769] {strides = array<i32>} : memref<4608xi32, #tpu.memory_space<vmem>>, vector<16xi32>,
    %swap3A_771 = vector.shape_cast %swap3A_770 : vector<16xi32> to vector<16xi32>
    %swap3A_772 = vector.shape_cast %add3A_768 : vector<16xi32> to vector<16xi32>
    tpu.vector_store %arg6[%swap3A_769], %swap3A_772 {strides = array<i32>} : memref<4608xi32, #tpu.memory_space<vmem>>, vector<16xi32>,
    %add3A_773 = arith.constant 1 : i32
    %add3A_774 = vector.broadcast %add3A_773 : i32 to vector<16xi32>
    %add3A_775 = arith.addi %mul3A_765, %add3A_774 : vector<16xi32>
    %swap3A_776 = arith.constant 688 : index
    %swap3A_777 = tpu.vector_load %arg6[%swap3A_776] {strides = array<i32>} : memref<4608xi32, #tpu.memory_space<vmem>>, vector<16xi32>,
    %swap3A_778 = vector.shape_cast %swap3A_777 : vector<16xi32> to vector<16xi32>
    %swap3A_779 = vector.shape_cast %add3A_775 : vector<16xi32> to vector<16xi32>
    tpu.vector_store %arg6[%swap3A_776], %swap3A_779 {strides = array<i32>} : memref<4608xi32, #tpu.memory_space<vmem>>, vector<16xi32>,
    %add3A_780 = arith.constant 2 : i32
    %add3A_781 = vector.broadcast %add3A_780 : i32 to vector<16xi32>
    %add3A_782 = arith.addi %mul3A_765, %add3A_781 : vector<16xi32>
    %swap3A_783 = arith.constant 1200 : index
    %swap3A_784 = tpu.vector_load %arg6[%swap3A_783] {strides = array<i32>} : memref<4608xi32, #tpu.memory_space<vmem>>, vector<16xi32>,
    %swap3A_785 = vector.shape_cast %swap3A_784 : vector<16xi32> to vector<16xi32>
    %swap3A_786 = vector.shape_cast %add3A_782 : vector<16xi32> to vector<16xi32>
    tpu.vector_store %arg6[%swap3A_783], %swap3A_786 {strides = array<i32>} : memref<4608xi32, #tpu.memory_space<vmem>>, vector<16xi32>,
    %add3A_787 = arith.constant 3 : i32
    %add3A_788 = vector.broadcast %add3A_787 : i32 to vector<16xi32>
    %add3A_789 = arith.addi %mul3A_765, %add3A_788 : vector<16xi32>
    %swap3A_790 = arith.constant 1712 : index
    %swap3A_791 = tpu.vector_load %arg6[%swap3A_790] {strides = array<i32>} : memref<4608xi32, #tpu.memory_space<vmem>>, vector<16xi32>,
    %swap3A_792 = vector.shape_cast %swap3A_791 : vector<16xi32> to vector<16xi32>
    %swap3A_793 = vector.shape_cast %add3A_789 : vector<16xi32> to vector<16xi32>
    tpu.vector_store %arg6[%swap3A_790], %swap3A_793 {strides = array<i32>} : memref<4608xi32, #tpu.memory_space<vmem>>, vector<16xi32>,
    %add3A_794 = arith.constant 4 : i32
    %add3A_795 = vector.broadcast %add3A_794 : i32 to vector<16xi32>
    %add3A_796 = arith.addi %mul3A_765, %add3A_795 : vector<16xi32>
    %swap3A_797 = arith.constant 2224 : index
    %swap3A_798 = tpu.vector_load %arg6[%swap3A_797] {strides = array<i32>} : memref<4608xi32, #tpu.memory_space<vmem>>, vector<16xi32>,
    %swap3A_799 = vector.shape_cast %swap3A_798 : vector<16xi32> to vector<16xi32>
    %swap3A_800 = vector.shape_cast %add3A_796 : vector<16xi32> to vector<16xi32>
    tpu.vector_store %arg6[%swap3A_797], %swap3A_800 {strides = array<i32>} : memref<4608xi32, #tpu.memory_space<vmem>>, vector<16xi32>,
    %add3A_801 = arith.constant 5 : i32
    %add3A_802 = vector.broadcast %add3A_801 : i32 to vector<16xi32>
    %add3A_803 = arith.addi %mul3A_765, %add3A_802 : vector<16xi32>
    %swap3A_804 = arith.constant 2736 : index
    %swap3A_805 = tpu.vector_load %arg6[%swap3A_804] {strides = array<i32>} : memref<4608xi32, #tpu.memory_space<vmem>>, vector<16xi32>,
    %swap3A_806 = vector.shape_cast %swap3A_805 : vector<16xi32> to vector<16xi32>
    %swap3A_807 = vector.shape_cast %add3A_803 : vector<16xi32> to vector<16xi32>
    tpu.vector_store %arg6[%swap3A_804], %swap3A_807 {strides = array<i32>} : memref<4608xi32, #tpu.memory_space<vmem>>, vector<16xi32>,
    %add3A_808 = arith.constant 6 : i32
    %add3A_809 = vector.broadcast %add3A_808 : i32 to vector<16xi32>
    %add3A_810 = arith.addi %mul3A_765, %add3A_809 : vector<16xi32>
    %swap3A_811 = arith.constant 3248 : index
    %swap3A_812 = tpu.vector_load %arg6[%swap3A_811] {strides = array<i32>} : memref<4608xi32, #tpu.memory_space<vmem>>, vector<16xi32>,
    %swap3A_813 = vector.shape_cast %swap3A_812 : vector<16xi32> to vector<16xi32>
    %swap3A_814 = vector.shape_cast %add3A_810 : vector<16xi32> to vector<16xi32>
    tpu.vector_store %arg6[%swap3A_811], %swap3A_814 {strides = array<i32>} : memref<4608xi32, #tpu.memory_space<vmem>>, vector<16xi32>,
    %add3A_815 = arith.constant 7 : i32
    %add3A_816 = vector.broadcast %add3A_815 : i32 to vector<16xi32>
    %add3A_817 = arith.addi %mul3A_765, %add3A_816 : vector<16xi32>
    %swap3A_818 = arith.constant 3760 : index
    %swap3A_819 = tpu.vector_load %arg6[%swap3A_818] {strides = array<i32>} : memref<4608xi32, #tpu.memory_space<vmem>>, vector<16xi32>,
    %swap3A_820 = vector.shape_cast %swap3A_819 : vector<16xi32> to vector<16xi32>
    %swap3A_821 = vector.shape_cast %add3A_817 : vector<16xi32> to vector<16xi32>
    tpu.vector_store %arg6[%swap3A_818], %swap3A_821 {strides = array<i32>} : memref<4608xi32, #tpu.memory_space<vmem>>, vector<16xi32>,
    %add3A_822 = arith.constant 8 : i32
    %add3A_823 = vector.broadcast %add3A_822 : i32 to vector<16xi32>
    %add3A_824 = arith.addi %mul3A_765, %add3A_823 : vector<16xi32>
    %swap3A_825 = arith.constant 4272 : index
    %swap3A_826 = tpu.vector_load %arg6[%swap3A_825] {strides = array<i32>} : memref<4608xi32, #tpu.memory_space<vmem>>, vector<16xi32>,
    %swap3A_827 = vector.shape_cast %swap3A_826 : vector<16xi32> to vector<16xi32>
    %swap3A_828 = vector.shape_cast %add3A_824 : vector<16xi32> to vector<16xi32>
    tpu.vector_store %arg6[%swap3A_825], %swap3A_828 {strides = array<i32>} : memref<4608xi32, #tpu.memory_space<vmem>>, vector<16xi32>,
    %get3A_829 = arith.constant 192 : index
    %get3A_830 = tpu.vector_load %arg5[%get3A_829] {strides = array<i32>} : memref<512xi32, #tpu.memory_space<vmem>>, vector<16xi32>,
    %get3A_831 = vector.shape_cast %get3A_830 : vector<16xi32> to vector<16xi32>
    %mul3A_832 = arith.constant 9 : i32
    %mul3A_833 = vector.broadcast %mul3A_832 : i32 to vector<16xi32>
    %mul3A_834 = arith.muli %get3A_831, %mul3A_833 : vector<16xi32>
    %add3A_835 = arith.constant 0 : i32
    %add3A_836 = vector.broadcast %add3A_835 : i32 to vector<16xi32>
    %add3A_837 = arith.addi %mul3A_834, %add3A_836 : vector<16xi32>
    %swap3A_838 = arith.constant 192 : index
    %swap3A_839 = tpu.vector_load %arg6[%swap3A_838] {strides = array<i32>} : memref<4608xi32, #tpu.memory_space<vmem>>, vector<16xi32>,
    %swap3A_840 = vector.shape_cast %swap3A_839 : vector<16xi32> to vector<16xi32>
    %swap3A_841 = vector.shape_cast %add3A_837 : vector<16xi32> to vector<16xi32>
    tpu.vector_store %arg6[%swap3A_838], %swap3A_841 {strides = array<i32>} : memref<4608xi32, #tpu.memory_space<vmem>>, vector<16xi32>,
    %add3A_842 = arith.constant 1 : i32
    %add3A_843 = vector.broadcast %add3A_842 : i32 to vector<16xi32>
    %add3A_844 = arith.addi %mul3A_834, %add3A_843 : vector<16xi32>
    %swap3A_845 = arith.constant 704 : index
    %swap3A_846 = tpu.vector_load %arg6[%swap3A_845] {strides = array<i32>} : memref<4608xi32, #tpu.memory_space<vmem>>, vector<16xi32>,
    %swap3A_847 = vector.shape_cast %swap3A_846 : vector<16xi32> to vector<16xi32>
    %swap3A_848 = vector.shape_cast %add3A_844 : vector<16xi32> to vector<16xi32>
    tpu.vector_store %arg6[%swap3A_845], %swap3A_848 {strides = array<i32>} : memref<4608xi32, #tpu.memory_space<vmem>>, vector<16xi32>,
    %add3A_849 = arith.constant 2 : i32
    %add3A_850 = vector.broadcast %add3A_849 : i32 to vector<16xi32>
    %add3A_851 = arith.addi %mul3A_834, %add3A_850 : vector<16xi32>
    %swap3A_852 = arith.constant 1216 : index
    %swap3A_853 = tpu.vector_load %arg6[%swap3A_852] {strides = array<i32>} : memref<4608xi32, #tpu.memory_space<vmem>>, vector<16xi32>,
    %swap3A_854 = vector.shape_cast %swap3A_853 : vector<16xi32> to vector<16xi32>
    %swap3A_855 = vector.shape_cast %add3A_851 : vector<16xi32> to vector<16xi32>
    tpu.vector_store %arg6[%swap3A_852], %swap3A_855 {strides = array<i32>} : memref<4608xi32, #tpu.memory_space<vmem>>, vector<16xi32>,
    %add3A_856 = arith.constant 3 : i32
    %add3A_857 = vector.broadcast %add3A_856 : i32 to vector<16xi32>
    %add3A_858 = arith.addi %mul3A_834, %add3A_857 : vector<16xi32>
    %swap3A_859 = arith.constant 1728 : index
    %swap3A_860 = tpu.vector_load %arg6[%swap3A_859] {strides = array<i32>} : memref<4608xi32, #tpu.memory_space<vmem>>, vector<16xi32>,
    %swap3A_861 = vector.shape_cast %swap3A_860 : vector<16xi32> to vector<16xi32>
    %swap3A_862 = vector.shape_cast %add3A_858 : vector<16xi32> to vector<16xi32>
    tpu.vector_store %arg6[%swap3A_859], %swap3A_862 {strides = array<i32>} : memref<4608xi32, #tpu.memory_space<vmem>>, vector<16xi32>,
    %add3A_863 = arith.constant 4 : i32
    %add3A_864 = vector.broadcast %add3A_863 : i32 to vector<16xi32>
    %add3A_865 = arith.addi %mul3A_834, %add3A_864 : vector<16xi32>
    %swap3A_866 = arith.constant 2240 : index
    %swap3A_867 = tpu.vector_load %arg6[%swap3A_866] {strides = array<i32>} : memref<4608xi32, #tpu.memory_space<vmem>>, vector<16xi32>,
    %swap3A_868 = vector.shape_cast %swap3A_867 : vector<16xi32> to vector<16xi32>
    %swap3A_869 = vector.shape_cast %add3A_865 : vector<16xi32> to vector<16xi32>
    tpu.vector_store %arg6[%swap3A_866], %swap3A_869 {strides = array<i32>} : memref<4608xi32, #tpu.memory_space<vmem>>, vector<16xi32>,
    %add3A_870 = arith.constant 5 : i32
    %add3A_871 = vector.broadcast %add3A_870 : i32 to vector<16xi32>
    %add3A_872 = arith.addi %mul3A_834, %add3A_871 : vector<16xi32>
    %swap3A_873 = arith.constant 2752 : index
    %swap3A_874 = tpu.vector_load %arg6[%swap3A_873] {strides = array<i32>} : memref<4608xi32, #tpu.memory_space<vmem>>, vector<16xi32>,
    %swap3A_875 = vector.shape_cast %swap3A_874 : vector<16xi32> to vector<16xi32>
    %swap3A_876 = vector.shape_cast %add3A_872 : vector<16xi32> to vector<16xi32>
    tpu.vector_store %arg6[%swap3A_873], %swap3A_876 {strides = array<i32>} : memref<4608xi32, #tpu.memory_space<vmem>>, vector<16xi32>,
    %add3A_877 = arith.constant 6 : i32
    %add3A_878 = vector.broadcast %add3A_877 : i32 to vector<16xi32>
    %add3A_879 = arith.addi %mul3A_834, %add3A_878 : vector<16xi32>
    %swap3A_880 = arith.constant 3264 : index
    %swap3A_881 = tpu.vector_load %arg6[%swap3A_880] {strides = array<i32>} : memref<4608xi32, #tpu.memory_space<vmem>>, vector<16xi32>,
    %swap3A_882 = vector.shape_cast %swap3A_881 : vector<16xi32> to vector<16xi32>
    %swap3A_883 = vector.shape_cast %add3A_879 : vector<16xi32> to vector<16xi32>
    tpu.vector_store %arg6[%swap3A_880], %swap3A_883 {strides = array<i32>} : memref<4608xi32, #tpu.memory_space<vmem>>, vector<16xi32>,
    %add3A_884 = arith.constant 7 : i32
    %add3A_885 = vector.broadcast %add3A_884 : i32 to vector<16xi32>
    %add3A_886 = arith.addi %mul3A_834, %add3A_885 : vector<16xi32>
    %swap3A_887 = arith.constant 3776 : index
    %swap3A_888 = tpu.vector_load %arg6[%swap3A_887] {strides = array<i32>} : memref<4608xi32, #tpu.memory_space<vmem>>, vector<16xi32>,
    %swap3A_889 = vector.shape_cast %swap3A_888 : vector<16xi32> to vector<16xi32>
    %swap3A_890 = vector.shape_cast %add3A_886 : vector<16xi32> to vector<16xi32>
    tpu.vector_store %arg6[%swap3A_887], %swap3A_890 {strides = array<i32>} : memref<4608xi32, #tpu.memory_space<vmem>>, vector<16xi32>,
    %add3A_891 = arith.constant 8 : i32
    %add3A_892 = vector.broadcast %add3A_891 : i32 to vector<16xi32>
    %add3A_893 = arith.addi %mul3A_834, %add3A_892 : vector<16xi32>
    %swap3A_894 = arith.constant 4288 : index
    %swap3A_895 = tpu.vector_load %arg6[%swap3A_894] {strides = array<i32>} : memref<4608xi32, #tpu.memory_space<vmem>>, vector<16xi32>,
    %swap3A_896 = vector.shape_cast %swap3A_895 : vector<16xi32> to vector<16xi32>
    %swap3A_897 = vector.shape_cast %add3A_893 : vector<16xi32> to vector<16xi32>
    tpu.vector_store %arg6[%swap3A_894], %swap3A_897 {strides = array<i32>} : memref<4608xi32, #tpu.memory_space<vmem>>, vector<16xi32>,
    %get3A_898 = arith.constant 208 : index
    %get3A_899 = tpu.vector_load %arg5[%get3A_898] {strides = array<i32>} : memref<512xi32, #tpu.memory_space<vmem>>, vector<16xi32>,
    %get3A_900 = vector.shape_cast %get3A_899 : vector<16xi32> to vector<16xi32>
    %mul3A_901 = arith.constant 9 : i32
    %mul3A_902 = vector.broadcast %mul3A_901 : i32 to vector<16xi32>
    %mul3A_903 = arith.muli %get3A_900, %mul3A_902 : vector<16xi32>
    %add3A_904 = arith.constant 0 : i32
    %add3A_905 = vector.broadcast %add3A_904 : i32 to vector<16xi32>
    %add3A_906 = arith.addi %mul3A_903, %add3A_905 : vector<16xi32>
    %swap3A_907 = arith.constant 208 : index
    %swap3A_908 = tpu.vector_load %arg6[%swap3A_907] {strides = array<i32>} : memref<4608xi32, #tpu.memory_space<vmem>>, vector<16xi32>,
    %swap3A_909 = vector.shape_cast %swap3A_908 : vector<16xi32> to vector<16xi32>
    %swap3A_910 = vector.shape_cast %add3A_906 : vector<16xi32> to vector<16xi32>
    tpu.vector_store %arg6[%swap3A_907], %swap3A_910 {strides = array<i32>} : memref<4608xi32, #tpu.memory_space<vmem>>, vector<16xi32>,
    %add3A_911 = arith.constant 1 : i32
    %add3A_912 = vector.broadcast %add3A_911 : i32 to vector<16xi32>
    %add3A_913 = arith.addi %mul3A_903, %add3A_912 : vector<16xi32>
    %swap3A_914 = arith.constant 720 : index
    %swap3A_915 = tpu.vector_load %arg6[%swap3A_914] {strides = array<i32>} : memref<4608xi32, #tpu.memory_space<vmem>>, vector<16xi32>,
    %swap3A_916 = vector.shape_cast %swap3A_915 : vector<16xi32> to vector<16xi32>
    %swap3A_917 = vector.shape_cast %add3A_913 : vector<16xi32> to vector<16xi32>
    tpu.vector_store %arg6[%swap3A_914], %swap3A_917 {strides = array<i32>} : memref<4608xi32, #tpu.memory_space<vmem>>, vector<16xi32>,
    %add3A_918 = arith.constant 2 : i32
    %add3A_919 = vector.broadcast %add3A_918 : i32 to vector<16xi32>
    %add3A_920 = arith.addi %mul3A_903, %add3A_919 : vector<16xi32>
    %swap3A_921 = arith.constant 1232 : index
    %swap3A_922 = tpu.vector_load %arg6[%swap3A_921] {strides = array<i32>} : memref<4608xi32, #tpu.memory_space<vmem>>, vector<16xi32>,
    %swap3A_923 = vector.shape_cast %swap3A_922 : vector<16xi32> to vector<16xi32>
    %swap3A_924 = vector.shape_cast %add3A_920 : vector<16xi32> to vector<16xi32>
    tpu.vector_store %arg6[%swap3A_921], %swap3A_924 {strides = array<i32>} : memref<4608xi32, #tpu.memory_space<vmem>>, vector<16xi32>,
    %add3A_925 = arith.constant 3 : i32
    %add3A_926 = vector.broadcast %add3A_925 : i32 to vector<16xi32>
    %add3A_927 = arith.addi %mul3A_903, %add3A_926 : vector<16xi32>
    %swap3A_928 = arith.constant 1744 : index
    %swap3A_929 = tpu.vector_load %arg6[%swap3A_928] {strides = array<i32>} : memref<4608xi32, #tpu.memory_space<vmem>>, vector<16xi32>,
    %swap3A_930 = vector.shape_cast %swap3A_929 : vector<16xi32> to vector<16xi32>
    %swap3A_931 = vector.shape_cast %add3A_927 : vector<16xi32> to vector<16xi32>
    tpu.vector_store %arg6[%swap3A_928], %swap3A_931 {strides = array<i32>} : memref<4608xi32, #tpu.memory_space<vmem>>, vector<16xi32>,
    %add3A_932 = arith.constant 4 : i32
    %add3A_933 = vector.broadcast %add3A_932 : i32 to vector<16xi32>
    %add3A_934 = arith.addi %mul3A_903, %add3A_933 : vector<16xi32>
    %swap3A_935 = arith.constant 2256 : index
    %swap3A_936 = tpu.vector_load %arg6[%swap3A_935] {strides = array<i32>} : memref<4608xi32, #tpu.memory_space<vmem>>, vector<16xi32>,
    %swap3A_937 = vector.shape_cast %swap3A_936 : vector<16xi32> to vector<16xi32>
    %swap3A_938 = vector.shape_cast %add3A_934 : vector<16xi32> to vector<16xi32>
    tpu.vector_store %arg6[%swap3A_935], %swap3A_938 {strides = array<i32>} : memref<4608xi32, #tpu.memory_space<vmem>>, vector<16xi32>,
    %add3A_939 = arith.constant 5 : i32
    %add3A_940 = vector.broadcast %add3A_939 : i32 to vector<16xi32>
    %add3A_941 = arith.addi %mul3A_903, %add3A_940 : vector<16xi32>
    %swap3A_942 = arith.constant 2768 : index
    %swap3A_943 = tpu.vector_load %arg6[%swap3A_942] {strides = array<i32>} : memref<4608xi32, #tpu.memory_space<vmem>>, vector<16xi32>,
    %swap3A_944 = vector.shape_cast %swap3A_943 : vector<16xi32> to vector<16xi32>
    %swap3A_945 = vector.shape_cast %add3A_941 : vector<16xi32> to vector<16xi32>
    tpu.vector_store %arg6[%swap3A_942], %swap3A_945 {strides = array<i32>} : memref<4608xi32, #tpu.memory_space<vmem>>, vector<16xi32>,
    %add3A_946 = arith.constant 6 : i32
    %add3A_947 = vector.broadcast %add3A_946 : i32 to vector<16xi32>
    %add3A_948 = arith.addi %mul3A_903, %add3A_947 : vector<16xi32>
    %swap3A_949 = arith.constant 3280 : index
    %swap3A_950 = tpu.vector_load %arg6[%swap3A_949] {strides = array<i32>} : memref<4608xi32, #tpu.memory_space<vmem>>, vector<16xi32>,
    %swap3A_951 = vector.shape_cast %swap3A_950 : vector<16xi32> to vector<16xi32>
    %swap3A_952 = vector.shape_cast %add3A_948 : vector<16xi32> to vector<16xi32>
    tpu.vector_store %arg6[%swap3A_949], %swap3A_952 {strides = array<i32>} : memref<4608xi32, #tpu.memory_space<vmem>>, vector<16xi32>,
    %add3A_953 = arith.constant 7 : i32
    %add3A_954 = vector.broadcast %add3A_953 : i32 to vector<16xi32>
    %add3A_955 = arith.addi %mul3A_903, %add3A_954 : vector<16xi32>
    %swap3A_956 = arith.constant 3792 : index
    %swap3A_957 = tpu.vector_load %arg6[%swap3A_956] {strides = array<i32>} : memref<4608xi32, #tpu.memory_space<vmem>>, vector<16xi32>,
    %swap3A_958 = vector.shape_cast %swap3A_957 : vector<16xi32> to vector<16xi32>
    %swap3A_959 = vector.shape_cast %add3A_955 : vector<16xi32> to vector<16xi32>
    tpu.vector_store %arg6[%swap3A_956], %swap3A_959 {strides = array<i32>} : memref<4608xi32, #tpu.memory_space<vmem>>, vector<16xi32>,
    %add3A_960 = arith.constant 8 : i32
    %add3A_961 = vector.broadcast %add3A_960 : i32 to vector<16xi32>
    %add3A_962 = arith.addi %mul3A_903, %add3A_961 : vector<16xi32>
    %swap3A_963 = arith.constant 4304 : index
    %swap3A_964 = tpu.vector_load %arg6[%swap3A_963] {strides = array<i32>} : memref<4608xi32, #tpu.memory_space<vmem>>, vector<16xi32>,
    %swap3A_965 = vector.shape_cast %swap3A_964 : vector<16xi32> to vector<16xi32>
    %swap3A_966 = vector.shape_cast %add3A_962 : vector<16xi32> to vector<16xi32>
    tpu.vector_store %arg6[%swap3A_963], %swap3A_966 {strides = array<i32>} : memref<4608xi32, #tpu.memory_space<vmem>>, vector<16xi32>,
    %get3A_967 = arith.constant 224 : index
    %get3A_968 = tpu.vector_load %arg5[%get3A_967] {strides = array<i32>} : memref<512xi32, #tpu.memory_space<vmem>>, vector<16xi32>,
    %get3A_969 = vector.shape_cast %get3A_968 : vector<16xi32> to vector<16xi32>
    %mul3A_970 = arith.constant 9 : i32
    %mul3A_971 = vector.broadcast %mul3A_970 : i32 to vector<16xi32>
    %mul3A_972 = arith.muli %get3A_969, %mul3A_971 : vector<16xi32>
    %add3A_973 = arith.constant 0 : i32
    %add3A_974 = vector.broadcast %add3A_973 : i32 to vector<16xi32>
    %add3A_975 = arith.addi %mul3A_972, %add3A_974 : vector<16xi32>
    %swap3A_976 = arith.constant 224 : index
    %swap3A_977 = tpu.vector_load %arg6[%swap3A_976] {strides = array<i32>} : memref<4608xi32, #tpu.memory_space<vmem>>, vector<16xi32>,
    %swap3A_978 = vector.shape_cast %swap3A_977 : vector<16xi32> to vector<16xi32>
    %swap3A_979 = vector.shape_cast %add3A_975 : vector<16xi32> to vector<16xi32>
    tpu.vector_store %arg6[%swap3A_976], %swap3A_979 {strides = array<i32>} : memref<4608xi32, #tpu.memory_space<vmem>>, vector<16xi32>,
    %add3A_980 = arith.constant 1 : i32
    %add3A_981 = vector.broadcast %add3A_980 : i32 to vector<16xi32>
    %add3A_982 = arith.addi %mul3A_972, %add3A_981 : vector<16xi32>
    %swap3A_983 = arith.constant 736 : index
    %swap3A_984 = tpu.vector_load %arg6[%swap3A_983] {strides = array<i32>} : memref<4608xi32, #tpu.memory_space<vmem>>, vector<16xi32>,
    %swap3A_985 = vector.shape_cast %swap3A_984 : vector<16xi32> to vector<16xi32>
    %swap3A_986 = vector.shape_cast %add3A_982 : vector<16xi32> to vector<16xi32>
    tpu.vector_store %arg6[%swap3A_983], %swap3A_986 {strides = array<i32>} : memref<4608xi32, #tpu.memory_space<vmem>>, vector<16xi32>,
    %add3A_987 = arith.constant 2 : i32
    %add3A_988 = vector.broadcast %add3A_987 : i32 to vector<16xi32>
    %add3A_989 = arith.addi %mul3A_972, %add3A_988 : vector<16xi32>
    %swap3A_990 = arith.constant 1248 : index
    %swap3A_991 = tpu.vector_load %arg6[%swap3A_990] {strides = array<i32>} : memref<4608xi32, #tpu.memory_space<vmem>>, vector<16xi32>,
    %swap3A_992 = vector.shape_cast %swap3A_991 : vector<16xi32> to vector<16xi32>
    %swap3A_993 = vector.shape_cast %add3A_989 : vector<16xi32> to vector<16xi32>
    tpu.vector_store %arg6[%swap3A_990], %swap3A_993 {strides = array<i32>} : memref<4608xi32, #tpu.memory_space<vmem>>, vector<16xi32>,
    %add3A_994 = arith.constant 3 : i32
    %add3A_995 = vector.broadcast %add3A_994 : i32 to vector<16xi32>
    %add3A_996 = arith.addi %mul3A_972, %add3A_995 : vector<16xi32>
    %swap3A_997 = arith.constant 1760 : index
    %swap3A_998 = tpu.vector_load %arg6[%swap3A_997] {strides = array<i32>} : memref<4608xi32, #tpu.memory_space<vmem>>, vector<16xi32>,
    %swap3A_999 = vector.shape_cast %swap3A_998 : vector<16xi32> to vector<16xi32>
    %swap3A_1000 = vector.shape_cast %add3A_996 : vector<16xi32> to vector<16xi32>
    tpu.vector_store %arg6[%swap3A_997], %swap3A_1000 {strides = array<i32>} : memref<4608xi32, #tpu.memory_space<vmem>>, vector<16xi32>,
    %add3A_1001 = arith.constant 4 : i32
    %add3A_1002 = vector.broadcast %add3A_1001 : i32 to vector<16xi32>
    %add3A_1003 = arith.addi %mul3A_972, %add3A_1002 : vector<16xi32>
    %swap3A_1004 = arith.constant 2272 : index
    %swap3A_1005 = tpu.vector_load %arg6[%swap3A_1004] {strides = array<i32>} : memref<4608xi32, #tpu.memory_space<vmem>>, vector<16xi32>,
    %swap3A_1006 = vector.shape_cast %swap3A_1005 : vector<16xi32> to vector<16xi32>
    %swap3A_1007 = vector.shape_cast %add3A_1003 : vector<16xi32> to vector<16xi32>
    tpu.vector_store %arg6[%swap3A_1004], %swap3A_1007 {strides = array<i32>} : memref<4608xi32, #tpu.memory_space<vmem>>, vector<16xi32>,
    %add3A_1008 = arith.constant 5 : i32
    %add3A_1009 = vector.broadcast %add3A_1008 : i32 to vector<16xi32>
    %add3A_1010 = arith.addi %mul3A_972, %add3A_1009 : vector<16xi32>
    %swap3A_1011 = arith.constant 2784 : index
    %swap3A_1012 = tpu.vector_load %arg6[%swap3A_1011] {strides = array<i32>} : memref<4608xi32, #tpu.memory_space<vmem>>, vector<16xi32>,
    %swap3A_1013 = vector.shape_cast %swap3A_1012 : vector<16xi32> to vector<16xi32>
    %swap3A_1014 = vector.shape_cast %add3A_1010 : vector<16xi32> to vector<16xi32>
    tpu.vector_store %arg6[%swap3A_1011], %swap3A_1014 {strides = array<i32>} : memref<4608xi32, #tpu.memory_space<vmem>>, vector<16xi32>,
    %add3A_1015 = arith.constant 6 : i32
    %add3A_1016 = vector.broadcast %add3A_1015 : i32 to vector<16xi32>
    %add3A_1017 = arith.addi %mul3A_972, %add3A_1016 : vector<16xi32>
    %swap3A_1018 = arith.constant 3296 : index
    %swap3A_1019 = tpu.vector_load %arg6[%swap3A_1018] {strides = array<i32>} : memref<4608xi32, #tpu.memory_space<vmem>>, vector<16xi32>,
    %swap3A_1020 = vector.shape_cast %swap3A_1019 : vector<16xi32> to vector<16xi32>
    %swap3A_1021 = vector.shape_cast %add3A_1017 : vector<16xi32> to vector<16xi32>
    tpu.vector_store %arg6[%swap3A_1018], %swap3A_1021 {strides = array<i32>} : memref<4608xi32, #tpu.memory_space<vmem>>, vector<16xi32>,
    %add3A_1022 = arith.constant 7 : i32
    %add3A_1023 = vector.broadcast %add3A_1022 : i32 to vector<16xi32>
    %add3A_1024 = arith.addi %mul3A_972, %add3A_1023 : vector<16xi32>
    %swap3A_1025 = arith.constant 3808 : index
    %swap3A_1026 = tpu.vector_load %arg6[%swap3A_1025] {strides = array<i32>} : memref<4608xi32, #tpu.memory_space<vmem>>, vector<16xi32>,
    %swap3A_1027 = vector.shape_cast %swap3A_1026 : vector<16xi32> to vector<16xi32>
    %swap3A_1028 = vector.shape_cast %add3A_1024 : vector<16xi32> to vector<16xi32>
    tpu.vector_store %arg6[%swap3A_1025], %swap3A_1028 {strides = array<i32>} : memref<4608xi32, #tpu.memory_space<vmem>>, vector<16xi32>,
    %add3A_1029 = arith.constant 8 : i32
    %add3A_1030 = vector.broadcast %add3A_1029 : i32 to vector<16xi32>
    %add3A_1031 = arith.addi %mul3A_972, %add3A_1030 : vector<16xi32>
    %swap3A_1032 = arith.constant 4320 : index
    %swap3A_1033 = tpu.vector_load %arg6[%swap3A_1032] {strides = array<i32>} : memref<4608xi32, #tpu.memory_space<vmem>>, vector<16xi32>,
    %swap3A_1034 = vector.shape_cast %swap3A_1033 : vector<16xi32> to vector<16xi32>
    %swap3A_1035 = vector.shape_cast %add3A_1031 : vector<16xi32> to vector<16xi32>
    tpu.vector_store %arg6[%swap3A_1032], %swap3A_1035 {strides = array<i32>} : memref<4608xi32, #tpu.memory_space<vmem>>, vector<16xi32>,
    %get3A_1036 = arith.constant 240 : index
    %get3A_1037 = tpu.vector_load %arg5[%get3A_1036] {strides = array<i32>} : memref<512xi32, #tpu.memory_space<vmem>>, vector<16xi32>,
    %get3A_1038 = vector.shape_cast %get3A_1037 : vector<16xi32> to vector<16xi32>
    %mul3A_1039 = arith.constant 9 : i32
    %mul3A_1040 = vector.broadcast %mul3A_1039 : i32 to vector<16xi32>
    %mul3A_1041 = arith.muli %get3A_1038, %mul3A_1040 : vector<16xi32>
    %add3A_1042 = arith.constant 0 : i32
    %add3A_1043 = vector.broadcast %add3A_1042 : i32 to vector<16xi32>
    %add3A_1044 = arith.addi %mul3A_1041, %add3A_1043 : vector<16xi32>
    %swap3A_1045 = arith.constant 240 : index
    %swap3A_1046 = tpu.vector_load %arg6[%swap3A_1045] {strides = array<i32>} : memref<4608xi32, #tpu.memory_space<vmem>>, vector<16xi32>,
    %swap3A_1047 = vector.shape_cast %swap3A_1046 : vector<16xi32> to vector<16xi32>
    %swap3A_1048 = vector.shape_cast %add3A_1044 : vector<16xi32> to vector<16xi32>
    tpu.vector_store %arg6[%swap3A_1045], %swap3A_1048 {strides = array<i32>} : memref<4608xi32, #tpu.memory_space<vmem>>, vector<16xi32>,
    %add3A_1049 = arith.constant 1 : i32
    %add3A_1050 = vector.broadcast %add3A_1049 : i32 to vector<16xi32>
    %add3A_1051 = arith.addi %mul3A_1041, %add3A_1050 : vector<16xi32>
    %swap3A_1052 = arith.constant 752 : index
    %swap3A_1053 = tpu.vector_load %arg6[%swap3A_1052] {strides = array<i32>} : memref<4608xi32, #tpu.memory_space<vmem>>, vector<16xi32>,
    %swap3A_1054 = vector.shape_cast %swap3A_1053 : vector<16xi32> to vector<16xi32>
    %swap3A_1055 = vector.shape_cast %add3A_1051 : vector<16xi32> to vector<16xi32>
    tpu.vector_store %arg6[%swap3A_1052], %swap3A_1055 {strides = array<i32>} : memref<4608xi32, #tpu.memory_space<vmem>>, vector<16xi32>,
    %add3A_1056 = arith.constant 2 : i32
    %add3A_1057 = vector.broadcast %add3A_1056 : i32 to vector<16xi32>
    %add3A_1058 = arith.addi %mul3A_1041, %add3A_1057 : vector<16xi32>
    %swap3A_1059 = arith.constant 1264 : index
    %swap3A_1060 = tpu.vector_load %arg6[%swap3A_1059] {strides = array<i32>} : memref<4608xi32, #tpu.memory_space<vmem>>, vector<16xi32>,
    %swap3A_1061 = vector.shape_cast %swap3A_1060 : vector<16xi32> to vector<16xi32>
    %swap3A_1062 = vector.shape_cast %add3A_1058 : vector<16xi32> to vector<16xi32>
    tpu.vector_store %arg6[%swap3A_1059], %swap3A_1062 {strides = array<i32>} : memref<4608xi32, #tpu.memory_space<vmem>>, vector<16xi32>,
    %add3A_1063 = arith.constant 3 : i32
    %add3A_1064 = vector.broadcast %add3A_1063 : i32 to vector<16xi32>
    %add3A_1065 = arith.addi %mul3A_1041, %add3A_1064 : vector<16xi32>
    %swap3A_1066 = arith.constant 1776 : index
    %swap3A_1067 = tpu.vector_load %arg6[%swap3A_1066] {strides = array<i32>} : memref<4608xi32, #tpu.memory_space<vmem>>, vector<16xi32>,
    %swap3A_1068 = vector.shape_cast %swap3A_1067 : vector<16xi32> to vector<16xi32>
    %swap3A_1069 = vector.shape_cast %add3A_1065 : vector<16xi32> to vector<16xi32>
    tpu.vector_store %arg6[%swap3A_1066], %swap3A_1069 {strides = array<i32>} : memref<4608xi32, #tpu.memory_space<vmem>>, vector<16xi32>,
    %add3A_1070 = arith.constant 4 : i32
    %add3A_1071 = vector.broadcast %add3A_1070 : i32 to vector<16xi32>
    %add3A_1072 = arith.addi %mul3A_1041, %add3A_1071 : vector<16xi32>
    %swap3A_1073 = arith.constant 2288 : index
    %swap3A_1074 = tpu.vector_load %arg6[%swap3A_1073] {strides = array<i32>} : memref<4608xi32, #tpu.memory_space<vmem>>, vector<16xi32>,
    %swap3A_1075 = vector.shape_cast %swap3A_1074 : vector<16xi32> to vector<16xi32>
    %swap3A_1076 = vector.shape_cast %add3A_1072 : vector<16xi32> to vector<16xi32>
    tpu.vector_store %arg6[%swap3A_1073], %swap3A_1076 {strides = array<i32>} : memref<4608xi32, #tpu.memory_space<vmem>>, vector<16xi32>,
    %add3A_1077 = arith.constant 5 : i32
    %add3A_1078 = vector.broadcast %add3A_1077 : i32 to vector<16xi32>
    %add3A_1079 = arith.addi %mul3A_1041, %add3A_1078 : vector<16xi32>
    %swap3A_1080 = arith.constant 2800 : index
    %swap3A_1081 = tpu.vector_load %arg6[%swap3A_1080] {strides = array<i32>} : memref<4608xi32, #tpu.memory_space<vmem>>, vector<16xi32>,
    %swap3A_1082 = vector.shape_cast %swap3A_1081 : vector<16xi32> to vector<16xi32>
    %swap3A_1083 = vector.shape_cast %add3A_1079 : vector<16xi32> to vector<16xi32>
    tpu.vector_store %arg6[%swap3A_1080], %swap3A_1083 {strides = array<i32>} : memref<4608xi32, #tpu.memory_space<vmem>>, vector<16xi32>,
    %add3A_1084 = arith.constant 6 : i32
    %add3A_1085 = vector.broadcast %add3A_1084 : i32 to vector<16xi32>
    %add3A_1086 = arith.addi %mul3A_1041, %add3A_1085 : vector<16xi32>
    %swap3A_1087 = arith.constant 3312 : index
    %swap3A_1088 = tpu.vector_load %arg6[%swap3A_1087] {strides = array<i32>} : memref<4608xi32, #tpu.memory_space<vmem>>, vector<16xi32>,
    %swap3A_1089 = vector.shape_cast %swap3A_1088 : vector<16xi32> to vector<16xi32>
    %swap3A_1090 = vector.shape_cast %add3A_1086 : vector<16xi32> to vector<16xi32>
    tpu.vector_store %arg6[%swap3A_1087], %swap3A_1090 {strides = array<i32>} : memref<4608xi32, #tpu.memory_space<vmem>>, vector<16xi32>,
    %add3A_1091 = arith.constant 7 : i32
    %add3A_1092 = vector.broadcast %add3A_1091 : i32 to vector<16xi32>
    %add3A_1093 = arith.addi %mul3A_1041, %add3A_1092 : vector<16xi32>
    %swap3A_1094 = arith.constant 3824 : index
    %swap3A_1095 = tpu.vector_load %arg6[%swap3A_1094] {strides = array<i32>} : memref<4608xi32, #tpu.memory_space<vmem>>, vector<16xi32>,
    %swap3A_1096 = vector.shape_cast %swap3A_1095 : vector<16xi32> to vector<16xi32>
    %swap3A_1097 = vector.shape_cast %add3A_1093 : vector<16xi32> to vector<16xi32>
    tpu.vector_store %arg6[%swap3A_1094], %swap3A_1097 {strides = array<i32>} : memref<4608xi32, #tpu.memory_space<vmem>>, vector<16xi32>,
    %add3A_1098 = arith.constant 8 : i32
    %add3A_1099 = vector.broadcast %add3A_1098 : i32 to vector<16xi32>
    %add3A_1100 = arith.addi %mul3A_1041, %add3A_1099 : vector<16xi32>
    %swap3A_1101 = arith.constant 4336 : index
    %swap3A_1102 = tpu.vector_load %arg6[%swap3A_1101] {strides = array<i32>} : memref<4608xi32, #tpu.memory_space<vmem>>, vector<16xi32>,
    %swap3A_1103 = vector.shape_cast %swap3A_1102 : vector<16xi32> to vector<16xi32>
    %swap3A_1104 = vector.shape_cast %add3A_1100 : vector<16xi32> to vector<16xi32>
    tpu.vector_store %arg6[%swap3A_1101], %swap3A_1104 {strides = array<i32>} : memref<4608xi32, #tpu.memory_space<vmem>>, vector<16xi32>,
    %get3A_1105 = arith.constant 256 : index
    %get3A_1106 = tpu.vector_load %arg5[%get3A_1105] {strides = array<i32>} : memref<512xi32, #tpu.memory_space<vmem>>, vector<16xi32>,
    %get3A_1107 = vector.shape_cast %get3A_1106 : vector<16xi32> to vector<16xi32>
    %mul3A_1108 = arith.constant 9 : i32
    %mul3A_1109 = vector.broadcast %mul3A_1108 : i32 to vector<16xi32>
    %mul3A_1110 = arith.muli %get3A_1107, %mul3A_1109 : vector<16xi32>
    %add3A_1111 = arith.constant 0 : i32
    %add3A_1112 = vector.broadcast %add3A_1111 : i32 to vector<16xi32>
    %add3A_1113 = arith.addi %mul3A_1110, %add3A_1112 : vector<16xi32>
    %swap3A_1114 = arith.constant 256 : index
    %swap3A_1115 = tpu.vector_load %arg6[%swap3A_1114] {strides = array<i32>} : memref<4608xi32, #tpu.memory_space<vmem>>, vector<16xi32>,
    %swap3A_1116 = vector.shape_cast %swap3A_1115 : vector<16xi32> to vector<16xi32>
    %swap3A_1117 = vector.shape_cast %add3A_1113 : vector<16xi32> to vector<16xi32>
    tpu.vector_store %arg6[%swap3A_1114], %swap3A_1117 {strides = array<i32>} : memref<4608xi32, #tpu.memory_space<vmem>>, vector<16xi32>,
    %add3A_1118 = arith.constant 1 : i32
    %add3A_1119 = vector.broadcast %add3A_1118 : i32 to vector<16xi32>
    %add3A_1120 = arith.addi %mul3A_1110, %add3A_1119 : vector<16xi32>
    %swap3A_1121 = arith.constant 768 : index
    %swap3A_1122 = tpu.vector_load %arg6[%swap3A_1121] {strides = array<i32>} : memref<4608xi32, #tpu.memory_space<vmem>>, vector<16xi32>,
    %swap3A_1123 = vector.shape_cast %swap3A_1122 : vector<16xi32> to vector<16xi32>
    %swap3A_1124 = vector.shape_cast %add3A_1120 : vector<16xi32> to vector<16xi32>
    tpu.vector_store %arg6[%swap3A_1121], %swap3A_1124 {strides = array<i32>} : memref<4608xi32, #tpu.memory_space<vmem>>, vector<16xi32>,
    %add3A_1125 = arith.constant 2 : i32
    %add3A_1126 = vector.broadcast %add3A_1125 : i32 to vector<16xi32>
    %add3A_1127 = arith.addi %mul3A_1110, %add3A_1126 : vector<16xi32>
    %swap3A_1128 = arith.constant 1280 : index
    %swap3A_1129 = tpu.vector_load %arg6[%swap3A_1128] {strides = array<i32>} : memref<4608xi32, #tpu.memory_space<vmem>>, vector<16xi32>,
    %swap3A_1130 = vector.shape_cast %swap3A_1129 : vector<16xi32> to vector<16xi32>
    %swap3A_1131 = vector.shape_cast %add3A_1127 : vector<16xi32> to vector<16xi32>
    tpu.vector_store %arg6[%swap3A_1128], %swap3A_1131 {strides = array<i32>} : memref<4608xi32, #tpu.memory_space<vmem>>, vector<16xi32>,
    %add3A_1132 = arith.constant 3 : i32
    %add3A_1133 = vector.broadcast %add3A_1132 : i32 to vector<16xi32>
    %add3A_1134 = arith.addi %mul3A_1110, %add3A_1133 : vector<16xi32>
    %swap3A_1135 = arith.constant 1792 : index
    %swap3A_1136 = tpu.vector_load %arg6[%swap3A_1135] {strides = array<i32>} : memref<4608xi32, #tpu.memory_space<vmem>>, vector<16xi32>,
    %swap3A_1137 = vector.shape_cast %swap3A_1136 : vector<16xi32> to vector<16xi32>
    %swap3A_1138 = vector.shape_cast %add3A_1134 : vector<16xi32> to vector<16xi32>
    tpu.vector_store %arg6[%swap3A_1135], %swap3A_1138 {strides = array<i32>} : memref<4608xi32, #tpu.memory_space<vmem>>, vector<16xi32>,
    %add3A_1139 = arith.constant 4 : i32
    %add3A_1140 = vector.broadcast %add3A_1139 : i32 to vector<16xi32>
    %add3A_1141 = arith.addi %mul3A_1110, %add3A_1140 : vector<16xi32>
    %swap3A_1142 = arith.constant 2304 : index
    %swap3A_1143 = tpu.vector_load %arg6[%swap3A_1142] {strides = array<i32>} : memref<4608xi32, #tpu.memory_space<vmem>>, vector<16xi32>,
    %swap3A_1144 = vector.shape_cast %swap3A_1143 : vector<16xi32> to vector<16xi32>
    %swap3A_1145 = vector.shape_cast %add3A_1141 : vector<16xi32> to vector<16xi32>
    tpu.vector_store %arg6[%swap3A_1142], %swap3A_1145 {strides = array<i32>} : memref<4608xi32, #tpu.memory_space<vmem>>, vector<16xi32>,
    %add3A_1146 = arith.constant 5 : i32
    %add3A_1147 = vector.broadcast %add3A_1146 : i32 to vector<16xi32>
    %add3A_1148 = arith.addi %mul3A_1110, %add3A_1147 : vector<16xi32>
    %swap3A_1149 = arith.constant 2816 : index
    %swap3A_1150 = tpu.vector_load %arg6[%swap3A_1149] {strides = array<i32>} : memref<4608xi32, #tpu.memory_space<vmem>>, vector<16xi32>,
    %swap3A_1151 = vector.shape_cast %swap3A_1150 : vector<16xi32> to vector<16xi32>
    %swap3A_1152 = vector.shape_cast %add3A_1148 : vector<16xi32> to vector<16xi32>
    tpu.vector_store %arg6[%swap3A_1149], %swap3A_1152 {strides = array<i32>} : memref<4608xi32, #tpu.memory_space<vmem>>, vector<16xi32>,
    %add3A_1153 = arith.constant 6 : i32
    %add3A_1154 = vector.broadcast %add3A_1153 : i32 to vector<16xi32>
    %add3A_1155 = arith.addi %mul3A_1110, %add3A_1154 : vector<16xi32>
    %swap3A_1156 = arith.constant 3328 : index
    %swap3A_1157 = tpu.vector_load %arg6[%swap3A_1156] {strides = array<i32>} : memref<4608xi32, #tpu.memory_space<vmem>>, vector<16xi32>,
    %swap3A_1158 = vector.shape_cast %swap3A_1157 : vector<16xi32> to vector<16xi32>
    %swap3A_1159 = vector.shape_cast %add3A_1155 : vector<16xi32> to vector<16xi32>
    tpu.vector_store %arg6[%swap3A_1156], %swap3A_1159 {strides = array<i32>} : memref<4608xi32, #tpu.memory_space<vmem>>, vector<16xi32>,
    %add3A_1160 = arith.constant 7 : i32
    %add3A_1161 = vector.broadcast %add3A_1160 : i32 to vector<16xi32>
    %add3A_1162 = arith.addi %mul3A_1110, %add3A_1161 : vector<16xi32>
    %swap3A_1163 = arith.constant 3840 : index
    %swap3A_1164 = tpu.vector_load %arg6[%swap3A_1163] {strides = array<i32>} : memref<4608xi32, #tpu.memory_space<vmem>>, vector<16xi32>,
    %swap3A_1165 = vector.shape_cast %swap3A_1164 : vector<16xi32> to vector<16xi32>
    %swap3A_1166 = vector.shape_cast %add3A_1162 : vector<16xi32> to vector<16xi32>
    tpu.vector_store %arg6[%swap3A_1163], %swap3A_1166 {strides = array<i32>} : memref<4608xi32, #tpu.memory_space<vmem>>, vector<16xi32>,
    %add3A_1167 = arith.constant 8 : i32
    %add3A_1168 = vector.broadcast %add3A_1167 : i32 to vector<16xi32>
    %add3A_1169 = arith.addi %mul3A_1110, %add3A_1168 : vector<16xi32>
    %swap3A_1170 = arith.constant 4352 : index
    %swap3A_1171 = tpu.vector_load %arg6[%swap3A_1170] {strides = array<i32>} : memref<4608xi32, #tpu.memory_space<vmem>>, vector<16xi32>,
    %swap3A_1172 = vector.shape_cast %swap3A_1171 : vector<16xi32> to vector<16xi32>
    %swap3A_1173 = vector.shape_cast %add3A_1169 : vector<16xi32> to vector<16xi32>
    tpu.vector_store %arg6[%swap3A_1170], %swap3A_1173 {strides = array<i32>} : memref<4608xi32, #tpu.memory_space<vmem>>, vector<16xi32>,
    %get3A_1174 = arith.constant 272 : index
    %get3A_1175 = tpu.vector_load %arg5[%get3A_1174] {strides = array<i32>} : memref<512xi32, #tpu.memory_space<vmem>>, vector<16xi32>,
    %get3A_1176 = vector.shape_cast %get3A_1175 : vector<16xi32> to vector<16xi32>
    %mul3A_1177 = arith.constant 9 : i32
    %mul3A_1178 = vector.broadcast %mul3A_1177 : i32 to vector<16xi32>
    %mul3A_1179 = arith.muli %get3A_1176, %mul3A_1178 : vector<16xi32>
    %add3A_1180 = arith.constant 0 : i32
    %add3A_1181 = vector.broadcast %add3A_1180 : i32 to vector<16xi32>
    %add3A_1182 = arith.addi %mul3A_1179, %add3A_1181 : vector<16xi32>
    %swap3A_1183 = arith.constant 272 : index
    %swap3A_1184 = tpu.vector_load %arg6[%swap3A_1183] {strides = array<i32>} : memref<4608xi32, #tpu.memory_space<vmem>>, vector<16xi32>,
    %swap3A_1185 = vector.shape_cast %swap3A_1184 : vector<16xi32> to vector<16xi32>
    %swap3A_1186 = vector.shape_cast %add3A_1182 : vector<16xi32> to vector<16xi32>
    tpu.vector_store %arg6[%swap3A_1183], %swap3A_1186 {strides = array<i32>} : memref<4608xi32, #tpu.memory_space<vmem>>, vector<16xi32>,
    %add3A_1187 = arith.constant 1 : i32
    %add3A_1188 = vector.broadcast %add3A_1187 : i32 to vector<16xi32>
    %add3A_1189 = arith.addi %mul3A_1179, %add3A_1188 : vector<16xi32>
    %swap3A_1190 = arith.constant 784 : index
    %swap3A_1191 = tpu.vector_load %arg6[%swap3A_1190] {strides = array<i32>} : memref<4608xi32, #tpu.memory_space<vmem>>, vector<16xi32>,
    %swap3A_1192 = vector.shape_cast %swap3A_1191 : vector<16xi32> to vector<16xi32>
    %swap3A_1193 = vector.shape_cast %add3A_1189 : vector<16xi32> to vector<16xi32>
    tpu.vector_store %arg6[%swap3A_1190], %swap3A_1193 {strides = array<i32>} : memref<4608xi32, #tpu.memory_space<vmem>>, vector<16xi32>,
    %add3A_1194 = arith.constant 2 : i32
    %add3A_1195 = vector.broadcast %add3A_1194 : i32 to vector<16xi32>
    %add3A_1196 = arith.addi %mul3A_1179, %add3A_1195 : vector<16xi32>
    %swap3A_1197 = arith.constant 1296 : index
    %swap3A_1198 = tpu.vector_load %arg6[%swap3A_1197] {strides = array<i32>} : memref<4608xi32, #tpu.memory_space<vmem>>, vector<16xi32>,
    %swap3A_1199 = vector.shape_cast %swap3A_1198 : vector<16xi32> to vector<16xi32>
    %swap3A_1200 = vector.shape_cast %add3A_1196 : vector<16xi32> to vector<16xi32>
    tpu.vector_store %arg6[%swap3A_1197], %swap3A_1200 {strides = array<i32>} : memref<4608xi32, #tpu.memory_space<vmem>>, vector<16xi32>,
    %add3A_1201 = arith.constant 3 : i32
    %add3A_1202 = vector.broadcast %add3A_1201 : i32 to vector<16xi32>
    %add3A_1203 = arith.addi %mul3A_1179, %add3A_1202 : vector<16xi32>
    %swap3A_1204 = arith.constant 1808 : index
    %swap3A_1205 = tpu.vector_load %arg6[%swap3A_1204] {strides = array<i32>} : memref<4608xi32, #tpu.memory_space<vmem>>, vector<16xi32>,
    %swap3A_1206 = vector.shape_cast %swap3A_1205 : vector<16xi32> to vector<16xi32>
    %swap3A_1207 = vector.shape_cast %add3A_1203 : vector<16xi32> to vector<16xi32>
    tpu.vector_store %arg6[%swap3A_1204], %swap3A_1207 {strides = array<i32>} : memref<4608xi32, #tpu.memory_space<vmem>>, vector<16xi32>,
    %add3A_1208 = arith.constant 4 : i32
    %add3A_1209 = vector.broadcast %add3A_1208 : i32 to vector<16xi32>
    %add3A_1210 = arith.addi %mul3A_1179, %add3A_1209 : vector<16xi32>
    %swap3A_1211 = arith.constant 2320 : index
    %swap3A_1212 = tpu.vector_load %arg6[%swap3A_1211] {strides = array<i32>} : memref<4608xi32, #tpu.memory_space<vmem>>, vector<16xi32>,
    %swap3A_1213 = vector.shape_cast %swap3A_1212 : vector<16xi32> to vector<16xi32>
    %swap3A_1214 = vector.shape_cast %add3A_1210 : vector<16xi32> to vector<16xi32>
    tpu.vector_store %arg6[%swap3A_1211], %swap3A_1214 {strides = array<i32>} : memref<4608xi32, #tpu.memory_space<vmem>>, vector<16xi32>,
    %add3A_1215 = arith.constant 5 : i32
    %add3A_1216 = vector.broadcast %add3A_1215 : i32 to vector<16xi32>
    %add3A_1217 = arith.addi %mul3A_1179, %add3A_1216 : vector<16xi32>
    %swap3A_1218 = arith.constant 2832 : index
    %swap3A_1219 = tpu.vector_load %arg6[%swap3A_1218] {strides = array<i32>} : memref<4608xi32, #tpu.memory_space<vmem>>, vector<16xi32>,
    %swap3A_1220 = vector.shape_cast %swap3A_1219 : vector<16xi32> to vector<16xi32>
    %swap3A_1221 = vector.shape_cast %add3A_1217 : vector<16xi32> to vector<16xi32>
    tpu.vector_store %arg6[%swap3A_1218], %swap3A_1221 {strides = array<i32>} : memref<4608xi32, #tpu.memory_space<vmem>>, vector<16xi32>,
    %add3A_1222 = arith.constant 6 : i32
    %add3A_1223 = vector.broadcast %add3A_1222 : i32 to vector<16xi32>
    %add3A_1224 = arith.addi %mul3A_1179, %add3A_1223 : vector<16xi32>
    %swap3A_1225 = arith.constant 3344 : index
    %swap3A_1226 = tpu.vector_load %arg6[%swap3A_1225] {strides = array<i32>} : memref<4608xi32, #tpu.memory_space<vmem>>, vector<16xi32>,
    %swap3A_1227 = vector.shape_cast %swap3A_1226 : vector<16xi32> to vector<16xi32>
    %swap3A_1228 = vector.shape_cast %add3A_1224 : vector<16xi32> to vector<16xi32>
    tpu.vector_store %arg6[%swap3A_1225], %swap3A_1228 {strides = array<i32>} : memref<4608xi32, #tpu.memory_space<vmem>>, vector<16xi32>,
    %add3A_1229 = arith.constant 7 : i32
    %add3A_1230 = vector.broadcast %add3A_1229 : i32 to vector<16xi32>
    %add3A_1231 = arith.addi %mul3A_1179, %add3A_1230 : vector<16xi32>
    %swap3A_1232 = arith.constant 3856 : index
    %swap3A_1233 = tpu.vector_load %arg6[%swap3A_1232] {strides = array<i32>} : memref<4608xi32, #tpu.memory_space<vmem>>, vector<16xi32>,
    %swap3A_1234 = vector.shape_cast %swap3A_1233 : vector<16xi32> to vector<16xi32>
    %swap3A_1235 = vector.shape_cast %add3A_1231 : vector<16xi32> to vector<16xi32>
    tpu.vector_store %arg6[%swap3A_1232], %swap3A_1235 {strides = array<i32>} : memref<4608xi32, #tpu.memory_space<vmem>>, vector<16xi32>,
    %add3A_1236 = arith.constant 8 : i32
    %add3A_1237 = vector.broadcast %add3A_1236 : i32 to vector<16xi32>
    %add3A_1238 = arith.addi %mul3A_1179, %add3A_1237 : vector<16xi32>
    %swap3A_1239 = arith.constant 4368 : index
    %swap3A_1240 = tpu.vector_load %arg6[%swap3A_1239] {strides = array<i32>} : memref<4608xi32, #tpu.memory_space<vmem>>, vector<16xi32>,
    %swap3A_1241 = vector.shape_cast %swap3A_1240 : vector<16xi32> to vector<16xi32>
    %swap3A_1242 = vector.shape_cast %add3A_1238 : vector<16xi32> to vector<16xi32>
    tpu.vector_store %arg6[%swap3A_1239], %swap3A_1242 {strides = array<i32>} : memref<4608xi32, #tpu.memory_space<vmem>>, vector<16xi32>,
    %get3A_1243 = arith.constant 288 : index
    %get3A_1244 = tpu.vector_load %arg5[%get3A_1243] {strides = array<i32>} : memref<512xi32, #tpu.memory_space<vmem>>, vector<16xi32>,
    %get3A_1245 = vector.shape_cast %get3A_1244 : vector<16xi32> to vector<16xi32>
    %mul3A_1246 = arith.constant 9 : i32
    %mul3A_1247 = vector.broadcast %mul3A_1246 : i32 to vector<16xi32>
    %mul3A_1248 = arith.muli %get3A_1245, %mul3A_1247 : vector<16xi32>
    %add3A_1249 = arith.constant 0 : i32
    %add3A_1250 = vector.broadcast %add3A_1249 : i32 to vector<16xi32>
    %add3A_1251 = arith.addi %mul3A_1248, %add3A_1250 : vector<16xi32>
    %swap3A_1252 = arith.constant 288 : index
    %swap3A_1253 = tpu.vector_load %arg6[%swap3A_1252] {strides = array<i32>} : memref<4608xi32, #tpu.memory_space<vmem>>, vector<16xi32>,
    %swap3A_1254 = vector.shape_cast %swap3A_1253 : vector<16xi32> to vector<16xi32>
    %swap3A_1255 = vector.shape_cast %add3A_1251 : vector<16xi32> to vector<16xi32>
    tpu.vector_store %arg6[%swap3A_1252], %swap3A_1255 {strides = array<i32>} : memref<4608xi32, #tpu.memory_space<vmem>>, vector<16xi32>,
    %add3A_1256 = arith.constant 1 : i32
    %add3A_1257 = vector.broadcast %add3A_1256 : i32 to vector<16xi32>
    %add3A_1258 = arith.addi %mul3A_1248, %add3A_1257 : vector<16xi32>
    %swap3A_1259 = arith.constant 800 : index
    %swap3A_1260 = tpu.vector_load %arg6[%swap3A_1259] {strides = array<i32>} : memref<4608xi32, #tpu.memory_space<vmem>>, vector<16xi32>,
    %swap3A_1261 = vector.shape_cast %swap3A_1260 : vector<16xi32> to vector<16xi32>
    %swap3A_1262 = vector.shape_cast %add3A_1258 : vector<16xi32> to vector<16xi32>
    tpu.vector_store %arg6[%swap3A_1259], %swap3A_1262 {strides = array<i32>} : memref<4608xi32, #tpu.memory_space<vmem>>, vector<16xi32>,
    %add3A_1263 = arith.constant 2 : i32
    %add3A_1264 = vector.broadcast %add3A_1263 : i32 to vector<16xi32>
    %add3A_1265 = arith.addi %mul3A_1248, %add3A_1264 : vector<16xi32>
    %swap3A_1266 = arith.constant 1312 : index
    %swap3A_1267 = tpu.vector_load %arg6[%swap3A_1266] {strides = array<i32>} : memref<4608xi32, #tpu.memory_space<vmem>>, vector<16xi32>,
    %swap3A_1268 = vector.shape_cast %swap3A_1267 : vector<16xi32> to vector<16xi32>
    %swap3A_1269 = vector.shape_cast %add3A_1265 : vector<16xi32> to vector<16xi32>
    tpu.vector_store %arg6[%swap3A_1266], %swap3A_1269 {strides = array<i32>} : memref<4608xi32, #tpu.memory_space<vmem>>, vector<16xi32>,
    %add3A_1270 = arith.constant 3 : i32
    %add3A_1271 = vector.broadcast %add3A_1270 : i32 to vector<16xi32>
    %add3A_1272 = arith.addi %mul3A_1248, %add3A_1271 : vector<16xi32>
    %swap3A_1273 = arith.constant 1824 : index
    %swap3A_1274 = tpu.vector_load %arg6[%swap3A_1273] {strides = array<i32>} : memref<4608xi32, #tpu.memory_space<vmem>>, vector<16xi32>,
    %swap3A_1275 = vector.shape_cast %swap3A_1274 : vector<16xi32> to vector<16xi32>
    %swap3A_1276 = vector.shape_cast %add3A_1272 : vector<16xi32> to vector<16xi32>
    tpu.vector_store %arg6[%swap3A_1273], %swap3A_1276 {strides = array<i32>} : memref<4608xi32, #tpu.memory_space<vmem>>, vector<16xi32>,
    %add3A_1277 = arith.constant 4 : i32
    %add3A_1278 = vector.broadcast %add3A_1277 : i32 to vector<16xi32>
    %add3A_1279 = arith.addi %mul3A_1248, %add3A_1278 : vector<16xi32>
    %swap3A_1280 = arith.constant 2336 : index
    %swap3A_1281 = tpu.vector_load %arg6[%swap3A_1280] {strides = array<i32>} : memref<4608xi32, #tpu.memory_space<vmem>>, vector<16xi32>,
    %swap3A_1282 = vector.shape_cast %swap3A_1281 : vector<16xi32> to vector<16xi32>
    %swap3A_1283 = vector.shape_cast %add3A_1279 : vector<16xi32> to vector<16xi32>
    tpu.vector_store %arg6[%swap3A_1280], %swap3A_1283 {strides = array<i32>} : memref<4608xi32, #tpu.memory_space<vmem>>, vector<16xi32>,
    %add3A_1284 = arith.constant 5 : i32
    %add3A_1285 = vector.broadcast %add3A_1284 : i32 to vector<16xi32>
    %add3A_1286 = arith.addi %mul3A_1248, %add3A_1285 : vector<16xi32>
    %swap3A_1287 = arith.constant 2848 : index
    %swap3A_1288 = tpu.vector_load %arg6[%swap3A_1287] {strides = array<i32>} : memref<4608xi32, #tpu.memory_space<vmem>>, vector<16xi32>,
    %swap3A_1289 = vector.shape_cast %swap3A_1288 : vector<16xi32> to vector<16xi32>
    %swap3A_1290 = vector.shape_cast %add3A_1286 : vector<16xi32> to vector<16xi32>
    tpu.vector_store %arg6[%swap3A_1287], %swap3A_1290 {strides = array<i32>} : memref<4608xi32, #tpu.memory_space<vmem>>, vector<16xi32>,
    %add3A_1291 = arith.constant 6 : i32
    %add3A_1292 = vector.broadcast %add3A_1291 : i32 to vector<16xi32>
    %add3A_1293 = arith.addi %mul3A_1248, %add3A_1292 : vector<16xi32>
    %swap3A_1294 = arith.constant 3360 : index
    %swap3A_1295 = tpu.vector_load %arg6[%swap3A_1294] {strides = array<i32>} : memref<4608xi32, #tpu.memory_space<vmem>>, vector<16xi32>,
    %swap3A_1296 = vector.shape_cast %swap3A_1295 : vector<16xi32> to vector<16xi32>
    %swap3A_1297 = vector.shape_cast %add3A_1293 : vector<16xi32> to vector<16xi32>
    tpu.vector_store %arg6[%swap3A_1294], %swap3A_1297 {strides = array<i32>} : memref<4608xi32, #tpu.memory_space<vmem>>, vector<16xi32>,
    %add3A_1298 = arith.constant 7 : i32
    %add3A_1299 = vector.broadcast %add3A_1298 : i32 to vector<16xi32>
    %add3A_1300 = arith.addi %mul3A_1248, %add3A_1299 : vector<16xi32>
    %swap3A_1301 = arith.constant 3872 : index
    %swap3A_1302 = tpu.vector_load %arg6[%swap3A_1301] {strides = array<i32>} : memref<4608xi32, #tpu.memory_space<vmem>>, vector<16xi32>,
    %swap3A_1303 = vector.shape_cast %swap3A_1302 : vector<16xi32> to vector<16xi32>
    %swap3A_1304 = vector.shape_cast %add3A_1300 : vector<16xi32> to vector<16xi32>
    tpu.vector_store %arg6[%swap3A_1301], %swap3A_1304 {strides = array<i32>} : memref<4608xi32, #tpu.memory_space<vmem>>, vector<16xi32>,
    %add3A_1305 = arith.constant 8 : i32
    %add3A_1306 = vector.broadcast %add3A_1305 : i32 to vector<16xi32>
    %add3A_1307 = arith.addi %mul3A_1248, %add3A_1306 : vector<16xi32>
    %swap3A_1308 = arith.constant 4384 : index
    %swap3A_1309 = tpu.vector_load %arg6[%swap3A_1308] {strides = array<i32>} : memref<4608xi32, #tpu.memory_space<vmem>>, vector<16xi32>,
    %swap3A_1310 = vector.shape_cast %swap3A_1309 : vector<16xi32> to vector<16xi32>
    %swap3A_1311 = vector.shape_cast %add3A_1307 : vector<16xi32> to vector<16xi32>
    tpu.vector_store %arg6[%swap3A_1308], %swap3A_1311 {strides = array<i32>} : memref<4608xi32, #tpu.memory_space<vmem>>, vector<16xi32>,
    %get3A_1312 = arith.constant 304 : index
    %get3A_1313 = tpu.vector_load %arg5[%get3A_1312] {strides = array<i32>} : memref<512xi32, #tpu.memory_space<vmem>>, vector<16xi32>,
    %get3A_1314 = vector.shape_cast %get3A_1313 : vector<16xi32> to vector<16xi32>
    %mul3A_1315 = arith.constant 9 : i32
    %mul3A_1316 = vector.broadcast %mul3A_1315 : i32 to vector<16xi32>
    %mul3A_1317 = arith.muli %get3A_1314, %mul3A_1316 : vector<16xi32>
    %add3A_1318 = arith.constant 0 : i32
    %add3A_1319 = vector.broadcast %add3A_1318 : i32 to vector<16xi32>
    %add3A_1320 = arith.addi %mul3A_1317, %add3A_1319 : vector<16xi32>
    %swap3A_1321 = arith.constant 304 : index
    %swap3A_1322 = tpu.vector_load %arg6[%swap3A_1321] {strides = array<i32>} : memref<4608xi32, #tpu.memory_space<vmem>>, vector<16xi32>,
    %swap3A_1323 = vector.shape_cast %swap3A_1322 : vector<16xi32> to vector<16xi32>
    %swap3A_1324 = vector.shape_cast %add3A_1320 : vector<16xi32> to vector<16xi32>
    tpu.vector_store %arg6[%swap3A_1321], %swap3A_1324 {strides = array<i32>} : memref<4608xi32, #tpu.memory_space<vmem>>, vector<16xi32>,
    %add3A_1325 = arith.constant 1 : i32
    %add3A_1326 = vector.broadcast %add3A_1325 : i32 to vector<16xi32>
    %add3A_1327 = arith.addi %mul3A_1317, %add3A_1326 : vector<16xi32>
    %swap3A_1328 = arith.constant 816 : index
    %swap3A_1329 = tpu.vector_load %arg6[%swap3A_1328] {strides = array<i32>} : memref<4608xi32, #tpu.memory_space<vmem>>, vector<16xi32>,
    %swap3A_1330 = vector.shape_cast %swap3A_1329 : vector<16xi32> to vector<16xi32>
    %swap3A_1331 = vector.shape_cast %add3A_1327 : vector<16xi32> to vector<16xi32>
    tpu.vector_store %arg6[%swap3A_1328], %swap3A_1331 {strides = array<i32>} : memref<4608xi32, #tpu.memory_space<vmem>>, vector<16xi32>,
    %add3A_1332 = arith.constant 2 : i32
    %add3A_1333 = vector.broadcast %add3A_1332 : i32 to vector<16xi32>
    %add3A_1334 = arith.addi %mul3A_1317, %add3A_1333 : vector<16xi32>
    %swap3A_1335 = arith.constant 1328 : index
    %swap3A_1336 = tpu.vector_load %arg6[%swap3A_1335] {strides = array<i32>} : memref<4608xi32, #tpu.memory_space<vmem>>, vector<16xi32>,
    %swap3A_1337 = vector.shape_cast %swap3A_1336 : vector<16xi32> to vector<16xi32>
    %swap3A_1338 = vector.shape_cast %add3A_1334 : vector<16xi32> to vector<16xi32>
    tpu.vector_store %arg6[%swap3A_1335], %swap3A_1338 {strides = array<i32>} : memref<4608xi32, #tpu.memory_space<vmem>>, vector<16xi32>,
    %add3A_1339 = arith.constant 3 : i32
    %add3A_1340 = vector.broadcast %add3A_1339 : i32 to vector<16xi32>
    %add3A_1341 = arith.addi %mul3A_1317, %add3A_1340 : vector<16xi32>
    %swap3A_1342 = arith.constant 1840 : index
    %swap3A_1343 = tpu.vector_load %arg6[%swap3A_1342] {strides = array<i32>} : memref<4608xi32, #tpu.memory_space<vmem>>, vector<16xi32>,
    %swap3A_1344 = vector.shape_cast %swap3A_1343 : vector<16xi32> to vector<16xi32>
    %swap3A_1345 = vector.shape_cast %add3A_1341 : vector<16xi32> to vector<16xi32>
    tpu.vector_store %arg6[%swap3A_1342], %swap3A_1345 {strides = array<i32>} : memref<4608xi32, #tpu.memory_space<vmem>>, vector<16xi32>,
    %add3A_1346 = arith.constant 4 : i32
    %add3A_1347 = vector.broadcast %add3A_1346 : i32 to vector<16xi32>
    %add3A_1348 = arith.addi %mul3A_1317, %add3A_1347 : vector<16xi32>
    %swap3A_1349 = arith.constant 2352 : index
    %swap3A_1350 = tpu.vector_load %arg6[%swap3A_1349] {strides = array<i32>} : memref<4608xi32, #tpu.memory_space<vmem>>, vector<16xi32>,
    %swap3A_1351 = vector.shape_cast %swap3A_1350 : vector<16xi32> to vector<16xi32>
    %swap3A_1352 = vector.shape_cast %add3A_1348 : vector<16xi32> to vector<16xi32>
    tpu.vector_store %arg6[%swap3A_1349], %swap3A_1352 {strides = array<i32>} : memref<4608xi32, #tpu.memory_space<vmem>>, vector<16xi32>,
    %add3A_1353 = arith.constant 5 : i32
    %add3A_1354 = vector.broadcast %add3A_1353 : i32 to vector<16xi32>
    %add3A_1355 = arith.addi %mul3A_1317, %add3A_1354 : vector<16xi32>
    %swap3A_1356 = arith.constant 2864 : index
    %swap3A_1357 = tpu.vector_load %arg6[%swap3A_1356] {strides = array<i32>} : memref<4608xi32, #tpu.memory_space<vmem>>, vector<16xi32>,
    %swap3A_1358 = vector.shape_cast %swap3A_1357 : vector<16xi32> to vector<16xi32>
    %swap3A_1359 = vector.shape_cast %add3A_1355 : vector<16xi32> to vector<16xi32>
    tpu.vector_store %arg6[%swap3A_1356], %swap3A_1359 {strides = array<i32>} : memref<4608xi32, #tpu.memory_space<vmem>>, vector<16xi32>,
    %add3A_1360 = arith.constant 6 : i32
    %add3A_1361 = vector.broadcast %add3A_1360 : i32 to vector<16xi32>
    %add3A_1362 = arith.addi %mul3A_1317, %add3A_1361 : vector<16xi32>
    %swap3A_1363 = arith.constant 3376 : index
    %swap3A_1364 = tpu.vector_load %arg6[%swap3A_1363] {strides = array<i32>} : memref<4608xi32, #tpu.memory_space<vmem>>, vector<16xi32>,
    %swap3A_1365 = vector.shape_cast %swap3A_1364 : vector<16xi32> to vector<16xi32>
    %swap3A_1366 = vector.shape_cast %add3A_1362 : vector<16xi32> to vector<16xi32>
    tpu.vector_store %arg6[%swap3A_1363], %swap3A_1366 {strides = array<i32>} : memref<4608xi32, #tpu.memory_space<vmem>>, vector<16xi32>,
    %add3A_1367 = arith.constant 7 : i32
    %add3A_1368 = vector.broadcast %add3A_1367 : i32 to vector<16xi32>
    %add3A_1369 = arith.addi %mul3A_1317, %add3A_1368 : vector<16xi32>
    %swap3A_1370 = arith.constant 3888 : index
    %swap3A_1371 = tpu.vector_load %arg6[%swap3A_1370] {strides = array<i32>} : memref<4608xi32, #tpu.memory_space<vmem>>, vector<16xi32>,
    %swap3A_1372 = vector.shape_cast %swap3A_1371 : vector<16xi32> to vector<16xi32>
    %swap3A_1373 = vector.shape_cast %add3A_1369 : vector<16xi32> to vector<16xi32>
    tpu.vector_store %arg6[%swap3A_1370], %swap3A_1373 {strides = array<i32>} : memref<4608xi32, #tpu.memory_space<vmem>>, vector<16xi32>,
    %add3A_1374 = arith.constant 8 : i32
    %add3A_1375 = vector.broadcast %add3A_1374 : i32 to vector<16xi32>
    %add3A_1376 = arith.addi %mul3A_1317, %add3A_1375 : vector<16xi32>
    %swap3A_1377 = arith.constant 4400 : index
    %swap3A_1378 = tpu.vector_load %arg6[%swap3A_1377] {strides = array<i32>} : memref<4608xi32, #tpu.memory_space<vmem>>, vector<16xi32>,
    %swap3A_1379 = vector.shape_cast %swap3A_1378 : vector<16xi32> to vector<16xi32>
    %swap3A_1380 = vector.shape_cast %add3A_1376 : vector<16xi32> to vector<16xi32>
    tpu.vector_store %arg6[%swap3A_1377], %swap3A_1380 {strides = array<i32>} : memref<4608xi32, #tpu.memory_space<vmem>>, vector<16xi32>,
    %get3A_1381 = arith.constant 320 : index
    %get3A_1382 = tpu.vector_load %arg5[%get3A_1381] {strides = array<i32>} : memref<512xi32, #tpu.memory_space<vmem>>, vector<16xi32>,
    %get3A_1383 = vector.shape_cast %get3A_1382 : vector<16xi32> to vector<16xi32>
    %mul3A_1384 = arith.constant 9 : i32
    %mul3A_1385 = vector.broadcast %mul3A_1384 : i32 to vector<16xi32>
    %mul3A_1386 = arith.muli %get3A_1383, %mul3A_1385 : vector<16xi32>
    %add3A_1387 = arith.constant 0 : i32
    %add3A_1388 = vector.broadcast %add3A_1387 : i32 to vector<16xi32>
    %add3A_1389 = arith.addi %mul3A_1386, %add3A_1388 : vector<16xi32>
    %swap3A_1390 = arith.constant 320 : index
    %swap3A_1391 = tpu.vector_load %arg6[%swap3A_1390] {strides = array<i32>} : memref<4608xi32, #tpu.memory_space<vmem>>, vector<16xi32>,
    %swap3A_1392 = vector.shape_cast %swap3A_1391 : vector<16xi32> to vector<16xi32>
    %swap3A_1393 = vector.shape_cast %add3A_1389 : vector<16xi32> to vector<16xi32>
    tpu.vector_store %arg6[%swap3A_1390], %swap3A_1393 {strides = array<i32>} : memref<4608xi32, #tpu.memory_space<vmem>>, vector<16xi32>,
    %add3A_1394 = arith.constant 1 : i32
    %add3A_1395 = vector.broadcast %add3A_1394 : i32 to vector<16xi32>
    %add3A_1396 = arith.addi %mul3A_1386, %add3A_1395 : vector<16xi32>
    %swap3A_1397 = arith.constant 832 : index
    %swap3A_1398 = tpu.vector_load %arg6[%swap3A_1397] {strides = array<i32>} : memref<4608xi32, #tpu.memory_space<vmem>>, vector<16xi32>,
    %swap3A_1399 = vector.shape_cast %swap3A_1398 : vector<16xi32> to vector<16xi32>
    %swap3A_1400 = vector.shape_cast %add3A_1396 : vector<16xi32> to vector<16xi32>
    tpu.vector_store %arg6[%swap3A_1397], %swap3A_1400 {strides = array<i32>} : memref<4608xi32, #tpu.memory_space<vmem>>, vector<16xi32>,
    %add3A_1401 = arith.constant 2 : i32
    %add3A_1402 = vector.broadcast %add3A_1401 : i32 to vector<16xi32>
    %add3A_1403 = arith.addi %mul3A_1386, %add3A_1402 : vector<16xi32>
    %swap3A_1404 = arith.constant 1344 : index
    %swap3A_1405 = tpu.vector_load %arg6[%swap3A_1404] {strides = array<i32>} : memref<4608xi32, #tpu.memory_space<vmem>>, vector<16xi32>,
    %swap3A_1406 = vector.shape_cast %swap3A_1405 : vector<16xi32> to vector<16xi32>
    %swap3A_1407 = vector.shape_cast %add3A_1403 : vector<16xi32> to vector<16xi32>
    tpu.vector_store %arg6[%swap3A_1404], %swap3A_1407 {strides = array<i32>} : memref<4608xi32, #tpu.memory_space<vmem>>, vector<16xi32>,
    %add3A_1408 = arith.constant 3 : i32
    %add3A_1409 = vector.broadcast %add3A_1408 : i32 to vector<16xi32>
    %add3A_1410 = arith.addi %mul3A_1386, %add3A_1409 : vector<16xi32>
    %swap3A_1411 = arith.constant 1856 : index
    %swap3A_1412 = tpu.vector_load %arg6[%swap3A_1411] {strides = array<i32>} : memref<4608xi32, #tpu.memory_space<vmem>>, vector<16xi32>,
    %swap3A_1413 = vector.shape_cast %swap3A_1412 : vector<16xi32> to vector<16xi32>
    %swap3A_1414 = vector.shape_cast %add3A_1410 : vector<16xi32> to vector<16xi32>
    tpu.vector_store %arg6[%swap3A_1411], %swap3A_1414 {strides = array<i32>} : memref<4608xi32, #tpu.memory_space<vmem>>, vector<16xi32>,
    %add3A_1415 = arith.constant 4 : i32
    %add3A_1416 = vector.broadcast %add3A_1415 : i32 to vector<16xi32>
    %add3A_1417 = arith.addi %mul3A_1386, %add3A_1416 : vector<16xi32>
    %swap3A_1418 = arith.constant 2368 : index
    %swap3A_1419 = tpu.vector_load %arg6[%swap3A_1418] {strides = array<i32>} : memref<4608xi32, #tpu.memory_space<vmem>>, vector<16xi32>,
    %swap3A_1420 = vector.shape_cast %swap3A_1419 : vector<16xi32> to vector<16xi32>
    %swap3A_1421 = vector.shape_cast %add3A_1417 : vector<16xi32> to vector<16xi32>
    tpu.vector_store %arg6[%swap3A_1418], %swap3A_1421 {strides = array<i32>} : memref<4608xi32, #tpu.memory_space<vmem>>, vector<16xi32>,
    %add3A_1422 = arith.constant 5 : i32
    %add3A_1423 = vector.broadcast %add3A_1422 : i32 to vector<16xi32>
    %add3A_1424 = arith.addi %mul3A_1386, %add3A_1423 : vector<16xi32>
    %swap3A_1425 = arith.constant 2880 : index
    %swap3A_1426 = tpu.vector_load %arg6[%swap3A_1425] {strides = array<i32>} : memref<4608xi32, #tpu.memory_space<vmem>>, vector<16xi32>,
    %swap3A_1427 = vector.shape_cast %swap3A_1426 : vector<16xi32> to vector<16xi32>
    %swap3A_1428 = vector.shape_cast %add3A_1424 : vector<16xi32> to vector<16xi32>
    tpu.vector_store %arg6[%swap3A_1425], %swap3A_1428 {strides = array<i32>} : memref<4608xi32, #tpu.memory_space<vmem>>, vector<16xi32>,
    %add3A_1429 = arith.constant 6 : i32
    %add3A_1430 = vector.broadcast %add3A_1429 : i32 to vector<16xi32>
    %add3A_1431 = arith.addi %mul3A_1386, %add3A_1430 : vector<16xi32>
    %swap3A_1432 = arith.constant 3392 : index
    %swap3A_1433 = tpu.vector_load %arg6[%swap3A_1432] {strides = array<i32>} : memref<4608xi32, #tpu.memory_space<vmem>>, vector<16xi32>,
    %swap3A_1434 = vector.shape_cast %swap3A_1433 : vector<16xi32> to vector<16xi32>
    %swap3A_1435 = vector.shape_cast %add3A_1431 : vector<16xi32> to vector<16xi32>
    tpu.vector_store %arg6[%swap3A_1432], %swap3A_1435 {strides = array<i32>} : memref<4608xi32, #tpu.memory_space<vmem>>, vector<16xi32>,
    %add3A_1436 = arith.constant 7 : i32
    %add3A_1437 = vector.broadcast %add3A_1436 : i32 to vector<16xi32>
    %add3A_1438 = arith.addi %mul3A_1386, %add3A_1437 : vector<16xi32>
    %swap3A_1439 = arith.constant 3904 : index
    %swap3A_1440 = tpu.vector_load %arg6[%swap3A_1439] {strides = array<i32>} : memref<4608xi32, #tpu.memory_space<vmem>>, vector<16xi32>,
    %swap3A_1441 = vector.shape_cast %swap3A_1440 : vector<16xi32> to vector<16xi32>
    %swap3A_1442 = vector.shape_cast %add3A_1438 : vector<16xi32> to vector<16xi32>
    tpu.vector_store %arg6[%swap3A_1439], %swap3A_1442 {strides = array<i32>} : memref<4608xi32, #tpu.memory_space<vmem>>, vector<16xi32>,
    %add3A_1443 = arith.constant 8 : i32
    %add3A_1444 = vector.broadcast %add3A_1443 : i32 to vector<16xi32>
    %add3A_1445 = arith.addi %mul3A_1386, %add3A_1444 : vector<16xi32>
    %swap3A_1446 = arith.constant 4416 : index
    %swap3A_1447 = tpu.vector_load %arg6[%swap3A_1446] {strides = array<i32>} : memref<4608xi32, #tpu.memory_space<vmem>>, vector<16xi32>,
    %swap3A_1448 = vector.shape_cast %swap3A_1447 : vector<16xi32> to vector<16xi32>
    %swap3A_1449 = vector.shape_cast %add3A_1445 : vector<16xi32> to vector<16xi32>
    tpu.vector_store %arg6[%swap3A_1446], %swap3A_1449 {strides = array<i32>} : memref<4608xi32, #tpu.memory_space<vmem>>, vector<16xi32>,
    %get3A_1450 = arith.constant 336 : index
    %get3A_1451 = tpu.vector_load %arg5[%get3A_1450] {strides = array<i32>} : memref<512xi32, #tpu.memory_space<vmem>>, vector<16xi32>,
    %get3A_1452 = vector.shape_cast %get3A_1451 : vector<16xi32> to vector<16xi32>
    %mul3A_1453 = arith.constant 9 : i32
    %mul3A_1454 = vector.broadcast %mul3A_1453 : i32 to vector<16xi32>
    %mul3A_1455 = arith.muli %get3A_1452, %mul3A_1454 : vector<16xi32>
    %add3A_1456 = arith.constant 0 : i32
    %add3A_1457 = vector.broadcast %add3A_1456 : i32 to vector<16xi32>
    %add3A_1458 = arith.addi %mul3A_1455, %add3A_1457 : vector<16xi32>
    %swap3A_1459 = arith.constant 336 : index
    %swap3A_1460 = tpu.vector_load %arg6[%swap3A_1459] {strides = array<i32>} : memref<4608xi32, #tpu.memory_space<vmem>>, vector<16xi32>,
    %swap3A_1461 = vector.shape_cast %swap3A_1460 : vector<16xi32> to vector<16xi32>
    %swap3A_1462 = vector.shape_cast %add3A_1458 : vector<16xi32> to vector<16xi32>
    tpu.vector_store %arg6[%swap3A_1459], %swap3A_1462 {strides = array<i32>} : memref<4608xi32, #tpu.memory_space<vmem>>, vector<16xi32>,
    %add3A_1463 = arith.constant 1 : i32
    %add3A_1464 = vector.broadcast %add3A_1463 : i32 to vector<16xi32>
    %add3A_1465 = arith.addi %mul3A_1455, %add3A_1464 : vector<16xi32>
    %swap3A_1466 = arith.constant 848 : index
    %swap3A_1467 = tpu.vector_load %arg6[%swap3A_1466] {strides = array<i32>} : memref<4608xi32, #tpu.memory_space<vmem>>, vector<16xi32>,
    %swap3A_1468 = vector.shape_cast %swap3A_1467 : vector<16xi32> to vector<16xi32>
    %swap3A_1469 = vector.shape_cast %add3A_1465 : vector<16xi32> to vector<16xi32>
    tpu.vector_store %arg6[%swap3A_1466], %swap3A_1469 {strides = array<i32>} : memref<4608xi32, #tpu.memory_space<vmem>>, vector<16xi32>,
    %add3A_1470 = arith.constant 2 : i32
    %add3A_1471 = vector.broadcast %add3A_1470 : i32 to vector<16xi32>
    %add3A_1472 = arith.addi %mul3A_1455, %add3A_1471 : vector<16xi32>
    %swap3A_1473 = arith.constant 1360 : index
    %swap3A_1474 = tpu.vector_load %arg6[%swap3A_1473] {strides = array<i32>} : memref<4608xi32, #tpu.memory_space<vmem>>, vector<16xi32>,
    %swap3A_1475 = vector.shape_cast %swap3A_1474 : vector<16xi32> to vector<16xi32>
    %swap3A_1476 = vector.shape_cast %add3A_1472 : vector<16xi32> to vector<16xi32>
    tpu.vector_store %arg6[%swap3A_1473], %swap3A_1476 {strides = array<i32>} : memref<4608xi32, #tpu.memory_space<vmem>>, vector<16xi32>,
    %add3A_1477 = arith.constant 3 : i32
    %add3A_1478 = vector.broadcast %add3A_1477 : i32 to vector<16xi32>
    %add3A_1479 = arith.addi %mul3A_1455, %add3A_1478 : vector<16xi32>
    %swap3A_1480 = arith.constant 1872 : index
    %swap3A_1481 = tpu.vector_load %arg6[%swap3A_1480] {strides = array<i32>} : memref<4608xi32, #tpu.memory_space<vmem>>, vector<16xi32>,
    %swap3A_1482 = vector.shape_cast %swap3A_1481 : vector<16xi32> to vector<16xi32>
    %swap3A_1483 = vector.shape_cast %add3A_1479 : vector<16xi32> to vector<16xi32>
    tpu.vector_store %arg6[%swap3A_1480], %swap3A_1483 {strides = array<i32>} : memref<4608xi32, #tpu.memory_space<vmem>>, vector<16xi32>,
    %add3A_1484 = arith.constant 4 : i32
    %add3A_1485 = vector.broadcast %add3A_1484 : i32 to vector<16xi32>
    %add3A_1486 = arith.addi %mul3A_1455, %add3A_1485 : vector<16xi32>
    %swap3A_1487 = arith.constant 2384 : index
    %swap3A_1488 = tpu.vector_load %arg6[%swap3A_1487] {strides = array<i32>} : memref<4608xi32, #tpu.memory_space<vmem>>, vector<16xi32>,
    %swap3A_1489 = vector.shape_cast %swap3A_1488 : vector<16xi32> to vector<16xi32>
    %swap3A_1490 = vector.shape_cast %add3A_1486 : vector<16xi32> to vector<16xi32>
    tpu.vector_store %arg6[%swap3A_1487], %swap3A_1490 {strides = array<i32>} : memref<4608xi32, #tpu.memory_space<vmem>>, vector<16xi32>,
    %add3A_1491 = arith.constant 5 : i32
    %add3A_1492 = vector.broadcast %add3A_1491 : i32 to vector<16xi32>
    %add3A_1493 = arith.addi %mul3A_1455, %add3A_1492 : vector<16xi32>
    %swap3A_1494 = arith.constant 2896 : index
    %swap3A_1495 = tpu.vector_load %arg6[%swap3A_1494] {strides = array<i32>} : memref<4608xi32, #tpu.memory_space<vmem>>, vector<16xi32>,
    %swap3A_1496 = vector.shape_cast %swap3A_1495 : vector<16xi32> to vector<16xi32>
    %swap3A_1497 = vector.shape_cast %add3A_1493 : vector<16xi32> to vector<16xi32>
    tpu.vector_store %arg6[%swap3A_1494], %swap3A_1497 {strides = array<i32>} : memref<4608xi32, #tpu.memory_space<vmem>>, vector<16xi32>,
    %add3A_1498 = arith.constant 6 : i32
    %add3A_1499 = vector.broadcast %add3A_1498 : i32 to vector<16xi32>
    %add3A_1500 = arith.addi %mul3A_1455, %add3A_1499 : vector<16xi32>
    %swap3A_1501 = arith.constant 3408 : index
    %swap3A_1502 = tpu.vector_load %arg6[%swap3A_1501] {strides = array<i32>} : memref<4608xi32, #tpu.memory_space<vmem>>, vector<16xi32>,
    %swap3A_1503 = vector.shape_cast %swap3A_1502 : vector<16xi32> to vector<16xi32>
    %swap3A_1504 = vector.shape_cast %add3A_1500 : vector<16xi32> to vector<16xi32>
    tpu.vector_store %arg6[%swap3A_1501], %swap3A_1504 {strides = array<i32>} : memref<4608xi32, #tpu.memory_space<vmem>>, vector<16xi32>,
    %add3A_1505 = arith.constant 7 : i32
    %add3A_1506 = vector.broadcast %add3A_1505 : i32 to vector<16xi32>
    %add3A_1507 = arith.addi %mul3A_1455, %add3A_1506 : vector<16xi32>
    %swap3A_1508 = arith.constant 3920 : index
    %swap3A_1509 = tpu.vector_load %arg6[%swap3A_1508] {strides = array<i32>} : memref<4608xi32, #tpu.memory_space<vmem>>, vector<16xi32>,
    %swap3A_1510 = vector.shape_cast %swap3A_1509 : vector<16xi32> to vector<16xi32>
    %swap3A_1511 = vector.shape_cast %add3A_1507 : vector<16xi32> to vector<16xi32>
    tpu.vector_store %arg6[%swap3A_1508], %swap3A_1511 {strides = array<i32>} : memref<4608xi32, #tpu.memory_space<vmem>>, vector<16xi32>,
    %add3A_1512 = arith.constant 8 : i32
    %add3A_1513 = vector.broadcast %add3A_1512 : i32 to vector<16xi32>
    %add3A_1514 = arith.addi %mul3A_1455, %add3A_1513 : vector<16xi32>
    %swap3A_1515 = arith.constant 4432 : index
    %swap3A_1516 = tpu.vector_load %arg6[%swap3A_1515] {strides = array<i32>} : memref<4608xi32, #tpu.memory_space<vmem>>, vector<16xi32>,
    %swap3A_1517 = vector.shape_cast %swap3A_1516 : vector<16xi32> to vector<16xi32>
    %swap3A_1518 = vector.shape_cast %add3A_1514 : vector<16xi32> to vector<16xi32>
    tpu.vector_store %arg6[%swap3A_1515], %swap3A_1518 {strides = array<i32>} : memref<4608xi32, #tpu.memory_space<vmem>>, vector<16xi32>,
    %get3A_1519 = arith.constant 352 : index
    %get3A_1520 = tpu.vector_load %arg5[%get3A_1519] {strides = array<i32>} : memref<512xi32, #tpu.memory_space<vmem>>, vector<16xi32>,
    %get3A_1521 = vector.shape_cast %get3A_1520 : vector<16xi32> to vector<16xi32>
    %mul3A_1522 = arith.constant 9 : i32
    %mul3A_1523 = vector.broadcast %mul3A_1522 : i32 to vector<16xi32>
    %mul3A_1524 = arith.muli %get3A_1521, %mul3A_1523 : vector<16xi32>
    %add3A_1525 = arith.constant 0 : i32
    %add3A_1526 = vector.broadcast %add3A_1525 : i32 to vector<16xi32>
    %add3A_1527 = arith.addi %mul3A_1524, %add3A_1526 : vector<16xi32>
    %swap3A_1528 = arith.constant 352 : index
    %swap3A_1529 = tpu.vector_load %arg6[%swap3A_1528] {strides = array<i32>} : memref<4608xi32, #tpu.memory_space<vmem>>, vector<16xi32>,
    %swap3A_1530 = vector.shape_cast %swap3A_1529 : vector<16xi32> to vector<16xi32>
    %swap3A_1531 = vector.shape_cast %add3A_1527 : vector<16xi32> to vector<16xi32>
    tpu.vector_store %arg6[%swap3A_1528], %swap3A_1531 {strides = array<i32>} : memref<4608xi32, #tpu.memory_space<vmem>>, vector<16xi32>,
    %add3A_1532 = arith.constant 1 : i32
    %add3A_1533 = vector.broadcast %add3A_1532 : i32 to vector<16xi32>
    %add3A_1534 = arith.addi %mul3A_1524, %add3A_1533 : vector<16xi32>
    %swap3A_1535 = arith.constant 864 : index
    %swap3A_1536 = tpu.vector_load %arg6[%swap3A_1535] {strides = array<i32>} : memref<4608xi32, #tpu.memory_space<vmem>>, vector<16xi32>,
    %swap3A_1537 = vector.shape_cast %swap3A_1536 : vector<16xi32> to vector<16xi32>
    %swap3A_1538 = vector.shape_cast %add3A_1534 : vector<16xi32> to vector<16xi32>
    tpu.vector_store %arg6[%swap3A_1535], %swap3A_1538 {strides = array<i32>} : memref<4608xi32, #tpu.memory_space<vmem>>, vector<16xi32>,
    %add3A_1539 = arith.constant 2 : i32
    %add3A_1540 = vector.broadcast %add3A_1539 : i32 to vector<16xi32>
    %add3A_1541 = arith.addi %mul3A_1524, %add3A_1540 : vector<16xi32>
    %swap3A_1542 = arith.constant 1376 : index
    %swap3A_1543 = tpu.vector_load %arg6[%swap3A_1542] {strides = array<i32>} : memref<4608xi32, #tpu.memory_space<vmem>>, vector<16xi32>,
    %swap3A_1544 = vector.shape_cast %swap3A_1543 : vector<16xi32> to vector<16xi32>
    %swap3A_1545 = vector.shape_cast %add3A_1541 : vector<16xi32> to vector<16xi32>
    tpu.vector_store %arg6[%swap3A_1542], %swap3A_1545 {strides = array<i32>} : memref<4608xi32, #tpu.memory_space<vmem>>, vector<16xi32>,
    %add3A_1546 = arith.constant 3 : i32
    %add3A_1547 = vector.broadcast %add3A_1546 : i32 to vector<16xi32>
    %add3A_1548 = arith.addi %mul3A_1524, %add3A_1547 : vector<16xi32>
    %swap3A_1549 = arith.constant 1888 : index
    %swap3A_1550 = tpu.vector_load %arg6[%swap3A_1549] {strides = array<i32>} : memref<4608xi32, #tpu.memory_space<vmem>>, vector<16xi32>,
    %swap3A_1551 = vector.shape_cast %swap3A_1550 : vector<16xi32> to vector<16xi32>
    %swap3A_1552 = vector.shape_cast %add3A_1548 : vector<16xi32> to vector<16xi32>
    tpu.vector_store %arg6[%swap3A_1549], %swap3A_1552 {strides = array<i32>} : memref<4608xi32, #tpu.memory_space<vmem>>, vector<16xi32>,
    %add3A_1553 = arith.constant 4 : i32
    %add3A_1554 = vector.broadcast %add3A_1553 : i32 to vector<16xi32>
    %add3A_1555 = arith.addi %mul3A_1524, %add3A_1554 : vector<16xi32>
    %swap3A_1556 = arith.constant 2400 : index
    %swap3A_1557 = tpu.vector_load %arg6[%swap3A_1556] {strides = array<i32>} : memref<4608xi32, #tpu.memory_space<vmem>>, vector<16xi32>,
    %swap3A_1558 = vector.shape_cast %swap3A_1557 : vector<16xi32> to vector<16xi32>
    %swap3A_1559 = vector.shape_cast %add3A_1555 : vector<16xi32> to vector<16xi32>
    tpu.vector_store %arg6[%swap3A_1556], %swap3A_1559 {strides = array<i32>} : memref<4608xi32, #tpu.memory_space<vmem>>, vector<16xi32>,
    %add3A_1560 = arith.constant 5 : i32
    %add3A_1561 = vector.broadcast %add3A_1560 : i32 to vector<16xi32>
    %add3A_1562 = arith.addi %mul3A_1524, %add3A_1561 : vector<16xi32>
    %swap3A_1563 = arith.constant 2912 : index
    %swap3A_1564 = tpu.vector_load %arg6[%swap3A_1563] {strides = array<i32>} : memref<4608xi32, #tpu.memory_space<vmem>>, vector<16xi32>,
    %swap3A_1565 = vector.shape_cast %swap3A_1564 : vector<16xi32> to vector<16xi32>
    %swap3A_1566 = vector.shape_cast %add3A_1562 : vector<16xi32> to vector<16xi32>
    tpu.vector_store %arg6[%swap3A_1563], %swap3A_1566 {strides = array<i32>} : memref<4608xi32, #tpu.memory_space<vmem>>, vector<16xi32>,
    %add3A_1567 = arith.constant 6 : i32
    %add3A_1568 = vector.broadcast %add3A_1567 : i32 to vector<16xi32>
    %add3A_1569 = arith.addi %mul3A_1524, %add3A_1568 : vector<16xi32>
    %swap3A_1570 = arith.constant 3424 : index
    %swap3A_1571 = tpu.vector_load %arg6[%swap3A_1570] {strides = array<i32>} : memref<4608xi32, #tpu.memory_space<vmem>>, vector<16xi32>,
    %swap3A_1572 = vector.shape_cast %swap3A_1571 : vector<16xi32> to vector<16xi32>
    %swap3A_1573 = vector.shape_cast %add3A_1569 : vector<16xi32> to vector<16xi32>
    tpu.vector_store %arg6[%swap3A_1570], %swap3A_1573 {strides = array<i32>} : memref<4608xi32, #tpu.memory_space<vmem>>, vector<16xi32>,
    %add3A_1574 = arith.constant 7 : i32
    %add3A_1575 = vector.broadcast %add3A_1574 : i32 to vector<16xi32>
    %add3A_1576 = arith.addi %mul3A_1524, %add3A_1575 : vector<16xi32>
    %swap3A_1577 = arith.constant 3936 : index
    %swap3A_1578 = tpu.vector_load %arg6[%swap3A_1577] {strides = array<i32>} : memref<4608xi32, #tpu.memory_space<vmem>>, vector<16xi32>,
    %swap3A_1579 = vector.shape_cast %swap3A_1578 : vector<16xi32> to vector<16xi32>
    %swap3A_1580 = vector.shape_cast %add3A_1576 : vector<16xi32> to vector<16xi32>
    tpu.vector_store %arg6[%swap3A_1577], %swap3A_1580 {strides = array<i32>} : memref<4608xi32, #tpu.memory_space<vmem>>, vector<16xi32>,
    %add3A_1581 = arith.constant 8 : i32
    %add3A_1582 = vector.broadcast %add3A_1581 : i32 to vector<16xi32>
    %add3A_1583 = arith.addi %mul3A_1524, %add3A_1582 : vector<16xi32>
    %swap3A_1584 = arith.constant 4448 : index
    %swap3A_1585 = tpu.vector_load %arg6[%swap3A_1584] {strides = array<i32>} : memref<4608xi32, #tpu.memory_space<vmem>>, vector<16xi32>,
    %swap3A_1586 = vector.shape_cast %swap3A_1585 : vector<16xi32> to vector<16xi32>
    %swap3A_1587 = vector.shape_cast %add3A_1583 : vector<16xi32> to vector<16xi32>
    tpu.vector_store %arg6[%swap3A_1584], %swap3A_1587 {strides = array<i32>} : memref<4608xi32, #tpu.memory_space<vmem>>, vector<16xi32>,
    %get3A_1588 = arith.constant 368 : index
    %get3A_1589 = tpu.vector_load %arg5[%get3A_1588] {strides = array<i32>} : memref<512xi32, #tpu.memory_space<vmem>>, vector<16xi32>,
    %get3A_1590 = vector.shape_cast %get3A_1589 : vector<16xi32> to vector<16xi32>
    %mul3A_1591 = arith.constant 9 : i32
    %mul3A_1592 = vector.broadcast %mul3A_1591 : i32 to vector<16xi32>
    %mul3A_1593 = arith.muli %get3A_1590, %mul3A_1592 : vector<16xi32>
    %add3A_1594 = arith.constant 0 : i32
    %add3A_1595 = vector.broadcast %add3A_1594 : i32 to vector<16xi32>
    %add3A_1596 = arith.addi %mul3A_1593, %add3A_1595 : vector<16xi32>
    %swap3A_1597 = arith.constant 368 : index
    %swap3A_1598 = tpu.vector_load %arg6[%swap3A_1597] {strides = array<i32>} : memref<4608xi32, #tpu.memory_space<vmem>>, vector<16xi32>,
    %swap3A_1599 = vector.shape_cast %swap3A_1598 : vector<16xi32> to vector<16xi32>
    %swap3A_1600 = vector.shape_cast %add3A_1596 : vector<16xi32> to vector<16xi32>
    tpu.vector_store %arg6[%swap3A_1597], %swap3A_1600 {strides = array<i32>} : memref<4608xi32, #tpu.memory_space<vmem>>, vector<16xi32>,
    %add3A_1601 = arith.constant 1 : i32
    %add3A_1602 = vector.broadcast %add3A_1601 : i32 to vector<16xi32>
    %add3A_1603 = arith.addi %mul3A_1593, %add3A_1602 : vector<16xi32>
    %swap3A_1604 = arith.constant 880 : index
    %swap3A_1605 = tpu.vector_load %arg6[%swap3A_1604] {strides = array<i32>} : memref<4608xi32, #tpu.memory_space<vmem>>, vector<16xi32>,
    %swap3A_1606 = vector.shape_cast %swap3A_1605 : vector<16xi32> to vector<16xi32>
    %swap3A_1607 = vector.shape_cast %add3A_1603 : vector<16xi32> to vector<16xi32>
    tpu.vector_store %arg6[%swap3A_1604], %swap3A_1607 {strides = array<i32>} : memref<4608xi32, #tpu.memory_space<vmem>>, vector<16xi32>,
    %add3A_1608 = arith.constant 2 : i32
    %add3A_1609 = vector.broadcast %add3A_1608 : i32 to vector<16xi32>
    %add3A_1610 = arith.addi %mul3A_1593, %add3A_1609 : vector<16xi32>
    %swap3A_1611 = arith.constant 1392 : index
    %swap3A_1612 = tpu.vector_load %arg6[%swap3A_1611] {strides = array<i32>} : memref<4608xi32, #tpu.memory_space<vmem>>, vector<16xi32>,
    %swap3A_1613 = vector.shape_cast %swap3A_1612 : vector<16xi32> to vector<16xi32>
    %swap3A_1614 = vector.shape_cast %add3A_1610 : vector<16xi32> to vector<16xi32>
    tpu.vector_store %arg6[%swap3A_1611], %swap3A_1614 {strides = array<i32>} : memref<4608xi32, #tpu.memory_space<vmem>>, vector<16xi32>,
    %add3A_1615 = arith.constant 3 : i32
    %add3A_1616 = vector.broadcast %add3A_1615 : i32 to vector<16xi32>
    %add3A_1617 = arith.addi %mul3A_1593, %add3A_1616 : vector<16xi32>
    %swap3A_1618 = arith.constant 1904 : index
    %swap3A_1619 = tpu.vector_load %arg6[%swap3A_1618] {strides = array<i32>} : memref<4608xi32, #tpu.memory_space<vmem>>, vector<16xi32>,
    %swap3A_1620 = vector.shape_cast %swap3A_1619 : vector<16xi32> to vector<16xi32>
    %swap3A_1621 = vector.shape_cast %add3A_1617 : vector<16xi32> to vector<16xi32>
    tpu.vector_store %arg6[%swap3A_1618], %swap3A_1621 {strides = array<i32>} : memref<4608xi32, #tpu.memory_space<vmem>>, vector<16xi32>,
    %add3A_1622 = arith.constant 4 : i32
    %add3A_1623 = vector.broadcast %add3A_1622 : i32 to vector<16xi32>
    %add3A_1624 = arith.addi %mul3A_1593, %add3A_1623 : vector<16xi32>
    %swap3A_1625 = arith.constant 2416 : index
    %swap3A_1626 = tpu.vector_load %arg6[%swap3A_1625] {strides = array<i32>} : memref<4608xi32, #tpu.memory_space<vmem>>, vector<16xi32>,
    %swap3A_1627 = vector.shape_cast %swap3A_1626 : vector<16xi32> to vector<16xi32>
    %swap3A_1628 = vector.shape_cast %add3A_1624 : vector<16xi32> to vector<16xi32>
    tpu.vector_store %arg6[%swap3A_1625], %swap3A_1628 {strides = array<i32>} : memref<4608xi32, #tpu.memory_space<vmem>>, vector<16xi32>,
    %add3A_1629 = arith.constant 5 : i32
    %add3A_1630 = vector.broadcast %add3A_1629 : i32 to vector<16xi32>
    %add3A_1631 = arith.addi %mul3A_1593, %add3A_1630 : vector<16xi32>
    %swap3A_1632 = arith.constant 2928 : index
    %swap3A_1633 = tpu.vector_load %arg6[%swap3A_1632] {strides = array<i32>} : memref<4608xi32, #tpu.memory_space<vmem>>, vector<16xi32>,
    %swap3A_1634 = vector.shape_cast %swap3A_1633 : vector<16xi32> to vector<16xi32>
    %swap3A_1635 = vector.shape_cast %add3A_1631 : vector<16xi32> to vector<16xi32>
    tpu.vector_store %arg6[%swap3A_1632], %swap3A_1635 {strides = array<i32>} : memref<4608xi32, #tpu.memory_space<vmem>>, vector<16xi32>,
    %add3A_1636 = arith.constant 6 : i32
    %add3A_1637 = vector.broadcast %add3A_1636 : i32 to vector<16xi32>
    %add3A_1638 = arith.addi %mul3A_1593, %add3A_1637 : vector<16xi32>
    %swap3A_1639 = arith.constant 3440 : index
    %swap3A_1640 = tpu.vector_load %arg6[%swap3A_1639] {strides = array<i32>} : memref<4608xi32, #tpu.memory_space<vmem>>, vector<16xi32>,
    %swap3A_1641 = vector.shape_cast %swap3A_1640 : vector<16xi32> to vector<16xi32>
    %swap3A_1642 = vector.shape_cast %add3A_1638 : vector<16xi32> to vector<16xi32>
    tpu.vector_store %arg6[%swap3A_1639], %swap3A_1642 {strides = array<i32>} : memref<4608xi32, #tpu.memory_space<vmem>>, vector<16xi32>,
    %add3A_1643 = arith.constant 7 : i32
    %add3A_1644 = vector.broadcast %add3A_1643 : i32 to vector<16xi32>
    %add3A_1645 = arith.addi %mul3A_1593, %add3A_1644 : vector<16xi32>
    %swap3A_1646 = arith.constant 3952 : index
    %swap3A_1647 = tpu.vector_load %arg6[%swap3A_1646] {strides = array<i32>} : memref<4608xi32, #tpu.memory_space<vmem>>, vector<16xi32>,
    %swap3A_1648 = vector.shape_cast %swap3A_1647 : vector<16xi32> to vector<16xi32>
    %swap3A_1649 = vector.shape_cast %add3A_1645 : vector<16xi32> to vector<16xi32>
    tpu.vector_store %arg6[%swap3A_1646], %swap3A_1649 {strides = array<i32>} : memref<4608xi32, #tpu.memory_space<vmem>>, vector<16xi32>,
    %add3A_1650 = arith.constant 8 : i32
    %add3A_1651 = vector.broadcast %add3A_1650 : i32 to vector<16xi32>
    %add3A_1652 = arith.addi %mul3A_1593, %add3A_1651 : vector<16xi32>
    %swap3A_1653 = arith.constant 4464 : index
    %swap3A_1654 = tpu.vector_load %arg6[%swap3A_1653] {strides = array<i32>} : memref<4608xi32, #tpu.memory_space<vmem>>, vector<16xi32>,
    %swap3A_1655 = vector.shape_cast %swap3A_1654 : vector<16xi32> to vector<16xi32>
    %swap3A_1656 = vector.shape_cast %add3A_1652 : vector<16xi32> to vector<16xi32>
    tpu.vector_store %arg6[%swap3A_1653], %swap3A_1656 {strides = array<i32>} : memref<4608xi32, #tpu.memory_space<vmem>>, vector<16xi32>,
    %get3A_1657 = arith.constant 384 : index
    %get3A_1658 = tpu.vector_load %arg5[%get3A_1657] {strides = array<i32>} : memref<512xi32, #tpu.memory_space<vmem>>, vector<16xi32>,
    %get3A_1659 = vector.shape_cast %get3A_1658 : vector<16xi32> to vector<16xi32>
    %mul3A_1660 = arith.constant 9 : i32
    %mul3A_1661 = vector.broadcast %mul3A_1660 : i32 to vector<16xi32>
    %mul3A_1662 = arith.muli %get3A_1659, %mul3A_1661 : vector<16xi32>
    %add3A_1663 = arith.constant 0 : i32
    %add3A_1664 = vector.broadcast %add3A_1663 : i32 to vector<16xi32>
    %add3A_1665 = arith.addi %mul3A_1662, %add3A_1664 : vector<16xi32>
    %swap3A_1666 = arith.constant 384 : index
    %swap3A_1667 = tpu.vector_load %arg6[%swap3A_1666] {strides = array<i32>} : memref<4608xi32, #tpu.memory_space<vmem>>, vector<16xi32>,
    %swap3A_1668 = vector.shape_cast %swap3A_1667 : vector<16xi32> to vector<16xi32>
    %swap3A_1669 = vector.shape_cast %add3A_1665 : vector<16xi32> to vector<16xi32>
    tpu.vector_store %arg6[%swap3A_1666], %swap3A_1669 {strides = array<i32>} : memref<4608xi32, #tpu.memory_space<vmem>>, vector<16xi32>,
    %add3A_1670 = arith.constant 1 : i32
    %add3A_1671 = vector.broadcast %add3A_1670 : i32 to vector<16xi32>
    %add3A_1672 = arith.addi %mul3A_1662, %add3A_1671 : vector<16xi32>
    %swap3A_1673 = arith.constant 896 : index
    %swap3A_1674 = tpu.vector_load %arg6[%swap3A_1673] {strides = array<i32>} : memref<4608xi32, #tpu.memory_space<vmem>>, vector<16xi32>,
    %swap3A_1675 = vector.shape_cast %swap3A_1674 : vector<16xi32> to vector<16xi32>
    %swap3A_1676 = vector.shape_cast %add3A_1672 : vector<16xi32> to vector<16xi32>
    tpu.vector_store %arg6[%swap3A_1673], %swap3A_1676 {strides = array<i32>} : memref<4608xi32, #tpu.memory_space<vmem>>, vector<16xi32>,
    %add3A_1677 = arith.constant 2 : i32
    %add3A_1678 = vector.broadcast %add3A_1677 : i32 to vector<16xi32>
    %add3A_1679 = arith.addi %mul3A_1662, %add3A_1678 : vector<16xi32>
    %swap3A_1680 = arith.constant 1408 : index
    %swap3A_1681 = tpu.vector_load %arg6[%swap3A_1680] {strides = array<i32>} : memref<4608xi32, #tpu.memory_space<vmem>>, vector<16xi32>,
    %swap3A_1682 = vector.shape_cast %swap3A_1681 : vector<16xi32> to vector<16xi32>
    %swap3A_1683 = vector.shape_cast %add3A_1679 : vector<16xi32> to vector<16xi32>
    tpu.vector_store %arg6[%swap3A_1680], %swap3A_1683 {strides = array<i32>} : memref<4608xi32, #tpu.memory_space<vmem>>, vector<16xi32>,
    %add3A_1684 = arith.constant 3 : i32
    %add3A_1685 = vector.broadcast %add3A_1684 : i32 to vector<16xi32>
    %add3A_1686 = arith.addi %mul3A_1662, %add3A_1685 : vector<16xi32>
    %swap3A_1687 = arith.constant 1920 : index
    %swap3A_1688 = tpu.vector_load %arg6[%swap3A_1687] {strides = array<i32>} : memref<4608xi32, #tpu.memory_space<vmem>>, vector<16xi32>,
    %swap3A_1689 = vector.shape_cast %swap3A_1688 : vector<16xi32> to vector<16xi32>
    %swap3A_1690 = vector.shape_cast %add3A_1686 : vector<16xi32> to vector<16xi32>
    tpu.vector_store %arg6[%swap3A_1687], %swap3A_1690 {strides = array<i32>} : memref<4608xi32, #tpu.memory_space<vmem>>, vector<16xi32>,
    %add3A_1691 = arith.constant 4 : i32
    %add3A_1692 = vector.broadcast %add3A_1691 : i32 to vector<16xi32>
    %add3A_1693 = arith.addi %mul3A_1662, %add3A_1692 : vector<16xi32>
    %swap3A_1694 = arith.constant 2432 : index
    %swap3A_1695 = tpu.vector_load %arg6[%swap3A_1694] {strides = array<i32>} : memref<4608xi32, #tpu.memory_space<vmem>>, vector<16xi32>,
    %swap3A_1696 = vector.shape_cast %swap3A_1695 : vector<16xi32> to vector<16xi32>
    %swap3A_1697 = vector.shape_cast %add3A_1693 : vector<16xi32> to vector<16xi32>
    tpu.vector_store %arg6[%swap3A_1694], %swap3A_1697 {strides = array<i32>} : memref<4608xi32, #tpu.memory_space<vmem>>, vector<16xi32>,
    %add3A_1698 = arith.constant 5 : i32
    %add3A_1699 = vector.broadcast %add3A_1698 : i32 to vector<16xi32>
    %add3A_1700 = arith.addi %mul3A_1662, %add3A_1699 : vector<16xi32>
    %swap3A_1701 = arith.constant 2944 : index
    %swap3A_1702 = tpu.vector_load %arg6[%swap3A_1701] {strides = array<i32>} : memref<4608xi32, #tpu.memory_space<vmem>>, vector<16xi32>,
    %swap3A_1703 = vector.shape_cast %swap3A_1702 : vector<16xi32> to vector<16xi32>
    %swap3A_1704 = vector.shape_cast %add3A_1700 : vector<16xi32> to vector<16xi32>
    tpu.vector_store %arg6[%swap3A_1701], %swap3A_1704 {strides = array<i32>} : memref<4608xi32, #tpu.memory_space<vmem>>, vector<16xi32>,
    %add3A_1705 = arith.constant 6 : i32
    %add3A_1706 = vector.broadcast %add3A_1705 : i32 to vector<16xi32>
    %add3A_1707 = arith.addi %mul3A_1662, %add3A_1706 : vector<16xi32>
    %swap3A_1708 = arith.constant 3456 : index
    %swap3A_1709 = tpu.vector_load %arg6[%swap3A_1708] {strides = array<i32>} : memref<4608xi32, #tpu.memory_space<vmem>>, vector<16xi32>,
    %swap3A_1710 = vector.shape_cast %swap3A_1709 : vector<16xi32> to vector<16xi32>
    %swap3A_1711 = vector.shape_cast %add3A_1707 : vector<16xi32> to vector<16xi32>
    tpu.vector_store %arg6[%swap3A_1708], %swap3A_1711 {strides = array<i32>} : memref<4608xi32, #tpu.memory_space<vmem>>, vector<16xi32>,
    %add3A_1712 = arith.constant 7 : i32
    %add3A_1713 = vector.broadcast %add3A_1712 : i32 to vector<16xi32>
    %add3A_1714 = arith.addi %mul3A_1662, %add3A_1713 : vector<16xi32>
    %swap3A_1715 = arith.constant 3968 : index
    %swap3A_1716 = tpu.vector_load %arg6[%swap3A_1715] {strides = array<i32>} : memref<4608xi32, #tpu.memory_space<vmem>>, vector<16xi32>,
    %swap3A_1717 = vector.shape_cast %swap3A_1716 : vector<16xi32> to vector<16xi32>
    %swap3A_1718 = vector.shape_cast %add3A_1714 : vector<16xi32> to vector<16xi32>
    tpu.vector_store %arg6[%swap3A_1715], %swap3A_1718 {strides = array<i32>} : memref<4608xi32, #tpu.memory_space<vmem>>, vector<16xi32>,
    %add3A_1719 = arith.constant 8 : i32
    %add3A_1720 = vector.broadcast %add3A_1719 : i32 to vector<16xi32>
    %add3A_1721 = arith.addi %mul3A_1662, %add3A_1720 : vector<16xi32>
    %swap3A_1722 = arith.constant 4480 : index
    %swap3A_1723 = tpu.vector_load %arg6[%swap3A_1722] {strides = array<i32>} : memref<4608xi32, #tpu.memory_space<vmem>>, vector<16xi32>,
    %swap3A_1724 = vector.shape_cast %swap3A_1723 : vector<16xi32> to vector<16xi32>
    %swap3A_1725 = vector.shape_cast %add3A_1721 : vector<16xi32> to vector<16xi32>
    tpu.vector_store %arg6[%swap3A_1722], %swap3A_1725 {strides = array<i32>} : memref<4608xi32, #tpu.memory_space<vmem>>, vector<16xi32>,
    %get3A_1726 = arith.constant 400 : index
    %get3A_1727 = tpu.vector_load %arg5[%get3A_1726] {strides = array<i32>} : memref<512xi32, #tpu.memory_space<vmem>>, vector<16xi32>,
    %get3A_1728 = vector.shape_cast %get3A_1727 : vector<16xi32> to vector<16xi32>
    %mul3A_1729 = arith.constant 9 : i32
    %mul3A_1730 = vector.broadcast %mul3A_1729 : i32 to vector<16xi32>
    %mul3A_1731 = arith.muli %get3A_1728, %mul3A_1730 : vector<16xi32>
    %add3A_1732 = arith.constant 0 : i32
    %add3A_1733 = vector.broadcast %add3A_1732 : i32 to vector<16xi32>
    %add3A_1734 = arith.addi %mul3A_1731, %add3A_1733 : vector<16xi32>
    %swap3A_1735 = arith.constant 400 : index
    %swap3A_1736 = tpu.vector_load %arg6[%swap3A_1735] {strides = array<i32>} : memref<4608xi32, #tpu.memory_space<vmem>>, vector<16xi32>,
    %swap3A_1737 = vector.shape_cast %swap3A_1736 : vector<16xi32> to vector<16xi32>
    %swap3A_1738 = vector.shape_cast %add3A_1734 : vector<16xi32> to vector<16xi32>
    tpu.vector_store %arg6[%swap3A_1735], %swap3A_1738 {strides = array<i32>} : memref<4608xi32, #tpu.memory_space<vmem>>, vector<16xi32>,
    %add3A_1739 = arith.constant 1 : i32
    %add3A_1740 = vector.broadcast %add3A_1739 : i32 to vector<16xi32>
    %add3A_1741 = arith.addi %mul3A_1731, %add3A_1740 : vector<16xi32>
    %swap3A_1742 = arith.constant 912 : index
    %swap3A_1743 = tpu.vector_load %arg6[%swap3A_1742] {strides = array<i32>} : memref<4608xi32, #tpu.memory_space<vmem>>, vector<16xi32>,
    %swap3A_1744 = vector.shape_cast %swap3A_1743 : vector<16xi32> to vector<16xi32>
    %swap3A_1745 = vector.shape_cast %add3A_1741 : vector<16xi32> to vector<16xi32>
    tpu.vector_store %arg6[%swap3A_1742], %swap3A_1745 {strides = array<i32>} : memref<4608xi32, #tpu.memory_space<vmem>>, vector<16xi32>,
    %add3A_1746 = arith.constant 2 : i32
    %add3A_1747 = vector.broadcast %add3A_1746 : i32 to vector<16xi32>
    %add3A_1748 = arith.addi %mul3A_1731, %add3A_1747 : vector<16xi32>
    %swap3A_1749 = arith.constant 1424 : index
    %swap3A_1750 = tpu.vector_load %arg6[%swap3A_1749] {strides = array<i32>} : memref<4608xi32, #tpu.memory_space<vmem>>, vector<16xi32>,
    %swap3A_1751 = vector.shape_cast %swap3A_1750 : vector<16xi32> to vector<16xi32>
    %swap3A_1752 = vector.shape_cast %add3A_1748 : vector<16xi32> to vector<16xi32>
    tpu.vector_store %arg6[%swap3A_1749], %swap3A_1752 {strides = array<i32>} : memref<4608xi32, #tpu.memory_space<vmem>>, vector<16xi32>,
    %add3A_1753 = arith.constant 3 : i32
    %add3A_1754 = vector.broadcast %add3A_1753 : i32 to vector<16xi32>
    %add3A_1755 = arith.addi %mul3A_1731, %add3A_1754 : vector<16xi32>
    %swap3A_1756 = arith.constant 1936 : index
    %swap3A_1757 = tpu.vector_load %arg6[%swap3A_1756] {strides = array<i32>} : memref<4608xi32, #tpu.memory_space<vmem>>, vector<16xi32>,
    %swap3A_1758 = vector.shape_cast %swap3A_1757 : vector<16xi32> to vector<16xi32>
    %swap3A_1759 = vector.shape_cast %add3A_1755 : vector<16xi32> to vector<16xi32>
    tpu.vector_store %arg6[%swap3A_1756], %swap3A_1759 {strides = array<i32>} : memref<4608xi32, #tpu.memory_space<vmem>>, vector<16xi32>,
    %add3A_1760 = arith.constant 4 : i32
    %add3A_1761 = vector.broadcast %add3A_1760 : i32 to vector<16xi32>
    %add3A_1762 = arith.addi %mul3A_1731, %add3A_1761 : vector<16xi32>
    %swap3A_1763 = arith.constant 2448 : index
    %swap3A_1764 = tpu.vector_load %arg6[%swap3A_1763] {strides = array<i32>} : memref<4608xi32, #tpu.memory_space<vmem>>, vector<16xi32>,
    %swap3A_1765 = vector.shape_cast %swap3A_1764 : vector<16xi32> to vector<16xi32>
    %swap3A_1766 = vector.shape_cast %add3A_1762 : vector<16xi32> to vector<16xi32>
    tpu.vector_store %arg6[%swap3A_1763], %swap3A_1766 {strides = array<i32>} : memref<4608xi32, #tpu.memory_space<vmem>>, vector<16xi32>,
    %add3A_1767 = arith.constant 5 : i32
    %add3A_1768 = vector.broadcast %add3A_1767 : i32 to vector<16xi32>
    %add3A_1769 = arith.addi %mul3A_1731, %add3A_1768 : vector<16xi32>
    %swap3A_1770 = arith.constant 2960 : index
    %swap3A_1771 = tpu.vector_load %arg6[%swap3A_1770] {strides = array<i32>} : memref<4608xi32, #tpu.memory_space<vmem>>, vector<16xi32>,
    %swap3A_1772 = vector.shape_cast %swap3A_1771 : vector<16xi32> to vector<16xi32>
    %swap3A_1773 = vector.shape_cast %add3A_1769 : vector<16xi32> to vector<16xi32>
    tpu.vector_store %arg6[%swap3A_1770], %swap3A_1773 {strides = array<i32>} : memref<4608xi32, #tpu.memory_space<vmem>>, vector<16xi32>,
    %add3A_1774 = arith.constant 6 : i32
    %add3A_1775 = vector.broadcast %add3A_1774 : i32 to vector<16xi32>
    %add3A_1776 = arith.addi %mul3A_1731, %add3A_1775 : vector<16xi32>
    %swap3A_1777 = arith.constant 3472 : index
    %swap3A_1778 = tpu.vector_load %arg6[%swap3A_1777] {strides = array<i32>} : memref<4608xi32, #tpu.memory_space<vmem>>, vector<16xi32>,
    %swap3A_1779 = vector.shape_cast %swap3A_1778 : vector<16xi32> to vector<16xi32>
    %swap3A_1780 = vector.shape_cast %add3A_1776 : vector<16xi32> to vector<16xi32>
    tpu.vector_store %arg6[%swap3A_1777], %swap3A_1780 {strides = array<i32>} : memref<4608xi32, #tpu.memory_space<vmem>>, vector<16xi32>,
    %add3A_1781 = arith.constant 7 : i32
    %add3A_1782 = vector.broadcast %add3A_1781 : i32 to vector<16xi32>
    %add3A_1783 = arith.addi %mul3A_1731, %add3A_1782 : vector<16xi32>
    %swap3A_1784 = arith.constant 3984 : index
    %swap3A_1785 = tpu.vector_load %arg6[%swap3A_1784] {strides = array<i32>} : memref<4608xi32, #tpu.memory_space<vmem>>, vector<16xi32>,
    %swap3A_1786 = vector.shape_cast %swap3A_1785 : vector<16xi32> to vector<16xi32>
    %swap3A_1787 = vector.shape_cast %add3A_1783 : vector<16xi32> to vector<16xi32>
    tpu.vector_store %arg6[%swap3A_1784], %swap3A_1787 {strides = array<i32>} : memref<4608xi32, #tpu.memory_space<vmem>>, vector<16xi32>,
    %add3A_1788 = arith.constant 8 : i32
    %add3A_1789 = vector.broadcast %add3A_1788 : i32 to vector<16xi32>
    %add3A_1790 = arith.addi %mul3A_1731, %add3A_1789 : vector<16xi32>
    %swap3A_1791 = arith.constant 4496 : index
    %swap3A_1792 = tpu.vector_load %arg6[%swap3A_1791] {strides = array<i32>} : memref<4608xi32, #tpu.memory_space<vmem>>, vector<16xi32>,
    %swap3A_1793 = vector.shape_cast %swap3A_1792 : vector<16xi32> to vector<16xi32>
    %swap3A_1794 = vector.shape_cast %add3A_1790 : vector<16xi32> to vector<16xi32>
    tpu.vector_store %arg6[%swap3A_1791], %swap3A_1794 {strides = array<i32>} : memref<4608xi32, #tpu.memory_space<vmem>>, vector<16xi32>,
    %get3A_1795 = arith.constant 416 : index
    %get3A_1796 = tpu.vector_load %arg5[%get3A_1795] {strides = array<i32>} : memref<512xi32, #tpu.memory_space<vmem>>, vector<16xi32>,
    %get3A_1797 = vector.shape_cast %get3A_1796 : vector<16xi32> to vector<16xi32>
    %mul3A_1798 = arith.constant 9 : i32
    %mul3A_1799 = vector.broadcast %mul3A_1798 : i32 to vector<16xi32>
    %mul3A_1800 = arith.muli %get3A_1797, %mul3A_1799 : vector<16xi32>
    %add3A_1801 = arith.constant 0 : i32
    %add3A_1802 = vector.broadcast %add3A_1801 : i32 to vector<16xi32>
    %add3A_1803 = arith.addi %mul3A_1800, %add3A_1802 : vector<16xi32>
    %swap3A_1804 = arith.constant 416 : index
    %swap3A_1805 = tpu.vector_load %arg6[%swap3A_1804] {strides = array<i32>} : memref<4608xi32, #tpu.memory_space<vmem>>, vector<16xi32>,
    %swap3A_1806 = vector.shape_cast %swap3A_1805 : vector<16xi32> to vector<16xi32>
    %swap3A_1807 = vector.shape_cast %add3A_1803 : vector<16xi32> to vector<16xi32>
    tpu.vector_store %arg6[%swap3A_1804], %swap3A_1807 {strides = array<i32>} : memref<4608xi32, #tpu.memory_space<vmem>>, vector<16xi32>,
    %add3A_1808 = arith.constant 1 : i32
    %add3A_1809 = vector.broadcast %add3A_1808 : i32 to vector<16xi32>
    %add3A_1810 = arith.addi %mul3A_1800, %add3A_1809 : vector<16xi32>
    %swap3A_1811 = arith.constant 928 : index
    %swap3A_1812 = tpu.vector_load %arg6[%swap3A_1811] {strides = array<i32>} : memref<4608xi32, #tpu.memory_space<vmem>>, vector<16xi32>,
    %swap3A_1813 = vector.shape_cast %swap3A_1812 : vector<16xi32> to vector<16xi32>
    %swap3A_1814 = vector.shape_cast %add3A_1810 : vector<16xi32> to vector<16xi32>
    tpu.vector_store %arg6[%swap3A_1811], %swap3A_1814 {strides = array<i32>} : memref<4608xi32, #tpu.memory_space<vmem>>, vector<16xi32>,
    %add3A_1815 = arith.constant 2 : i32
    %add3A_1816 = vector.broadcast %add3A_1815 : i32 to vector<16xi32>
    %add3A_1817 = arith.addi %mul3A_1800, %add3A_1816 : vector<16xi32>
    %swap3A_1818 = arith.constant 1440 : index
    %swap3A_1819 = tpu.vector_load %arg6[%swap3A_1818] {strides = array<i32>} : memref<4608xi32, #tpu.memory_space<vmem>>, vector<16xi32>,
    %swap3A_1820 = vector.shape_cast %swap3A_1819 : vector<16xi32> to vector<16xi32>
    %swap3A_1821 = vector.shape_cast %add3A_1817 : vector<16xi32> to vector<16xi32>
    tpu.vector_store %arg6[%swap3A_1818], %swap3A_1821 {strides = array<i32>} : memref<4608xi32, #tpu.memory_space<vmem>>, vector<16xi32>,
    %add3A_1822 = arith.constant 3 : i32
    %add3A_1823 = vector.broadcast %add3A_1822 : i32 to vector<16xi32>
    %add3A_1824 = arith.addi %mul3A_1800, %add3A_1823 : vector<16xi32>
    %swap3A_1825 = arith.constant 1952 : index
    %swap3A_1826 = tpu.vector_load %arg6[%swap3A_1825] {strides = array<i32>} : memref<4608xi32, #tpu.memory_space<vmem>>, vector<16xi32>,
    %swap3A_1827 = vector.shape_cast %swap3A_1826 : vector<16xi32> to vector<16xi32>
    %swap3A_1828 = vector.shape_cast %add3A_1824 : vector<16xi32> to vector<16xi32>
    tpu.vector_store %arg6[%swap3A_1825], %swap3A_1828 {strides = array<i32>} : memref<4608xi32, #tpu.memory_space<vmem>>, vector<16xi32>,
    %add3A_1829 = arith.constant 4 : i32
    %add3A_1830 = vector.broadcast %add3A_1829 : i32 to vector<16xi32>
    %add3A_1831 = arith.addi %mul3A_1800, %add3A_1830 : vector<16xi32>
    %swap3A_1832 = arith.constant 2464 : index
    %swap3A_1833 = tpu.vector_load %arg6[%swap3A_1832] {strides = array<i32>} : memref<4608xi32, #tpu.memory_space<vmem>>, vector<16xi32>,
    %swap3A_1834 = vector.shape_cast %swap3A_1833 : vector<16xi32> to vector<16xi32>
    %swap3A_1835 = vector.shape_cast %add3A_1831 : vector<16xi32> to vector<16xi32>
    tpu.vector_store %arg6[%swap3A_1832], %swap3A_1835 {strides = array<i32>} : memref<4608xi32, #tpu.memory_space<vmem>>, vector<16xi32>,
    %add3A_1836 = arith.constant 5 : i32
    %add3A_1837 = vector.broadcast %add3A_1836 : i32 to vector<16xi32>
    %add3A_1838 = arith.addi %mul3A_1800, %add3A_1837 : vector<16xi32>
    %swap3A_1839 = arith.constant 2976 : index
    %swap3A_1840 = tpu.vector_load %arg6[%swap3A_1839] {strides = array<i32>} : memref<4608xi32, #tpu.memory_space<vmem>>, vector<16xi32>,
    %swap3A_1841 = vector.shape_cast %swap3A_1840 : vector<16xi32> to vector<16xi32>
    %swap3A_1842 = vector.shape_cast %add3A_1838 : vector<16xi32> to vector<16xi32>
    tpu.vector_store %arg6[%swap3A_1839], %swap3A_1842 {strides = array<i32>} : memref<4608xi32, #tpu.memory_space<vmem>>, vector<16xi32>,
    %add3A_1843 = arith.constant 6 : i32
    %add3A_1844 = vector.broadcast %add3A_1843 : i32 to vector<16xi32>
    %add3A_1845 = arith.addi %mul3A_1800, %add3A_1844 : vector<16xi32>
    %swap3A_1846 = arith.constant 3488 : index
    %swap3A_1847 = tpu.vector_load %arg6[%swap3A_1846] {strides = array<i32>} : memref<4608xi32, #tpu.memory_space<vmem>>, vector<16xi32>,
    %swap3A_1848 = vector.shape_cast %swap3A_1847 : vector<16xi32> to vector<16xi32>
    %swap3A_1849 = vector.shape_cast %add3A_1845 : vector<16xi32> to vector<16xi32>
    tpu.vector_store %arg6[%swap3A_1846], %swap3A_1849 {strides = array<i32>} : memref<4608xi32, #tpu.memory_space<vmem>>, vector<16xi32>,
    %add3A_1850 = arith.constant 7 : i32
    %add3A_1851 = vector.broadcast %add3A_1850 : i32 to vector<16xi32>
    %add3A_1852 = arith.addi %mul3A_1800, %add3A_1851 : vector<16xi32>
    %swap3A_1853 = arith.constant 4000 : index
    %swap3A_1854 = tpu.vector_load %arg6[%swap3A_1853] {strides = array<i32>} : memref<4608xi32, #tpu.memory_space<vmem>>, vector<16xi32>,
    %swap3A_1855 = vector.shape_cast %swap3A_1854 : vector<16xi32> to vector<16xi32>
    %swap3A_1856 = vector.shape_cast %add3A_1852 : vector<16xi32> to vector<16xi32>
    tpu.vector_store %arg6[%swap3A_1853], %swap3A_1856 {strides = array<i32>} : memref<4608xi32, #tpu.memory_space<vmem>>, vector<16xi32>,
    %add3A_1857 = arith.constant 8 : i32
    %add3A_1858 = vector.broadcast %add3A_1857 : i32 to vector<16xi32>
    %add3A_1859 = arith.addi %mul3A_1800, %add3A_1858 : vector<16xi32>
    %swap3A_1860 = arith.constant 4512 : index
    %swap3A_1861 = tpu.vector_load %arg6[%swap3A_1860] {strides = array<i32>} : memref<4608xi32, #tpu.memory_space<vmem>>, vector<16xi32>,
    %swap3A_1862 = vector.shape_cast %swap3A_1861 : vector<16xi32> to vector<16xi32>
    %swap3A_1863 = vector.shape_cast %add3A_1859 : vector<16xi32> to vector<16xi32>
    tpu.vector_store %arg6[%swap3A_1860], %swap3A_1863 {strides = array<i32>} : memref<4608xi32, #tpu.memory_space<vmem>>, vector<16xi32>,
    %get3A_1864 = arith.constant 432 : index
    %get3A_1865 = tpu.vector_load %arg5[%get3A_1864] {strides = array<i32>} : memref<512xi32, #tpu.memory_space<vmem>>, vector<16xi32>,
    %get3A_1866 = vector.shape_cast %get3A_1865 : vector<16xi32> to vector<16xi32>
    %mul3A_1867 = arith.constant 9 : i32
    %mul3A_1868 = vector.broadcast %mul3A_1867 : i32 to vector<16xi32>
    %mul3A_1869 = arith.muli %get3A_1866, %mul3A_1868 : vector<16xi32>
    %add3A_1870 = arith.constant 0 : i32
    %add3A_1871 = vector.broadcast %add3A_1870 : i32 to vector<16xi32>
    %add3A_1872 = arith.addi %mul3A_1869, %add3A_1871 : vector<16xi32>
    %swap3A_1873 = arith.constant 432 : index
    %swap3A_1874 = tpu.vector_load %arg6[%swap3A_1873] {strides = array<i32>} : memref<4608xi32, #tpu.memory_space<vmem>>, vector<16xi32>,
    %swap3A_1875 = vector.shape_cast %swap3A_1874 : vector<16xi32> to vector<16xi32>
    %swap3A_1876 = vector.shape_cast %add3A_1872 : vector<16xi32> to vector<16xi32>
    tpu.vector_store %arg6[%swap3A_1873], %swap3A_1876 {strides = array<i32>} : memref<4608xi32, #tpu.memory_space<vmem>>, vector<16xi32>,
    %add3A_1877 = arith.constant 1 : i32
    %add3A_1878 = vector.broadcast %add3A_1877 : i32 to vector<16xi32>
    %add3A_1879 = arith.addi %mul3A_1869, %add3A_1878 : vector<16xi32>
    %swap3A_1880 = arith.constant 944 : index
    %swap3A_1881 = tpu.vector_load %arg6[%swap3A_1880] {strides = array<i32>} : memref<4608xi32, #tpu.memory_space<vmem>>, vector<16xi32>,
    %swap3A_1882 = vector.shape_cast %swap3A_1881 : vector<16xi32> to vector<16xi32>
    %swap3A_1883 = vector.shape_cast %add3A_1879 : vector<16xi32> to vector<16xi32>
    tpu.vector_store %arg6[%swap3A_1880], %swap3A_1883 {strides = array<i32>} : memref<4608xi32, #tpu.memory_space<vmem>>, vector<16xi32>,
    %add3A_1884 = arith.constant 2 : i32
    %add3A_1885 = vector.broadcast %add3A_1884 : i32 to vector<16xi32>
    %add3A_1886 = arith.addi %mul3A_1869, %add3A_1885 : vector<16xi32>
    %swap3A_1887 = arith.constant 1456 : index
    %swap3A_1888 = tpu.vector_load %arg6[%swap3A_1887] {strides = array<i32>} : memref<4608xi32, #tpu.memory_space<vmem>>, vector<16xi32>,
    %swap3A_1889 = vector.shape_cast %swap3A_1888 : vector<16xi32> to vector<16xi32>
    %swap3A_1890 = vector.shape_cast %add3A_1886 : vector<16xi32> to vector<16xi32>
    tpu.vector_store %arg6[%swap3A_1887], %swap3A_1890 {strides = array<i32>} : memref<4608xi32, #tpu.memory_space<vmem>>, vector<16xi32>,
    %add3A_1891 = arith.constant 3 : i32
    %add3A_1892 = vector.broadcast %add3A_1891 : i32 to vector<16xi32>
    %add3A_1893 = arith.addi %mul3A_1869, %add3A_1892 : vector<16xi32>
    %swap3A_1894 = arith.constant 1968 : index
    %swap3A_1895 = tpu.vector_load %arg6[%swap3A_1894] {strides = array<i32>} : memref<4608xi32, #tpu.memory_space<vmem>>, vector<16xi32>,
    %swap3A_1896 = vector.shape_cast %swap3A_1895 : vector<16xi32> to vector<16xi32>
    %swap3A_1897 = vector.shape_cast %add3A_1893 : vector<16xi32> to vector<16xi32>
    tpu.vector_store %arg6[%swap3A_1894], %swap3A_1897 {strides = array<i32>} : memref<4608xi32, #tpu.memory_space<vmem>>, vector<16xi32>,
    %add3A_1898 = arith.constant 4 : i32
    %add3A_1899 = vector.broadcast %add3A_1898 : i32 to vector<16xi32>
    %add3A_1900 = arith.addi %mul3A_1869, %add3A_1899 : vector<16xi32>
    %swap3A_1901 = arith.constant 2480 : index
    %swap3A_1902 = tpu.vector_load %arg6[%swap3A_1901] {strides = array<i32>} : memref<4608xi32, #tpu.memory_space<vmem>>, vector<16xi32>,
    %swap3A_1903 = vector.shape_cast %swap3A_1902 : vector<16xi32> to vector<16xi32>
    %swap3A_1904 = vector.shape_cast %add3A_1900 : vector<16xi32> to vector<16xi32>
    tpu.vector_store %arg6[%swap3A_1901], %swap3A_1904 {strides = array<i32>} : memref<4608xi32, #tpu.memory_space<vmem>>, vector<16xi32>,
    %add3A_1905 = arith.constant 5 : i32
    %add3A_1906 = vector.broadcast %add3A_1905 : i32 to vector<16xi32>
    %add3A_1907 = arith.addi %mul3A_1869, %add3A_1906 : vector<16xi32>
    %swap3A_1908 = arith.constant 2992 : index
    %swap3A_1909 = tpu.vector_load %arg6[%swap3A_1908] {strides = array<i32>} : memref<4608xi32, #tpu.memory_space<vmem>>, vector<16xi32>,
    %swap3A_1910 = vector.shape_cast %swap3A_1909 : vector<16xi32> to vector<16xi32>
    %swap3A_1911 = vector.shape_cast %add3A_1907 : vector<16xi32> to vector<16xi32>
    tpu.vector_store %arg6[%swap3A_1908], %swap3A_1911 {strides = array<i32>} : memref<4608xi32, #tpu.memory_space<vmem>>, vector<16xi32>,
    %add3A_1912 = arith.constant 6 : i32
    %add3A_1913 = vector.broadcast %add3A_1912 : i32 to vector<16xi32>
    %add3A_1914 = arith.addi %mul3A_1869, %add3A_1913 : vector<16xi32>
    %swap3A_1915 = arith.constant 3504 : index
    %swap3A_1916 = tpu.vector_load %arg6[%swap3A_1915] {strides = array<i32>} : memref<4608xi32, #tpu.memory_space<vmem>>, vector<16xi32>,
    %swap3A_1917 = vector.shape_cast %swap3A_1916 : vector<16xi32> to vector<16xi32>
    %swap3A_1918 = vector.shape_cast %add3A_1914 : vector<16xi32> to vector<16xi32>
    tpu.vector_store %arg6[%swap3A_1915], %swap3A_1918 {strides = array<i32>} : memref<4608xi32, #tpu.memory_space<vmem>>, vector<16xi32>,
    %add3A_1919 = arith.constant 7 : i32
    %add3A_1920 = vector.broadcast %add3A_1919 : i32 to vector<16xi32>
    %add3A_1921 = arith.addi %mul3A_1869, %add3A_1920 : vector<16xi32>
    %swap3A_1922 = arith.constant 4016 : index
    %swap3A_1923 = tpu.vector_load %arg6[%swap3A_1922] {strides = array<i32>} : memref<4608xi32, #tpu.memory_space<vmem>>, vector<16xi32>,
    %swap3A_1924 = vector.shape_cast %swap3A_1923 : vector<16xi32> to vector<16xi32>
    %swap3A_1925 = vector.shape_cast %add3A_1921 : vector<16xi32> to vector<16xi32>
    tpu.vector_store %arg6[%swap3A_1922], %swap3A_1925 {strides = array<i32>} : memref<4608xi32, #tpu.memory_space<vmem>>, vector<16xi32>,
    %add3A_1926 = arith.constant 8 : i32
    %add3A_1927 = vector.broadcast %add3A_1926 : i32 to vector<16xi32>
    %add3A_1928 = arith.addi %mul3A_1869, %add3A_1927 : vector<16xi32>
    %swap3A_1929 = arith.constant 4528 : index
    %swap3A_1930 = tpu.vector_load %arg6[%swap3A_1929] {strides = array<i32>} : memref<4608xi32, #tpu.memory_space<vmem>>, vector<16xi32>,
    %swap3A_1931 = vector.shape_cast %swap3A_1930 : vector<16xi32> to vector<16xi32>
    %swap3A_1932 = vector.shape_cast %add3A_1928 : vector<16xi32> to vector<16xi32>
    tpu.vector_store %arg6[%swap3A_1929], %swap3A_1932 {strides = array<i32>} : memref<4608xi32, #tpu.memory_space<vmem>>, vector<16xi32>,
    %get3A_1933 = arith.constant 448 : index
    %get3A_1934 = tpu.vector_load %arg5[%get3A_1933] {strides = array<i32>} : memref<512xi32, #tpu.memory_space<vmem>>, vector<16xi32>,
    %get3A_1935 = vector.shape_cast %get3A_1934 : vector<16xi32> to vector<16xi32>
    %mul3A_1936 = arith.constant 9 : i32
    %mul3A_1937 = vector.broadcast %mul3A_1936 : i32 to vector<16xi32>
    %mul3A_1938 = arith.muli %get3A_1935, %mul3A_1937 : vector<16xi32>
    %add3A_1939 = arith.constant 0 : i32
    %add3A_1940 = vector.broadcast %add3A_1939 : i32 to vector<16xi32>
    %add3A_1941 = arith.addi %mul3A_1938, %add3A_1940 : vector<16xi32>
    %swap3A_1942 = arith.constant 448 : index
    %swap3A_1943 = tpu.vector_load %arg6[%swap3A_1942] {strides = array<i32>} : memref<4608xi32, #tpu.memory_space<vmem>>, vector<16xi32>,
    %swap3A_1944 = vector.shape_cast %swap3A_1943 : vector<16xi32> to vector<16xi32>
    %swap3A_1945 = vector.shape_cast %add3A_1941 : vector<16xi32> to vector<16xi32>
    tpu.vector_store %arg6[%swap3A_1942], %swap3A_1945 {strides = array<i32>} : memref<4608xi32, #tpu.memory_space<vmem>>, vector<16xi32>,
    %add3A_1946 = arith.constant 1 : i32
    %add3A_1947 = vector.broadcast %add3A_1946 : i32 to vector<16xi32>
    %add3A_1948 = arith.addi %mul3A_1938, %add3A_1947 : vector<16xi32>
    %swap3A_1949 = arith.constant 960 : index
    %swap3A_1950 = tpu.vector_load %arg6[%swap3A_1949] {strides = array<i32>} : memref<4608xi32, #tpu.memory_space<vmem>>, vector<16xi32>,
    %swap3A_1951 = vector.shape_cast %swap3A_1950 : vector<16xi32> to vector<16xi32>
    %swap3A_1952 = vector.shape_cast %add3A_1948 : vector<16xi32> to vector<16xi32>
    tpu.vector_store %arg6[%swap3A_1949], %swap3A_1952 {strides = array<i32>} : memref<4608xi32, #tpu.memory_space<vmem>>, vector<16xi32>,
    %add3A_1953 = arith.constant 2 : i32
    %add3A_1954 = vector.broadcast %add3A_1953 : i32 to vector<16xi32>
    %add3A_1955 = arith.addi %mul3A_1938, %add3A_1954 : vector<16xi32>
    %swap3A_1956 = arith.constant 1472 : index
    %swap3A_1957 = tpu.vector_load %arg6[%swap3A_1956] {strides = array<i32>} : memref<4608xi32, #tpu.memory_space<vmem>>, vector<16xi32>,
    %swap3A_1958 = vector.shape_cast %swap3A_1957 : vector<16xi32> to vector<16xi32>
    %swap3A_1959 = vector.shape_cast %add3A_1955 : vector<16xi32> to vector<16xi32>
    tpu.vector_store %arg6[%swap3A_1956], %swap3A_1959 {strides = array<i32>} : memref<4608xi32, #tpu.memory_space<vmem>>, vector<16xi32>,
    %add3A_1960 = arith.constant 3 : i32
    %add3A_1961 = vector.broadcast %add3A_1960 : i32 to vector<16xi32>
    %add3A_1962 = arith.addi %mul3A_1938, %add3A_1961 : vector<16xi32>
    %swap3A_1963 = arith.constant 1984 : index
    %swap3A_1964 = tpu.vector_load %arg6[%swap3A_1963] {strides = array<i32>} : memref<4608xi32, #tpu.memory_space<vmem>>, vector<16xi32>,
    %swap3A_1965 = vector.shape_cast %swap3A_1964 : vector<16xi32> to vector<16xi32>
    %swap3A_1966 = vector.shape_cast %add3A_1962 : vector<16xi32> to vector<16xi32>
    tpu.vector_store %arg6[%swap3A_1963], %swap3A_1966 {strides = array<i32>} : memref<4608xi32, #tpu.memory_space<vmem>>, vector<16xi32>,
    %add3A_1967 = arith.constant 4 : i32
    %add3A_1968 = vector.broadcast %add3A_1967 : i32 to vector<16xi32>
    %add3A_1969 = arith.addi %mul3A_1938, %add3A_1968 : vector<16xi32>
    %swap3A_1970 = arith.constant 2496 : index
    %swap3A_1971 = tpu.vector_load %arg6[%swap3A_1970] {strides = array<i32>} : memref<4608xi32, #tpu.memory_space<vmem>>, vector<16xi32>,
    %swap3A_1972 = vector.shape_cast %swap3A_1971 : vector<16xi32> to vector<16xi32>
    %swap3A_1973 = vector.shape_cast %add3A_1969 : vector<16xi32> to vector<16xi32>
    tpu.vector_store %arg6[%swap3A_1970], %swap3A_1973 {strides = array<i32>} : memref<4608xi32, #tpu.memory_space<vmem>>, vector<16xi32>,
    %add3A_1974 = arith.constant 5 : i32
    %add3A_1975 = vector.broadcast %add3A_1974 : i32 to vector<16xi32>
    %add3A_1976 = arith.addi %mul3A_1938, %add3A_1975 : vector<16xi32>
    %swap3A_1977 = arith.constant 3008 : index
    %swap3A_1978 = tpu.vector_load %arg6[%swap3A_1977] {strides = array<i32>} : memref<4608xi32, #tpu.memory_space<vmem>>, vector<16xi32>,
    %swap3A_1979 = vector.shape_cast %swap3A_1978 : vector<16xi32> to vector<16xi32>
    %swap3A_1980 = vector.shape_cast %add3A_1976 : vector<16xi32> to vector<16xi32>
    tpu.vector_store %arg6[%swap3A_1977], %swap3A_1980 {strides = array<i32>} : memref<4608xi32, #tpu.memory_space<vmem>>, vector<16xi32>,
    %add3A_1981 = arith.constant 6 : i32
    %add3A_1982 = vector.broadcast %add3A_1981 : i32 to vector<16xi32>
    %add3A_1983 = arith.addi %mul3A_1938, %add3A_1982 : vector<16xi32>
    %swap3A_1984 = arith.constant 3520 : index
    %swap3A_1985 = tpu.vector_load %arg6[%swap3A_1984] {strides = array<i32>} : memref<4608xi32, #tpu.memory_space<vmem>>, vector<16xi32>,
    %swap3A_1986 = vector.shape_cast %swap3A_1985 : vector<16xi32> to vector<16xi32>
    %swap3A_1987 = vector.shape_cast %add3A_1983 : vector<16xi32> to vector<16xi32>
    tpu.vector_store %arg6[%swap3A_1984], %swap3A_1987 {strides = array<i32>} : memref<4608xi32, #tpu.memory_space<vmem>>, vector<16xi32>,
    %add3A_1988 = arith.constant 7 : i32
    %add3A_1989 = vector.broadcast %add3A_1988 : i32 to vector<16xi32>
    %add3A_1990 = arith.addi %mul3A_1938, %add3A_1989 : vector<16xi32>
    %swap3A_1991 = arith.constant 4032 : index
    %swap3A_1992 = tpu.vector_load %arg6[%swap3A_1991] {strides = array<i32>} : memref<4608xi32, #tpu.memory_space<vmem>>, vector<16xi32>,
    %swap3A_1993 = vector.shape_cast %swap3A_1992 : vector<16xi32> to vector<16xi32>
    %swap3A_1994 = vector.shape_cast %add3A_1990 : vector<16xi32> to vector<16xi32>
    tpu.vector_store %arg6[%swap3A_1991], %swap3A_1994 {strides = array<i32>} : memref<4608xi32, #tpu.memory_space<vmem>>, vector<16xi32>,
    %add3A_1995 = arith.constant 8 : i32
    %add3A_1996 = vector.broadcast %add3A_1995 : i32 to vector<16xi32>
    %add3A_1997 = arith.addi %mul3A_1938, %add3A_1996 : vector<16xi32>
    %swap3A_1998 = arith.constant 4544 : index
    %swap3A_1999 = tpu.vector_load %arg6[%swap3A_1998] {strides = array<i32>} : memref<4608xi32, #tpu.memory_space<vmem>>, vector<16xi32>,
    %swap3A_2000 = vector.shape_cast %swap3A_1999 : vector<16xi32> to vector<16xi32>
    %swap3A_2001 = vector.shape_cast %add3A_1997 : vector<16xi32> to vector<16xi32>
    tpu.vector_store %arg6[%swap3A_1998], %swap3A_2001 {strides = array<i32>} : memref<4608xi32, #tpu.memory_space<vmem>>, vector<16xi32>,
    %get3A_2002 = arith.constant 464 : index
    %get3A_2003 = tpu.vector_load %arg5[%get3A_2002] {strides = array<i32>} : memref<512xi32, #tpu.memory_space<vmem>>, vector<16xi32>,
    %get3A_2004 = vector.shape_cast %get3A_2003 : vector<16xi32> to vector<16xi32>
    %mul3A_2005 = arith.constant 9 : i32
    %mul3A_2006 = vector.broadcast %mul3A_2005 : i32 to vector<16xi32>
    %mul3A_2007 = arith.muli %get3A_2004, %mul3A_2006 : vector<16xi32>
    %add3A_2008 = arith.constant 0 : i32
    %add3A_2009 = vector.broadcast %add3A_2008 : i32 to vector<16xi32>
    %add3A_2010 = arith.addi %mul3A_2007, %add3A_2009 : vector<16xi32>
    %swap3A_2011 = arith.constant 464 : index
    %swap3A_2012 = tpu.vector_load %arg6[%swap3A_2011] {strides = array<i32>} : memref<4608xi32, #tpu.memory_space<vmem>>, vector<16xi32>,
    %swap3A_2013 = vector.shape_cast %swap3A_2012 : vector<16xi32> to vector<16xi32>
    %swap3A_2014 = vector.shape_cast %add3A_2010 : vector<16xi32> to vector<16xi32>
    tpu.vector_store %arg6[%swap3A_2011], %swap3A_2014 {strides = array<i32>} : memref<4608xi32, #tpu.memory_space<vmem>>, vector<16xi32>,
    %add3A_2015 = arith.constant 1 : i32
    %add3A_2016 = vector.broadcast %add3A_2015 : i32 to vector<16xi32>
    %add3A_2017 = arith.addi %mul3A_2007, %add3A_2016 : vector<16xi32>
    %swap3A_2018 = arith.constant 976 : index
    %swap3A_2019 = tpu.vector_load %arg6[%swap3A_2018] {strides = array<i32>} : memref<4608xi32, #tpu.memory_space<vmem>>, vector<16xi32>,
    %swap3A_2020 = vector.shape_cast %swap3A_2019 : vector<16xi32> to vector<16xi32>
    %swap3A_2021 = vector.shape_cast %add3A_2017 : vector<16xi32> to vector<16xi32>
    tpu.vector_store %arg6[%swap3A_2018], %swap3A_2021 {strides = array<i32>} : memref<4608xi32, #tpu.memory_space<vmem>>, vector<16xi32>,
    %add3A_2022 = arith.constant 2 : i32
    %add3A_2023 = vector.broadcast %add3A_2022 : i32 to vector<16xi32>
    %add3A_2024 = arith.addi %mul3A_2007, %add3A_2023 : vector<16xi32>
    %swap3A_2025 = arith.constant 1488 : index
    %swap3A_2026 = tpu.vector_load %arg6[%swap3A_2025] {strides = array<i32>} : memref<4608xi32, #tpu.memory_space<vmem>>, vector<16xi32>,
    %swap3A_2027 = vector.shape_cast %swap3A_2026 : vector<16xi32> to vector<16xi32>
    %swap3A_2028 = vector.shape_cast %add3A_2024 : vector<16xi32> to vector<16xi32>
    tpu.vector_store %arg6[%swap3A_2025], %swap3A_2028 {strides = array<i32>} : memref<4608xi32, #tpu.memory_space<vmem>>, vector<16xi32>,
    %add3A_2029 = arith.constant 3 : i32
    %add3A_2030 = vector.broadcast %add3A_2029 : i32 to vector<16xi32>
    %add3A_2031 = arith.addi %mul3A_2007, %add3A_2030 : vector<16xi32>
    %swap3A_2032 = arith.constant 2000 : index
    %swap3A_2033 = tpu.vector_load %arg6[%swap3A_2032] {strides = array<i32>} : memref<4608xi32, #tpu.memory_space<vmem>>, vector<16xi32>,
    %swap3A_2034 = vector.shape_cast %swap3A_2033 : vector<16xi32> to vector<16xi32>
    %swap3A_2035 = vector.shape_cast %add3A_2031 : vector<16xi32> to vector<16xi32>
    tpu.vector_store %arg6[%swap3A_2032], %swap3A_2035 {strides = array<i32>} : memref<4608xi32, #tpu.memory_space<vmem>>, vector<16xi32>,
    %add3A_2036 = arith.constant 4 : i32
    %add3A_2037 = vector.broadcast %add3A_2036 : i32 to vector<16xi32>
    %add3A_2038 = arith.addi %mul3A_2007, %add3A_2037 : vector<16xi32>
    %swap3A_2039 = arith.constant 2512 : index
    %swap3A_2040 = tpu.vector_load %arg6[%swap3A_2039] {strides = array<i32>} : memref<4608xi32, #tpu.memory_space<vmem>>, vector<16xi32>,
    %swap3A_2041 = vector.shape_cast %swap3A_2040 : vector<16xi32> to vector<16xi32>
    %swap3A_2042 = vector.shape_cast %add3A_2038 : vector<16xi32> to vector<16xi32>
    tpu.vector_store %arg6[%swap3A_2039], %swap3A_2042 {strides = array<i32>} : memref<4608xi32, #tpu.memory_space<vmem>>, vector<16xi32>,
    %add3A_2043 = arith.constant 5 : i32
    %add3A_2044 = vector.broadcast %add3A_2043 : i32 to vector<16xi32>
    %add3A_2045 = arith.addi %mul3A_2007, %add3A_2044 : vector<16xi32>
    %swap3A_2046 = arith.constant 3024 : index
    %swap3A_2047 = tpu.vector_load %arg6[%swap3A_2046] {strides = array<i32>} : memref<4608xi32, #tpu.memory_space<vmem>>, vector<16xi32>,
    %swap3A_2048 = vector.shape_cast %swap3A_2047 : vector<16xi32> to vector<16xi32>
    %swap3A_2049 = vector.shape_cast %add3A_2045 : vector<16xi32> to vector<16xi32>
    tpu.vector_store %arg6[%swap3A_2046], %swap3A_2049 {strides = array<i32>} : memref<4608xi32, #tpu.memory_space<vmem>>, vector<16xi32>,
    %add3A_2050 = arith.constant 6 : i32
    %add3A_2051 = vector.broadcast %add3A_2050 : i32 to vector<16xi32>
    %add3A_2052 = arith.addi %mul3A_2007, %add3A_2051 : vector<16xi32>
    %swap3A_2053 = arith.constant 3536 : index
    %swap3A_2054 = tpu.vector_load %arg6[%swap3A_2053] {strides = array<i32>} : memref<4608xi32, #tpu.memory_space<vmem>>, vector<16xi32>,
    %swap3A_2055 = vector.shape_cast %swap3A_2054 : vector<16xi32> to vector<16xi32>
    %swap3A_2056 = vector.shape_cast %add3A_2052 : vector<16xi32> to vector<16xi32>
    tpu.vector_store %arg6[%swap3A_2053], %swap3A_2056 {strides = array<i32>} : memref<4608xi32, #tpu.memory_space<vmem>>, vector<16xi32>,
    %add3A_2057 = arith.constant 7 : i32
    %add3A_2058 = vector.broadcast %add3A_2057 : i32 to vector<16xi32>
    %add3A_2059 = arith.addi %mul3A_2007, %add3A_2058 : vector<16xi32>
    %swap3A_2060 = arith.constant 4048 : index
    %swap3A_2061 = tpu.vector_load %arg6[%swap3A_2060] {strides = array<i32>} : memref<4608xi32, #tpu.memory_space<vmem>>, vector<16xi32>,
    %swap3A_2062 = vector.shape_cast %swap3A_2061 : vector<16xi32> to vector<16xi32>
    %swap3A_2063 = vector.shape_cast %add3A_2059 : vector<16xi32> to vector<16xi32>
    tpu.vector_store %arg6[%swap3A_2060], %swap3A_2063 {strides = array<i32>} : memref<4608xi32, #tpu.memory_space<vmem>>, vector<16xi32>,
    %add3A_2064 = arith.constant 8 : i32
    %add3A_2065 = vector.broadcast %add3A_2064 : i32 to vector<16xi32>
    %add3A_2066 = arith.addi %mul3A_2007, %add3A_2065 : vector<16xi32>
    %swap3A_2067 = arith.constant 4560 : index
    %swap3A_2068 = tpu.vector_load %arg6[%swap3A_2067] {strides = array<i32>} : memref<4608xi32, #tpu.memory_space<vmem>>, vector<16xi32>,
    %swap3A_2069 = vector.shape_cast %swap3A_2068 : vector<16xi32> to vector<16xi32>
    %swap3A_2070 = vector.shape_cast %add3A_2066 : vector<16xi32> to vector<16xi32>
    tpu.vector_store %arg6[%swap3A_2067], %swap3A_2070 {strides = array<i32>} : memref<4608xi32, #tpu.memory_space<vmem>>, vector<16xi32>,
    %get3A_2071 = arith.constant 480 : index
    %get3A_2072 = tpu.vector_load %arg5[%get3A_2071] {strides = array<i32>} : memref<512xi32, #tpu.memory_space<vmem>>, vector<16xi32>,
    %get3A_2073 = vector.shape_cast %get3A_2072 : vector<16xi32> to vector<16xi32>
    %mul3A_2074 = arith.constant 9 : i32
    %mul3A_2075 = vector.broadcast %mul3A_2074 : i32 to vector<16xi32>
    %mul3A_2076 = arith.muli %get3A_2073, %mul3A_2075 : vector<16xi32>
    %add3A_2077 = arith.constant 0 : i32
    %add3A_2078 = vector.broadcast %add3A_2077 : i32 to vector<16xi32>
    %add3A_2079 = arith.addi %mul3A_2076, %add3A_2078 : vector<16xi32>
    %swap3A_2080 = arith.constant 480 : index
    %swap3A_2081 = tpu.vector_load %arg6[%swap3A_2080] {strides = array<i32>} : memref<4608xi32, #tpu.memory_space<vmem>>, vector<16xi32>,
    %swap3A_2082 = vector.shape_cast %swap3A_2081 : vector<16xi32> to vector<16xi32>
    %swap3A_2083 = vector.shape_cast %add3A_2079 : vector<16xi32> to vector<16xi32>
    tpu.vector_store %arg6[%swap3A_2080], %swap3A_2083 {strides = array<i32>} : memref<4608xi32, #tpu.memory_space<vmem>>, vector<16xi32>,
    %add3A_2084 = arith.constant 1 : i32
    %add3A_2085 = vector.broadcast %add3A_2084 : i32 to vector<16xi32>
    %add3A_2086 = arith.addi %mul3A_2076, %add3A_2085 : vector<16xi32>
    %swap3A_2087 = arith.constant 992 : index
    %swap3A_2088 = tpu.vector_load %arg6[%swap3A_2087] {strides = array<i32>} : memref<4608xi32, #tpu.memory_space<vmem>>, vector<16xi32>,
    %swap3A_2089 = vector.shape_cast %swap3A_2088 : vector<16xi32> to vector<16xi32>
    %swap3A_2090 = vector.shape_cast %add3A_2086 : vector<16xi32> to vector<16xi32>
    tpu.vector_store %arg6[%swap3A_2087], %swap3A_2090 {strides = array<i32>} : memref<4608xi32, #tpu.memory_space<vmem>>, vector<16xi32>,
    %add3A_2091 = arith.constant 2 : i32
    %add3A_2092 = vector.broadcast %add3A_2091 : i32 to vector<16xi32>
    %add3A_2093 = arith.addi %mul3A_2076, %add3A_2092 : vector<16xi32>
    %swap3A_2094 = arith.constant 1504 : index
    %swap3A_2095 = tpu.vector_load %arg6[%swap3A_2094] {strides = array<i32>} : memref<4608xi32, #tpu.memory_space<vmem>>, vector<16xi32>,
    %swap3A_2096 = vector.shape_cast %swap3A_2095 : vector<16xi32> to vector<16xi32>
    %swap3A_2097 = vector.shape_cast %add3A_2093 : vector<16xi32> to vector<16xi32>
    tpu.vector_store %arg6[%swap3A_2094], %swap3A_2097 {strides = array<i32>} : memref<4608xi32, #tpu.memory_space<vmem>>, vector<16xi32>,
    %add3A_2098 = arith.constant 3 : i32
    %add3A_2099 = vector.broadcast %add3A_2098 : i32 to vector<16xi32>
    %add3A_2100 = arith.addi %mul3A_2076, %add3A_2099 : vector<16xi32>
    %swap3A_2101 = arith.constant 2016 : index
    %swap3A_2102 = tpu.vector_load %arg6[%swap3A_2101] {strides = array<i32>} : memref<4608xi32, #tpu.memory_space<vmem>>, vector<16xi32>,
    %swap3A_2103 = vector.shape_cast %swap3A_2102 : vector<16xi32> to vector<16xi32>
    %swap3A_2104 = vector.shape_cast %add3A_2100 : vector<16xi32> to vector<16xi32>
    tpu.vector_store %arg6[%swap3A_2101], %swap3A_2104 {strides = array<i32>} : memref<4608xi32, #tpu.memory_space<vmem>>, vector<16xi32>,
    %add3A_2105 = arith.constant 4 : i32
    %add3A_2106 = vector.broadcast %add3A_2105 : i32 to vector<16xi32>
    %add3A_2107 = arith.addi %mul3A_2076, %add3A_2106 : vector<16xi32>
    %swap3A_2108 = arith.constant 2528 : index
    %swap3A_2109 = tpu.vector_load %arg6[%swap3A_2108] {strides = array<i32>} : memref<4608xi32, #tpu.memory_space<vmem>>, vector<16xi32>,
    %swap3A_2110 = vector.shape_cast %swap3A_2109 : vector<16xi32> to vector<16xi32>
    %swap3A_2111 = vector.shape_cast %add3A_2107 : vector<16xi32> to vector<16xi32>
    tpu.vector_store %arg6[%swap3A_2108], %swap3A_2111 {strides = array<i32>} : memref<4608xi32, #tpu.memory_space<vmem>>, vector<16xi32>,
    %add3A_2112 = arith.constant 5 : i32
    %add3A_2113 = vector.broadcast %add3A_2112 : i32 to vector<16xi32>
    %add3A_2114 = arith.addi %mul3A_2076, %add3A_2113 : vector<16xi32>
    %swap3A_2115 = arith.constant 3040 : index
    %swap3A_2116 = tpu.vector_load %arg6[%swap3A_2115] {strides = array<i32>} : memref<4608xi32, #tpu.memory_space<vmem>>, vector<16xi32>,
    %swap3A_2117 = vector.shape_cast %swap3A_2116 : vector<16xi32> to vector<16xi32>
    %swap3A_2118 = vector.shape_cast %add3A_2114 : vector<16xi32> to vector<16xi32>
    tpu.vector_store %arg6[%swap3A_2115], %swap3A_2118 {strides = array<i32>} : memref<4608xi32, #tpu.memory_space<vmem>>, vector<16xi32>,
    %add3A_2119 = arith.constant 6 : i32
    %add3A_2120 = vector.broadcast %add3A_2119 : i32 to vector<16xi32>
    %add3A_2121 = arith.addi %mul3A_2076, %add3A_2120 : vector<16xi32>
    %swap3A_2122 = arith.constant 3552 : index
    %swap3A_2123 = tpu.vector_load %arg6[%swap3A_2122] {strides = array<i32>} : memref<4608xi32, #tpu.memory_space<vmem>>, vector<16xi32>,
    %swap3A_2124 = vector.shape_cast %swap3A_2123 : vector<16xi32> to vector<16xi32>
    %swap3A_2125 = vector.shape_cast %add3A_2121 : vector<16xi32> to vector<16xi32>
    tpu.vector_store %arg6[%swap3A_2122], %swap3A_2125 {strides = array<i32>} : memref<4608xi32, #tpu.memory_space<vmem>>, vector<16xi32>,
    %add3A_2126 = arith.constant 7 : i32
    %add3A_2127 = vector.broadcast %add3A_2126 : i32 to vector<16xi32>
    %add3A_2128 = arith.addi %mul3A_2076, %add3A_2127 : vector<16xi32>
    %swap3A_2129 = arith.constant 4064 : index
    %swap3A_2130 = tpu.vector_load %arg6[%swap3A_2129] {strides = array<i32>} : memref<4608xi32, #tpu.memory_space<vmem>>, vector<16xi32>,
    %swap3A_2131 = vector.shape_cast %swap3A_2130 : vector<16xi32> to vector<16xi32>
    %swap3A_2132 = vector.shape_cast %add3A_2128 : vector<16xi32> to vector<16xi32>
    tpu.vector_store %arg6[%swap3A_2129], %swap3A_2132 {strides = array<i32>} : memref<4608xi32, #tpu.memory_space<vmem>>, vector<16xi32>,
    %add3A_2133 = arith.constant 8 : i32
    %add3A_2134 = vector.broadcast %add3A_2133 : i32 to vector<16xi32>
    %add3A_2135 = arith.addi %mul3A_2076, %add3A_2134 : vector<16xi32>
    %swap3A_2136 = arith.constant 4576 : index
    %swap3A_2137 = tpu.vector_load %arg6[%swap3A_2136] {strides = array<i32>} : memref<4608xi32, #tpu.memory_space<vmem>>, vector<16xi32>,
    %swap3A_2138 = vector.shape_cast %swap3A_2137 : vector<16xi32> to vector<16xi32>
    %swap3A_2139 = vector.shape_cast %add3A_2135 : vector<16xi32> to vector<16xi32>
    tpu.vector_store %arg6[%swap3A_2136], %swap3A_2139 {strides = array<i32>} : memref<4608xi32, #tpu.memory_space<vmem>>, vector<16xi32>,
    %get3A_2140 = arith.constant 496 : index
    %get3A_2141 = tpu.vector_load %arg5[%get3A_2140] {strides = array<i32>} : memref<512xi32, #tpu.memory_space<vmem>>, vector<16xi32>,
    %get3A_2142 = vector.shape_cast %get3A_2141 : vector<16xi32> to vector<16xi32>
    %mul3A_2143 = arith.constant 9 : i32
    %mul3A_2144 = vector.broadcast %mul3A_2143 : i32 to vector<16xi32>
    %mul3A_2145 = arith.muli %get3A_2142, %mul3A_2144 : vector<16xi32>
    %add3A_2146 = arith.constant 0 : i32
    %add3A_2147 = vector.broadcast %add3A_2146 : i32 to vector<16xi32>
    %add3A_2148 = arith.addi %mul3A_2145, %add3A_2147 : vector<16xi32>
    %swap3A_2149 = arith.constant 496 : index
    %swap3A_2150 = tpu.vector_load %arg6[%swap3A_2149] {strides = array<i32>} : memref<4608xi32, #tpu.memory_space<vmem>>, vector<16xi32>,
    %swap3A_2151 = vector.shape_cast %swap3A_2150 : vector<16xi32> to vector<16xi32>
    %swap3A_2152 = vector.shape_cast %add3A_2148 : vector<16xi32> to vector<16xi32>
    tpu.vector_store %arg6[%swap3A_2149], %swap3A_2152 {strides = array<i32>} : memref<4608xi32, #tpu.memory_space<vmem>>, vector<16xi32>,
    %add3A_2153 = arith.constant 1 : i32
    %add3A_2154 = vector.broadcast %add3A_2153 : i32 to vector<16xi32>
    %add3A_2155 = arith.addi %mul3A_2145, %add3A_2154 : vector<16xi32>
    %swap3A_2156 = arith.constant 1008 : index
    %swap3A_2157 = tpu.vector_load %arg6[%swap3A_2156] {strides = array<i32>} : memref<4608xi32, #tpu.memory_space<vmem>>, vector<16xi32>,
    %swap3A_2158 = vector.shape_cast %swap3A_2157 : vector<16xi32> to vector<16xi32>
    %swap3A_2159 = vector.shape_cast %add3A_2155 : vector<16xi32> to vector<16xi32>
    tpu.vector_store %arg6[%swap3A_2156], %swap3A_2159 {strides = array<i32>} : memref<4608xi32, #tpu.memory_space<vmem>>, vector<16xi32>,
    %add3A_2160 = arith.constant 2 : i32
    %add3A_2161 = vector.broadcast %add3A_2160 : i32 to vector<16xi32>
    %add3A_2162 = arith.addi %mul3A_2145, %add3A_2161 : vector<16xi32>
    %swap3A_2163 = arith.constant 1520 : index
    %swap3A_2164 = tpu.vector_load %arg6[%swap3A_2163] {strides = array<i32>} : memref<4608xi32, #tpu.memory_space<vmem>>, vector<16xi32>,
    %swap3A_2165 = vector.shape_cast %swap3A_2164 : vector<16xi32> to vector<16xi32>
    %swap3A_2166 = vector.shape_cast %add3A_2162 : vector<16xi32> to vector<16xi32>
    tpu.vector_store %arg6[%swap3A_2163], %swap3A_2166 {strides = array<i32>} : memref<4608xi32, #tpu.memory_space<vmem>>, vector<16xi32>,
    %add3A_2167 = arith.constant 3 : i32
    %add3A_2168 = vector.broadcast %add3A_2167 : i32 to vector<16xi32>
    %add3A_2169 = arith.addi %mul3A_2145, %add3A_2168 : vector<16xi32>
    %swap3A_2170 = arith.constant 2032 : index
    %swap3A_2171 = tpu.vector_load %arg6[%swap3A_2170] {strides = array<i32>} : memref<4608xi32, #tpu.memory_space<vmem>>, vector<16xi32>,
    %swap3A_2172 = vector.shape_cast %swap3A_2171 : vector<16xi32> to vector<16xi32>
    %swap3A_2173 = vector.shape_cast %add3A_2169 : vector<16xi32> to vector<16xi32>
    tpu.vector_store %arg6[%swap3A_2170], %swap3A_2173 {strides = array<i32>} : memref<4608xi32, #tpu.memory_space<vmem>>, vector<16xi32>,
    %add3A_2174 = arith.constant 4 : i32
    %add3A_2175 = vector.broadcast %add3A_2174 : i32 to vector<16xi32>
    %add3A_2176 = arith.addi %mul3A_2145, %add3A_2175 : vector<16xi32>
    %swap3A_2177 = arith.constant 2544 : index
    %swap3A_2178 = tpu.vector_load %arg6[%swap3A_2177] {strides = array<i32>} : memref<4608xi32, #tpu.memory_space<vmem>>, vector<16xi32>,
    %swap3A_2179 = vector.shape_cast %swap3A_2178 : vector<16xi32> to vector<16xi32>
    %swap3A_2180 = vector.shape_cast %add3A_2176 : vector<16xi32> to vector<16xi32>
    tpu.vector_store %arg6[%swap3A_2177], %swap3A_2180 {strides = array<i32>} : memref<4608xi32, #tpu.memory_space<vmem>>, vector<16xi32>,
    %add3A_2181 = arith.constant 5 : i32
    %add3A_2182 = vector.broadcast %add3A_2181 : i32 to vector<16xi32>
    %add3A_2183 = arith.addi %mul3A_2145, %add3A_2182 : vector<16xi32>
    %swap3A_2184 = arith.constant 3056 : index
    %swap3A_2185 = tpu.vector_load %arg6[%swap3A_2184] {strides = array<i32>} : memref<4608xi32, #tpu.memory_space<vmem>>, vector<16xi32>,
    %swap3A_2186 = vector.shape_cast %swap3A_2185 : vector<16xi32> to vector<16xi32>
    %swap3A_2187 = vector.shape_cast %add3A_2183 : vector<16xi32> to vector<16xi32>
    tpu.vector_store %arg6[%swap3A_2184], %swap3A_2187 {strides = array<i32>} : memref<4608xi32, #tpu.memory_space<vmem>>, vector<16xi32>,
    %add3A_2188 = arith.constant 6 : i32
    %add3A_2189 = vector.broadcast %add3A_2188 : i32 to vector<16xi32>
    %add3A_2190 = arith.addi %mul3A_2145, %add3A_2189 : vector<16xi32>
    %swap3A_2191 = arith.constant 3568 : index
    %swap3A_2192 = tpu.vector_load %arg6[%swap3A_2191] {strides = array<i32>} : memref<4608xi32, #tpu.memory_space<vmem>>, vector<16xi32>,
    %swap3A_2193 = vector.shape_cast %swap3A_2192 : vector<16xi32> to vector<16xi32>
    %swap3A_2194 = vector.shape_cast %add3A_2190 : vector<16xi32> to vector<16xi32>
    tpu.vector_store %arg6[%swap3A_2191], %swap3A_2194 {strides = array<i32>} : memref<4608xi32, #tpu.memory_space<vmem>>, vector<16xi32>,
    %add3A_2195 = arith.constant 7 : i32
    %add3A_2196 = vector.broadcast %add3A_2195 : i32 to vector<16xi32>
    %add3A_2197 = arith.addi %mul3A_2145, %add3A_2196 : vector<16xi32>
    %swap3A_2198 = arith.constant 4080 : index
    %swap3A_2199 = tpu.vector_load %arg6[%swap3A_2198] {strides = array<i32>} : memref<4608xi32, #tpu.memory_space<vmem>>, vector<16xi32>,
    %swap3A_2200 = vector.shape_cast %swap3A_2199 : vector<16xi32> to vector<16xi32>
    %swap3A_2201 = vector.shape_cast %add3A_2197 : vector<16xi32> to vector<16xi32>
    tpu.vector_store %arg6[%swap3A_2198], %swap3A_2201 {strides = array<i32>} : memref<4608xi32, #tpu.memory_space<vmem>>, vector<16xi32>,
    %add3A_2202 = arith.constant 8 : i32
    %add3A_2203 = vector.broadcast %add3A_2202 : i32 to vector<16xi32>
    %add3A_2204 = arith.addi %mul3A_2145, %add3A_2203 : vector<16xi32>
    %swap3A_2205 = arith.constant 4592 : index
    %swap3A_2206 = tpu.vector_load %arg6[%swap3A_2205] {strides = array<i32>} : memref<4608xi32, #tpu.memory_space<vmem>>, vector<16xi32>,
    %swap3A_2207 = vector.shape_cast %swap3A_2206 : vector<16xi32> to vector<16xi32>
    %swap3A_2208 = vector.shape_cast %add3A_2204 : vector<16xi32> to vector<16xi32>
    tpu.vector_store %arg6[%swap3A_2205], %swap3A_2208 {strides = array<i32>} : memref<4608xi32, #tpu.memory_space<vmem>>, vector<16xi32>,
    %dma_start3A = arith.constant 0 : i32
    %dma_start3A_2209 = tpu.memref_slice %arg6[%dma_start3A] : memref<4608xi32, #tpu.memory_space<vmem>> -> memref<128xi32, #tpu.memory_space<vmem>>
    %dma_start3A_2210 = arith.constant 0 : i32
    %dma_start3A_2211 = arith.constant 0 : i32
    %dma_start3A_2212 = tpu.memref_slice %arg3[%dma_start3A_2210, %dma_start3A_2211] : memref<900000x128xf32, #tpu.memory_space<hbm>> -> memref<900000x128xf32, #tpu.memory_space<hbm>>
    tpu.enqueue_indirect_dma source(%dma_start3A_2212 : memref<900000x128xf32, #tpu.memory_space<hbm>>) target(%arg7 : memref<128x128xf32, #tpu.memory_space<vmem>>) offsets(%dma_start3A_2209 : memref<128xi32, #tpu.memory_space<vmem>>) semaphore(%arg13 : memref<!tpu.dma_semaphore, #tpu.memory_space<semaphore_mem>>)
    %dma_start3A_2213 = arith.constant 128 : i32
    %dma_start3A_2214 = tpu.memref_slice %arg6[%dma_start3A_2213] : memref<4608xi32, #tpu.memory_space<vmem>> -> memref<128xi32, #tpu.memory_space<vmem>>
    %dma_start3A_2215 = arith.constant 0 : i32
    %dma_start3A_2216 = arith.constant 0 : i32
    %dma_start3A_2217 = tpu.memref_slice %arg3[%dma_start3A_2215, %dma_start3A_2216] : memref<900000x128xf32, #tpu.memory_space<hbm>> -> memref<900000x128xf32, #tpu.memory_space<hbm>>
    tpu.enqueue_indirect_dma source(%dma_start3A_2217 : memref<900000x128xf32, #tpu.memory_space<hbm>>) target(%arg8 : memref<128x128xf32, #tpu.memory_space<vmem>>) offsets(%dma_start3A_2214 : memref<128xi32, #tpu.memory_space<vmem>>) semaphore(%arg14 : memref<!tpu.dma_semaphore, #tpu.memory_space<semaphore_mem>>)
    %dma_start3A_2218 = arith.constant 256 : i32
    %dma_start3A_2219 = tpu.memref_slice %arg6[%dma_start3A_2218] : memref<4608xi32, #tpu.memory_space<vmem>> -> memref<128xi32, #tpu.memory_space<vmem>>
    %dma_start3A_2220 = arith.constant 0 : i32
    %dma_start3A_2221 = arith.constant 0 : i32
    %dma_start3A_2222 = tpu.memref_slice %arg3[%dma_start3A_2220, %dma_start3A_2221] : memref<900000x128xf32, #tpu.memory_space<hbm>> -> memref<900000x128xf32, #tpu.memory_space<hbm>>
    tpu.enqueue_indirect_dma source(%dma_start3A_2222 : memref<900000x128xf32, #tpu.memory_space<hbm>>) target(%arg9 : memref<128x128xf32, #tpu.memory_space<vmem>>) offsets(%dma_start3A_2219 : memref<128xi32, #tpu.memory_space<vmem>>) semaphore(%arg15 : memref<!tpu.dma_semaphore, #tpu.memory_space<semaphore_mem>>)
    %dma_start3A_2223 = arith.constant 384 : i32
    %dma_start3A_2224 = tpu.memref_slice %arg6[%dma_start3A_2223] : memref<4608xi32, #tpu.memory_space<vmem>> -> memref<128xi32, #tpu.memory_space<vmem>>
    %dma_start3A_2225 = arith.constant 0 : i32
    %dma_start3A_2226 = arith.constant 0 : i32
    %dma_start3A_2227 = tpu.memref_slice %arg3[%dma_start3A_2225, %dma_start3A_2226] : memref<900000x128xf32, #tpu.memory_space<hbm>> -> memref<900000x128xf32, #tpu.memory_space<hbm>>
    tpu.enqueue_indirect_dma source(%dma_start3A_2227 : memref<900000x128xf32, #tpu.memory_space<hbm>>) target(%arg10 : memref<128x128xf32, #tpu.memory_space<vmem>>) offsets(%dma_start3A_2224 : memref<128xi32, #tpu.memory_space<vmem>>) semaphore(%arg16 : memref<!tpu.dma_semaphore, #tpu.memory_space<semaphore_mem>>)
    %dma_start3A_2228 = arith.constant 512 : i32
    %dma_start3A_2229 = tpu.memref_slice %arg6[%dma_start3A_2228] : memref<4608xi32, #tpu.memory_space<vmem>> -> memref<128xi32, #tpu.memory_space<vmem>>
    %dma_start3A_2230 = arith.constant 0 : i32
    %dma_start3A_2231 = arith.constant 0 : i32
    %dma_start3A_2232 = tpu.memref_slice %arg3[%dma_start3A_2230, %dma_start3A_2231] : memref<900000x128xf32, #tpu.memory_space<hbm>> -> memref<900000x128xf32, #tpu.memory_space<hbm>>
    tpu.enqueue_indirect_dma source(%dma_start3A_2232 : memref<900000x128xf32, #tpu.memory_space<hbm>>) target(%arg11 : memref<128x128xf32, #tpu.memory_space<vmem>>) offsets(%dma_start3A_2229 : memref<128xi32, #tpu.memory_space<vmem>>) semaphore(%arg17 : memref<!tpu.dma_semaphore, #tpu.memory_space<semaphore_mem>>)
    %dma_wait3A = arith.constant 0 : i32
    %dma_wait3A_2233 = tpu.memref_slice %arg6[%dma_wait3A] : memref<4608xi32, #tpu.memory_space<vmem>> -> memref<128xi32, #tpu.memory_space<vmem>>
    %dma_wait3A_2234 = arith.constant 0 : i32
    %dma_wait3A_2235 = arith.constant 0 : i32
    %dma_wait3A_2236 = tpu.memref_slice %arg3[%dma_wait3A_2234, %dma_wait3A_2235] : memref<900000x128xf32, #tpu.memory_space<hbm>> -> memref<900000x128xf32, #tpu.memory_space<hbm>>
    tpu.wait_indirect_dma semaphore(%arg13 : memref<!tpu.dma_semaphore, #tpu.memory_space<semaphore_mem>>) src(%dma_wait3A_2236 : memref<900000x128xf32, #tpu.memory_space<hbm>>) dst(%arg7 : memref<128x128xf32, #tpu.memory_space<vmem>>)
    %add3A_2237 = arith.constant 0 : i32
    %add3A_2238 = arith.addi %mul3A_2, %add3A_2237 : i32
    %dma_start3A_2239 = arith.constant 0 : i32
    %dma_start3A_2240 = arith.constant 0 : i32
    %dma_start3A_2241 = tpu.memref_slice %arg4[%dma_start3A_2239, %add3A_2238, %dma_start3A_2240] : memref<9x16384x128xf32, #tpu.memory_space<hbm>> -> memref<1x128x128xf32, #tpu.memory_space<hbm>>
    %dma_start3A_2242 = tpu.memref_squeeze %dma_start3A_2241 : memref<1x128x128xf32, #tpu.memory_space<hbm>> -> memref<128x128xf32, #tpu.memory_space<hbm>>
    %dma_start3A_2243 = arith.constant 0 : i32
    %dma_start3A_2244 = tpu.memref_slice %arg4[%dma_start3A_2239, %add3A_2238, %dma_start3A_2243] : memref<9x16384x128xf32, #tpu.memory_space<hbm>> -> memref<1x128x128xf32, #tpu.memory_space<hbm>>
    %dma_start3A_2245 = tpu.memref_squeeze %dma_start3A_2244 : memref<1x128x128xf32, #tpu.memory_space<hbm>> -> memref<128x128xf32, #tpu.memory_space<hbm>>
    tpu.enqueue_dma source(%arg7 : memref<128x128xf32, #tpu.memory_space<vmem>>) target(%dma_start3A_2245 : memref<128x128xf32, #tpu.memory_space<hbm>>) target_semaphore(%arg19 : memref<!tpu.dma_semaphore, #tpu.memory_space<semaphore_mem>>)
    %dma_start3A_2246 = arith.constant 640 : i32
    %dma_start3A_2247 = tpu.memref_slice %arg6[%dma_start3A_2246] : memref<4608xi32, #tpu.memory_space<vmem>> -> memref<128xi32, #tpu.memory_space<vmem>>
    %dma_start3A_2248 = arith.constant 0 : i32
    %dma_start3A_2249 = arith.constant 0 : i32
    %dma_start3A_2250 = tpu.memref_slice %arg3[%dma_start3A_2248, %dma_start3A_2249] : memref<900000x128xf32, #tpu.memory_space<hbm>> -> memref<900000x128xf32, #tpu.memory_space<hbm>>
    tpu.enqueue_indirect_dma source(%dma_start3A_2250 : memref<900000x128xf32, #tpu.memory_space<hbm>>) target(%arg12 : memref<128x128xf32, #tpu.memory_space<vmem>>) offsets(%dma_start3A_2247 : memref<128xi32, #tpu.memory_space<vmem>>) semaphore(%arg18 : memref<!tpu.dma_semaphore, #tpu.memory_space<semaphore_mem>>)
    %dma_wait3A_2251 = arith.constant 128 : i32
    %dma_wait3A_2252 = tpu.memref_slice %arg6[%dma_wait3A_2251] : memref<4608xi32, #tpu.memory_space<vmem>> -> memref<128xi32, #tpu.memory_space<vmem>>
    %dma_wait3A_2253 = arith.constant 0 : i32
    %dma_wait3A_2254 = arith.constant 0 : i32
    %dma_wait3A_2255 = tpu.memref_slice %arg3[%dma_wait3A_2253, %dma_wait3A_2254] : memref<900000x128xf32, #tpu.memory_space<hbm>> -> memref<900000x128xf32, #tpu.memory_space<hbm>>
    tpu.wait_indirect_dma semaphore(%arg14 : memref<!tpu.dma_semaphore, #tpu.memory_space<semaphore_mem>>) src(%dma_wait3A_2255 : memref<900000x128xf32, #tpu.memory_space<hbm>>) dst(%arg8 : memref<128x128xf32, #tpu.memory_space<vmem>>)
    %add3A_2256 = arith.constant 128 : i32
    %add3A_2257 = arith.addi %mul3A_2, %add3A_2256 : i32
    %dma_start3A_2258 = arith.constant 0 : i32
    %dma_start3A_2259 = arith.constant 0 : i32
    %dma_start3A_2260 = tpu.memref_slice %arg4[%dma_start3A_2258, %add3A_2257, %dma_start3A_2259] : memref<9x16384x128xf32, #tpu.memory_space<hbm>> -> memref<1x128x128xf32, #tpu.memory_space<hbm>>
    %dma_start3A_2261 = tpu.memref_squeeze %dma_start3A_2260 : memref<1x128x128xf32, #tpu.memory_space<hbm>> -> memref<128x128xf32, #tpu.memory_space<hbm>>
    %dma_start3A_2262 = arith.constant 0 : i32
    %dma_start3A_2263 = tpu.memref_slice %arg4[%dma_start3A_2258, %add3A_2257, %dma_start3A_2262] : memref<9x16384x128xf32, #tpu.memory_space<hbm>> -> memref<1x128x128xf32, #tpu.memory_space<hbm>>
    %dma_start3A_2264 = tpu.memref_squeeze %dma_start3A_2263 : memref<1x128x128xf32, #tpu.memory_space<hbm>> -> memref<128x128xf32, #tpu.memory_space<hbm>>
    tpu.enqueue_dma source(%arg8 : memref<128x128xf32, #tpu.memory_space<vmem>>) target(%dma_start3A_2264 : memref<128x128xf32, #tpu.memory_space<hbm>>) target_semaphore(%arg20 : memref<!tpu.dma_semaphore, #tpu.memory_space<semaphore_mem>>)
    %dma_wait3A_2265 = arith.constant 0 : i32
    %dma_wait3A_2266 = arith.constant 0 : i32
    %dma_wait3A_2267 = tpu.memref_slice %arg4[%dma_wait3A_2265, %add3A_2238, %dma_wait3A_2266] : memref<9x16384x128xf32, #tpu.memory_space<hbm>> -> memref<1x128x128xf32, #tpu.memory_space<hbm>>
    %dma_wait3A_2268 = tpu.memref_squeeze %dma_wait3A_2267 : memref<1x128x128xf32, #tpu.memory_space<hbm>> -> memref<128x128xf32, #tpu.memory_space<hbm>>
    %dma_wait3A_2269 = arith.constant 0 : i32
    %dma_wait3A_2270 = tpu.memref_slice %arg4[%dma_wait3A_2265, %add3A_2238, %dma_wait3A_2269] : memref<9x16384x128xf32, #tpu.memory_space<hbm>> -> memref<1x128x128xf32, #tpu.memory_space<hbm>>
    %dma_wait3A_2271 = tpu.memref_squeeze %dma_wait3A_2270 : memref<1x128x128xf32, #tpu.memory_space<hbm>> -> memref<128x128xf32, #tpu.memory_space<hbm>>
    tpu.wait_dma2 semaphore(%arg19 : memref<!tpu.dma_semaphore, #tpu.memory_space<semaphore_mem>>) src(%arg7 : memref<128x128xf32, #tpu.memory_space<vmem>>) dst(%dma_wait3A_2271 : memref<128x128xf32, #tpu.memory_space<hbm>>)
    %dma_start3A_2272 = arith.constant 768 : i32
    %dma_start3A_2273 = tpu.memref_slice %arg6[%dma_start3A_2272] : memref<4608xi32, #tpu.memory_space<vmem>> -> memref<128xi32, #tpu.memory_space<vmem>>
    %dma_start3A_2274 = arith.constant 0 : i32
    %dma_start3A_2275 = arith.constant 0 : i32
    %dma_start3A_2276 = tpu.memref_slice %arg3[%dma_start3A_2274, %dma_start3A_2275] : memref<900000x128xf32, #tpu.memory_space<hbm>> -> memref<900000x128xf32, #tpu.memory_space<hbm>>
    tpu.enqueue_indirect_dma source(%dma_start3A_2276 : memref<900000x128xf32, #tpu.memory_space<hbm>>) target(%arg7 : memref<128x128xf32, #tpu.memory_space<vmem>>) offsets(%dma_start3A_2273 : memref<128xi32, #tpu.memory_space<vmem>>) semaphore(%arg13 : memref<!tpu.dma_semaphore, #tpu.memory_space<semaphore_mem>>)
    %dma_wait3A_2277 = arith.constant 256 : i32
    %dma_wait3A_2278 = tpu.memref_slice %arg6[%dma_wait3A_2277] : memref<4608xi32, #tpu.memory_space<vmem>> -> memref<128xi32, #tpu.memory_space<vmem>>
    %dma_wait3A_2279 = arith.constant 0 : i32
    %dma_wait3A_2280 = arith.constant 0 : i32
    %dma_wait3A_2281 = tpu.memref_slice %arg3[%dma_wait3A_2279, %dma_wait3A_2280] : memref<900000x128xf32, #tpu.memory_space<hbm>> -> memref<900000x128xf32, #tpu.memory_space<hbm>>
    tpu.wait_indirect_dma semaphore(%arg15 : memref<!tpu.dma_semaphore, #tpu.memory_space<semaphore_mem>>) src(%dma_wait3A_2281 : memref<900000x128xf32, #tpu.memory_space<hbm>>) dst(%arg9 : memref<128x128xf32, #tpu.memory_space<vmem>>)
    %add3A_2282 = arith.constant 256 : i32
    %add3A_2283 = arith.addi %mul3A_2, %add3A_2282 : i32
    %dma_start3A_2284 = arith.constant 0 : i32
    %dma_start3A_2285 = arith.constant 0 : i32
    %dma_start3A_2286 = tpu.memref_slice %arg4[%dma_start3A_2284, %add3A_2283, %dma_start3A_2285] : memref<9x16384x128xf32, #tpu.memory_space<hbm>> -> memref<1x128x128xf32, #tpu.memory_space<hbm>>
    %dma_start3A_2287 = tpu.memref_squeeze %dma_start3A_2286 : memref<1x128x128xf32, #tpu.memory_space<hbm>> -> memref<128x128xf32, #tpu.memory_space<hbm>>
    %dma_start3A_2288 = arith.constant 0 : i32
    %dma_start3A_2289 = tpu.memref_slice %arg4[%dma_start3A_2284, %add3A_2283, %dma_start3A_2288] : memref<9x16384x128xf32, #tpu.memory_space<hbm>> -> memref<1x128x128xf32, #tpu.memory_space<hbm>>
    %dma_start3A_2290 = tpu.memref_squeeze %dma_start3A_2289 : memref<1x128x128xf32, #tpu.memory_space<hbm>> -> memref<128x128xf32, #tpu.memory_space<hbm>>
    tpu.enqueue_dma source(%arg9 : memref<128x128xf32, #tpu.memory_space<vmem>>) target(%dma_start3A_2290 : memref<128x128xf32, #tpu.memory_space<hbm>>) target_semaphore(%arg21 : memref<!tpu.dma_semaphore, #tpu.memory_space<semaphore_mem>>)
    %dma_wait3A_2291 = arith.constant 0 : i32
    %dma_wait3A_2292 = arith.constant 0 : i32
    %dma_wait3A_2293 = tpu.memref_slice %arg4[%dma_wait3A_2291, %add3A_2257, %dma_wait3A_2292] : memref<9x16384x128xf32, #tpu.memory_space<hbm>> -> memref<1x128x128xf32, #tpu.memory_space<hbm>>
    %dma_wait3A_2294 = tpu.memref_squeeze %dma_wait3A_2293 : memref<1x128x128xf32, #tpu.memory_space<hbm>> -> memref<128x128xf32, #tpu.memory_space<hbm>>
    %dma_wait3A_2295 = arith.constant 0 : i32
    %dma_wait3A_2296 = tpu.memref_slice %arg4[%dma_wait3A_2291, %add3A_2257, %dma_wait3A_2295] : memref<9x16384x128xf32, #tpu.memory_space<hbm>> -> memref<1x128x128xf32, #tpu.memory_space<hbm>>
    %dma_wait3A_2297 = tpu.memref_squeeze %dma_wait3A_2296 : memref<1x128x128xf32, #tpu.memory_space<hbm>> -> memref<128x128xf32, #tpu.memory_space<hbm>>
    tpu.wait_dma2 semaphore(%arg20 : memref<!tpu.dma_semaphore, #tpu.memory_space<semaphore_mem>>) src(%arg8 : memref<128x128xf32, #tpu.memory_space<vmem>>) dst(%dma_wait3A_2297 : memref<128x128xf32, #tpu.memory_space<hbm>>)
    %dma_start3A_2298 = arith.constant 896 : i32
    %dma_start3A_2299 = tpu.memref_slice %arg6[%dma_start3A_2298] : memref<4608xi32, #tpu.memory_space<vmem>> -> memref<128xi32, #tpu.memory_space<vmem>>
    %dma_start3A_2300 = arith.constant 0 : i32
    %dma_start3A_2301 = arith.constant 0 : i32
    %dma_start3A_2302 = tpu.memref_slice %arg3[%dma_start3A_2300, %dma_start3A_2301] : memref<900000x128xf32, #tpu.memory_space<hbm>> -> memref<900000x128xf32, #tpu.memory_space<hbm>>
    tpu.enqueue_indirect_dma source(%dma_start3A_2302 : memref<900000x128xf32, #tpu.memory_space<hbm>>) target(%arg8 : memref<128x128xf32, #tpu.memory_space<vmem>>) offsets(%dma_start3A_2299 : memref<128xi32, #tpu.memory_space<vmem>>) semaphore(%arg14 : memref<!tpu.dma_semaphore, #tpu.memory_space<semaphore_mem>>)
    %dma_wait3A_2303 = arith.constant 384 : i32
    %dma_wait3A_2304 = tpu.memref_slice %arg6[%dma_wait3A_2303] : memref<4608xi32, #tpu.memory_space<vmem>> -> memref<128xi32, #tpu.memory_space<vmem>>
    %dma_wait3A_2305 = arith.constant 0 : i32
    %dma_wait3A_2306 = arith.constant 0 : i32
    %dma_wait3A_2307 = tpu.memref_slice %arg3[%dma_wait3A_2305, %dma_wait3A_2306] : memref<900000x128xf32, #tpu.memory_space<hbm>> -> memref<900000x128xf32, #tpu.memory_space<hbm>>
    tpu.wait_indirect_dma semaphore(%arg16 : memref<!tpu.dma_semaphore, #tpu.memory_space<semaphore_mem>>) src(%dma_wait3A_2307 : memref<900000x128xf32, #tpu.memory_space<hbm>>) dst(%arg10 : memref<128x128xf32, #tpu.memory_space<vmem>>)
    %add3A_2308 = arith.constant 384 : i32
    %add3A_2309 = arith.addi %mul3A_2, %add3A_2308 : i32
    %dma_start3A_2310 = arith.constant 0 : i32
    %dma_start3A_2311 = arith.constant 0 : i32
    %dma_start3A_2312 = tpu.memref_slice %arg4[%dma_start3A_2310, %add3A_2309, %dma_start3A_2311] : memref<9x16384x128xf32, #tpu.memory_space<hbm>> -> memref<1x128x128xf32, #tpu.memory_space<hbm>>
    %dma_start3A_2313 = tpu.memref_squeeze %dma_start3A_2312 : memref<1x128x128xf32, #tpu.memory_space<hbm>> -> memref<128x128xf32, #tpu.memory_space<hbm>>
    %dma_start3A_2314 = arith.constant 0 : i32
    %dma_start3A_2315 = tpu.memref_slice %arg4[%dma_start3A_2310, %add3A_2309, %dma_start3A_2314] : memref<9x16384x128xf32, #tpu.memory_space<hbm>> -> memref<1x128x128xf32, #tpu.memory_space<hbm>>
    %dma_start3A_2316 = tpu.memref_squeeze %dma_start3A_2315 : memref<1x128x128xf32, #tpu.memory_space<hbm>> -> memref<128x128xf32, #tpu.memory_space<hbm>>
    tpu.enqueue_dma source(%arg10 : memref<128x128xf32, #tpu.memory_space<vmem>>) target(%dma_start3A_2316 : memref<128x128xf32, #tpu.memory_space<hbm>>) target_semaphore(%arg22 : memref<!tpu.dma_semaphore, #tpu.memory_space<semaphore_mem>>)
    %dma_wait3A_2317 = arith.constant 0 : i32
    %dma_wait3A_2318 = arith.constant 0 : i32
    %dma_wait3A_2319 = tpu.memref_slice %arg4[%dma_wait3A_2317, %add3A_2283, %dma_wait3A_2318] : memref<9x16384x128xf32, #tpu.memory_space<hbm>> -> memref<1x128x128xf32, #tpu.memory_space<hbm>>
    %dma_wait3A_2320 = tpu.memref_squeeze %dma_wait3A_2319 : memref<1x128x128xf32, #tpu.memory_space<hbm>> -> memref<128x128xf32, #tpu.memory_space<hbm>>
    %dma_wait3A_2321 = arith.constant 0 : i32
    %dma_wait3A_2322 = tpu.memref_slice %arg4[%dma_wait3A_2317, %add3A_2283, %dma_wait3A_2321] : memref<9x16384x128xf32, #tpu.memory_space<hbm>> -> memref<1x128x128xf32, #tpu.memory_space<hbm>>
    %dma_wait3A_2323 = tpu.memref_squeeze %dma_wait3A_2322 : memref<1x128x128xf32, #tpu.memory_space<hbm>> -> memref<128x128xf32, #tpu.memory_space<hbm>>
    tpu.wait_dma2 semaphore(%arg21 : memref<!tpu.dma_semaphore, #tpu.memory_space<semaphore_mem>>) src(%arg9 : memref<128x128xf32, #tpu.memory_space<vmem>>) dst(%dma_wait3A_2323 : memref<128x128xf32, #tpu.memory_space<hbm>>)
    %dma_start3A_2324 = arith.constant 1024 : i32
    %dma_start3A_2325 = tpu.memref_slice %arg6[%dma_start3A_2324] : memref<4608xi32, #tpu.memory_space<vmem>> -> memref<128xi32, #tpu.memory_space<vmem>>
    %dma_start3A_2326 = arith.constant 0 : i32
    %dma_start3A_2327 = arith.constant 0 : i32
    %dma_start3A_2328 = tpu.memref_slice %arg3[%dma_start3A_2326, %dma_start3A_2327] : memref<900000x128xf32, #tpu.memory_space<hbm>> -> memref<900000x128xf32, #tpu.memory_space<hbm>>
    tpu.enqueue_indirect_dma source(%dma_start3A_2328 : memref<900000x128xf32, #tpu.memory_space<hbm>>) target(%arg9 : memref<128x128xf32, #tpu.memory_space<vmem>>) offsets(%dma_start3A_2325 : memref<128xi32, #tpu.memory_space<vmem>>) semaphore(%arg15 : memref<!tpu.dma_semaphore, #tpu.memory_space<semaphore_mem>>)
    %dma_wait3A_2329 = arith.constant 512 : i32
    %dma_wait3A_2330 = tpu.memref_slice %arg6[%dma_wait3A_2329] : memref<4608xi32, #tpu.memory_space<vmem>> -> memref<128xi32, #tpu.memory_space<vmem>>
    %dma_wait3A_2331 = arith.constant 0 : i32
    %dma_wait3A_2332 = arith.constant 0 : i32
    %dma_wait3A_2333 = tpu.memref_slice %arg3[%dma_wait3A_2331, %dma_wait3A_2332] : memref<900000x128xf32, #tpu.memory_space<hbm>> -> memref<900000x128xf32, #tpu.memory_space<hbm>>
    tpu.wait_indirect_dma semaphore(%arg17 : memref<!tpu.dma_semaphore, #tpu.memory_space<semaphore_mem>>) src(%dma_wait3A_2333 : memref<900000x128xf32, #tpu.memory_space<hbm>>) dst(%arg11 : memref<128x128xf32, #tpu.memory_space<vmem>>)
    %add3A_2334 = arith.constant 0 : i32
    %add3A_2335 = arith.addi %mul3A_2, %add3A_2334 : i32
    %dma_start3A_2336 = arith.constant 1 : i32
    %dma_start3A_2337 = arith.constant 0 : i32
    %dma_start3A_2338 = tpu.memref_slice %arg4[%dma_start3A_2336, %add3A_2335, %dma_start3A_2337] : memref<9x16384x128xf32, #tpu.memory_space<hbm>> -> memref<1x128x128xf32, #tpu.memory_space<hbm>>
    %dma_start3A_2339 = tpu.memref_squeeze %dma_start3A_2338 : memref<1x128x128xf32, #tpu.memory_space<hbm>> -> memref<128x128xf32, #tpu.memory_space<hbm>>
    %dma_start3A_2340 = arith.constant 0 : i32
    %dma_start3A_2341 = tpu.memref_slice %arg4[%dma_start3A_2336, %add3A_2335, %dma_start3A_2340] : memref<9x16384x128xf32, #tpu.memory_space<hbm>> -> memref<1x128x128xf32, #tpu.memory_space<hbm>>
    %dma_start3A_2342 = tpu.memref_squeeze %dma_start3A_2341 : memref<1x128x128xf32, #tpu.memory_space<hbm>> -> memref<128x128xf32, #tpu.memory_space<hbm>>
    tpu.enqueue_dma source(%arg11 : memref<128x128xf32, #tpu.memory_space<vmem>>) target(%dma_start3A_2342 : memref<128x128xf32, #tpu.memory_space<hbm>>) target_semaphore(%arg23 : memref<!tpu.dma_semaphore, #tpu.memory_space<semaphore_mem>>)
    %dma_wait3A_2343 = arith.constant 0 : i32
    %dma_wait3A_2344 = arith.constant 0 : i32
    %dma_wait3A_2345 = tpu.memref_slice %arg4[%dma_wait3A_2343, %add3A_2309, %dma_wait3A_2344] : memref<9x16384x128xf32, #tpu.memory_space<hbm>> -> memref<1x128x128xf32, #tpu.memory_space<hbm>>
    %dma_wait3A_2346 = tpu.memref_squeeze %dma_wait3A_2345 : memref<1x128x128xf32, #tpu.memory_space<hbm>> -> memref<128x128xf32, #tpu.memory_space<hbm>>
    %dma_wait3A_2347 = arith.constant 0 : i32
    %dma_wait3A_2348 = tpu.memref_slice %arg4[%dma_wait3A_2343, %add3A_2309, %dma_wait3A_2347] : memref<9x16384x128xf32, #tpu.memory_space<hbm>> -> memref<1x128x128xf32, #tpu.memory_space<hbm>>
    %dma_wait3A_2349 = tpu.memref_squeeze %dma_wait3A_2348 : memref<1x128x128xf32, #tpu.memory_space<hbm>> -> memref<128x128xf32, #tpu.memory_space<hbm>>
    tpu.wait_dma2 semaphore(%arg22 : memref<!tpu.dma_semaphore, #tpu.memory_space<semaphore_mem>>) src(%arg10 : memref<128x128xf32, #tpu.memory_space<vmem>>) dst(%dma_wait3A_2349 : memref<128x128xf32, #tpu.memory_space<hbm>>)
    %dma_start3A_2350 = arith.constant 1152 : i32
    %dma_start3A_2351 = tpu.memref_slice %arg6[%dma_start3A_2350] : memref<4608xi32, #tpu.memory_space<vmem>> -> memref<128xi32, #tpu.memory_space<vmem>>
    %dma_start3A_2352 = arith.constant 0 : i32
    %dma_start3A_2353 = arith.constant 0 : i32
    %dma_start3A_2354 = tpu.memref_slice %arg3[%dma_start3A_2352, %dma_start3A_2353] : memref<900000x128xf32, #tpu.memory_space<hbm>> -> memref<900000x128xf32, #tpu.memory_space<hbm>>
    tpu.enqueue_indirect_dma source(%dma_start3A_2354 : memref<900000x128xf32, #tpu.memory_space<hbm>>) target(%arg10 : memref<128x128xf32, #tpu.memory_space<vmem>>) offsets(%dma_start3A_2351 : memref<128xi32, #tpu.memory_space<vmem>>) semaphore(%arg16 : memref<!tpu.dma_semaphore, #tpu.memory_space<semaphore_mem>>)
    %dma_wait3A_2355 = arith.constant 640 : i32
    %dma_wait3A_2356 = tpu.memref_slice %arg6[%dma_wait3A_2355] : memref<4608xi32, #tpu.memory_space<vmem>> -> memref<128xi32, #tpu.memory_space<vmem>>
    %dma_wait3A_2357 = arith.constant 0 : i32
    %dma_wait3A_2358 = arith.constant 0 : i32
    %dma_wait3A_2359 = tpu.memref_slice %arg3[%dma_wait3A_2357, %dma_wait3A_2358] : memref<900000x128xf32, #tpu.memory_space<hbm>> -> memref<900000x128xf32, #tpu.memory_space<hbm>>
    tpu.wait_indirect_dma semaphore(%arg18 : memref<!tpu.dma_semaphore, #tpu.memory_space<semaphore_mem>>) src(%dma_wait3A_2359 : memref<900000x128xf32, #tpu.memory_space<hbm>>) dst(%arg12 : memref<128x128xf32, #tpu.memory_space<vmem>>)
    %add3A_2360 = arith.constant 128 : i32
    %add3A_2361 = arith.addi %mul3A_2, %add3A_2360 : i32
    %dma_start3A_2362 = arith.constant 1 : i32
    %dma_start3A_2363 = arith.constant 0 : i32
    %dma_start3A_2364 = tpu.memref_slice %arg4[%dma_start3A_2362, %add3A_2361, %dma_start3A_2363] : memref<9x16384x128xf32, #tpu.memory_space<hbm>> -> memref<1x128x128xf32, #tpu.memory_space<hbm>>
    %dma_start3A_2365 = tpu.memref_squeeze %dma_start3A_2364 : memref<1x128x128xf32, #tpu.memory_space<hbm>> -> memref<128x128xf32, #tpu.memory_space<hbm>>
    %dma_start3A_2366 = arith.constant 0 : i32
    %dma_start3A_2367 = tpu.memref_slice %arg4[%dma_start3A_2362, %add3A_2361, %dma_start3A_2366] : memref<9x16384x128xf32, #tpu.memory_space<hbm>> -> memref<1x128x128xf32, #tpu.memory_space<hbm>>
    %dma_start3A_2368 = tpu.memref_squeeze %dma_start3A_2367 : memref<1x128x128xf32, #tpu.memory_space<hbm>> -> memref<128x128xf32, #tpu.memory_space<hbm>>
    tpu.enqueue_dma source(%arg12 : memref<128x128xf32, #tpu.memory_space<vmem>>) target(%dma_start3A_2368 : memref<128x128xf32, #tpu.memory_space<hbm>>) target_semaphore(%arg24 : memref<!tpu.dma_semaphore, #tpu.memory_space<semaphore_mem>>)
    %dma_wait3A_2369 = arith.constant 1 : i32
    %dma_wait3A_2370 = arith.constant 0 : i32
    %dma_wait3A_2371 = tpu.memref_slice %arg4[%dma_wait3A_2369, %add3A_2335, %dma_wait3A_2370] : memref<9x16384x128xf32, #tpu.memory_space<hbm>> -> memref<1x128x128xf32, #tpu.memory_space<hbm>>
    %dma_wait3A_2372 = tpu.memref_squeeze %dma_wait3A_2371 : memref<1x128x128xf32, #tpu.memory_space<hbm>> -> memref<128x128xf32, #tpu.memory_space<hbm>>
    %dma_wait3A_2373 = arith.constant 0 : i32
    %dma_wait3A_2374 = tpu.memref_slice %arg4[%dma_wait3A_2369, %add3A_2335, %dma_wait3A_2373] : memref<9x16384x128xf32, #tpu.memory_space<hbm>> -> memref<1x128x128xf32, #tpu.memory_space<hbm>>
    %dma_wait3A_2375 = tpu.memref_squeeze %dma_wait3A_2374 : memref<1x128x128xf32, #tpu.memory_space<hbm>> -> memref<128x128xf32, #tpu.memory_space<hbm>>
    tpu.wait_dma2 semaphore(%arg23 : memref<!tpu.dma_semaphore, #tpu.memory_space<semaphore_mem>>) src(%arg11 : memref<128x128xf32, #tpu.memory_space<vmem>>) dst(%dma_wait3A_2375 : memref<128x128xf32, #tpu.memory_space<hbm>>)
    %dma_start3A_2376 = arith.constant 1280 : i32
    %dma_start3A_2377 = tpu.memref_slice %arg6[%dma_start3A_2376] : memref<4608xi32, #tpu.memory_space<vmem>> -> memref<128xi32, #tpu.memory_space<vmem>>
    %dma_start3A_2378 = arith.constant 0 : i32
    %dma_start3A_2379 = arith.constant 0 : i32
    %dma_start3A_2380 = tpu.memref_slice %arg3[%dma_start3A_2378, %dma_start3A_2379] : memref<900000x128xf32, #tpu.memory_space<hbm>> -> memref<900000x128xf32, #tpu.memory_space<hbm>>
    tpu.enqueue_indirect_dma source(%dma_start3A_2380 : memref<900000x128xf32, #tpu.memory_space<hbm>>) target(%arg11 : memref<128x128xf32, #tpu.memory_space<vmem>>) offsets(%dma_start3A_2377 : memref<128xi32, #tpu.memory_space<vmem>>) semaphore(%arg17 : memref<!tpu.dma_semaphore, #tpu.memory_space<semaphore_mem>>)
    %dma_wait3A_2381 = arith.constant 768 : i32
    %dma_wait3A_2382 = tpu.memref_slice %arg6[%dma_wait3A_2381] : memref<4608xi32, #tpu.memory_space<vmem>> -> memref<128xi32, #tpu.memory_space<vmem>>
    %dma_wait3A_2383 = arith.constant 0 : i32
    %dma_wait3A_2384 = arith.constant 0 : i32
    %dma_wait3A_2385 = tpu.memref_slice %arg3[%dma_wait3A_2383, %dma_wait3A_2384] : memref<900000x128xf32, #tpu.memory_space<hbm>> -> memref<900000x128xf32, #tpu.memory_space<hbm>>
    tpu.wait_indirect_dma semaphore(%arg13 : memref<!tpu.dma_semaphore, #tpu.memory_space<semaphore_mem>>) src(%dma_wait3A_2385 : memref<900000x128xf32, #tpu.memory_space<hbm>>) dst(%arg7 : memref<128x128xf32, #tpu.memory_space<vmem>>)
    %add3A_2386 = arith.constant 256 : i32
    %add3A_2387 = arith.addi %mul3A_2, %add3A_2386 : i32
    %dma_start3A_2388 = arith.constant 1 : i32
    %dma_start3A_2389 = arith.constant 0 : i32
    %dma_start3A_2390 = tpu.memref_slice %arg4[%dma_start3A_2388, %add3A_2387, %dma_start3A_2389] : memref<9x16384x128xf32, #tpu.memory_space<hbm>> -> memref<1x128x128xf32, #tpu.memory_space<hbm>>
    %dma_start3A_2391 = tpu.memref_squeeze %dma_start3A_2390 : memref<1x128x128xf32, #tpu.memory_space<hbm>> -> memref<128x128xf32, #tpu.memory_space<hbm>>
    %dma_start3A_2392 = arith.constant 0 : i32
    %dma_start3A_2393 = tpu.memref_slice %arg4[%dma_start3A_2388, %add3A_2387, %dma_start3A_2392] : memref<9x16384x128xf32, #tpu.memory_space<hbm>> -> memref<1x128x128xf32, #tpu.memory_space<hbm>>
    %dma_start3A_2394 = tpu.memref_squeeze %dma_start3A_2393 : memref<1x128x128xf32, #tpu.memory_space<hbm>> -> memref<128x128xf32, #tpu.memory_space<hbm>>
    tpu.enqueue_dma source(%arg7 : memref<128x128xf32, #tpu.memory_space<vmem>>) target(%dma_start3A_2394 : memref<128x128xf32, #tpu.memory_space<hbm>>) target_semaphore(%arg19 : memref<!tpu.dma_semaphore, #tpu.memory_space<semaphore_mem>>)
    %dma_wait3A_2395 = arith.constant 1 : i32
    %dma_wait3A_2396 = arith.constant 0 : i32
    %dma_wait3A_2397 = tpu.memref_slice %arg4[%dma_wait3A_2395, %add3A_2361, %dma_wait3A_2396] : memref<9x16384x128xf32, #tpu.memory_space<hbm>> -> memref<1x128x128xf32, #tpu.memory_space<hbm>>
    %dma_wait3A_2398 = tpu.memref_squeeze %dma_wait3A_2397 : memref<1x128x128xf32, #tpu.memory_space<hbm>> -> memref<128x128xf32, #tpu.memory_space<hbm>>
    %dma_wait3A_2399 = arith.constant 0 : i32
    %dma_wait3A_2400 = tpu.memref_slice %arg4[%dma_wait3A_2395, %add3A_2361, %dma_wait3A_2399] : memref<9x16384x128xf32, #tpu.memory_space<hbm>> -> memref<1x128x128xf32, #tpu.memory_space<hbm>>
    %dma_wait3A_2401 = tpu.memref_squeeze %dma_wait3A_2400 : memref<1x128x128xf32, #tpu.memory_space<hbm>> -> memref<128x128xf32, #tpu.memory_space<hbm>>
    tpu.wait_dma2 semaphore(%arg24 : memref<!tpu.dma_semaphore, #tpu.memory_space<semaphore_mem>>) src(%arg12 : memref<128x128xf32, #tpu.memory_space<vmem>>) dst(%dma_wait3A_2401 : memref<128x128xf32, #tpu.memory_space<hbm>>)
    %dma_start3A_2402 = arith.constant 1408 : i32
    %dma_start3A_2403 = tpu.memref_slice %arg6[%dma_start3A_2402] : memref<4608xi32, #tpu.memory_space<vmem>> -> memref<128xi32, #tpu.memory_space<vmem>>
    %dma_start3A_2404 = arith.constant 0 : i32
    %dma_start3A_2405 = arith.constant 0 : i32
    %dma_start3A_2406 = tpu.memref_slice %arg3[%dma_start3A_2404, %dma_start3A_2405] : memref<900000x128xf32, #tpu.memory_space<hbm>> -> memref<900000x128xf32, #tpu.memory_space<hbm>>
    tpu.enqueue_indirect_dma source(%dma_start3A_2406 : memref<900000x128xf32, #tpu.memory_space<hbm>>) target(%arg12 : memref<128x128xf32, #tpu.memory_space<vmem>>) offsets(%dma_start3A_2403 : memref<128xi32, #tpu.memory_space<vmem>>) semaphore(%arg18 : memref<!tpu.dma_semaphore, #tpu.memory_space<semaphore_mem>>)
    %dma_wait3A_2407 = arith.constant 896 : i32
    %dma_wait3A_2408 = tpu.memref_slice %arg6[%dma_wait3A_2407] : memref<4608xi32, #tpu.memory_space<vmem>> -> memref<128xi32, #tpu.memory_space<vmem>>
    %dma_wait3A_2409 = arith.constant 0 : i32
    %dma_wait3A_2410 = arith.constant 0 : i32
    %dma_wait3A_2411 = tpu.memref_slice %arg3[%dma_wait3A_2409, %dma_wait3A_2410] : memref<900000x128xf32, #tpu.memory_space<hbm>> -> memref<900000x128xf32, #tpu.memory_space<hbm>>
    tpu.wait_indirect_dma semaphore(%arg14 : memref<!tpu.dma_semaphore, #tpu.memory_space<semaphore_mem>>) src(%dma_wait3A_2411 : memref<900000x128xf32, #tpu.memory_space<hbm>>) dst(%arg8 : memref<128x128xf32, #tpu.memory_space<vmem>>)
    %add3A_2412 = arith.constant 384 : i32
    %add3A_2413 = arith.addi %mul3A_2, %add3A_2412 : i32
    %dma_start3A_2414 = arith.constant 1 : i32
    %dma_start3A_2415 = arith.constant 0 : i32
    %dma_start3A_2416 = tpu.memref_slice %arg4[%dma_start3A_2414, %add3A_2413, %dma_start3A_2415] : memref<9x16384x128xf32, #tpu.memory_space<hbm>> -> memref<1x128x128xf32, #tpu.memory_space<hbm>>
    %dma_start3A_2417 = tpu.memref_squeeze %dma_start3A_2416 : memref<1x128x128xf32, #tpu.memory_space<hbm>> -> memref<128x128xf32, #tpu.memory_space<hbm>>
    %dma_start3A_2418 = arith.constant 0 : i32
    %dma_start3A_2419 = tpu.memref_slice %arg4[%dma_start3A_2414, %add3A_2413, %dma_start3A_2418] : memref<9x16384x128xf32, #tpu.memory_space<hbm>> -> memref<1x128x128xf32, #tpu.memory_space<hbm>>
    %dma_start3A_2420 = tpu.memref_squeeze %dma_start3A_2419 : memref<1x128x128xf32, #tpu.memory_space<hbm>> -> memref<128x128xf32, #tpu.memory_space<hbm>>
    tpu.enqueue_dma source(%arg8 : memref<128x128xf32, #tpu.memory_space<vmem>>) target(%dma_start3A_2420 : memref<128x128xf32, #tpu.memory_space<hbm>>) target_semaphore(%arg20 : memref<!tpu.dma_semaphore, #tpu.memory_space<semaphore_mem>>)
    %dma_wait3A_2421 = arith.constant 1 : i32
    %dma_wait3A_2422 = arith.constant 0 : i32
    %dma_wait3A_2423 = tpu.memref_slice %arg4[%dma_wait3A_2421, %add3A_2387, %dma_wait3A_2422] : memref<9x16384x128xf32, #tpu.memory_space<hbm>> -> memref<1x128x128xf32, #tpu.memory_space<hbm>>
    %dma_wait3A_2424 = tpu.memref_squeeze %dma_wait3A_2423 : memref<1x128x128xf32, #tpu.memory_space<hbm>> -> memref<128x128xf32, #tpu.memory_space<hbm>>
    %dma_wait3A_2425 = arith.constant 0 : i32
    %dma_wait3A_2426 = tpu.memref_slice %arg4[%dma_wait3A_2421, %add3A_2387, %dma_wait3A_2425] : memref<9x16384x128xf32, #tpu.memory_space<hbm>> -> memref<1x128x128xf32, #tpu.memory_space<hbm>>
    %dma_wait3A_2427 = tpu.memref_squeeze %dma_wait3A_2426 : memref<1x128x128xf32, #tpu.memory_space<hbm>> -> memref<128x128xf32, #tpu.memory_space<hbm>>
    tpu.wait_dma2 semaphore(%arg19 : memref<!tpu.dma_semaphore, #tpu.memory_space<semaphore_mem>>) src(%arg7 : memref<128x128xf32, #tpu.memory_space<vmem>>) dst(%dma_wait3A_2427 : memref<128x128xf32, #tpu.memory_space<hbm>>)
    %dma_start3A_2428 = arith.constant 1536 : i32
    %dma_start3A_2429 = tpu.memref_slice %arg6[%dma_start3A_2428] : memref<4608xi32, #tpu.memory_space<vmem>> -> memref<128xi32, #tpu.memory_space<vmem>>
    %dma_start3A_2430 = arith.constant 0 : i32
    %dma_start3A_2431 = arith.constant 0 : i32
    %dma_start3A_2432 = tpu.memref_slice %arg3[%dma_start3A_2430, %dma_start3A_2431] : memref<900000x128xf32, #tpu.memory_space<hbm>> -> memref<900000x128xf32, #tpu.memory_space<hbm>>
    tpu.enqueue_indirect_dma source(%dma_start3A_2432 : memref<900000x128xf32, #tpu.memory_space<hbm>>) target(%arg7 : memref<128x128xf32, #tpu.memory_space<vmem>>) offsets(%dma_start3A_2429 : memref<128xi32, #tpu.memory_space<vmem>>) semaphore(%arg13 : memref<!tpu.dma_semaphore, #tpu.memory_space<semaphore_mem>>)
    %dma_wait3A_2433 = arith.constant 1024 : i32
    %dma_wait3A_2434 = tpu.memref_slice %arg6[%dma_wait3A_2433] : memref<4608xi32, #tpu.memory_space<vmem>> -> memref<128xi32, #tpu.memory_space<vmem>>
    %dma_wait3A_2435 = arith.constant 0 : i32
    %dma_wait3A_2436 = arith.constant 0 : i32
    %dma_wait3A_2437 = tpu.memref_slice %arg3[%dma_wait3A_2435, %dma_wait3A_2436] : memref<900000x128xf32, #tpu.memory_space<hbm>> -> memref<900000x128xf32, #tpu.memory_space<hbm>>
    tpu.wait_indirect_dma semaphore(%arg15 : memref<!tpu.dma_semaphore, #tpu.memory_space<semaphore_mem>>) src(%dma_wait3A_2437 : memref<900000x128xf32, #tpu.memory_space<hbm>>) dst(%arg9 : memref<128x128xf32, #tpu.memory_space<vmem>>)
    %add3A_2438 = arith.constant 0 : i32
    %add3A_2439 = arith.addi %mul3A_2, %add3A_2438 : i32
    %dma_start3A_2440 = arith.constant 2 : i32
    %dma_start3A_2441 = arith.constant 0 : i32
    %dma_start3A_2442 = tpu.memref_slice %arg4[%dma_start3A_2440, %add3A_2439, %dma_start3A_2441] : memref<9x16384x128xf32, #tpu.memory_space<hbm>> -> memref<1x128x128xf32, #tpu.memory_space<hbm>>
    %dma_start3A_2443 = tpu.memref_squeeze %dma_start3A_2442 : memref<1x128x128xf32, #tpu.memory_space<hbm>> -> memref<128x128xf32, #tpu.memory_space<hbm>>
    %dma_start3A_2444 = arith.constant 0 : i32
    %dma_start3A_2445 = tpu.memref_slice %arg4[%dma_start3A_2440, %add3A_2439, %dma_start3A_2444] : memref<9x16384x128xf32, #tpu.memory_space<hbm>> -> memref<1x128x128xf32, #tpu.memory_space<hbm>>
    %dma_start3A_2446 = tpu.memref_squeeze %dma_start3A_2445 : memref<1x128x128xf32, #tpu.memory_space<hbm>> -> memref<128x128xf32, #tpu.memory_space<hbm>>
    tpu.enqueue_dma source(%arg9 : memref<128x128xf32, #tpu.memory_space<vmem>>) target(%dma_start3A_2446 : memref<128x128xf32, #tpu.memory_space<hbm>>) target_semaphore(%arg21 : memref<!tpu.dma_semaphore, #tpu.memory_space<semaphore_mem>>)
    %dma_wait3A_2447 = arith.constant 1 : i32
    %dma_wait3A_2448 = arith.constant 0 : i32
    %dma_wait3A_2449 = tpu.memref_slice %arg4[%dma_wait3A_2447, %add3A_2413, %dma_wait3A_2448] : memref<9x16384x128xf32, #tpu.memory_space<hbm>> -> memref<1x128x128xf32, #tpu.memory_space<hbm>>
    %dma_wait3A_2450 = tpu.memref_squeeze %dma_wait3A_2449 : memref<1x128x128xf32, #tpu.memory_space<hbm>> -> memref<128x128xf32, #tpu.memory_space<hbm>>
    %dma_wait3A_2451 = arith.constant 0 : i32
    %dma_wait3A_2452 = tpu.memref_slice %arg4[%dma_wait3A_2447, %add3A_2413, %dma_wait3A_2451] : memref<9x16384x128xf32, #tpu.memory_space<hbm>> -> memref<1x128x128xf32, #tpu.memory_space<hbm>>
    %dma_wait3A_2453 = tpu.memref_squeeze %dma_wait3A_2452 : memref<1x128x128xf32, #tpu.memory_space<hbm>> -> memref<128x128xf32, #tpu.memory_space<hbm>>
    tpu.wait_dma2 semaphore(%arg20 : memref<!tpu.dma_semaphore, #tpu.memory_space<semaphore_mem>>) src(%arg8 : memref<128x128xf32, #tpu.memory_space<vmem>>) dst(%dma_wait3A_2453 : memref<128x128xf32, #tpu.memory_space<hbm>>)
    %dma_start3A_2454 = arith.constant 1664 : i32
    %dma_start3A_2455 = tpu.memref_slice %arg6[%dma_start3A_2454] : memref<4608xi32, #tpu.memory_space<vmem>> -> memref<128xi32, #tpu.memory_space<vmem>>
    %dma_start3A_2456 = arith.constant 0 : i32
    %dma_start3A_2457 = arith.constant 0 : i32
    %dma_start3A_2458 = tpu.memref_slice %arg3[%dma_start3A_2456, %dma_start3A_2457] : memref<900000x128xf32, #tpu.memory_space<hbm>> -> memref<900000x128xf32, #tpu.memory_space<hbm>>
    tpu.enqueue_indirect_dma source(%dma_start3A_2458 : memref<900000x128xf32, #tpu.memory_space<hbm>>) target(%arg8 : memref<128x128xf32, #tpu.memory_space<vmem>>) offsets(%dma_start3A_2455 : memref<128xi32, #tpu.memory_space<vmem>>) semaphore(%arg14 : memref<!tpu.dma_semaphore, #tpu.memory_space<semaphore_mem>>)
    %dma_wait3A_2459 = arith.constant 1152 : i32
    %dma_wait3A_2460 = tpu.memref_slice %arg6[%dma_wait3A_2459] : memref<4608xi32, #tpu.memory_space<vmem>> -> memref<128xi32, #tpu.memory_space<vmem>>
    %dma_wait3A_2461 = arith.constant 0 : i32
    %dma_wait3A_2462 = arith.constant 0 : i32
    %dma_wait3A_2463 = tpu.memref_slice %arg3[%dma_wait3A_2461, %dma_wait3A_2462] : memref<900000x128xf32, #tpu.memory_space<hbm>> -> memref<900000x128xf32, #tpu.memory_space<hbm>>
    tpu.wait_indirect_dma semaphore(%arg16 : memref<!tpu.dma_semaphore, #tpu.memory_space<semaphore_mem>>) src(%dma_wait3A_2463 : memref<900000x128xf32, #tpu.memory_space<hbm>>) dst(%arg10 : memref<128x128xf32, #tpu.memory_space<vmem>>)
    %add3A_2464 = arith.constant 128 : i32
    %add3A_2465 = arith.addi %mul3A_2, %add3A_2464 : i32
    %dma_start3A_2466 = arith.constant 2 : i32
    %dma_start3A_2467 = arith.constant 0 : i32
    %dma_start3A_2468 = tpu.memref_slice %arg4[%dma_start3A_2466, %add3A_2465, %dma_start3A_2467] : memref<9x16384x128xf32, #tpu.memory_space<hbm>> -> memref<1x128x128xf32, #tpu.memory_space<hbm>>
    %dma_start3A_2469 = tpu.memref_squeeze %dma_start3A_2468 : memref<1x128x128xf32, #tpu.memory_space<hbm>> -> memref<128x128xf32, #tpu.memory_space<hbm>>
    %dma_start3A_2470 = arith.constant 0 : i32
    %dma_start3A_2471 = tpu.memref_slice %arg4[%dma_start3A_2466, %add3A_2465, %dma_start3A_2470] : memref<9x16384x128xf32, #tpu.memory_space<hbm>> -> memref<1x128x128xf32, #tpu.memory_space<hbm>>
    %dma_start3A_2472 = tpu.memref_squeeze %dma_start3A_2471 : memref<1x128x128xf32, #tpu.memory_space<hbm>> -> memref<128x128xf32, #tpu.memory_space<hbm>>
    tpu.enqueue_dma source(%arg10 : memref<128x128xf32, #tpu.memory_space<vmem>>) target(%dma_start3A_2472 : memref<128x128xf32, #tpu.memory_space<hbm>>) target_semaphore(%arg22 : memref<!tpu.dma_semaphore, #tpu.memory_space<semaphore_mem>>)
    %dma_wait3A_2473 = arith.constant 2 : i32
    %dma_wait3A_2474 = arith.constant 0 : i32
    %dma_wait3A_2475 = tpu.memref_slice %arg4[%dma_wait3A_2473, %add3A_2439, %dma_wait3A_2474] : memref<9x16384x128xf32, #tpu.memory_space<hbm>> -> memref<1x128x128xf32, #tpu.memory_space<hbm>>
    %dma_wait3A_2476 = tpu.memref_squeeze %dma_wait3A_2475 : memref<1x128x128xf32, #tpu.memory_space<hbm>> -> memref<128x128xf32, #tpu.memory_space<hbm>>
    %dma_wait3A_2477 = arith.constant 0 : i32
    %dma_wait3A_2478 = tpu.memref_slice %arg4[%dma_wait3A_2473, %add3A_2439, %dma_wait3A_2477] : memref<9x16384x128xf32, #tpu.memory_space<hbm>> -> memref<1x128x128xf32, #tpu.memory_space<hbm>>
    %dma_wait3A_2479 = tpu.memref_squeeze %dma_wait3A_2478 : memref<1x128x128xf32, #tpu.memory_space<hbm>> -> memref<128x128xf32, #tpu.memory_space<hbm>>
    tpu.wait_dma2 semaphore(%arg21 : memref<!tpu.dma_semaphore, #tpu.memory_space<semaphore_mem>>) src(%arg9 : memref<128x128xf32, #tpu.memory_space<vmem>>) dst(%dma_wait3A_2479 : memref<128x128xf32, #tpu.memory_space<hbm>>)
    %dma_start3A_2480 = arith.constant 1792 : i32
    %dma_start3A_2481 = tpu.memref_slice %arg6[%dma_start3A_2480] : memref<4608xi32, #tpu.memory_space<vmem>> -> memref<128xi32, #tpu.memory_space<vmem>>
    %dma_start3A_2482 = arith.constant 0 : i32
    %dma_start3A_2483 = arith.constant 0 : i32
    %dma_start3A_2484 = tpu.memref_slice %arg3[%dma_start3A_2482, %dma_start3A_2483] : memref<900000x128xf32, #tpu.memory_space<hbm>> -> memref<900000x128xf32, #tpu.memory_space<hbm>>
    tpu.enqueue_indirect_dma source(%dma_start3A_2484 : memref<900000x128xf32, #tpu.memory_space<hbm>>) target(%arg9 : memref<128x128xf32, #tpu.memory_space<vmem>>) offsets(%dma_start3A_2481 : memref<128xi32, #tpu.memory_space<vmem>>) semaphore(%arg15 : memref<!tpu.dma_semaphore, #tpu.memory_space<semaphore_mem>>)
    %dma_wait3A_2485 = arith.constant 1280 : i32
    %dma_wait3A_2486 = tpu.memref_slice %arg6[%dma_wait3A_2485] : memref<4608xi32, #tpu.memory_space<vmem>> -> memref<128xi32, #tpu.memory_space<vmem>>
    %dma_wait3A_2487 = arith.constant 0 : i32
    %dma_wait3A_2488 = arith.constant 0 : i32
    %dma_wait3A_2489 = tpu.memref_slice %arg3[%dma_wait3A_2487, %dma_wait3A_2488] : memref<900000x128xf32, #tpu.memory_space<hbm>> -> memref<900000x128xf32, #tpu.memory_space<hbm>>
    tpu.wait_indirect_dma semaphore(%arg17 : memref<!tpu.dma_semaphore, #tpu.memory_space<semaphore_mem>>) src(%dma_wait3A_2489 : memref<900000x128xf32, #tpu.memory_space<hbm>>) dst(%arg11 : memref<128x128xf32, #tpu.memory_space<vmem>>)
    %add3A_2490 = arith.constant 256 : i32
    %add3A_2491 = arith.addi %mul3A_2, %add3A_2490 : i32
    %dma_start3A_2492 = arith.constant 2 : i32
    %dma_start3A_2493 = arith.constant 0 : i32
    %dma_start3A_2494 = tpu.memref_slice %arg4[%dma_start3A_2492, %add3A_2491, %dma_start3A_2493] : memref<9x16384x128xf32, #tpu.memory_space<hbm>> -> memref<1x128x128xf32, #tpu.memory_space<hbm>>
    %dma_start3A_2495 = tpu.memref_squeeze %dma_start3A_2494 : memref<1x128x128xf32, #tpu.memory_space<hbm>> -> memref<128x128xf32, #tpu.memory_space<hbm>>
    %dma_start3A_2496 = arith.constant 0 : i32
    %dma_start3A_2497 = tpu.memref_slice %arg4[%dma_start3A_2492, %add3A_2491, %dma_start3A_2496] : memref<9x16384x128xf32, #tpu.memory_space<hbm>> -> memref<1x128x128xf32, #tpu.memory_space<hbm>>
    %dma_start3A_2498 = tpu.memref_squeeze %dma_start3A_2497 : memref<1x128x128xf32, #tpu.memory_space<hbm>> -> memref<128x128xf32, #tpu.memory_space<hbm>>
    tpu.enqueue_dma source(%arg11 : memref<128x128xf32, #tpu.memory_space<vmem>>) target(%dma_start3A_2498 : memref<128x128xf32, #tpu.memory_space<hbm>>) target_semaphore(%arg23 : memref<!tpu.dma_semaphore, #tpu.memory_space<semaphore_mem>>)
    %dma_wait3A_2499 = arith.constant 2 : i32
    %dma_wait3A_2500 = arith.constant 0 : i32
    %dma_wait3A_2501 = tpu.memref_slice %arg4[%dma_wait3A_2499, %add3A_2465, %dma_wait3A_2500] : memref<9x16384x128xf32, #tpu.memory_space<hbm>> -> memref<1x128x128xf32, #tpu.memory_space<hbm>>
    %dma_wait3A_2502 = tpu.memref_squeeze %dma_wait3A_2501 : memref<1x128x128xf32, #tpu.memory_space<hbm>> -> memref<128x128xf32, #tpu.memory_space<hbm>>
    %dma_wait3A_2503 = arith.constant 0 : i32
    %dma_wait3A_2504 = tpu.memref_slice %arg4[%dma_wait3A_2499, %add3A_2465, %dma_wait3A_2503] : memref<9x16384x128xf32, #tpu.memory_space<hbm>> -> memref<1x128x128xf32, #tpu.memory_space<hbm>>
    %dma_wait3A_2505 = tpu.memref_squeeze %dma_wait3A_2504 : memref<1x128x128xf32, #tpu.memory_space<hbm>> -> memref<128x128xf32, #tpu.memory_space<hbm>>
    tpu.wait_dma2 semaphore(%arg22 : memref<!tpu.dma_semaphore, #tpu.memory_space<semaphore_mem>>) src(%arg10 : memref<128x128xf32, #tpu.memory_space<vmem>>) dst(%dma_wait3A_2505 : memref<128x128xf32, #tpu.memory_space<hbm>>)
    %dma_start3A_2506 = arith.constant 1920 : i32
    %dma_start3A_2507 = tpu.memref_slice %arg6[%dma_start3A_2506] : memref<4608xi32, #tpu.memory_space<vmem>> -> memref<128xi32, #tpu.memory_space<vmem>>
    %dma_start3A_2508 = arith.constant 0 : i32
    %dma_start3A_2509 = arith.constant 0 : i32
    %dma_start3A_2510 = tpu.memref_slice %arg3[%dma_start3A_2508, %dma_start3A_2509] : memref<900000x128xf32, #tpu.memory_space<hbm>> -> memref<900000x128xf32, #tpu.memory_space<hbm>>
    tpu.enqueue_indirect_dma source(%dma_start3A_2510 : memref<900000x128xf32, #tpu.memory_space<hbm>>) target(%arg10 : memref<128x128xf32, #tpu.memory_space<vmem>>) offsets(%dma_start3A_2507 : memref<128xi32, #tpu.memory_space<vmem>>) semaphore(%arg16 : memref<!tpu.dma_semaphore, #tpu.memory_space<semaphore_mem>>)
    %dma_wait3A_2511 = arith.constant 1408 : i32
    %dma_wait3A_2512 = tpu.memref_slice %arg6[%dma_wait3A_2511] : memref<4608xi32, #tpu.memory_space<vmem>> -> memref<128xi32, #tpu.memory_space<vmem>>
    %dma_wait3A_2513 = arith.constant 0 : i32
    %dma_wait3A_2514 = arith.constant 0 : i32
    %dma_wait3A_2515 = tpu.memref_slice %arg3[%dma_wait3A_2513, %dma_wait3A_2514] : memref<900000x128xf32, #tpu.memory_space<hbm>> -> memref<900000x128xf32, #tpu.memory_space<hbm>>
    tpu.wait_indirect_dma semaphore(%arg18 : memref<!tpu.dma_semaphore, #tpu.memory_space<semaphore_mem>>) src(%dma_wait3A_2515 : memref<900000x128xf32, #tpu.memory_space<hbm>>) dst(%arg12 : memref<128x128xf32, #tpu.memory_space<vmem>>)
    %add3A_2516 = arith.constant 384 : i32
    %add3A_2517 = arith.addi %mul3A_2, %add3A_2516 : i32
    %dma_start3A_2518 = arith.constant 2 : i32
    %dma_start3A_2519 = arith.constant 0 : i32
    %dma_start3A_2520 = tpu.memref_slice %arg4[%dma_start3A_2518, %add3A_2517, %dma_start3A_2519] : memref<9x16384x128xf32, #tpu.memory_space<hbm>> -> memref<1x128x128xf32, #tpu.memory_space<hbm>>
    %dma_start3A_2521 = tpu.memref_squeeze %dma_start3A_2520 : memref<1x128x128xf32, #tpu.memory_space<hbm>> -> memref<128x128xf32, #tpu.memory_space<hbm>>
    %dma_start3A_2522 = arith.constant 0 : i32
    %dma_start3A_2523 = tpu.memref_slice %arg4[%dma_start3A_2518, %add3A_2517, %dma_start3A_2522] : memref<9x16384x128xf32, #tpu.memory_space<hbm>> -> memref<1x128x128xf32, #tpu.memory_space<hbm>>
    %dma_start3A_2524 = tpu.memref_squeeze %dma_start3A_2523 : memref<1x128x128xf32, #tpu.memory_space<hbm>> -> memref<128x128xf32, #tpu.memory_space<hbm>>
    tpu.enqueue_dma source(%arg12 : memref<128x128xf32, #tpu.memory_space<vmem>>) target(%dma_start3A_2524 : memref<128x128xf32, #tpu.memory_space<hbm>>) target_semaphore(%arg24 : memref<!tpu.dma_semaphore, #tpu.memory_space<semaphore_mem>>)
    %dma_wait3A_2525 = arith.constant 2 : i32
    %dma_wait3A_2526 = arith.constant 0 : i32
    %dma_wait3A_2527 = tpu.memref_slice %arg4[%dma_wait3A_2525, %add3A_2491, %dma_wait3A_2526] : memref<9x16384x128xf32, #tpu.memory_space<hbm>> -> memref<1x128x128xf32, #tpu.memory_space<hbm>>
    %dma_wait3A_2528 = tpu.memref_squeeze %dma_wait3A_2527 : memref<1x128x128xf32, #tpu.memory_space<hbm>> -> memref<128x128xf32, #tpu.memory_space<hbm>>
    %dma_wait3A_2529 = arith.constant 0 : i32
    %dma_wait3A_2530 = tpu.memref_slice %arg4[%dma_wait3A_2525, %add3A_2491, %dma_wait3A_2529] : memref<9x16384x128xf32, #tpu.memory_space<hbm>> -> memref<1x128x128xf32, #tpu.memory_space<hbm>>
    %dma_wait3A_2531 = tpu.memref_squeeze %dma_wait3A_2530 : memref<1x128x128xf32, #tpu.memory_space<hbm>> -> memref<128x128xf32, #tpu.memory_space<hbm>>
    tpu.wait_dma2 semaphore(%arg23 : memref<!tpu.dma_semaphore, #tpu.memory_space<semaphore_mem>>) src(%arg11 : memref<128x128xf32, #tpu.memory_space<vmem>>) dst(%dma_wait3A_2531 : memref<128x128xf32, #tpu.memory_space<hbm>>)
    %dma_start3A_2532 = arith.constant 2048 : i32
    %dma_start3A_2533 = tpu.memref_slice %arg6[%dma_start3A_2532] : memref<4608xi32, #tpu.memory_space<vmem>> -> memref<128xi32, #tpu.memory_space<vmem>>
    %dma_start3A_2534 = arith.constant 0 : i32
    %dma_start3A_2535 = arith.constant 0 : i32
    %dma_start3A_2536 = tpu.memref_slice %arg3[%dma_start3A_2534, %dma_start3A_2535] : memref<900000x128xf32, #tpu.memory_space<hbm>> -> memref<900000x128xf32, #tpu.memory_space<hbm>>
    tpu.enqueue_indirect_dma source(%dma_start3A_2536 : memref<900000x128xf32, #tpu.memory_space<hbm>>) target(%arg11 : memref<128x128xf32, #tpu.memory_space<vmem>>) offsets(%dma_start3A_2533 : memref<128xi32, #tpu.memory_space<vmem>>) semaphore(%arg17 : memref<!tpu.dma_semaphore, #tpu.memory_space<semaphore_mem>>)
    %dma_wait3A_2537 = arith.constant 1536 : i32
    %dma_wait3A_2538 = tpu.memref_slice %arg6[%dma_wait3A_2537] : memref<4608xi32, #tpu.memory_space<vmem>> -> memref<128xi32, #tpu.memory_space<vmem>>
    %dma_wait3A_2539 = arith.constant 0 : i32
    %dma_wait3A_2540 = arith.constant 0 : i32
    %dma_wait3A_2541 = tpu.memref_slice %arg3[%dma_wait3A_2539, %dma_wait3A_2540] : memref<900000x128xf32, #tpu.memory_space<hbm>> -> memref<900000x128xf32, #tpu.memory_space<hbm>>
    tpu.wait_indirect_dma semaphore(%arg13 : memref<!tpu.dma_semaphore, #tpu.memory_space<semaphore_mem>>) src(%dma_wait3A_2541 : memref<900000x128xf32, #tpu.memory_space<hbm>>) dst(%arg7 : memref<128x128xf32, #tpu.memory_space<vmem>>)
    %add3A_2542 = arith.constant 0 : i32
    %add3A_2543 = arith.addi %mul3A_2, %add3A_2542 : i32
    %dma_start3A_2544 = arith.constant 3 : i32
    %dma_start3A_2545 = arith.constant 0 : i32
    %dma_start3A_2546 = tpu.memref_slice %arg4[%dma_start3A_2544, %add3A_2543, %dma_start3A_2545] : memref<9x16384x128xf32, #tpu.memory_space<hbm>> -> memref<1x128x128xf32, #tpu.memory_space<hbm>>
    %dma_start3A_2547 = tpu.memref_squeeze %dma_start3A_2546 : memref<1x128x128xf32, #tpu.memory_space<hbm>> -> memref<128x128xf32, #tpu.memory_space<hbm>>
    %dma_start3A_2548 = arith.constant 0 : i32
    %dma_start3A_2549 = tpu.memref_slice %arg4[%dma_start3A_2544, %add3A_2543, %dma_start3A_2548] : memref<9x16384x128xf32, #tpu.memory_space<hbm>> -> memref<1x128x128xf32, #tpu.memory_space<hbm>>
    %dma_start3A_2550 = tpu.memref_squeeze %dma_start3A_2549 : memref<1x128x128xf32, #tpu.memory_space<hbm>> -> memref<128x128xf32, #tpu.memory_space<hbm>>
    tpu.enqueue_dma source(%arg7 : memref<128x128xf32, #tpu.memory_space<vmem>>) target(%dma_start3A_2550 : memref<128x128xf32, #tpu.memory_space<hbm>>) target_semaphore(%arg19 : memref<!tpu.dma_semaphore, #tpu.memory_space<semaphore_mem>>)
    %dma_wait3A_2551 = arith.constant 2 : i32
    %dma_wait3A_2552 = arith.constant 0 : i32
    %dma_wait3A_2553 = tpu.memref_slice %arg4[%dma_wait3A_2551, %add3A_2517, %dma_wait3A_2552] : memref<9x16384x128xf32, #tpu.memory_space<hbm>> -> memref<1x128x128xf32, #tpu.memory_space<hbm>>
    %dma_wait3A_2554 = tpu.memref_squeeze %dma_wait3A_2553 : memref<1x128x128xf32, #tpu.memory_space<hbm>> -> memref<128x128xf32, #tpu.memory_space<hbm>>
    %dma_wait3A_2555 = arith.constant 0 : i32
    %dma_wait3A_2556 = tpu.memref_slice %arg4[%dma_wait3A_2551, %add3A_2517, %dma_wait3A_2555] : memref<9x16384x128xf32, #tpu.memory_space<hbm>> -> memref<1x128x128xf32, #tpu.memory_space<hbm>>
    %dma_wait3A_2557 = tpu.memref_squeeze %dma_wait3A_2556 : memref<1x128x128xf32, #tpu.memory_space<hbm>> -> memref<128x128xf32, #tpu.memory_space<hbm>>
    tpu.wait_dma2 semaphore(%arg24 : memref<!tpu.dma_semaphore, #tpu.memory_space<semaphore_mem>>) src(%arg12 : memref<128x128xf32, #tpu.memory_space<vmem>>) dst(%dma_wait3A_2557 : memref<128x128xf32, #tpu.memory_space<hbm>>)
    %dma_start3A_2558 = arith.constant 2176 : i32
    %dma_start3A_2559 = tpu.memref_slice %arg6[%dma_start3A_2558] : memref<4608xi32, #tpu.memory_space<vmem>> -> memref<128xi32, #tpu.memory_space<vmem>>
    %dma_start3A_2560 = arith.constant 0 : i32
    %dma_start3A_2561 = arith.constant 0 : i32
    %dma_start3A_2562 = tpu.memref_slice %arg3[%dma_start3A_2560, %dma_start3A_2561] : memref<900000x128xf32, #tpu.memory_space<hbm>> -> memref<900000x128xf32, #tpu.memory_space<hbm>>
    tpu.enqueue_indirect_dma source(%dma_start3A_2562 : memref<900000x128xf32, #tpu.memory_space<hbm>>) target(%arg12 : memref<128x128xf32, #tpu.memory_space<vmem>>) offsets(%dma_start3A_2559 : memref<128xi32, #tpu.memory_space<vmem>>) semaphore(%arg18 : memref<!tpu.dma_semaphore, #tpu.memory_space<semaphore_mem>>)
    %dma_wait3A_2563 = arith.constant 1664 : i32
    %dma_wait3A_2564 = tpu.memref_slice %arg6[%dma_wait3A_2563] : memref<4608xi32, #tpu.memory_space<vmem>> -> memref<128xi32, #tpu.memory_space<vmem>>
    %dma_wait3A_2565 = arith.constant 0 : i32
    %dma_wait3A_2566 = arith.constant 0 : i32
    %dma_wait3A_2567 = tpu.memref_slice %arg3[%dma_wait3A_2565, %dma_wait3A_2566] : memref<900000x128xf32, #tpu.memory_space<hbm>> -> memref<900000x128xf32, #tpu.memory_space<hbm>>
    tpu.wait_indirect_dma semaphore(%arg14 : memref<!tpu.dma_semaphore, #tpu.memory_space<semaphore_mem>>) src(%dma_wait3A_2567 : memref<900000x128xf32, #tpu.memory_space<hbm>>) dst(%arg8 : memref<128x128xf32, #tpu.memory_space<vmem>>)
    %add3A_2568 = arith.constant 128 : i32
    %add3A_2569 = arith.addi %mul3A_2, %add3A_2568 : i32
    %dma_start3A_2570 = arith.constant 3 : i32
    %dma_start3A_2571 = arith.constant 0 : i32
    %dma_start3A_2572 = tpu.memref_slice %arg4[%dma_start3A_2570, %add3A_2569, %dma_start3A_2571] : memref<9x16384x128xf32, #tpu.memory_space<hbm>> -> memref<1x128x128xf32, #tpu.memory_space<hbm>>
    %dma_start3A_2573 = tpu.memref_squeeze %dma_start3A_2572 : memref<1x128x128xf32, #tpu.memory_space<hbm>> -> memref<128x128xf32, #tpu.memory_space<hbm>>
    %dma_start3A_2574 = arith.constant 0 : i32
    %dma_start3A_2575 = tpu.memref_slice %arg4[%dma_start3A_2570, %add3A_2569, %dma_start3A_2574] : memref<9x16384x128xf32, #tpu.memory_space<hbm>> -> memref<1x128x128xf32, #tpu.memory_space<hbm>>
    %dma_start3A_2576 = tpu.memref_squeeze %dma_start3A_2575 : memref<1x128x128xf32, #tpu.memory_space<hbm>> -> memref<128x128xf32, #tpu.memory_space<hbm>>
    tpu.enqueue_dma source(%arg8 : memref<128x128xf32, #tpu.memory_space<vmem>>) target(%dma_start3A_2576 : memref<128x128xf32, #tpu.memory_space<hbm>>) target_semaphore(%arg20 : memref<!tpu.dma_semaphore, #tpu.memory_space<semaphore_mem>>)
    %dma_wait3A_2577 = arith.constant 3 : i32
    %dma_wait3A_2578 = arith.constant 0 : i32
    %dma_wait3A_2579 = tpu.memref_slice %arg4[%dma_wait3A_2577, %add3A_2543, %dma_wait3A_2578] : memref<9x16384x128xf32, #tpu.memory_space<hbm>> -> memref<1x128x128xf32, #tpu.memory_space<hbm>>
    %dma_wait3A_2580 = tpu.memref_squeeze %dma_wait3A_2579 : memref<1x128x128xf32, #tpu.memory_space<hbm>> -> memref<128x128xf32, #tpu.memory_space<hbm>>
    %dma_wait3A_2581 = arith.constant 0 : i32
    %dma_wait3A_2582 = tpu.memref_slice %arg4[%dma_wait3A_2577, %add3A_2543, %dma_wait3A_2581] : memref<9x16384x128xf32, #tpu.memory_space<hbm>> -> memref<1x128x128xf32, #tpu.memory_space<hbm>>
    %dma_wait3A_2583 = tpu.memref_squeeze %dma_wait3A_2582 : memref<1x128x128xf32, #tpu.memory_space<hbm>> -> memref<128x128xf32, #tpu.memory_space<hbm>>
    tpu.wait_dma2 semaphore(%arg19 : memref<!tpu.dma_semaphore, #tpu.memory_space<semaphore_mem>>) src(%arg7 : memref<128x128xf32, #tpu.memory_space<vmem>>) dst(%dma_wait3A_2583 : memref<128x128xf32, #tpu.memory_space<hbm>>)
    %dma_start3A_2584 = arith.constant 2304 : i32
    %dma_start3A_2585 = tpu.memref_slice %arg6[%dma_start3A_2584] : memref<4608xi32, #tpu.memory_space<vmem>> -> memref<128xi32, #tpu.memory_space<vmem>>
    %dma_start3A_2586 = arith.constant 0 : i32
    %dma_start3A_2587 = arith.constant 0 : i32
    %dma_start3A_2588 = tpu.memref_slice %arg3[%dma_start3A_2586, %dma_start3A_2587] : memref<900000x128xf32, #tpu.memory_space<hbm>> -> memref<900000x128xf32, #tpu.memory_space<hbm>>
    tpu.enqueue_indirect_dma source(%dma_start3A_2588 : memref<900000x128xf32, #tpu.memory_space<hbm>>) target(%arg7 : memref<128x128xf32, #tpu.memory_space<vmem>>) offsets(%dma_start3A_2585 : memref<128xi32, #tpu.memory_space<vmem>>) semaphore(%arg13 : memref<!tpu.dma_semaphore, #tpu.memory_space<semaphore_mem>>)
    %dma_wait3A_2589 = arith.constant 1792 : i32
    %dma_wait3A_2590 = tpu.memref_slice %arg6[%dma_wait3A_2589] : memref<4608xi32, #tpu.memory_space<vmem>> -> memref<128xi32, #tpu.memory_space<vmem>>
    %dma_wait3A_2591 = arith.constant 0 : i32
    %dma_wait3A_2592 = arith.constant 0 : i32
    %dma_wait3A_2593 = tpu.memref_slice %arg3[%dma_wait3A_2591, %dma_wait3A_2592] : memref<900000x128xf32, #tpu.memory_space<hbm>> -> memref<900000x128xf32, #tpu.memory_space<hbm>>
    tpu.wait_indirect_dma semaphore(%arg15 : memref<!tpu.dma_semaphore, #tpu.memory_space<semaphore_mem>>) src(%dma_wait3A_2593 : memref<900000x128xf32, #tpu.memory_space<hbm>>) dst(%arg9 : memref<128x128xf32, #tpu.memory_space<vmem>>)
    %add3A_2594 = arith.constant 256 : i32
    %add3A_2595 = arith.addi %mul3A_2, %add3A_2594 : i32
    %dma_start3A_2596 = arith.constant 3 : i32
    %dma_start3A_2597 = arith.constant 0 : i32
    %dma_start3A_2598 = tpu.memref_slice %arg4[%dma_start3A_2596, %add3A_2595, %dma_start3A_2597] : memref<9x16384x128xf32, #tpu.memory_space<hbm>> -> memref<1x128x128xf32, #tpu.memory_space<hbm>>
    %dma_start3A_2599 = tpu.memref_squeeze %dma_start3A_2598 : memref<1x128x128xf32, #tpu.memory_space<hbm>> -> memref<128x128xf32, #tpu.memory_space<hbm>>
    %dma_start3A_2600 = arith.constant 0 : i32
    %dma_start3A_2601 = tpu.memref_slice %arg4[%dma_start3A_2596, %add3A_2595, %dma_start3A_2600] : memref<9x16384x128xf32, #tpu.memory_space<hbm>> -> memref<1x128x128xf32, #tpu.memory_space<hbm>>
    %dma_start3A_2602 = tpu.memref_squeeze %dma_start3A_2601 : memref<1x128x128xf32, #tpu.memory_space<hbm>> -> memref<128x128xf32, #tpu.memory_space<hbm>>
    tpu.enqueue_dma source(%arg9 : memref<128x128xf32, #tpu.memory_space<vmem>>) target(%dma_start3A_2602 : memref<128x128xf32, #tpu.memory_space<hbm>>) target_semaphore(%arg21 : memref<!tpu.dma_semaphore, #tpu.memory_space<semaphore_mem>>)
    %dma_wait3A_2603 = arith.constant 3 : i32
    %dma_wait3A_2604 = arith.constant 0 : i32
    %dma_wait3A_2605 = tpu.memref_slice %arg4[%dma_wait3A_2603, %add3A_2569, %dma_wait3A_2604] : memref<9x16384x128xf32, #tpu.memory_space<hbm>> -> memref<1x128x128xf32, #tpu.memory_space<hbm>>
    %dma_wait3A_2606 = tpu.memref_squeeze %dma_wait3A_2605 : memref<1x128x128xf32, #tpu.memory_space<hbm>> -> memref<128x128xf32, #tpu.memory_space<hbm>>
    %dma_wait3A_2607 = arith.constant 0 : i32
    %dma_wait3A_2608 = tpu.memref_slice %arg4[%dma_wait3A_2603, %add3A_2569, %dma_wait3A_2607] : memref<9x16384x128xf32, #tpu.memory_space<hbm>> -> memref<1x128x128xf32, #tpu.memory_space<hbm>>
    %dma_wait3A_2609 = tpu.memref_squeeze %dma_wait3A_2608 : memref<1x128x128xf32, #tpu.memory_space<hbm>> -> memref<128x128xf32, #tpu.memory_space<hbm>>
    tpu.wait_dma2 semaphore(%arg20 : memref<!tpu.dma_semaphore, #tpu.memory_space<semaphore_mem>>) src(%arg8 : memref<128x128xf32, #tpu.memory_space<vmem>>) dst(%dma_wait3A_2609 : memref<128x128xf32, #tpu.memory_space<hbm>>)
    %dma_start3A_2610 = arith.constant 2432 : i32
    %dma_start3A_2611 = tpu.memref_slice %arg6[%dma_start3A_2610] : memref<4608xi32, #tpu.memory_space<vmem>> -> memref<128xi32, #tpu.memory_space<vmem>>
    %dma_start3A_2612 = arith.constant 0 : i32
    %dma_start3A_2613 = arith.constant 0 : i32
    %dma_start3A_2614 = tpu.memref_slice %arg3[%dma_start3A_2612, %dma_start3A_2613] : memref<900000x128xf32, #tpu.memory_space<hbm>> -> memref<900000x128xf32, #tpu.memory_space<hbm>>
    tpu.enqueue_indirect_dma source(%dma_start3A_2614 : memref<900000x128xf32, #tpu.memory_space<hbm>>) target(%arg8 : memref<128x128xf32, #tpu.memory_space<vmem>>) offsets(%dma_start3A_2611 : memref<128xi32, #tpu.memory_space<vmem>>) semaphore(%arg14 : memref<!tpu.dma_semaphore, #tpu.memory_space<semaphore_mem>>)
    %dma_wait3A_2615 = arith.constant 1920 : i32
    %dma_wait3A_2616 = tpu.memref_slice %arg6[%dma_wait3A_2615] : memref<4608xi32, #tpu.memory_space<vmem>> -> memref<128xi32, #tpu.memory_space<vmem>>
    %dma_wait3A_2617 = arith.constant 0 : i32
    %dma_wait3A_2618 = arith.constant 0 : i32
    %dma_wait3A_2619 = tpu.memref_slice %arg3[%dma_wait3A_2617, %dma_wait3A_2618] : memref<900000x128xf32, #tpu.memory_space<hbm>> -> memref<900000x128xf32, #tpu.memory_space<hbm>>
    tpu.wait_indirect_dma semaphore(%arg16 : memref<!tpu.dma_semaphore, #tpu.memory_space<semaphore_mem>>) src(%dma_wait3A_2619 : memref<900000x128xf32, #tpu.memory_space<hbm>>) dst(%arg10 : memref<128x128xf32, #tpu.memory_space<vmem>>)
    %add3A_2620 = arith.constant 384 : i32
    %add3A_2621 = arith.addi %mul3A_2, %add3A_2620 : i32
    %dma_start3A_2622 = arith.constant 3 : i32
    %dma_start3A_2623 = arith.constant 0 : i32
    %dma_start3A_2624 = tpu.memref_slice %arg4[%dma_start3A_2622, %add3A_2621, %dma_start3A_2623] : memref<9x16384x128xf32, #tpu.memory_space<hbm>> -> memref<1x128x128xf32, #tpu.memory_space<hbm>>
    %dma_start3A_2625 = tpu.memref_squeeze %dma_start3A_2624 : memref<1x128x128xf32, #tpu.memory_space<hbm>> -> memref<128x128xf32, #tpu.memory_space<hbm>>
    %dma_start3A_2626 = arith.constant 0 : i32
    %dma_start3A_2627 = tpu.memref_slice %arg4[%dma_start3A_2622, %add3A_2621, %dma_start3A_2626] : memref<9x16384x128xf32, #tpu.memory_space<hbm>> -> memref<1x128x128xf32, #tpu.memory_space<hbm>>
    %dma_start3A_2628 = tpu.memref_squeeze %dma_start3A_2627 : memref<1x128x128xf32, #tpu.memory_space<hbm>> -> memref<128x128xf32, #tpu.memory_space<hbm>>
    tpu.enqueue_dma source(%arg10 : memref<128x128xf32, #tpu.memory_space<vmem>>) target(%dma_start3A_2628 : memref<128x128xf32, #tpu.memory_space<hbm>>) target_semaphore(%arg22 : memref<!tpu.dma_semaphore, #tpu.memory_space<semaphore_mem>>)
    %dma_wait3A_2629 = arith.constant 3 : i32
    %dma_wait3A_2630 = arith.constant 0 : i32
    %dma_wait3A_2631 = tpu.memref_slice %arg4[%dma_wait3A_2629, %add3A_2595, %dma_wait3A_2630] : memref<9x16384x128xf32, #tpu.memory_space<hbm>> -> memref<1x128x128xf32, #tpu.memory_space<hbm>>
    %dma_wait3A_2632 = tpu.memref_squeeze %dma_wait3A_2631 : memref<1x128x128xf32, #tpu.memory_space<hbm>> -> memref<128x128xf32, #tpu.memory_space<hbm>>
    %dma_wait3A_2633 = arith.constant 0 : i32
    %dma_wait3A_2634 = tpu.memref_slice %arg4[%dma_wait3A_2629, %add3A_2595, %dma_wait3A_2633] : memref<9x16384x128xf32, #tpu.memory_space<hbm>> -> memref<1x128x128xf32, #tpu.memory_space<hbm>>
    %dma_wait3A_2635 = tpu.memref_squeeze %dma_wait3A_2634 : memref<1x128x128xf32, #tpu.memory_space<hbm>> -> memref<128x128xf32, #tpu.memory_space<hbm>>
    tpu.wait_dma2 semaphore(%arg21 : memref<!tpu.dma_semaphore, #tpu.memory_space<semaphore_mem>>) src(%arg9 : memref<128x128xf32, #tpu.memory_space<vmem>>) dst(%dma_wait3A_2635 : memref<128x128xf32, #tpu.memory_space<hbm>>)
    %dma_start3A_2636 = arith.constant 2560 : i32
    %dma_start3A_2637 = tpu.memref_slice %arg6[%dma_start3A_2636] : memref<4608xi32, #tpu.memory_space<vmem>> -> memref<128xi32, #tpu.memory_space<vmem>>
    %dma_start3A_2638 = arith.constant 0 : i32
    %dma_start3A_2639 = arith.constant 0 : i32
    %dma_start3A_2640 = tpu.memref_slice %arg3[%dma_start3A_2638, %dma_start3A_2639] : memref<900000x128xf32, #tpu.memory_space<hbm>> -> memref<900000x128xf32, #tpu.memory_space<hbm>>
    tpu.enqueue_indirect_dma source(%dma_start3A_2640 : memref<900000x128xf32, #tpu.memory_space<hbm>>) target(%arg9 : memref<128x128xf32, #tpu.memory_space<vmem>>) offsets(%dma_start3A_2637 : memref<128xi32, #tpu.memory_space<vmem>>) semaphore(%arg15 : memref<!tpu.dma_semaphore, #tpu.memory_space<semaphore_mem>>)
    %dma_wait3A_2641 = arith.constant 2048 : i32
    %dma_wait3A_2642 = tpu.memref_slice %arg6[%dma_wait3A_2641] : memref<4608xi32, #tpu.memory_space<vmem>> -> memref<128xi32, #tpu.memory_space<vmem>>
    %dma_wait3A_2643 = arith.constant 0 : i32
    %dma_wait3A_2644 = arith.constant 0 : i32
    %dma_wait3A_2645 = tpu.memref_slice %arg3[%dma_wait3A_2643, %dma_wait3A_2644] : memref<900000x128xf32, #tpu.memory_space<hbm>> -> memref<900000x128xf32, #tpu.memory_space<hbm>>
    tpu.wait_indirect_dma semaphore(%arg17 : memref<!tpu.dma_semaphore, #tpu.memory_space<semaphore_mem>>) src(%dma_wait3A_2645 : memref<900000x128xf32, #tpu.memory_space<hbm>>) dst(%arg11 : memref<128x128xf32, #tpu.memory_space<vmem>>)
    %add3A_2646 = arith.constant 0 : i32
    %add3A_2647 = arith.addi %mul3A_2, %add3A_2646 : i32
    %dma_start3A_2648 = arith.constant 4 : i32
    %dma_start3A_2649 = arith.constant 0 : i32
    %dma_start3A_2650 = tpu.memref_slice %arg4[%dma_start3A_2648, %add3A_2647, %dma_start3A_2649] : memref<9x16384x128xf32, #tpu.memory_space<hbm>> -> memref<1x128x128xf32, #tpu.memory_space<hbm>>
    %dma_start3A_2651 = tpu.memref_squeeze %dma_start3A_2650 : memref<1x128x128xf32, #tpu.memory_space<hbm>> -> memref<128x128xf32, #tpu.memory_space<hbm>>
    %dma_start3A_2652 = arith.constant 0 : i32
    %dma_start3A_2653 = tpu.memref_slice %arg4[%dma_start3A_2648, %add3A_2647, %dma_start3A_2652] : memref<9x16384x128xf32, #tpu.memory_space<hbm>> -> memref<1x128x128xf32, #tpu.memory_space<hbm>>
    %dma_start3A_2654 = tpu.memref_squeeze %dma_start3A_2653 : memref<1x128x128xf32, #tpu.memory_space<hbm>> -> memref<128x128xf32, #tpu.memory_space<hbm>>
    tpu.enqueue_dma source(%arg11 : memref<128x128xf32, #tpu.memory_space<vmem>>) target(%dma_start3A_2654 : memref<128x128xf32, #tpu.memory_space<hbm>>) target_semaphore(%arg23 : memref<!tpu.dma_semaphore, #tpu.memory_space<semaphore_mem>>)
    %dma_wait3A_2655 = arith.constant 3 : i32
    %dma_wait3A_2656 = arith.constant 0 : i32
    %dma_wait3A_2657 = tpu.memref_slice %arg4[%dma_wait3A_2655, %add3A_2621, %dma_wait3A_2656] : memref<9x16384x128xf32, #tpu.memory_space<hbm>> -> memref<1x128x128xf32, #tpu.memory_space<hbm>>
    %dma_wait3A_2658 = tpu.memref_squeeze %dma_wait3A_2657 : memref<1x128x128xf32, #tpu.memory_space<hbm>> -> memref<128x128xf32, #tpu.memory_space<hbm>>
    %dma_wait3A_2659 = arith.constant 0 : i32
    %dma_wait3A_2660 = tpu.memref_slice %arg4[%dma_wait3A_2655, %add3A_2621, %dma_wait3A_2659] : memref<9x16384x128xf32, #tpu.memory_space<hbm>> -> memref<1x128x128xf32, #tpu.memory_space<hbm>>
    %dma_wait3A_2661 = tpu.memref_squeeze %dma_wait3A_2660 : memref<1x128x128xf32, #tpu.memory_space<hbm>> -> memref<128x128xf32, #tpu.memory_space<hbm>>
    tpu.wait_dma2 semaphore(%arg22 : memref<!tpu.dma_semaphore, #tpu.memory_space<semaphore_mem>>) src(%arg10 : memref<128x128xf32, #tpu.memory_space<vmem>>) dst(%dma_wait3A_2661 : memref<128x128xf32, #tpu.memory_space<hbm>>)
    %dma_start3A_2662 = arith.constant 2688 : i32
    %dma_start3A_2663 = tpu.memref_slice %arg6[%dma_start3A_2662] : memref<4608xi32, #tpu.memory_space<vmem>> -> memref<128xi32, #tpu.memory_space<vmem>>
    %dma_start3A_2664 = arith.constant 0 : i32
    %dma_start3A_2665 = arith.constant 0 : i32
    %dma_start3A_2666 = tpu.memref_slice %arg3[%dma_start3A_2664, %dma_start3A_2665] : memref<900000x128xf32, #tpu.memory_space<hbm>> -> memref<900000x128xf32, #tpu.memory_space<hbm>>
    tpu.enqueue_indirect_dma source(%dma_start3A_2666 : memref<900000x128xf32, #tpu.memory_space<hbm>>) target(%arg10 : memref<128x128xf32, #tpu.memory_space<vmem>>) offsets(%dma_start3A_2663 : memref<128xi32, #tpu.memory_space<vmem>>) semaphore(%arg16 : memref<!tpu.dma_semaphore, #tpu.memory_space<semaphore_mem>>)
    %dma_wait3A_2667 = arith.constant 2176 : i32
    %dma_wait3A_2668 = tpu.memref_slice %arg6[%dma_wait3A_2667] : memref<4608xi32, #tpu.memory_space<vmem>> -> memref<128xi32, #tpu.memory_space<vmem>>
    %dma_wait3A_2669 = arith.constant 0 : i32
    %dma_wait3A_2670 = arith.constant 0 : i32
    %dma_wait3A_2671 = tpu.memref_slice %arg3[%dma_wait3A_2669, %dma_wait3A_2670] : memref<900000x128xf32, #tpu.memory_space<hbm>> -> memref<900000x128xf32, #tpu.memory_space<hbm>>
    tpu.wait_indirect_dma semaphore(%arg18 : memref<!tpu.dma_semaphore, #tpu.memory_space<semaphore_mem>>) src(%dma_wait3A_2671 : memref<900000x128xf32, #tpu.memory_space<hbm>>) dst(%arg12 : memref<128x128xf32, #tpu.memory_space<vmem>>)
    %add3A_2672 = arith.constant 128 : i32
    %add3A_2673 = arith.addi %mul3A_2, %add3A_2672 : i32
    %dma_start3A_2674 = arith.constant 4 : i32
    %dma_start3A_2675 = arith.constant 0 : i32
    %dma_start3A_2676 = tpu.memref_slice %arg4[%dma_start3A_2674, %add3A_2673, %dma_start3A_2675] : memref<9x16384x128xf32, #tpu.memory_space<hbm>> -> memref<1x128x128xf32, #tpu.memory_space<hbm>>
    %dma_start3A_2677 = tpu.memref_squeeze %dma_start3A_2676 : memref<1x128x128xf32, #tpu.memory_space<hbm>> -> memref<128x128xf32, #tpu.memory_space<hbm>>
    %dma_start3A_2678 = arith.constant 0 : i32
    %dma_start3A_2679 = tpu.memref_slice %arg4[%dma_start3A_2674, %add3A_2673, %dma_start3A_2678] : memref<9x16384x128xf32, #tpu.memory_space<hbm>> -> memref<1x128x128xf32, #tpu.memory_space<hbm>>
    %dma_start3A_2680 = tpu.memref_squeeze %dma_start3A_2679 : memref<1x128x128xf32, #tpu.memory_space<hbm>> -> memref<128x128xf32, #tpu.memory_space<hbm>>
    tpu.enqueue_dma source(%arg12 : memref<128x128xf32, #tpu.memory_space<vmem>>) target(%dma_start3A_2680 : memref<128x128xf32, #tpu.memory_space<hbm>>) target_semaphore(%arg24 : memref<!tpu.dma_semaphore, #tpu.memory_space<semaphore_mem>>)
    %dma_wait3A_2681 = arith.constant 4 : i32
    %dma_wait3A_2682 = arith.constant 0 : i32
    %dma_wait3A_2683 = tpu.memref_slice %arg4[%dma_wait3A_2681, %add3A_2647, %dma_wait3A_2682] : memref<9x16384x128xf32, #tpu.memory_space<hbm>> -> memref<1x128x128xf32, #tpu.memory_space<hbm>>
    %dma_wait3A_2684 = tpu.memref_squeeze %dma_wait3A_2683 : memref<1x128x128xf32, #tpu.memory_space<hbm>> -> memref<128x128xf32, #tpu.memory_space<hbm>>
    %dma_wait3A_2685 = arith.constant 0 : i32
    %dma_wait3A_2686 = tpu.memref_slice %arg4[%dma_wait3A_2681, %add3A_2647, %dma_wait3A_2685] : memref<9x16384x128xf32, #tpu.memory_space<hbm>> -> memref<1x128x128xf32, #tpu.memory_space<hbm>>
    %dma_wait3A_2687 = tpu.memref_squeeze %dma_wait3A_2686 : memref<1x128x128xf32, #tpu.memory_space<hbm>> -> memref<128x128xf32, #tpu.memory_space<hbm>>
    tpu.wait_dma2 semaphore(%arg23 : memref<!tpu.dma_semaphore, #tpu.memory_space<semaphore_mem>>) src(%arg11 : memref<128x128xf32, #tpu.memory_space<vmem>>) dst(%dma_wait3A_2687 : memref<128x128xf32, #tpu.memory_space<hbm>>)
    %dma_start3A_2688 = arith.constant 2816 : i32
    %dma_start3A_2689 = tpu.memref_slice %arg6[%dma_start3A_2688] : memref<4608xi32, #tpu.memory_space<vmem>> -> memref<128xi32, #tpu.memory_space<vmem>>
    %dma_start3A_2690 = arith.constant 0 : i32
    %dma_start3A_2691 = arith.constant 0 : i32
    %dma_start3A_2692 = tpu.memref_slice %arg3[%dma_start3A_2690, %dma_start3A_2691] : memref<900000x128xf32, #tpu.memory_space<hbm>> -> memref<900000x128xf32, #tpu.memory_space<hbm>>
    tpu.enqueue_indirect_dma source(%dma_start3A_2692 : memref<900000x128xf32, #tpu.memory_space<hbm>>) target(%arg11 : memref<128x128xf32, #tpu.memory_space<vmem>>) offsets(%dma_start3A_2689 : memref<128xi32, #tpu.memory_space<vmem>>) semaphore(%arg17 : memref<!tpu.dma_semaphore, #tpu.memory_space<semaphore_mem>>)
    %dma_wait3A_2693 = arith.constant 2304 : i32
    %dma_wait3A_2694 = tpu.memref_slice %arg6[%dma_wait3A_2693] : memref<4608xi32, #tpu.memory_space<vmem>> -> memref<128xi32, #tpu.memory_space<vmem>>
    %dma_wait3A_2695 = arith.constant 0 : i32
    %dma_wait3A_2696 = arith.constant 0 : i32
    %dma_wait3A_2697 = tpu.memref_slice %arg3[%dma_wait3A_2695, %dma_wait3A_2696] : memref<900000x128xf32, #tpu.memory_space<hbm>> -> memref<900000x128xf32, #tpu.memory_space<hbm>>
    tpu.wait_indirect_dma semaphore(%arg13 : memref<!tpu.dma_semaphore, #tpu.memory_space<semaphore_mem>>) src(%dma_wait3A_2697 : memref<900000x128xf32, #tpu.memory_space<hbm>>) dst(%arg7 : memref<128x128xf32, #tpu.memory_space<vmem>>)
    %add3A_2698 = arith.constant 256 : i32
    %add3A_2699 = arith.addi %mul3A_2, %add3A_2698 : i32
    %dma_start3A_2700 = arith.constant 4 : i32
    %dma_start3A_2701 = arith.constant 0 : i32
    %dma_start3A_2702 = tpu.memref_slice %arg4[%dma_start3A_2700, %add3A_2699, %dma_start3A_2701] : memref<9x16384x128xf32, #tpu.memory_space<hbm>> -> memref<1x128x128xf32, #tpu.memory_space<hbm>>
    %dma_start3A_2703 = tpu.memref_squeeze %dma_start3A_2702 : memref<1x128x128xf32, #tpu.memory_space<hbm>> -> memref<128x128xf32, #tpu.memory_space<hbm>>
    %dma_start3A_2704 = arith.constant 0 : i32
    %dma_start3A_2705 = tpu.memref_slice %arg4[%dma_start3A_2700, %add3A_2699, %dma_start3A_2704] : memref<9x16384x128xf32, #tpu.memory_space<hbm>> -> memref<1x128x128xf32, #tpu.memory_space<hbm>>
    %dma_start3A_2706 = tpu.memref_squeeze %dma_start3A_2705 : memref<1x128x128xf32, #tpu.memory_space<hbm>> -> memref<128x128xf32, #tpu.memory_space<hbm>>
    tpu.enqueue_dma source(%arg7 : memref<128x128xf32, #tpu.memory_space<vmem>>) target(%dma_start3A_2706 : memref<128x128xf32, #tpu.memory_space<hbm>>) target_semaphore(%arg19 : memref<!tpu.dma_semaphore, #tpu.memory_space<semaphore_mem>>)
    %dma_wait3A_2707 = arith.constant 4 : i32
    %dma_wait3A_2708 = arith.constant 0 : i32
    %dma_wait3A_2709 = tpu.memref_slice %arg4[%dma_wait3A_2707, %add3A_2673, %dma_wait3A_2708] : memref<9x16384x128xf32, #tpu.memory_space<hbm>> -> memref<1x128x128xf32, #tpu.memory_space<hbm>>
    %dma_wait3A_2710 = tpu.memref_squeeze %dma_wait3A_2709 : memref<1x128x128xf32, #tpu.memory_space<hbm>> -> memref<128x128xf32, #tpu.memory_space<hbm>>
    %dma_wait3A_2711 = arith.constant 0 : i32
    %dma_wait3A_2712 = tpu.memref_slice %arg4[%dma_wait3A_2707, %add3A_2673, %dma_wait3A_2711] : memref<9x16384x128xf32, #tpu.memory_space<hbm>> -> memref<1x128x128xf32, #tpu.memory_space<hbm>>
    %dma_wait3A_2713 = tpu.memref_squeeze %dma_wait3A_2712 : memref<1x128x128xf32, #tpu.memory_space<hbm>> -> memref<128x128xf32, #tpu.memory_space<hbm>>
    tpu.wait_dma2 semaphore(%arg24 : memref<!tpu.dma_semaphore, #tpu.memory_space<semaphore_mem>>) src(%arg12 : memref<128x128xf32, #tpu.memory_space<vmem>>) dst(%dma_wait3A_2713 : memref<128x128xf32, #tpu.memory_space<hbm>>)
    %dma_start3A_2714 = arith.constant 2944 : i32
    %dma_start3A_2715 = tpu.memref_slice %arg6[%dma_start3A_2714] : memref<4608xi32, #tpu.memory_space<vmem>> -> memref<128xi32, #tpu.memory_space<vmem>>
    %dma_start3A_2716 = arith.constant 0 : i32
    %dma_start3A_2717 = arith.constant 0 : i32
    %dma_start3A_2718 = tpu.memref_slice %arg3[%dma_start3A_2716, %dma_start3A_2717] : memref<900000x128xf32, #tpu.memory_space<hbm>> -> memref<900000x128xf32, #tpu.memory_space<hbm>>
    tpu.enqueue_indirect_dma source(%dma_start3A_2718 : memref<900000x128xf32, #tpu.memory_space<hbm>>) target(%arg12 : memref<128x128xf32, #tpu.memory_space<vmem>>) offsets(%dma_start3A_2715 : memref<128xi32, #tpu.memory_space<vmem>>) semaphore(%arg18 : memref<!tpu.dma_semaphore, #tpu.memory_space<semaphore_mem>>)
    %dma_wait3A_2719 = arith.constant 2432 : i32
    %dma_wait3A_2720 = tpu.memref_slice %arg6[%dma_wait3A_2719] : memref<4608xi32, #tpu.memory_space<vmem>> -> memref<128xi32, #tpu.memory_space<vmem>>
    %dma_wait3A_2721 = arith.constant 0 : i32
    %dma_wait3A_2722 = arith.constant 0 : i32
    %dma_wait3A_2723 = tpu.memref_slice %arg3[%dma_wait3A_2721, %dma_wait3A_2722] : memref<900000x128xf32, #tpu.memory_space<hbm>> -> memref<900000x128xf32, #tpu.memory_space<hbm>>
    tpu.wait_indirect_dma semaphore(%arg14 : memref<!tpu.dma_semaphore, #tpu.memory_space<semaphore_mem>>) src(%dma_wait3A_2723 : memref<900000x128xf32, #tpu.memory_space<hbm>>) dst(%arg8 : memref<128x128xf32, #tpu.memory_space<vmem>>)
    %add3A_2724 = arith.constant 384 : i32
    %add3A_2725 = arith.addi %mul3A_2, %add3A_2724 : i32
    %dma_start3A_2726 = arith.constant 4 : i32
    %dma_start3A_2727 = arith.constant 0 : i32
    %dma_start3A_2728 = tpu.memref_slice %arg4[%dma_start3A_2726, %add3A_2725, %dma_start3A_2727] : memref<9x16384x128xf32, #tpu.memory_space<hbm>> -> memref<1x128x128xf32, #tpu.memory_space<hbm>>
    %dma_start3A_2729 = tpu.memref_squeeze %dma_start3A_2728 : memref<1x128x128xf32, #tpu.memory_space<hbm>> -> memref<128x128xf32, #tpu.memory_space<hbm>>
    %dma_start3A_2730 = arith.constant 0 : i32
    %dma_start3A_2731 = tpu.memref_slice %arg4[%dma_start3A_2726, %add3A_2725, %dma_start3A_2730] : memref<9x16384x128xf32, #tpu.memory_space<hbm>> -> memref<1x128x128xf32, #tpu.memory_space<hbm>>
    %dma_start3A_2732 = tpu.memref_squeeze %dma_start3A_2731 : memref<1x128x128xf32, #tpu.memory_space<hbm>> -> memref<128x128xf32, #tpu.memory_space<hbm>>
    tpu.enqueue_dma source(%arg8 : memref<128x128xf32, #tpu.memory_space<vmem>>) target(%dma_start3A_2732 : memref<128x128xf32, #tpu.memory_space<hbm>>) target_semaphore(%arg20 : memref<!tpu.dma_semaphore, #tpu.memory_space<semaphore_mem>>)
    %dma_wait3A_2733 = arith.constant 4 : i32
    %dma_wait3A_2734 = arith.constant 0 : i32
    %dma_wait3A_2735 = tpu.memref_slice %arg4[%dma_wait3A_2733, %add3A_2699, %dma_wait3A_2734] : memref<9x16384x128xf32, #tpu.memory_space<hbm>> -> memref<1x128x128xf32, #tpu.memory_space<hbm>>
    %dma_wait3A_2736 = tpu.memref_squeeze %dma_wait3A_2735 : memref<1x128x128xf32, #tpu.memory_space<hbm>> -> memref<128x128xf32, #tpu.memory_space<hbm>>
    %dma_wait3A_2737 = arith.constant 0 : i32
    %dma_wait3A_2738 = tpu.memref_slice %arg4[%dma_wait3A_2733, %add3A_2699, %dma_wait3A_2737] : memref<9x16384x128xf32, #tpu.memory_space<hbm>> -> memref<1x128x128xf32, #tpu.memory_space<hbm>>
    %dma_wait3A_2739 = tpu.memref_squeeze %dma_wait3A_2738 : memref<1x128x128xf32, #tpu.memory_space<hbm>> -> memref<128x128xf32, #tpu.memory_space<hbm>>
    tpu.wait_dma2 semaphore(%arg19 : memref<!tpu.dma_semaphore, #tpu.memory_space<semaphore_mem>>) src(%arg7 : memref<128x128xf32, #tpu.memory_space<vmem>>) dst(%dma_wait3A_2739 : memref<128x128xf32, #tpu.memory_space<hbm>>)
    %dma_start3A_2740 = arith.constant 3072 : i32
    %dma_start3A_2741 = tpu.memref_slice %arg6[%dma_start3A_2740] : memref<4608xi32, #tpu.memory_space<vmem>> -> memref<128xi32, #tpu.memory_space<vmem>>
    %dma_start3A_2742 = arith.constant 0 : i32
    %dma_start3A_2743 = arith.constant 0 : i32
    %dma_start3A_2744 = tpu.memref_slice %arg3[%dma_start3A_2742, %dma_start3A_2743] : memref<900000x128xf32, #tpu.memory_space<hbm>> -> memref<900000x128xf32, #tpu.memory_space<hbm>>
    tpu.enqueue_indirect_dma source(%dma_start3A_2744 : memref<900000x128xf32, #tpu.memory_space<hbm>>) target(%arg7 : memref<128x128xf32, #tpu.memory_space<vmem>>) offsets(%dma_start3A_2741 : memref<128xi32, #tpu.memory_space<vmem>>) semaphore(%arg13 : memref<!tpu.dma_semaphore, #tpu.memory_space<semaphore_mem>>)
    %dma_wait3A_2745 = arith.constant 2560 : i32
    %dma_wait3A_2746 = tpu.memref_slice %arg6[%dma_wait3A_2745] : memref<4608xi32, #tpu.memory_space<vmem>> -> memref<128xi32, #tpu.memory_space<vmem>>
    %dma_wait3A_2747 = arith.constant 0 : i32
    %dma_wait3A_2748 = arith.constant 0 : i32
    %dma_wait3A_2749 = tpu.memref_slice %arg3[%dma_wait3A_2747, %dma_wait3A_2748] : memref<900000x128xf32, #tpu.memory_space<hbm>> -> memref<900000x128xf32, #tpu.memory_space<hbm>>
    tpu.wait_indirect_dma semaphore(%arg15 : memref<!tpu.dma_semaphore, #tpu.memory_space<semaphore_mem>>) src(%dma_wait3A_2749 : memref<900000x128xf32, #tpu.memory_space<hbm>>) dst(%arg9 : memref<128x128xf32, #tpu.memory_space<vmem>>)
    %add3A_2750 = arith.constant 0 : i32
    %add3A_2751 = arith.addi %mul3A_2, %add3A_2750 : i32
    %dma_start3A_2752 = arith.constant 5 : i32
    %dma_start3A_2753 = arith.constant 0 : i32
    %dma_start3A_2754 = tpu.memref_slice %arg4[%dma_start3A_2752, %add3A_2751, %dma_start3A_2753] : memref<9x16384x128xf32, #tpu.memory_space<hbm>> -> memref<1x128x128xf32, #tpu.memory_space<hbm>>
    %dma_start3A_2755 = tpu.memref_squeeze %dma_start3A_2754 : memref<1x128x128xf32, #tpu.memory_space<hbm>> -> memref<128x128xf32, #tpu.memory_space<hbm>>
    %dma_start3A_2756 = arith.constant 0 : i32
    %dma_start3A_2757 = tpu.memref_slice %arg4[%dma_start3A_2752, %add3A_2751, %dma_start3A_2756] : memref<9x16384x128xf32, #tpu.memory_space<hbm>> -> memref<1x128x128xf32, #tpu.memory_space<hbm>>
    %dma_start3A_2758 = tpu.memref_squeeze %dma_start3A_2757 : memref<1x128x128xf32, #tpu.memory_space<hbm>> -> memref<128x128xf32, #tpu.memory_space<hbm>>
    tpu.enqueue_dma source(%arg9 : memref<128x128xf32, #tpu.memory_space<vmem>>) target(%dma_start3A_2758 : memref<128x128xf32, #tpu.memory_space<hbm>>) target_semaphore(%arg21 : memref<!tpu.dma_semaphore, #tpu.memory_space<semaphore_mem>>)
    %dma_wait3A_2759 = arith.constant 4 : i32
    %dma_wait3A_2760 = arith.constant 0 : i32
    %dma_wait3A_2761 = tpu.memref_slice %arg4[%dma_wait3A_2759, %add3A_2725, %dma_wait3A_2760] : memref<9x16384x128xf32, #tpu.memory_space<hbm>> -> memref<1x128x128xf32, #tpu.memory_space<hbm>>
    %dma_wait3A_2762 = tpu.memref_squeeze %dma_wait3A_2761 : memref<1x128x128xf32, #tpu.memory_space<hbm>> -> memref<128x128xf32, #tpu.memory_space<hbm>>
    %dma_wait3A_2763 = arith.constant 0 : i32
    %dma_wait3A_2764 = tpu.memref_slice %arg4[%dma_wait3A_2759, %add3A_2725, %dma_wait3A_2763] : memref<9x16384x128xf32, #tpu.memory_space<hbm>> -> memref<1x128x128xf32, #tpu.memory_space<hbm>>
    %dma_wait3A_2765 = tpu.memref_squeeze %dma_wait3A_2764 : memref<1x128x128xf32, #tpu.memory_space<hbm>> -> memref<128x128xf32, #tpu.memory_space<hbm>>
    tpu.wait_dma2 semaphore(%arg20 : memref<!tpu.dma_semaphore, #tpu.memory_space<semaphore_mem>>) src(%arg8 : memref<128x128xf32, #tpu.memory_space<vmem>>) dst(%dma_wait3A_2765 : memref<128x128xf32, #tpu.memory_space<hbm>>)
    %dma_start3A_2766 = arith.constant 3200 : i32
    %dma_start3A_2767 = tpu.memref_slice %arg6[%dma_start3A_2766] : memref<4608xi32, #tpu.memory_space<vmem>> -> memref<128xi32, #tpu.memory_space<vmem>>
    %dma_start3A_2768 = arith.constant 0 : i32
    %dma_start3A_2769 = arith.constant 0 : i32
    %dma_start3A_2770 = tpu.memref_slice %arg3[%dma_start3A_2768, %dma_start3A_2769] : memref<900000x128xf32, #tpu.memory_space<hbm>> -> memref<900000x128xf32, #tpu.memory_space<hbm>>
    tpu.enqueue_indirect_dma source(%dma_start3A_2770 : memref<900000x128xf32, #tpu.memory_space<hbm>>) target(%arg8 : memref<128x128xf32, #tpu.memory_space<vmem>>) offsets(%dma_start3A_2767 : memref<128xi32, #tpu.memory_space<vmem>>) semaphore(%arg14 : memref<!tpu.dma_semaphore, #tpu.memory_space<semaphore_mem>>)
    %dma_wait3A_2771 = arith.constant 2688 : i32
    %dma_wait3A_2772 = tpu.memref_slice %arg6[%dma_wait3A_2771] : memref<4608xi32, #tpu.memory_space<vmem>> -> memref<128xi32, #tpu.memory_space<vmem>>
    %dma_wait3A_2773 = arith.constant 0 : i32
    %dma_wait3A_2774 = arith.constant 0 : i32
    %dma_wait3A_2775 = tpu.memref_slice %arg3[%dma_wait3A_2773, %dma_wait3A_2774] : memref<900000x128xf32, #tpu.memory_space<hbm>> -> memref<900000x128xf32, #tpu.memory_space<hbm>>
    tpu.wait_indirect_dma semaphore(%arg16 : memref<!tpu.dma_semaphore, #tpu.memory_space<semaphore_mem>>) src(%dma_wait3A_2775 : memref<900000x128xf32, #tpu.memory_space<hbm>>) dst(%arg10 : memref<128x128xf32, #tpu.memory_space<vmem>>)
    %add3A_2776 = arith.constant 128 : i32
    %add3A_2777 = arith.addi %mul3A_2, %add3A_2776 : i32
    %dma_start3A_2778 = arith.constant 5 : i32
    %dma_start3A_2779 = arith.constant 0 : i32
    %dma_start3A_2780 = tpu.memref_slice %arg4[%dma_start3A_2778, %add3A_2777, %dma_start3A_2779] : memref<9x16384x128xf32, #tpu.memory_space<hbm>> -> memref<1x128x128xf32, #tpu.memory_space<hbm>>
    %dma_start3A_2781 = tpu.memref_squeeze %dma_start3A_2780 : memref<1x128x128xf32, #tpu.memory_space<hbm>> -> memref<128x128xf32, #tpu.memory_space<hbm>>
    %dma_start3A_2782 = arith.constant 0 : i32
    %dma_start3A_2783 = tpu.memref_slice %arg4[%dma_start3A_2778, %add3A_2777, %dma_start3A_2782] : memref<9x16384x128xf32, #tpu.memory_space<hbm>> -> memref<1x128x128xf32, #tpu.memory_space<hbm>>
    %dma_start3A_2784 = tpu.memref_squeeze %dma_start3A_2783 : memref<1x128x128xf32, #tpu.memory_space<hbm>> -> memref<128x128xf32, #tpu.memory_space<hbm>>
    tpu.enqueue_dma source(%arg10 : memref<128x128xf32, #tpu.memory_space<vmem>>) target(%dma_start3A_2784 : memref<128x128xf32, #tpu.memory_space<hbm>>) target_semaphore(%arg22 : memref<!tpu.dma_semaphore, #tpu.memory_space<semaphore_mem>>)
    %dma_wait3A_2785 = arith.constant 5 : i32
    %dma_wait3A_2786 = arith.constant 0 : i32
    %dma_wait3A_2787 = tpu.memref_slice %arg4[%dma_wait3A_2785, %add3A_2751, %dma_wait3A_2786] : memref<9x16384x128xf32, #tpu.memory_space<hbm>> -> memref<1x128x128xf32, #tpu.memory_space<hbm>>
    %dma_wait3A_2788 = tpu.memref_squeeze %dma_wait3A_2787 : memref<1x128x128xf32, #tpu.memory_space<hbm>> -> memref<128x128xf32, #tpu.memory_space<hbm>>
    %dma_wait3A_2789 = arith.constant 0 : i32
    %dma_wait3A_2790 = tpu.memref_slice %arg4[%dma_wait3A_2785, %add3A_2751, %dma_wait3A_2789] : memref<9x16384x128xf32, #tpu.memory_space<hbm>> -> memref<1x128x128xf32, #tpu.memory_space<hbm>>
    %dma_wait3A_2791 = tpu.memref_squeeze %dma_wait3A_2790 : memref<1x128x128xf32, #tpu.memory_space<hbm>> -> memref<128x128xf32, #tpu.memory_space<hbm>>
    tpu.wait_dma2 semaphore(%arg21 : memref<!tpu.dma_semaphore, #tpu.memory_space<semaphore_mem>>) src(%arg9 : memref<128x128xf32, #tpu.memory_space<vmem>>) dst(%dma_wait3A_2791 : memref<128x128xf32, #tpu.memory_space<hbm>>)
    %dma_start3A_2792 = arith.constant 3328 : i32
    %dma_start3A_2793 = tpu.memref_slice %arg6[%dma_start3A_2792] : memref<4608xi32, #tpu.memory_space<vmem>> -> memref<128xi32, #tpu.memory_space<vmem>>
    %dma_start3A_2794 = arith.constant 0 : i32
    %dma_start3A_2795 = arith.constant 0 : i32
    %dma_start3A_2796 = tpu.memref_slice %arg3[%dma_start3A_2794, %dma_start3A_2795] : memref<900000x128xf32, #tpu.memory_space<hbm>> -> memref<900000x128xf32, #tpu.memory_space<hbm>>
    tpu.enqueue_indirect_dma source(%dma_start3A_2796 : memref<900000x128xf32, #tpu.memory_space<hbm>>) target(%arg9 : memref<128x128xf32, #tpu.memory_space<vmem>>) offsets(%dma_start3A_2793 : memref<128xi32, #tpu.memory_space<vmem>>) semaphore(%arg15 : memref<!tpu.dma_semaphore, #tpu.memory_space<semaphore_mem>>)
    %dma_wait3A_2797 = arith.constant 2816 : i32
    %dma_wait3A_2798 = tpu.memref_slice %arg6[%dma_wait3A_2797] : memref<4608xi32, #tpu.memory_space<vmem>> -> memref<128xi32, #tpu.memory_space<vmem>>
    %dma_wait3A_2799 = arith.constant 0 : i32
    %dma_wait3A_2800 = arith.constant 0 : i32
    %dma_wait3A_2801 = tpu.memref_slice %arg3[%dma_wait3A_2799, %dma_wait3A_2800] : memref<900000x128xf32, #tpu.memory_space<hbm>> -> memref<900000x128xf32, #tpu.memory_space<hbm>>
    tpu.wait_indirect_dma semaphore(%arg17 : memref<!tpu.dma_semaphore, #tpu.memory_space<semaphore_mem>>) src(%dma_wait3A_2801 : memref<900000x128xf32, #tpu.memory_space<hbm>>) dst(%arg11 : memref<128x128xf32, #tpu.memory_space<vmem>>)
    %add3A_2802 = arith.constant 256 : i32
    %add3A_2803 = arith.addi %mul3A_2, %add3A_2802 : i32
    %dma_start3A_2804 = arith.constant 5 : i32
    %dma_start3A_2805 = arith.constant 0 : i32
    %dma_start3A_2806 = tpu.memref_slice %arg4[%dma_start3A_2804, %add3A_2803, %dma_start3A_2805] : memref<9x16384x128xf32, #tpu.memory_space<hbm>> -> memref<1x128x128xf32, #tpu.memory_space<hbm>>
    %dma_start3A_2807 = tpu.memref_squeeze %dma_start3A_2806 : memref<1x128x128xf32, #tpu.memory_space<hbm>> -> memref<128x128xf32, #tpu.memory_space<hbm>>
    %dma_start3A_2808 = arith.constant 0 : i32
    %dma_start3A_2809 = tpu.memref_slice %arg4[%dma_start3A_2804, %add3A_2803, %dma_start3A_2808] : memref<9x16384x128xf32, #tpu.memory_space<hbm>> -> memref<1x128x128xf32, #tpu.memory_space<hbm>>
    %dma_start3A_2810 = tpu.memref_squeeze %dma_start3A_2809 : memref<1x128x128xf32, #tpu.memory_space<hbm>> -> memref<128x128xf32, #tpu.memory_space<hbm>>
    tpu.enqueue_dma source(%arg11 : memref<128x128xf32, #tpu.memory_space<vmem>>) target(%dma_start3A_2810 : memref<128x128xf32, #tpu.memory_space<hbm>>) target_semaphore(%arg23 : memref<!tpu.dma_semaphore, #tpu.memory_space<semaphore_mem>>)
    %dma_wait3A_2811 = arith.constant 5 : i32
    %dma_wait3A_2812 = arith.constant 0 : i32
    %dma_wait3A_2813 = tpu.memref_slice %arg4[%dma_wait3A_2811, %add3A_2777, %dma_wait3A_2812] : memref<9x16384x128xf32, #tpu.memory_space<hbm>> -> memref<1x128x128xf32, #tpu.memory_space<hbm>>
    %dma_wait3A_2814 = tpu.memref_squeeze %dma_wait3A_2813 : memref<1x128x128xf32, #tpu.memory_space<hbm>> -> memref<128x128xf32, #tpu.memory_space<hbm>>
    %dma_wait3A_2815 = arith.constant 0 : i32
    %dma_wait3A_2816 = tpu.memref_slice %arg4[%dma_wait3A_2811, %add3A_2777, %dma_wait3A_2815] : memref<9x16384x128xf32, #tpu.memory_space<hbm>> -> memref<1x128x128xf32, #tpu.memory_space<hbm>>
    %dma_wait3A_2817 = tpu.memref_squeeze %dma_wait3A_2816 : memref<1x128x128xf32, #tpu.memory_space<hbm>> -> memref<128x128xf32, #tpu.memory_space<hbm>>
    tpu.wait_dma2 semaphore(%arg22 : memref<!tpu.dma_semaphore, #tpu.memory_space<semaphore_mem>>) src(%arg10 : memref<128x128xf32, #tpu.memory_space<vmem>>) dst(%dma_wait3A_2817 : memref<128x128xf32, #tpu.memory_space<hbm>>)
    %dma_start3A_2818 = arith.constant 3456 : i32
    %dma_start3A_2819 = tpu.memref_slice %arg6[%dma_start3A_2818] : memref<4608xi32, #tpu.memory_space<vmem>> -> memref<128xi32, #tpu.memory_space<vmem>>
    %dma_start3A_2820 = arith.constant 0 : i32
    %dma_start3A_2821 = arith.constant 0 : i32
    %dma_start3A_2822 = tpu.memref_slice %arg3[%dma_start3A_2820, %dma_start3A_2821] : memref<900000x128xf32, #tpu.memory_space<hbm>> -> memref<900000x128xf32, #tpu.memory_space<hbm>>
    tpu.enqueue_indirect_dma source(%dma_start3A_2822 : memref<900000x128xf32, #tpu.memory_space<hbm>>) target(%arg10 : memref<128x128xf32, #tpu.memory_space<vmem>>) offsets(%dma_start3A_2819 : memref<128xi32, #tpu.memory_space<vmem>>) semaphore(%arg16 : memref<!tpu.dma_semaphore, #tpu.memory_space<semaphore_mem>>)
    %dma_wait3A_2823 = arith.constant 2944 : i32
    %dma_wait3A_2824 = tpu.memref_slice %arg6[%dma_wait3A_2823] : memref<4608xi32, #tpu.memory_space<vmem>> -> memref<128xi32, #tpu.memory_space<vmem>>
    %dma_wait3A_2825 = arith.constant 0 : i32
    %dma_wait3A_2826 = arith.constant 0 : i32
    %dma_wait3A_2827 = tpu.memref_slice %arg3[%dma_wait3A_2825, %dma_wait3A_2826] : memref<900000x128xf32, #tpu.memory_space<hbm>> -> memref<900000x128xf32, #tpu.memory_space<hbm>>
    tpu.wait_indirect_dma semaphore(%arg18 : memref<!tpu.dma_semaphore, #tpu.memory_space<semaphore_mem>>) src(%dma_wait3A_2827 : memref<900000x128xf32, #tpu.memory_space<hbm>>) dst(%arg12 : memref<128x128xf32, #tpu.memory_space<vmem>>)
    %add3A_2828 = arith.constant 384 : i32
    %add3A_2829 = arith.addi %mul3A_2, %add3A_2828 : i32
    %dma_start3A_2830 = arith.constant 5 : i32
    %dma_start3A_2831 = arith.constant 0 : i32
    %dma_start3A_2832 = tpu.memref_slice %arg4[%dma_start3A_2830, %add3A_2829, %dma_start3A_2831] : memref<9x16384x128xf32, #tpu.memory_space<hbm>> -> memref<1x128x128xf32, #tpu.memory_space<hbm>>
    %dma_start3A_2833 = tpu.memref_squeeze %dma_start3A_2832 : memref<1x128x128xf32, #tpu.memory_space<hbm>> -> memref<128x128xf32, #tpu.memory_space<hbm>>
    %dma_start3A_2834 = arith.constant 0 : i32
    %dma_start3A_2835 = tpu.memref_slice %arg4[%dma_start3A_2830, %add3A_2829, %dma_start3A_2834] : memref<9x16384x128xf32, #tpu.memory_space<hbm>> -> memref<1x128x128xf32, #tpu.memory_space<hbm>>
    %dma_start3A_2836 = tpu.memref_squeeze %dma_start3A_2835 : memref<1x128x128xf32, #tpu.memory_space<hbm>> -> memref<128x128xf32, #tpu.memory_space<hbm>>
    tpu.enqueue_dma source(%arg12 : memref<128x128xf32, #tpu.memory_space<vmem>>) target(%dma_start3A_2836 : memref<128x128xf32, #tpu.memory_space<hbm>>) target_semaphore(%arg24 : memref<!tpu.dma_semaphore, #tpu.memory_space<semaphore_mem>>)
    %dma_wait3A_2837 = arith.constant 5 : i32
    %dma_wait3A_2838 = arith.constant 0 : i32
    %dma_wait3A_2839 = tpu.memref_slice %arg4[%dma_wait3A_2837, %add3A_2803, %dma_wait3A_2838] : memref<9x16384x128xf32, #tpu.memory_space<hbm>> -> memref<1x128x128xf32, #tpu.memory_space<hbm>>
    %dma_wait3A_2840 = tpu.memref_squeeze %dma_wait3A_2839 : memref<1x128x128xf32, #tpu.memory_space<hbm>> -> memref<128x128xf32, #tpu.memory_space<hbm>>
    %dma_wait3A_2841 = arith.constant 0 : i32
    %dma_wait3A_2842 = tpu.memref_slice %arg4[%dma_wait3A_2837, %add3A_2803, %dma_wait3A_2841] : memref<9x16384x128xf32, #tpu.memory_space<hbm>> -> memref<1x128x128xf32, #tpu.memory_space<hbm>>
    %dma_wait3A_2843 = tpu.memref_squeeze %dma_wait3A_2842 : memref<1x128x128xf32, #tpu.memory_space<hbm>> -> memref<128x128xf32, #tpu.memory_space<hbm>>
    tpu.wait_dma2 semaphore(%arg23 : memref<!tpu.dma_semaphore, #tpu.memory_space<semaphore_mem>>) src(%arg11 : memref<128x128xf32, #tpu.memory_space<vmem>>) dst(%dma_wait3A_2843 : memref<128x128xf32, #tpu.memory_space<hbm>>)
    %dma_start3A_2844 = arith.constant 3584 : i32
    %dma_start3A_2845 = tpu.memref_slice %arg6[%dma_start3A_2844] : memref<4608xi32, #tpu.memory_space<vmem>> -> memref<128xi32, #tpu.memory_space<vmem>>
    %dma_start3A_2846 = arith.constant 0 : i32
    %dma_start3A_2847 = arith.constant 0 : i32
    %dma_start3A_2848 = tpu.memref_slice %arg3[%dma_start3A_2846, %dma_start3A_2847] : memref<900000x128xf32, #tpu.memory_space<hbm>> -> memref<900000x128xf32, #tpu.memory_space<hbm>>
    tpu.enqueue_indirect_dma source(%dma_start3A_2848 : memref<900000x128xf32, #tpu.memory_space<hbm>>) target(%arg11 : memref<128x128xf32, #tpu.memory_space<vmem>>) offsets(%dma_start3A_2845 : memref<128xi32, #tpu.memory_space<vmem>>) semaphore(%arg17 : memref<!tpu.dma_semaphore, #tpu.memory_space<semaphore_mem>>)
    %dma_wait3A_2849 = arith.constant 3072 : i32
    %dma_wait3A_2850 = tpu.memref_slice %arg6[%dma_wait3A_2849] : memref<4608xi32, #tpu.memory_space<vmem>> -> memref<128xi32, #tpu.memory_space<vmem>>
    %dma_wait3A_2851 = arith.constant 0 : i32
    %dma_wait3A_2852 = arith.constant 0 : i32
    %dma_wait3A_2853 = tpu.memref_slice %arg3[%dma_wait3A_2851, %dma_wait3A_2852] : memref<900000x128xf32, #tpu.memory_space<hbm>> -> memref<900000x128xf32, #tpu.memory_space<hbm>>
    tpu.wait_indirect_dma semaphore(%arg13 : memref<!tpu.dma_semaphore, #tpu.memory_space<semaphore_mem>>) src(%dma_wait3A_2853 : memref<900000x128xf32, #tpu.memory_space<hbm>>) dst(%arg7 : memref<128x128xf32, #tpu.memory_space<vmem>>)
    %add3A_2854 = arith.constant 0 : i32
    %add3A_2855 = arith.addi %mul3A_2, %add3A_2854 : i32
    %dma_start3A_2856 = arith.constant 6 : i32
    %dma_start3A_2857 = arith.constant 0 : i32
    %dma_start3A_2858 = tpu.memref_slice %arg4[%dma_start3A_2856, %add3A_2855, %dma_start3A_2857] : memref<9x16384x128xf32, #tpu.memory_space<hbm>> -> memref<1x128x128xf32, #tpu.memory_space<hbm>>
    %dma_start3A_2859 = tpu.memref_squeeze %dma_start3A_2858 : memref<1x128x128xf32, #tpu.memory_space<hbm>> -> memref<128x128xf32, #tpu.memory_space<hbm>>
    %dma_start3A_2860 = arith.constant 0 : i32
    %dma_start3A_2861 = tpu.memref_slice %arg4[%dma_start3A_2856, %add3A_2855, %dma_start3A_2860] : memref<9x16384x128xf32, #tpu.memory_space<hbm>> -> memref<1x128x128xf32, #tpu.memory_space<hbm>>
    %dma_start3A_2862 = tpu.memref_squeeze %dma_start3A_2861 : memref<1x128x128xf32, #tpu.memory_space<hbm>> -> memref<128x128xf32, #tpu.memory_space<hbm>>
    tpu.enqueue_dma source(%arg7 : memref<128x128xf32, #tpu.memory_space<vmem>>) target(%dma_start3A_2862 : memref<128x128xf32, #tpu.memory_space<hbm>>) target_semaphore(%arg19 : memref<!tpu.dma_semaphore, #tpu.memory_space<semaphore_mem>>)
    %dma_wait3A_2863 = arith.constant 5 : i32
    %dma_wait3A_2864 = arith.constant 0 : i32
    %dma_wait3A_2865 = tpu.memref_slice %arg4[%dma_wait3A_2863, %add3A_2829, %dma_wait3A_2864] : memref<9x16384x128xf32, #tpu.memory_space<hbm>> -> memref<1x128x128xf32, #tpu.memory_space<hbm>>
    %dma_wait3A_2866 = tpu.memref_squeeze %dma_wait3A_2865 : memref<1x128x128xf32, #tpu.memory_space<hbm>> -> memref<128x128xf32, #tpu.memory_space<hbm>>
    %dma_wait3A_2867 = arith.constant 0 : i32
    %dma_wait3A_2868 = tpu.memref_slice %arg4[%dma_wait3A_2863, %add3A_2829, %dma_wait3A_2867] : memref<9x16384x128xf32, #tpu.memory_space<hbm>> -> memref<1x128x128xf32, #tpu.memory_space<hbm>>
    %dma_wait3A_2869 = tpu.memref_squeeze %dma_wait3A_2868 : memref<1x128x128xf32, #tpu.memory_space<hbm>> -> memref<128x128xf32, #tpu.memory_space<hbm>>
    tpu.wait_dma2 semaphore(%arg24 : memref<!tpu.dma_semaphore, #tpu.memory_space<semaphore_mem>>) src(%arg12 : memref<128x128xf32, #tpu.memory_space<vmem>>) dst(%dma_wait3A_2869 : memref<128x128xf32, #tpu.memory_space<hbm>>)
    %dma_start3A_2870 = arith.constant 3712 : i32
    %dma_start3A_2871 = tpu.memref_slice %arg6[%dma_start3A_2870] : memref<4608xi32, #tpu.memory_space<vmem>> -> memref<128xi32, #tpu.memory_space<vmem>>
    %dma_start3A_2872 = arith.constant 0 : i32
    %dma_start3A_2873 = arith.constant 0 : i32
    %dma_start3A_2874 = tpu.memref_slice %arg3[%dma_start3A_2872, %dma_start3A_2873] : memref<900000x128xf32, #tpu.memory_space<hbm>> -> memref<900000x128xf32, #tpu.memory_space<hbm>>
    tpu.enqueue_indirect_dma source(%dma_start3A_2874 : memref<900000x128xf32, #tpu.memory_space<hbm>>) target(%arg12 : memref<128x128xf32, #tpu.memory_space<vmem>>) offsets(%dma_start3A_2871 : memref<128xi32, #tpu.memory_space<vmem>>) semaphore(%arg18 : memref<!tpu.dma_semaphore, #tpu.memory_space<semaphore_mem>>)
    %dma_wait3A_2875 = arith.constant 3200 : i32
    %dma_wait3A_2876 = tpu.memref_slice %arg6[%dma_wait3A_2875] : memref<4608xi32, #tpu.memory_space<vmem>> -> memref<128xi32, #tpu.memory_space<vmem>>
    %dma_wait3A_2877 = arith.constant 0 : i32
    %dma_wait3A_2878 = arith.constant 0 : i32
    %dma_wait3A_2879 = tpu.memref_slice %arg3[%dma_wait3A_2877, %dma_wait3A_2878] : memref<900000x128xf32, #tpu.memory_space<hbm>> -> memref<900000x128xf32, #tpu.memory_space<hbm>>
    tpu.wait_indirect_dma semaphore(%arg14 : memref<!tpu.dma_semaphore, #tpu.memory_space<semaphore_mem>>) src(%dma_wait3A_2879 : memref<900000x128xf32, #tpu.memory_space<hbm>>) dst(%arg8 : memref<128x128xf32, #tpu.memory_space<vmem>>)
    %add3A_2880 = arith.constant 128 : i32
    %add3A_2881 = arith.addi %mul3A_2, %add3A_2880 : i32
    %dma_start3A_2882 = arith.constant 6 : i32
    %dma_start3A_2883 = arith.constant 0 : i32
    %dma_start3A_2884 = tpu.memref_slice %arg4[%dma_start3A_2882, %add3A_2881, %dma_start3A_2883] : memref<9x16384x128xf32, #tpu.memory_space<hbm>> -> memref<1x128x128xf32, #tpu.memory_space<hbm>>
    %dma_start3A_2885 = tpu.memref_squeeze %dma_start3A_2884 : memref<1x128x128xf32, #tpu.memory_space<hbm>> -> memref<128x128xf32, #tpu.memory_space<hbm>>
    %dma_start3A_2886 = arith.constant 0 : i32
    %dma_start3A_2887 = tpu.memref_slice %arg4[%dma_start3A_2882, %add3A_2881, %dma_start3A_2886] : memref<9x16384x128xf32, #tpu.memory_space<hbm>> -> memref<1x128x128xf32, #tpu.memory_space<hbm>>
    %dma_start3A_2888 = tpu.memref_squeeze %dma_start3A_2887 : memref<1x128x128xf32, #tpu.memory_space<hbm>> -> memref<128x128xf32, #tpu.memory_space<hbm>>
    tpu.enqueue_dma source(%arg8 : memref<128x128xf32, #tpu.memory_space<vmem>>) target(%dma_start3A_2888 : memref<128x128xf32, #tpu.memory_space<hbm>>) target_semaphore(%arg20 : memref<!tpu.dma_semaphore, #tpu.memory_space<semaphore_mem>>)
    %dma_wait3A_2889 = arith.constant 6 : i32
    %dma_wait3A_2890 = arith.constant 0 : i32
    %dma_wait3A_2891 = tpu.memref_slice %arg4[%dma_wait3A_2889, %add3A_2855, %dma_wait3A_2890] : memref<9x16384x128xf32, #tpu.memory_space<hbm>> -> memref<1x128x128xf32, #tpu.memory_space<hbm>>
    %dma_wait3A_2892 = tpu.memref_squeeze %dma_wait3A_2891 : memref<1x128x128xf32, #tpu.memory_space<hbm>> -> memref<128x128xf32, #tpu.memory_space<hbm>>
    %dma_wait3A_2893 = arith.constant 0 : i32
    %dma_wait3A_2894 = tpu.memref_slice %arg4[%dma_wait3A_2889, %add3A_2855, %dma_wait3A_2893] : memref<9x16384x128xf32, #tpu.memory_space<hbm>> -> memref<1x128x128xf32, #tpu.memory_space<hbm>>
    %dma_wait3A_2895 = tpu.memref_squeeze %dma_wait3A_2894 : memref<1x128x128xf32, #tpu.memory_space<hbm>> -> memref<128x128xf32, #tpu.memory_space<hbm>>
    tpu.wait_dma2 semaphore(%arg19 : memref<!tpu.dma_semaphore, #tpu.memory_space<semaphore_mem>>) src(%arg7 : memref<128x128xf32, #tpu.memory_space<vmem>>) dst(%dma_wait3A_2895 : memref<128x128xf32, #tpu.memory_space<hbm>>)
    %dma_start3A_2896 = arith.constant 3840 : i32
    %dma_start3A_2897 = tpu.memref_slice %arg6[%dma_start3A_2896] : memref<4608xi32, #tpu.memory_space<vmem>> -> memref<128xi32, #tpu.memory_space<vmem>>
    %dma_start3A_2898 = arith.constant 0 : i32
    %dma_start3A_2899 = arith.constant 0 : i32
    %dma_start3A_2900 = tpu.memref_slice %arg3[%dma_start3A_2898, %dma_start3A_2899] : memref<900000x128xf32, #tpu.memory_space<hbm>> -> memref<900000x128xf32, #tpu.memory_space<hbm>>
    tpu.enqueue_indirect_dma source(%dma_start3A_2900 : memref<900000x128xf32, #tpu.memory_space<hbm>>) target(%arg7 : memref<128x128xf32, #tpu.memory_space<vmem>>) offsets(%dma_start3A_2897 : memref<128xi32, #tpu.memory_space<vmem>>) semaphore(%arg13 : memref<!tpu.dma_semaphore, #tpu.memory_space<semaphore_mem>>)
    %dma_wait3A_2901 = arith.constant 3328 : i32
    %dma_wait3A_2902 = tpu.memref_slice %arg6[%dma_wait3A_2901] : memref<4608xi32, #tpu.memory_space<vmem>> -> memref<128xi32, #tpu.memory_space<vmem>>
    %dma_wait3A_2903 = arith.constant 0 : i32
    %dma_wait3A_2904 = arith.constant 0 : i32
    %dma_wait3A_2905 = tpu.memref_slice %arg3[%dma_wait3A_2903, %dma_wait3A_2904] : memref<900000x128xf32, #tpu.memory_space<hbm>> -> memref<900000x128xf32, #tpu.memory_space<hbm>>
    tpu.wait_indirect_dma semaphore(%arg15 : memref<!tpu.dma_semaphore, #tpu.memory_space<semaphore_mem>>) src(%dma_wait3A_2905 : memref<900000x128xf32, #tpu.memory_space<hbm>>) dst(%arg9 : memref<128x128xf32, #tpu.memory_space<vmem>>)
    %add3A_2906 = arith.constant 256 : i32
    %add3A_2907 = arith.addi %mul3A_2, %add3A_2906 : i32
    %dma_start3A_2908 = arith.constant 6 : i32
    %dma_start3A_2909 = arith.constant 0 : i32
    %dma_start3A_2910 = tpu.memref_slice %arg4[%dma_start3A_2908, %add3A_2907, %dma_start3A_2909] : memref<9x16384x128xf32, #tpu.memory_space<hbm>> -> memref<1x128x128xf32, #tpu.memory_space<hbm>>
    %dma_start3A_2911 = tpu.memref_squeeze %dma_start3A_2910 : memref<1x128x128xf32, #tpu.memory_space<hbm>> -> memref<128x128xf32, #tpu.memory_space<hbm>>
    %dma_start3A_2912 = arith.constant 0 : i32
    %dma_start3A_2913 = tpu.memref_slice %arg4[%dma_start3A_2908, %add3A_2907, %dma_start3A_2912] : memref<9x16384x128xf32, #tpu.memory_space<hbm>> -> memref<1x128x128xf32, #tpu.memory_space<hbm>>
    %dma_start3A_2914 = tpu.memref_squeeze %dma_start3A_2913 : memref<1x128x128xf32, #tpu.memory_space<hbm>> -> memref<128x128xf32, #tpu.memory_space<hbm>>
    tpu.enqueue_dma source(%arg9 : memref<128x128xf32, #tpu.memory_space<vmem>>) target(%dma_start3A_2914 : memref<128x128xf32, #tpu.memory_space<hbm>>) target_semaphore(%arg21 : memref<!tpu.dma_semaphore, #tpu.memory_space<semaphore_mem>>)
    %dma_wait3A_2915 = arith.constant 6 : i32
    %dma_wait3A_2916 = arith.constant 0 : i32
    %dma_wait3A_2917 = tpu.memref_slice %arg4[%dma_wait3A_2915, %add3A_2881, %dma_wait3A_2916] : memref<9x16384x128xf32, #tpu.memory_space<hbm>> -> memref<1x128x128xf32, #tpu.memory_space<hbm>>
    %dma_wait3A_2918 = tpu.memref_squeeze %dma_wait3A_2917 : memref<1x128x128xf32, #tpu.memory_space<hbm>> -> memref<128x128xf32, #tpu.memory_space<hbm>>
    %dma_wait3A_2919 = arith.constant 0 : i32
    %dma_wait3A_2920 = tpu.memref_slice %arg4[%dma_wait3A_2915, %add3A_2881, %dma_wait3A_2919] : memref<9x16384x128xf32, #tpu.memory_space<hbm>> -> memref<1x128x128xf32, #tpu.memory_space<hbm>>
    %dma_wait3A_2921 = tpu.memref_squeeze %dma_wait3A_2920 : memref<1x128x128xf32, #tpu.memory_space<hbm>> -> memref<128x128xf32, #tpu.memory_space<hbm>>
    tpu.wait_dma2 semaphore(%arg20 : memref<!tpu.dma_semaphore, #tpu.memory_space<semaphore_mem>>) src(%arg8 : memref<128x128xf32, #tpu.memory_space<vmem>>) dst(%dma_wait3A_2921 : memref<128x128xf32, #tpu.memory_space<hbm>>)
    %dma_start3A_2922 = arith.constant 3968 : i32
    %dma_start3A_2923 = tpu.memref_slice %arg6[%dma_start3A_2922] : memref<4608xi32, #tpu.memory_space<vmem>> -> memref<128xi32, #tpu.memory_space<vmem>>
    %dma_start3A_2924 = arith.constant 0 : i32
    %dma_start3A_2925 = arith.constant 0 : i32
    %dma_start3A_2926 = tpu.memref_slice %arg3[%dma_start3A_2924, %dma_start3A_2925] : memref<900000x128xf32, #tpu.memory_space<hbm>> -> memref<900000x128xf32, #tpu.memory_space<hbm>>
    tpu.enqueue_indirect_dma source(%dma_start3A_2926 : memref<900000x128xf32, #tpu.memory_space<hbm>>) target(%arg8 : memref<128x128xf32, #tpu.memory_space<vmem>>) offsets(%dma_start3A_2923 : memref<128xi32, #tpu.memory_space<vmem>>) semaphore(%arg14 : memref<!tpu.dma_semaphore, #tpu.memory_space<semaphore_mem>>)
    %dma_wait3A_2927 = arith.constant 3456 : i32
    %dma_wait3A_2928 = tpu.memref_slice %arg6[%dma_wait3A_2927] : memref<4608xi32, #tpu.memory_space<vmem>> -> memref<128xi32, #tpu.memory_space<vmem>>
    %dma_wait3A_2929 = arith.constant 0 : i32
    %dma_wait3A_2930 = arith.constant 0 : i32
    %dma_wait3A_2931 = tpu.memref_slice %arg3[%dma_wait3A_2929, %dma_wait3A_2930] : memref<900000x128xf32, #tpu.memory_space<hbm>> -> memref<900000x128xf32, #tpu.memory_space<hbm>>
    tpu.wait_indirect_dma semaphore(%arg16 : memref<!tpu.dma_semaphore, #tpu.memory_space<semaphore_mem>>) src(%dma_wait3A_2931 : memref<900000x128xf32, #tpu.memory_space<hbm>>) dst(%arg10 : memref<128x128xf32, #tpu.memory_space<vmem>>)
    %add3A_2932 = arith.constant 384 : i32
    %add3A_2933 = arith.addi %mul3A_2, %add3A_2932 : i32
    %dma_start3A_2934 = arith.constant 6 : i32
    %dma_start3A_2935 = arith.constant 0 : i32
    %dma_start3A_2936 = tpu.memref_slice %arg4[%dma_start3A_2934, %add3A_2933, %dma_start3A_2935] : memref<9x16384x128xf32, #tpu.memory_space<hbm>> -> memref<1x128x128xf32, #tpu.memory_space<hbm>>
    %dma_start3A_2937 = tpu.memref_squeeze %dma_start3A_2936 : memref<1x128x128xf32, #tpu.memory_space<hbm>> -> memref<128x128xf32, #tpu.memory_space<hbm>>
    %dma_start3A_2938 = arith.constant 0 : i32
    %dma_start3A_2939 = tpu.memref_slice %arg4[%dma_start3A_2934, %add3A_2933, %dma_start3A_2938] : memref<9x16384x128xf32, #tpu.memory_space<hbm>> -> memref<1x128x128xf32, #tpu.memory_space<hbm>>
    %dma_start3A_2940 = tpu.memref_squeeze %dma_start3A_2939 : memref<1x128x128xf32, #tpu.memory_space<hbm>> -> memref<128x128xf32, #tpu.memory_space<hbm>>
    tpu.enqueue_dma source(%arg10 : memref<128x128xf32, #tpu.memory_space<vmem>>) target(%dma_start3A_2940 : memref<128x128xf32, #tpu.memory_space<hbm>>) target_semaphore(%arg22 : memref<!tpu.dma_semaphore, #tpu.memory_space<semaphore_mem>>)
    %dma_wait3A_2941 = arith.constant 6 : i32
    %dma_wait3A_2942 = arith.constant 0 : i32
    %dma_wait3A_2943 = tpu.memref_slice %arg4[%dma_wait3A_2941, %add3A_2907, %dma_wait3A_2942] : memref<9x16384x128xf32, #tpu.memory_space<hbm>> -> memref<1x128x128xf32, #tpu.memory_space<hbm>>
    %dma_wait3A_2944 = tpu.memref_squeeze %dma_wait3A_2943 : memref<1x128x128xf32, #tpu.memory_space<hbm>> -> memref<128x128xf32, #tpu.memory_space<hbm>>
    %dma_wait3A_2945 = arith.constant 0 : i32
    %dma_wait3A_2946 = tpu.memref_slice %arg4[%dma_wait3A_2941, %add3A_2907, %dma_wait3A_2945] : memref<9x16384x128xf32, #tpu.memory_space<hbm>> -> memref<1x128x128xf32, #tpu.memory_space<hbm>>
    %dma_wait3A_2947 = tpu.memref_squeeze %dma_wait3A_2946 : memref<1x128x128xf32, #tpu.memory_space<hbm>> -> memref<128x128xf32, #tpu.memory_space<hbm>>
    tpu.wait_dma2 semaphore(%arg21 : memref<!tpu.dma_semaphore, #tpu.memory_space<semaphore_mem>>) src(%arg9 : memref<128x128xf32, #tpu.memory_space<vmem>>) dst(%dma_wait3A_2947 : memref<128x128xf32, #tpu.memory_space<hbm>>)
    %dma_start3A_2948 = arith.constant 4096 : i32
    %dma_start3A_2949 = tpu.memref_slice %arg6[%dma_start3A_2948] : memref<4608xi32, #tpu.memory_space<vmem>> -> memref<128xi32, #tpu.memory_space<vmem>>
    %dma_start3A_2950 = arith.constant 0 : i32
    %dma_start3A_2951 = arith.constant 0 : i32
    %dma_start3A_2952 = tpu.memref_slice %arg3[%dma_start3A_2950, %dma_start3A_2951] : memref<900000x128xf32, #tpu.memory_space<hbm>> -> memref<900000x128xf32, #tpu.memory_space<hbm>>
    tpu.enqueue_indirect_dma source(%dma_start3A_2952 : memref<900000x128xf32, #tpu.memory_space<hbm>>) target(%arg9 : memref<128x128xf32, #tpu.memory_space<vmem>>) offsets(%dma_start3A_2949 : memref<128xi32, #tpu.memory_space<vmem>>) semaphore(%arg15 : memref<!tpu.dma_semaphore, #tpu.memory_space<semaphore_mem>>)
    %dma_wait3A_2953 = arith.constant 3584 : i32
    %dma_wait3A_2954 = tpu.memref_slice %arg6[%dma_wait3A_2953] : memref<4608xi32, #tpu.memory_space<vmem>> -> memref<128xi32, #tpu.memory_space<vmem>>
    %dma_wait3A_2955 = arith.constant 0 : i32
    %dma_wait3A_2956 = arith.constant 0 : i32
    %dma_wait3A_2957 = tpu.memref_slice %arg3[%dma_wait3A_2955, %dma_wait3A_2956] : memref<900000x128xf32, #tpu.memory_space<hbm>> -> memref<900000x128xf32, #tpu.memory_space<hbm>>
    tpu.wait_indirect_dma semaphore(%arg17 : memref<!tpu.dma_semaphore, #tpu.memory_space<semaphore_mem>>) src(%dma_wait3A_2957 : memref<900000x128xf32, #tpu.memory_space<hbm>>) dst(%arg11 : memref<128x128xf32, #tpu.memory_space<vmem>>)
    %add3A_2958 = arith.constant 0 : i32
    %add3A_2959 = arith.addi %mul3A_2, %add3A_2958 : i32
    %dma_start3A_2960 = arith.constant 7 : i32
    %dma_start3A_2961 = arith.constant 0 : i32
    %dma_start3A_2962 = tpu.memref_slice %arg4[%dma_start3A_2960, %add3A_2959, %dma_start3A_2961] : memref<9x16384x128xf32, #tpu.memory_space<hbm>> -> memref<1x128x128xf32, #tpu.memory_space<hbm>>
    %dma_start3A_2963 = tpu.memref_squeeze %dma_start3A_2962 : memref<1x128x128xf32, #tpu.memory_space<hbm>> -> memref<128x128xf32, #tpu.memory_space<hbm>>
    %dma_start3A_2964 = arith.constant 0 : i32
    %dma_start3A_2965 = tpu.memref_slice %arg4[%dma_start3A_2960, %add3A_2959, %dma_start3A_2964] : memref<9x16384x128xf32, #tpu.memory_space<hbm>> -> memref<1x128x128xf32, #tpu.memory_space<hbm>>
    %dma_start3A_2966 = tpu.memref_squeeze %dma_start3A_2965 : memref<1x128x128xf32, #tpu.memory_space<hbm>> -> memref<128x128xf32, #tpu.memory_space<hbm>>
    tpu.enqueue_dma source(%arg11 : memref<128x128xf32, #tpu.memory_space<vmem>>) target(%dma_start3A_2966 : memref<128x128xf32, #tpu.memory_space<hbm>>) target_semaphore(%arg23 : memref<!tpu.dma_semaphore, #tpu.memory_space<semaphore_mem>>)
    %dma_wait3A_2967 = arith.constant 6 : i32
    %dma_wait3A_2968 = arith.constant 0 : i32
    %dma_wait3A_2969 = tpu.memref_slice %arg4[%dma_wait3A_2967, %add3A_2933, %dma_wait3A_2968] : memref<9x16384x128xf32, #tpu.memory_space<hbm>> -> memref<1x128x128xf32, #tpu.memory_space<hbm>>
    %dma_wait3A_2970 = tpu.memref_squeeze %dma_wait3A_2969 : memref<1x128x128xf32, #tpu.memory_space<hbm>> -> memref<128x128xf32, #tpu.memory_space<hbm>>
    %dma_wait3A_2971 = arith.constant 0 : i32
    %dma_wait3A_2972 = tpu.memref_slice %arg4[%dma_wait3A_2967, %add3A_2933, %dma_wait3A_2971] : memref<9x16384x128xf32, #tpu.memory_space<hbm>> -> memref<1x128x128xf32, #tpu.memory_space<hbm>>
    %dma_wait3A_2973 = tpu.memref_squeeze %dma_wait3A_2972 : memref<1x128x128xf32, #tpu.memory_space<hbm>> -> memref<128x128xf32, #tpu.memory_space<hbm>>
    tpu.wait_dma2 semaphore(%arg22 : memref<!tpu.dma_semaphore, #tpu.memory_space<semaphore_mem>>) src(%arg10 : memref<128x128xf32, #tpu.memory_space<vmem>>) dst(%dma_wait3A_2973 : memref<128x128xf32, #tpu.memory_space<hbm>>)
    %dma_start3A_2974 = arith.constant 4224 : i32
    %dma_start3A_2975 = tpu.memref_slice %arg6[%dma_start3A_2974] : memref<4608xi32, #tpu.memory_space<vmem>> -> memref<128xi32, #tpu.memory_space<vmem>>
    %dma_start3A_2976 = arith.constant 0 : i32
    %dma_start3A_2977 = arith.constant 0 : i32
    %dma_start3A_2978 = tpu.memref_slice %arg3[%dma_start3A_2976, %dma_start3A_2977] : memref<900000x128xf32, #tpu.memory_space<hbm>> -> memref<900000x128xf32, #tpu.memory_space<hbm>>
    tpu.enqueue_indirect_dma source(%dma_start3A_2978 : memref<900000x128xf32, #tpu.memory_space<hbm>>) target(%arg10 : memref<128x128xf32, #tpu.memory_space<vmem>>) offsets(%dma_start3A_2975 : memref<128xi32, #tpu.memory_space<vmem>>) semaphore(%arg16 : memref<!tpu.dma_semaphore, #tpu.memory_space<semaphore_mem>>)
    %dma_wait3A_2979 = arith.constant 3712 : i32
    %dma_wait3A_2980 = tpu.memref_slice %arg6[%dma_wait3A_2979] : memref<4608xi32, #tpu.memory_space<vmem>> -> memref<128xi32, #tpu.memory_space<vmem>>
    %dma_wait3A_2981 = arith.constant 0 : i32
    %dma_wait3A_2982 = arith.constant 0 : i32
    %dma_wait3A_2983 = tpu.memref_slice %arg3[%dma_wait3A_2981, %dma_wait3A_2982] : memref<900000x128xf32, #tpu.memory_space<hbm>> -> memref<900000x128xf32, #tpu.memory_space<hbm>>
    tpu.wait_indirect_dma semaphore(%arg18 : memref<!tpu.dma_semaphore, #tpu.memory_space<semaphore_mem>>) src(%dma_wait3A_2983 : memref<900000x128xf32, #tpu.memory_space<hbm>>) dst(%arg12 : memref<128x128xf32, #tpu.memory_space<vmem>>)
    %add3A_2984 = arith.constant 128 : i32
    %add3A_2985 = arith.addi %mul3A_2, %add3A_2984 : i32
    %dma_start3A_2986 = arith.constant 7 : i32
    %dma_start3A_2987 = arith.constant 0 : i32
    %dma_start3A_2988 = tpu.memref_slice %arg4[%dma_start3A_2986, %add3A_2985, %dma_start3A_2987] : memref<9x16384x128xf32, #tpu.memory_space<hbm>> -> memref<1x128x128xf32, #tpu.memory_space<hbm>>
    %dma_start3A_2989 = tpu.memref_squeeze %dma_start3A_2988 : memref<1x128x128xf32, #tpu.memory_space<hbm>> -> memref<128x128xf32, #tpu.memory_space<hbm>>
    %dma_start3A_2990 = arith.constant 0 : i32
    %dma_start3A_2991 = tpu.memref_slice %arg4[%dma_start3A_2986, %add3A_2985, %dma_start3A_2990] : memref<9x16384x128xf32, #tpu.memory_space<hbm>> -> memref<1x128x128xf32, #tpu.memory_space<hbm>>
    %dma_start3A_2992 = tpu.memref_squeeze %dma_start3A_2991 : memref<1x128x128xf32, #tpu.memory_space<hbm>> -> memref<128x128xf32, #tpu.memory_space<hbm>>
    tpu.enqueue_dma source(%arg12 : memref<128x128xf32, #tpu.memory_space<vmem>>) target(%dma_start3A_2992 : memref<128x128xf32, #tpu.memory_space<hbm>>) target_semaphore(%arg24 : memref<!tpu.dma_semaphore, #tpu.memory_space<semaphore_mem>>)
    %dma_wait3A_2993 = arith.constant 7 : i32
    %dma_wait3A_2994 = arith.constant 0 : i32
    %dma_wait3A_2995 = tpu.memref_slice %arg4[%dma_wait3A_2993, %add3A_2959, %dma_wait3A_2994] : memref<9x16384x128xf32, #tpu.memory_space<hbm>> -> memref<1x128x128xf32, #tpu.memory_space<hbm>>
    %dma_wait3A_2996 = tpu.memref_squeeze %dma_wait3A_2995 : memref<1x128x128xf32, #tpu.memory_space<hbm>> -> memref<128x128xf32, #tpu.memory_space<hbm>>
    %dma_wait3A_2997 = arith.constant 0 : i32
    %dma_wait3A_2998 = tpu.memref_slice %arg4[%dma_wait3A_2993, %add3A_2959, %dma_wait3A_2997] : memref<9x16384x128xf32, #tpu.memory_space<hbm>> -> memref<1x128x128xf32, #tpu.memory_space<hbm>>
    %dma_wait3A_2999 = tpu.memref_squeeze %dma_wait3A_2998 : memref<1x128x128xf32, #tpu.memory_space<hbm>> -> memref<128x128xf32, #tpu.memory_space<hbm>>
    tpu.wait_dma2 semaphore(%arg23 : memref<!tpu.dma_semaphore, #tpu.memory_space<semaphore_mem>>) src(%arg11 : memref<128x128xf32, #tpu.memory_space<vmem>>) dst(%dma_wait3A_2999 : memref<128x128xf32, #tpu.memory_space<hbm>>)
    %dma_start3A_3000 = arith.constant 4352 : i32
    %dma_start3A_3001 = tpu.memref_slice %arg6[%dma_start3A_3000] : memref<4608xi32, #tpu.memory_space<vmem>> -> memref<128xi32, #tpu.memory_space<vmem>>
    %dma_start3A_3002 = arith.constant 0 : i32
    %dma_start3A_3003 = arith.constant 0 : i32
    %dma_start3A_3004 = tpu.memref_slice %arg3[%dma_start3A_3002, %dma_start3A_3003] : memref<900000x128xf32, #tpu.memory_space<hbm>> -> memref<900000x128xf32, #tpu.memory_space<hbm>>
    tpu.enqueue_indirect_dma source(%dma_start3A_3004 : memref<900000x128xf32, #tpu.memory_space<hbm>>) target(%arg11 : memref<128x128xf32, #tpu.memory_space<vmem>>) offsets(%dma_start3A_3001 : memref<128xi32, #tpu.memory_space<vmem>>) semaphore(%arg17 : memref<!tpu.dma_semaphore, #tpu.memory_space<semaphore_mem>>)
    %dma_wait3A_3005 = arith.constant 3840 : i32
    %dma_wait3A_3006 = tpu.memref_slice %arg6[%dma_wait3A_3005] : memref<4608xi32, #tpu.memory_space<vmem>> -> memref<128xi32, #tpu.memory_space<vmem>>
    %dma_wait3A_3007 = arith.constant 0 : i32
    %dma_wait3A_3008 = arith.constant 0 : i32
    %dma_wait3A_3009 = tpu.memref_slice %arg3[%dma_wait3A_3007, %dma_wait3A_3008] : memref<900000x128xf32, #tpu.memory_space<hbm>> -> memref<900000x128xf32, #tpu.memory_space<hbm>>
    tpu.wait_indirect_dma semaphore(%arg13 : memref<!tpu.dma_semaphore, #tpu.memory_space<semaphore_mem>>) src(%dma_wait3A_3009 : memref<900000x128xf32, #tpu.memory_space<hbm>>) dst(%arg7 : memref<128x128xf32, #tpu.memory_space<vmem>>)
    %add3A_3010 = arith.constant 256 : i32
    %add3A_3011 = arith.addi %mul3A_2, %add3A_3010 : i32
    %dma_start3A_3012 = arith.constant 7 : i32
    %dma_start3A_3013 = arith.constant 0 : i32
    %dma_start3A_3014 = tpu.memref_slice %arg4[%dma_start3A_3012, %add3A_3011, %dma_start3A_3013] : memref<9x16384x128xf32, #tpu.memory_space<hbm>> -> memref<1x128x128xf32, #tpu.memory_space<hbm>>
    %dma_start3A_3015 = tpu.memref_squeeze %dma_start3A_3014 : memref<1x128x128xf32, #tpu.memory_space<hbm>> -> memref<128x128xf32, #tpu.memory_space<hbm>>
    %dma_start3A_3016 = arith.constant 0 : i32
    %dma_start3A_3017 = tpu.memref_slice %arg4[%dma_start3A_3012, %add3A_3011, %dma_start3A_3016] : memref<9x16384x128xf32, #tpu.memory_space<hbm>> -> memref<1x128x128xf32, #tpu.memory_space<hbm>>
    %dma_start3A_3018 = tpu.memref_squeeze %dma_start3A_3017 : memref<1x128x128xf32, #tpu.memory_space<hbm>> -> memref<128x128xf32, #tpu.memory_space<hbm>>
    tpu.enqueue_dma source(%arg7 : memref<128x128xf32, #tpu.memory_space<vmem>>) target(%dma_start3A_3018 : memref<128x128xf32, #tpu.memory_space<hbm>>) target_semaphore(%arg19 : memref<!tpu.dma_semaphore, #tpu.memory_space<semaphore_mem>>)
    %dma_wait3A_3019 = arith.constant 7 : i32
    %dma_wait3A_3020 = arith.constant 0 : i32
    %dma_wait3A_3021 = tpu.memref_slice %arg4[%dma_wait3A_3019, %add3A_2985, %dma_wait3A_3020] : memref<9x16384x128xf32, #tpu.memory_space<hbm>> -> memref<1x128x128xf32, #tpu.memory_space<hbm>>
    %dma_wait3A_3022 = tpu.memref_squeeze %dma_wait3A_3021 : memref<1x128x128xf32, #tpu.memory_space<hbm>> -> memref<128x128xf32, #tpu.memory_space<hbm>>
    %dma_wait3A_3023 = arith.constant 0 : i32
    %dma_wait3A_3024 = tpu.memref_slice %arg4[%dma_wait3A_3019, %add3A_2985, %dma_wait3A_3023] : memref<9x16384x128xf32, #tpu.memory_space<hbm>> -> memref<1x128x128xf32, #tpu.memory_space<hbm>>
    %dma_wait3A_3025 = tpu.memref_squeeze %dma_wait3A_3024 : memref<1x128x128xf32, #tpu.memory_space<hbm>> -> memref<128x128xf32, #tpu.memory_space<hbm>>
    tpu.wait_dma2 semaphore(%arg24 : memref<!tpu.dma_semaphore, #tpu.memory_space<semaphore_mem>>) src(%arg12 : memref<128x128xf32, #tpu.memory_space<vmem>>) dst(%dma_wait3A_3025 : memref<128x128xf32, #tpu.memory_space<hbm>>)
    %dma_start3A_3026 = arith.constant 4480 : i32
    %dma_start3A_3027 = tpu.memref_slice %arg6[%dma_start3A_3026] : memref<4608xi32, #tpu.memory_space<vmem>> -> memref<128xi32, #tpu.memory_space<vmem>>
    %dma_start3A_3028 = arith.constant 0 : i32
    %dma_start3A_3029 = arith.constant 0 : i32
    %dma_start3A_3030 = tpu.memref_slice %arg3[%dma_start3A_3028, %dma_start3A_3029] : memref<900000x128xf32, #tpu.memory_space<hbm>> -> memref<900000x128xf32, #tpu.memory_space<hbm>>
    tpu.enqueue_indirect_dma source(%dma_start3A_3030 : memref<900000x128xf32, #tpu.memory_space<hbm>>) target(%arg12 : memref<128x128xf32, #tpu.memory_space<vmem>>) offsets(%dma_start3A_3027 : memref<128xi32, #tpu.memory_space<vmem>>) semaphore(%arg18 : memref<!tpu.dma_semaphore, #tpu.memory_space<semaphore_mem>>)
    %dma_wait3A_3031 = arith.constant 3968 : i32
    %dma_wait3A_3032 = tpu.memref_slice %arg6[%dma_wait3A_3031] : memref<4608xi32, #tpu.memory_space<vmem>> -> memref<128xi32, #tpu.memory_space<vmem>>
    %dma_wait3A_3033 = arith.constant 0 : i32
    %dma_wait3A_3034 = arith.constant 0 : i32
    %dma_wait3A_3035 = tpu.memref_slice %arg3[%dma_wait3A_3033, %dma_wait3A_3034] : memref<900000x128xf32, #tpu.memory_space<hbm>> -> memref<900000x128xf32, #tpu.memory_space<hbm>>
    tpu.wait_indirect_dma semaphore(%arg14 : memref<!tpu.dma_semaphore, #tpu.memory_space<semaphore_mem>>) src(%dma_wait3A_3035 : memref<900000x128xf32, #tpu.memory_space<hbm>>) dst(%arg8 : memref<128x128xf32, #tpu.memory_space<vmem>>)
    %add3A_3036 = arith.constant 384 : i32
    %add3A_3037 = arith.addi %mul3A_2, %add3A_3036 : i32
    %dma_start3A_3038 = arith.constant 7 : i32
    %dma_start3A_3039 = arith.constant 0 : i32
    %dma_start3A_3040 = tpu.memref_slice %arg4[%dma_start3A_3038, %add3A_3037, %dma_start3A_3039] : memref<9x16384x128xf32, #tpu.memory_space<hbm>> -> memref<1x128x128xf32, #tpu.memory_space<hbm>>
    %dma_start3A_3041 = tpu.memref_squeeze %dma_start3A_3040 : memref<1x128x128xf32, #tpu.memory_space<hbm>> -> memref<128x128xf32, #tpu.memory_space<hbm>>
    %dma_start3A_3042 = arith.constant 0 : i32
    %dma_start3A_3043 = tpu.memref_slice %arg4[%dma_start3A_3038, %add3A_3037, %dma_start3A_3042] : memref<9x16384x128xf32, #tpu.memory_space<hbm>> -> memref<1x128x128xf32, #tpu.memory_space<hbm>>
    %dma_start3A_3044 = tpu.memref_squeeze %dma_start3A_3043 : memref<1x128x128xf32, #tpu.memory_space<hbm>> -> memref<128x128xf32, #tpu.memory_space<hbm>>
    tpu.enqueue_dma source(%arg8 : memref<128x128xf32, #tpu.memory_space<vmem>>) target(%dma_start3A_3044 : memref<128x128xf32, #tpu.memory_space<hbm>>) target_semaphore(%arg20 : memref<!tpu.dma_semaphore, #tpu.memory_space<semaphore_mem>>)
    %dma_wait3A_3045 = arith.constant 4096 : i32
    %dma_wait3A_3046 = tpu.memref_slice %arg6[%dma_wait3A_3045] : memref<4608xi32, #tpu.memory_space<vmem>> -> memref<128xi32, #tpu.memory_space<vmem>>
    %dma_wait3A_3047 = arith.constant 0 : i32
    %dma_wait3A_3048 = arith.constant 0 : i32
    %dma_wait3A_3049 = tpu.memref_slice %arg3[%dma_wait3A_3047, %dma_wait3A_3048] : memref<900000x128xf32, #tpu.memory_space<hbm>> -> memref<900000x128xf32, #tpu.memory_space<hbm>>
    tpu.wait_indirect_dma semaphore(%arg15 : memref<!tpu.dma_semaphore, #tpu.memory_space<semaphore_mem>>) src(%dma_wait3A_3049 : memref<900000x128xf32, #tpu.memory_space<hbm>>) dst(%arg9 : memref<128x128xf32, #tpu.memory_space<vmem>>)
    %add3A_3050 = arith.constant 0 : i32
    %add3A_3051 = arith.addi %mul3A_2, %add3A_3050 : i32
    %dma_start3A_3052 = arith.constant 8 : i32
    %dma_start3A_3053 = arith.constant 0 : i32
    %dma_start3A_3054 = tpu.memref_slice %arg4[%dma_start3A_3052, %add3A_3051, %dma_start3A_3053] : memref<9x16384x128xf32, #tpu.memory_space<hbm>> -> memref<1x128x128xf32, #tpu.memory_space<hbm>>
    %dma_start3A_3055 = tpu.memref_squeeze %dma_start3A_3054 : memref<1x128x128xf32, #tpu.memory_space<hbm>> -> memref<128x128xf32, #tpu.memory_space<hbm>>
    %dma_start3A_3056 = arith.constant 0 : i32
    %dma_start3A_3057 = tpu.memref_slice %arg4[%dma_start3A_3052, %add3A_3051, %dma_start3A_3056] : memref<9x16384x128xf32, #tpu.memory_space<hbm>> -> memref<1x128x128xf32, #tpu.memory_space<hbm>>
    %dma_start3A_3058 = tpu.memref_squeeze %dma_start3A_3057 : memref<1x128x128xf32, #tpu.memory_space<hbm>> -> memref<128x128xf32, #tpu.memory_space<hbm>>
    tpu.enqueue_dma source(%arg9 : memref<128x128xf32, #tpu.memory_space<vmem>>) target(%dma_start3A_3058 : memref<128x128xf32, #tpu.memory_space<hbm>>) target_semaphore(%arg21 : memref<!tpu.dma_semaphore, #tpu.memory_space<semaphore_mem>>)
    %dma_wait3A_3059 = arith.constant 4224 : i32
    %dma_wait3A_3060 = tpu.memref_slice %arg6[%dma_wait3A_3059] : memref<4608xi32, #tpu.memory_space<vmem>> -> memref<128xi32, #tpu.memory_space<vmem>>
    %dma_wait3A_3061 = arith.constant 0 : i32
    %dma_wait3A_3062 = arith.constant 0 : i32
    %dma_wait3A_3063 = tpu.memref_slice %arg3[%dma_wait3A_3061, %dma_wait3A_3062] : memref<900000x128xf32, #tpu.memory_space<hbm>> -> memref<900000x128xf32, #tpu.memory_space<hbm>>
    tpu.wait_indirect_dma semaphore(%arg16 : memref<!tpu.dma_semaphore, #tpu.memory_space<semaphore_mem>>) src(%dma_wait3A_3063 : memref<900000x128xf32, #tpu.memory_space<hbm>>) dst(%arg10 : memref<128x128xf32, #tpu.memory_space<vmem>>)
    %add3A_3064 = arith.constant 128 : i32
    %add3A_3065 = arith.addi %mul3A_2, %add3A_3064 : i32
    %dma_start3A_3066 = arith.constant 8 : i32
    %dma_start3A_3067 = arith.constant 0 : i32
    %dma_start3A_3068 = tpu.memref_slice %arg4[%dma_start3A_3066, %add3A_3065, %dma_start3A_3067] : memref<9x16384x128xf32, #tpu.memory_space<hbm>> -> memref<1x128x128xf32, #tpu.memory_space<hbm>>
    %dma_start3A_3069 = tpu.memref_squeeze %dma_start3A_3068 : memref<1x128x128xf32, #tpu.memory_space<hbm>> -> memref<128x128xf32, #tpu.memory_space<hbm>>
    %dma_start3A_3070 = arith.constant 0 : i32
    %dma_start3A_3071 = tpu.memref_slice %arg4[%dma_start3A_3066, %add3A_3065, %dma_start3A_3070] : memref<9x16384x128xf32, #tpu.memory_space<hbm>> -> memref<1x128x128xf32, #tpu.memory_space<hbm>>
    %dma_start3A_3072 = tpu.memref_squeeze %dma_start3A_3071 : memref<1x128x128xf32, #tpu.memory_space<hbm>> -> memref<128x128xf32, #tpu.memory_space<hbm>>
    tpu.enqueue_dma source(%arg10 : memref<128x128xf32, #tpu.memory_space<vmem>>) target(%dma_start3A_3072 : memref<128x128xf32, #tpu.memory_space<hbm>>) target_semaphore(%arg22 : memref<!tpu.dma_semaphore, #tpu.memory_space<semaphore_mem>>)
    %dma_wait3A_3073 = arith.constant 4352 : i32
    %dma_wait3A_3074 = tpu.memref_slice %arg6[%dma_wait3A_3073] : memref<4608xi32, #tpu.memory_space<vmem>> -> memref<128xi32, #tpu.memory_space<vmem>>
    %dma_wait3A_3075 = arith.constant 0 : i32
    %dma_wait3A_3076 = arith.constant 0 : i32
    %dma_wait3A_3077 = tpu.memref_slice %arg3[%dma_wait3A_3075, %dma_wait3A_3076] : memref<900000x128xf32, #tpu.memory_space<hbm>> -> memref<900000x128xf32, #tpu.memory_space<hbm>>
    tpu.wait_indirect_dma semaphore(%arg17 : memref<!tpu.dma_semaphore, #tpu.memory_space<semaphore_mem>>) src(%dma_wait3A_3077 : memref<900000x128xf32, #tpu.memory_space<hbm>>) dst(%arg11 : memref<128x128xf32, #tpu.memory_space<vmem>>)
    %add3A_3078 = arith.constant 256 : i32
    %add3A_3079 = arith.addi %mul3A_2, %add3A_3078 : i32
    %dma_start3A_3080 = arith.constant 8 : i32
    %dma_start3A_3081 = arith.constant 0 : i32
    %dma_start3A_3082 = tpu.memref_slice %arg4[%dma_start3A_3080, %add3A_3079, %dma_start3A_3081] : memref<9x16384x128xf32, #tpu.memory_space<hbm>> -> memref<1x128x128xf32, #tpu.memory_space<hbm>>
    %dma_start3A_3083 = tpu.memref_squeeze %dma_start3A_3082 : memref<1x128x128xf32, #tpu.memory_space<hbm>> -> memref<128x128xf32, #tpu.memory_space<hbm>>
    %dma_start3A_3084 = arith.constant 0 : i32
    %dma_start3A_3085 = tpu.memref_slice %arg4[%dma_start3A_3080, %add3A_3079, %dma_start3A_3084] : memref<9x16384x128xf32, #tpu.memory_space<hbm>> -> memref<1x128x128xf32, #tpu.memory_space<hbm>>
    %dma_start3A_3086 = tpu.memref_squeeze %dma_start3A_3085 : memref<1x128x128xf32, #tpu.memory_space<hbm>> -> memref<128x128xf32, #tpu.memory_space<hbm>>
    tpu.enqueue_dma source(%arg11 : memref<128x128xf32, #tpu.memory_space<vmem>>) target(%dma_start3A_3086 : memref<128x128xf32, #tpu.memory_space<hbm>>) target_semaphore(%arg23 : memref<!tpu.dma_semaphore, #tpu.memory_space<semaphore_mem>>)
    %dma_wait3A_3087 = arith.constant 4480 : i32
    %dma_wait3A_3088 = tpu.memref_slice %arg6[%dma_wait3A_3087] : memref<4608xi32, #tpu.memory_space<vmem>> -> memref<128xi32, #tpu.memory_space<vmem>>
    %dma_wait3A_3089 = arith.constant 0 : i32
    %dma_wait3A_3090 = arith.constant 0 : i32
    %dma_wait3A_3091 = tpu.memref_slice %arg3[%dma_wait3A_3089, %dma_wait3A_3090] : memref<900000x128xf32, #tpu.memory_space<hbm>> -> memref<900000x128xf32, #tpu.memory_space<hbm>>
    tpu.wait_indirect_dma semaphore(%arg18 : memref<!tpu.dma_semaphore, #tpu.memory_space<semaphore_mem>>) src(%dma_wait3A_3091 : memref<900000x128xf32, #tpu.memory_space<hbm>>) dst(%arg12 : memref<128x128xf32, #tpu.memory_space<vmem>>)
    %add3A_3092 = arith.constant 384 : i32
    %add3A_3093 = arith.addi %mul3A_2, %add3A_3092 : i32
    %dma_start3A_3094 = arith.constant 8 : i32
    %dma_start3A_3095 = arith.constant 0 : i32
    %dma_start3A_3096 = tpu.memref_slice %arg4[%dma_start3A_3094, %add3A_3093, %dma_start3A_3095] : memref<9x16384x128xf32, #tpu.memory_space<hbm>> -> memref<1x128x128xf32, #tpu.memory_space<hbm>>
    %dma_start3A_3097 = tpu.memref_squeeze %dma_start3A_3096 : memref<1x128x128xf32, #tpu.memory_space<hbm>> -> memref<128x128xf32, #tpu.memory_space<hbm>>
    %dma_start3A_3098 = arith.constant 0 : i32
    %dma_start3A_3099 = tpu.memref_slice %arg4[%dma_start3A_3094, %add3A_3093, %dma_start3A_3098] : memref<9x16384x128xf32, #tpu.memory_space<hbm>> -> memref<1x128x128xf32, #tpu.memory_space<hbm>>
    %dma_start3A_3100 = tpu.memref_squeeze %dma_start3A_3099 : memref<1x128x128xf32, #tpu.memory_space<hbm>> -> memref<128x128xf32, #tpu.memory_space<hbm>>
    tpu.enqueue_dma source(%arg12 : memref<128x128xf32, #tpu.memory_space<vmem>>) target(%dma_start3A_3100 : memref<128x128xf32, #tpu.memory_space<hbm>>) target_semaphore(%arg24 : memref<!tpu.dma_semaphore, #tpu.memory_space<semaphore_mem>>)
    %dma_wait3A_3101 = arith.constant 7 : i32
    %dma_wait3A_3102 = arith.constant 0 : i32
    %dma_wait3A_3103 = tpu.memref_slice %arg4[%dma_wait3A_3101, %add3A_3011, %dma_wait3A_3102] : memref<9x16384x128xf32, #tpu.memory_space<hbm>> -> memref<1x128x128xf32, #tpu.memory_space<hbm>>
    %dma_wait3A_3104 = tpu.memref_squeeze %dma_wait3A_3103 : memref<1x128x128xf32, #tpu.memory_space<hbm>> -> memref<128x128xf32, #tpu.memory_space<hbm>>
    %dma_wait3A_3105 = arith.constant 0 : i32
    %dma_wait3A_3106 = tpu.memref_slice %arg4[%dma_wait3A_3101, %add3A_3011, %dma_wait3A_3105] : memref<9x16384x128xf32, #tpu.memory_space<hbm>> -> memref<1x128x128xf32, #tpu.memory_space<hbm>>
    %dma_wait3A_3107 = tpu.memref_squeeze %dma_wait3A_3106 : memref<1x128x128xf32, #tpu.memory_space<hbm>> -> memref<128x128xf32, #tpu.memory_space<hbm>>
    tpu.wait_dma2 semaphore(%arg19 : memref<!tpu.dma_semaphore, #tpu.memory_space<semaphore_mem>>) src(%arg7 : memref<128x128xf32, #tpu.memory_space<vmem>>) dst(%dma_wait3A_3107 : memref<128x128xf32, #tpu.memory_space<hbm>>)
    %dma_wait3A_3108 = arith.constant 7 : i32
    %dma_wait3A_3109 = arith.constant 0 : i32
    %dma_wait3A_3110 = tpu.memref_slice %arg4[%dma_wait3A_3108, %add3A_3037, %dma_wait3A_3109] : memref<9x16384x128xf32, #tpu.memory_space<hbm>> -> memref<1x128x128xf32, #tpu.memory_space<hbm>>
    %dma_wait3A_3111 = tpu.memref_squeeze %dma_wait3A_3110 : memref<1x128x128xf32, #tpu.memory_space<hbm>> -> memref<128x128xf32, #tpu.memory_space<hbm>>
    %dma_wait3A_3112 = arith.constant 0 : i32
    %dma_wait3A_3113 = tpu.memref_slice %arg4[%dma_wait3A_3108, %add3A_3037, %dma_wait3A_3112] : memref<9x16384x128xf32, #tpu.memory_space<hbm>> -> memref<1x128x128xf32, #tpu.memory_space<hbm>>
    %dma_wait3A_3114 = tpu.memref_squeeze %dma_wait3A_3113 : memref<1x128x128xf32, #tpu.memory_space<hbm>> -> memref<128x128xf32, #tpu.memory_space<hbm>>
    tpu.wait_dma2 semaphore(%arg20 : memref<!tpu.dma_semaphore, #tpu.memory_space<semaphore_mem>>) src(%arg8 : memref<128x128xf32, #tpu.memory_space<vmem>>) dst(%dma_wait3A_3114 : memref<128x128xf32, #tpu.memory_space<hbm>>)
    %dma_wait3A_3115 = arith.constant 8 : i32
    %dma_wait3A_3116 = arith.constant 0 : i32
    %dma_wait3A_3117 = tpu.memref_slice %arg4[%dma_wait3A_3115, %add3A_3051, %dma_wait3A_3116] : memref<9x16384x128xf32, #tpu.memory_space<hbm>> -> memref<1x128x128xf32, #tpu.memory_space<hbm>>
    %dma_wait3A_3118 = tpu.memref_squeeze %dma_wait3A_3117 : memref<1x128x128xf32, #tpu.memory_space<hbm>> -> memref<128x128xf32, #tpu.memory_space<hbm>>
    %dma_wait3A_3119 = arith.constant 0 : i32
    %dma_wait3A_3120 = tpu.memref_slice %arg4[%dma_wait3A_3115, %add3A_3051, %dma_wait3A_3119] : memref<9x16384x128xf32, #tpu.memory_space<hbm>> -> memref<1x128x128xf32, #tpu.memory_space<hbm>>
    %dma_wait3A_3121 = tpu.memref_squeeze %dma_wait3A_3120 : memref<1x128x128xf32, #tpu.memory_space<hbm>> -> memref<128x128xf32, #tpu.memory_space<hbm>>
    tpu.wait_dma2 semaphore(%arg21 : memref<!tpu.dma_semaphore, #tpu.memory_space<semaphore_mem>>) src(%arg9 : memref<128x128xf32, #tpu.memory_space<vmem>>) dst(%dma_wait3A_3121 : memref<128x128xf32, #tpu.memory_space<hbm>>)
    %dma_wait3A_3122 = arith.constant 8 : i32
    %dma_wait3A_3123 = arith.constant 0 : i32
    %dma_wait3A_3124 = tpu.memref_slice %arg4[%dma_wait3A_3122, %add3A_3065, %dma_wait3A_3123] : memref<9x16384x128xf32, #tpu.memory_space<hbm>> -> memref<1x128x128xf32, #tpu.memory_space<hbm>>
    %dma_wait3A_3125 = tpu.memref_squeeze %dma_wait3A_3124 : memref<1x128x128xf32, #tpu.memory_space<hbm>> -> memref<128x128xf32, #tpu.memory_space<hbm>>
    %dma_wait3A_3126 = arith.constant 0 : i32
    %dma_wait3A_3127 = tpu.memref_slice %arg4[%dma_wait3A_3122, %add3A_3065, %dma_wait3A_3126] : memref<9x16384x128xf32, #tpu.memory_space<hbm>> -> memref<1x128x128xf32, #tpu.memory_space<hbm>>
    %dma_wait3A_3128 = tpu.memref_squeeze %dma_wait3A_3127 : memref<1x128x128xf32, #tpu.memory_space<hbm>> -> memref<128x128xf32, #tpu.memory_space<hbm>>
    tpu.wait_dma2 semaphore(%arg22 : memref<!tpu.dma_semaphore, #tpu.memory_space<semaphore_mem>>) src(%arg10 : memref<128x128xf32, #tpu.memory_space<vmem>>) dst(%dma_wait3A_3128 : memref<128x128xf32, #tpu.memory_space<hbm>>)
    %dma_wait3A_3129 = arith.constant 8 : i32
    %dma_wait3A_3130 = arith.constant 0 : i32
    %dma_wait3A_3131 = tpu.memref_slice %arg4[%dma_wait3A_3129, %add3A_3079, %dma_wait3A_3130] : memref<9x16384x128xf32, #tpu.memory_space<hbm>> -> memref<1x128x128xf32, #tpu.memory_space<hbm>>
    %dma_wait3A_3132 = tpu.memref_squeeze %dma_wait3A_3131 : memref<1x128x128xf32, #tpu.memory_space<hbm>> -> memref<128x128xf32, #tpu.memory_space<hbm>>
    %dma_wait3A_3133 = arith.constant 0 : i32
    %dma_wait3A_3134 = tpu.memref_slice %arg4[%dma_wait3A_3129, %add3A_3079, %dma_wait3A_3133] : memref<9x16384x128xf32, #tpu.memory_space<hbm>> -> memref<1x128x128xf32, #tpu.memory_space<hbm>>
    %dma_wait3A_3135 = tpu.memref_squeeze %dma_wait3A_3134 : memref<1x128x128xf32, #tpu.memory_space<hbm>> -> memref<128x128xf32, #tpu.memory_space<hbm>>
    tpu.wait_dma2 semaphore(%arg23 : memref<!tpu.dma_semaphore, #tpu.memory_space<semaphore_mem>>) src(%arg11 : memref<128x128xf32, #tpu.memory_space<vmem>>) dst(%dma_wait3A_3135 : memref<128x128xf32, #tpu.memory_space<hbm>>)
    %dma_wait3A_3136 = arith.constant 8 : i32
    %dma_wait3A_3137 = arith.constant 0 : i32
    %dma_wait3A_3138 = tpu.memref_slice %arg4[%dma_wait3A_3136, %add3A_3093, %dma_wait3A_3137] : memref<9x16384x128xf32, #tpu.memory_space<hbm>> -> memref<1x128x128xf32, #tpu.memory_space<hbm>>
    %dma_wait3A_3139 = tpu.memref_squeeze %dma_wait3A_3138 : memref<1x128x128xf32, #tpu.memory_space<hbm>> -> memref<128x128xf32, #tpu.memory_space<hbm>>
    %dma_wait3A_3140 = arith.constant 0 : i32
    %dma_wait3A_3141 = tpu.memref_slice %arg4[%dma_wait3A_3136, %add3A_3093, %dma_wait3A_3140] : memref<9x16384x128xf32, #tpu.memory_space<hbm>> -> memref<1x128x128xf32, #tpu.memory_space<hbm>>
    %dma_wait3A_3142 = tpu.memref_squeeze %dma_wait3A_3141 : memref<1x128x128xf32, #tpu.memory_space<hbm>> -> memref<128x128xf32, #tpu.memory_space<hbm>>
    tpu.wait_dma2 semaphore(%arg24 : memref<!tpu.dma_semaphore, #tpu.memory_space<semaphore_mem>>) src(%arg12 : memref<128x128xf32, #tpu.memory_space<vmem>>) dst(%dma_wait3A_3142 : memref<128x128xf32, #tpu.memory_space<hbm>>)
    return
  }
}

</mosaic_0001>

<sc_bundles>
// kernel: kernel.3.cloned.1.call-start
scs
__scs_entry_jumppad:
0x0: {  	(pc) =	sbr.rel $0x88, $3  }
0x1: {  	(tag) =	ssettag $0x0;
	lr =	simm.s32 $0x1  }
0x2: {  	[smem:$0x3F9F] =	sst lr;
	_ =	strace $0xD0000000  }
0x3: {  	_ = 	snop  }
0x4: {  	_ = 	snop  }
0x5: {  	_ = 	snop  }
0x6: {  	_ = 	snop  }
0x7: {  	_ = 	snop  }
__scs_overlays_trampoline_lowered:
0x8: {  	[smem:$0x3FAE] =	sst s0  }
0x9: {  	[smem:$0x3FAF] =	sst s1  }
0xa: {  	[smem:$0x3FB0] =	sst s2  }
0xb: {  	[smem:$0x3FB1] =	sst s3  }
0xc: {  	[smem:$0x3FB2] =	sst s4  }
0xd: {  	[smem:$0x3FB3] =	sst s5  }
0xe: {  	[smem:$0x3FB4] =	sst s6  }
0xf: {  	[smem:$0x3FB5] =	sst s7  }
0x10: {  	[smem:$0x3FB6] =	sst s8  }
0x11: {  	[smem:$0x3FB7] =	sst s9;
	s0 =	simm.s32 @!p0 $0x0  }
0x12: {  	s1 =	sld [smem:$0x3F9D];
	s0 =	simm.s32 @p0 $0x1  }
0x13: {  	[smem:$0x3FB8] =	sst s0;
	s0 =	simm.s32 @!p1 $0x0  }
0x14: {  	s2 =	sld [smem:$0x3F9C];
	s0 =	simm.s32 @p1 $0x1  }
0x15: {  	[smem:$0x3FB9] =	sst s0;
	s0 =	simm.s32 @!p2 $0x0  }
0x16: {  	s3 =	sld [smem:$0x3FDB];
	s0 =	simm.s32 @p2 $0x1  }
0x17: {  	s4 =	simm.s32 $0x1BF5;
	[smem:$0x3FBB] =	sst s0  }
0x18: {  	s0 =	sld [smem:$0x3F9E];
	_ =	swait.ge [sflag:s4], $0x0  }
0x19: {  	s7 =	sld [smem:$0x3F9F]  }
0x1a: {  	s8 =	sadd.s32 $0xFFFFE003, lr  }
0x1b: {  	s9 =	sadd.s32 $0xFFFFFEF7, lr;
	s5 =	simm.s32 $0xFFFFFFFF;
	p2 =	slt.u32 s8, $0xFFFFF086  }
0x1c: {  	p1 =	slt.u32 s9, $0xF7A;
	s5 =	simm.s32 @!p2 $0x0  }
0x1d: {  	s5 =	simm.s32 @p1 $0x1;
	p0 =	seq.s32 s7, s2  }
0x1e: {  	s7 =	smul.u32 @!p0 $0xF7A, s2;
	p2 =	seq.s32 @!p0 s5, $0x0  }
0x1f: {  	s9 =	smul.u32 $0xF7A, s1;
	s8 =	simm.s32 @!p0 $0x1BF5;
	p2 =	por !p2, p0  }
0x20: {  	[sflag:s8] =	ssyncset.s32 @!p0 $0xFFFFF086;
	s6 =	sadd.s32 @!p0 s3, s7;
	s7 =	simm.s32 @!p0 $0x108  }
0x21: {  	s3 =	sadd.s32 s3, s9;
	s6 =	sadd.s32 @!p0 $0x88, s6;
	s7 =	simm.s32 @p2 $0x1082  }
0x22: {  	[simem:s7], [sflag:s8] =	dma.local @!p0 [hbm:s6], $0xF7A  }
0x23: {  	s9 =	sor.u32 $0xD0000000, s2;
	s6 =	simm.s32 $0x108;
	_ =	swait.ge @!p0 [sflag:s8], $0x0  }
0x24: {  	s3 =	sadd.s32 $0x88, s3;
	s6 =	simm.s32 @!p1 $0x1082;
	[sflag:s4] =	ssyncset.s32 $0xFFFFF086  }
0x25: {  	[simem:s6], [sflag:s4] =	dma.local [hbm:s3], $0xF7A  }
0x26: {  	[smem:$0x3F9F] =	sst s1;
	(tag) =	ssettag s2;
	_ =	strace s9  }
0x27: {  	s1 =	sld [smem:$0x3FAF]  }
0x28: {  	s2 =	sld [smem:$0x3FB0]  }
0x29: {  	s4 =	sld [smem:$0x3FB2]  }
0x2a: {  	p0 =	seq.s32 s5, $0x0;
	s5 =	sld [smem:$0x3FB3]  }
0x2b: {  	s6 =	sld [smem:$0x3FB4]  }
0x2c: {  	s7 =	sld [smem:$0x3FB5]  }
0x2d: {  	s3 =	simm.s32 $0x108;
	s8 =	sld [smem:$0x3FB6]  }
0x2e: {  	s3 =	simm.s32 @!p0 $0x1082;
	s9 =	sld [smem:$0x3FB7]  }
0x2f: {  	lr =	sadd.s32 s0, s3;
	s0 =	sld [smem:$0x3FAE]  }
0x30: {  	s3 =	sld [smem:$0x3FB1]  }
0x31: {  	[smem:$0x3FBA] =	sst s10  }
0x32: {  	s10 =	sld [smem:$0x3FB8];
	_ =	sdelay $0x3  }
0x33: {  	p0 =	seq.s32 s10, $0x1;
	s10 =	sld [smem:$0x3FBA];
	_ =	sdelay $0x3  }
0x34: {  	[smem:$0x3FBA] =	sst s10  }
0x35: {  	s10 =	sld [smem:$0x3FB9];
	_ =	sdelay $0x3  }
0x36: {  	p1 =	seq.s32 s10, $0x1;
	s10 =	sld [smem:$0x3FBA];
	_ =	sdelay $0x3  }
0x37: {  	[smem:$0x3FBA] =	sst s10  }
0x38: {  	s10 =	sld [smem:$0x3FBB]  }
0x39: {  	_ = 	snop;
	(pc) =	sbr.ind lr, $3  }
0x3a: {  	_ = 	snop  }
0x3b: {  	_ = 	snop  }
0x3c: {  	p2 =	seq.s32 s10, $0x1;
	s10 =	sld [smem:$0x3FBA]  }
0x3d: {  	_ =	shalt  }
0x3e: {  	_ =	shalt  }
0x3f: {  	_ =	shalt  }
0x40: {  	_ =	shalt  }
0x41: {  	_ =	shalt  }
0x42: {  	_ =	shalt  }
0x43: {  	_ =	shalt  }
0x44: {  	_ =	shalt  }
0x45: {  	_ =	shalt  }
0x46: {  	_ =	shalt  }
0x47: {  	_ =	shalt  }
0x48: {  	_ =	shalt  }
0x49: {  	_ =	shalt  }
0x4a: {  	_ =	shalt  }
0x4b: {  	_ =	shalt  }
0x4c: {  	_ =	shalt  }
0x4d: {  	_ =	shalt  }
0x4e: {  	_ =	shalt  }
0x4f: {  	_ =	shalt  }
0x50: {  	_ =	shalt  }
0x51: {  	_ =	shalt  }
0x52: {  	_ =	shalt  }
0x53: {  	_ =	shalt  }
0x54: {  	_ =	shalt  }
0x55: {  	_ =	shalt  }
0x56: {  	_ =	shalt  }
0x57: {  	_ =	shalt  }
0x58: {  	_ =	shalt  }
0x59: {  	_ =	shalt  }
0x5a: {  	_ =	shalt  }
0x5b: {  	_ =	shalt  }
0x5c: {  	_ =	shalt  }
0x5d: {  	_ =	shalt  }
0x5e: {  	_ =	shalt  }
0x5f: {  	_ =	shalt  }
0x60: {  	_ =	shalt  }
0x61: {  	_ =	shalt  }
0x62: {  	_ =	shalt  }
0x63: {  	_ =	shalt  }
0x64: {  	_ =	shalt  }
0x65: {  	_ =	shalt  }
0x66: {  	_ =	shalt  }
0x67: {  	_ =	shalt  }
0x68: {  	_ =	shalt  }
0x69: {  	_ =	shalt  }
0x6a: {  	_ =	shalt  }
0x6b: {  	_ =	shalt  }
0x6c: {  	_ =	shalt  }
0x6d: {  	_ =	shalt  }
0x6e: {  	_ =	shalt  }
0x6f: {  	_ =	shalt  }
0x70: {  	_ =	shalt  }
0x71: {  	_ =	shalt  }
0x72: {  	_ =	shalt  }
0x73: {  	_ =	shalt  }
0x74: {  	_ =	shalt  }
0x75: {  	_ =	shalt  }
0x76: {  	_ =	shalt  }
0x77: {  	_ =	shalt  }
0x78: {  	_ =	shalt  }
0x79: {  	_ =	shalt  }
0x7a: {  	_ =	shalt  }
0x7b: {  	_ =	shalt  }
0x7c: {  	_ =	shalt  }
0x7d: {  	_ =	shalt  }
0x7e: {  	_ =	shalt  }
0x7f: {  	_ =	shalt  }
0x80: {  	_ =	shalt  }
0x81: {  	_ =	shalt  }
0x82: {  	_ =	shalt  }
0x83: {  	_ =	shalt  }
0x84: {  	_ =	shalt  }
0x85: {  	_ =	shalt  }
0x86: {  	_ =	shalt  }
0x87: {  	_ =	shalt  }
.Lfunc_end0:
.L_simem_size_0:
called_computation_lowered:
.L_overlay_start_0:
0x88: {  	s2 =	sld [smem:$0x3FD9]  }
0x89: {  	s3 =	sld [smem:$0x3FFE];
	_ =	sdelay $0x1  }
0x8a: {  	s1 =	srdreg.scid  }
0x8b: {  	s0 =	sand.u32 $0x1, s1  }
0x8c: {  	s18 =	sshll.u32 s0, $0xA;
	s2 =	sadd.s32 s3, s2  }
0x8d: {  	s2 =	sadd.s32 s2, s18  }
0x8e: {  	[smem:$0x3FC6] =	sst s2  }
0x8f: {  	_ = 	snop  }
0x90: {  	s2 =	sld [smem:$0x3FC9]  }
0x91: {  	s19 =	sld [smem:$0x3FC8]  }
0x92: {  	s4 =	sld [smem:$0x3FD0];
	(tm) =	ssettm $0x1  }
0x93: {  	s5 =	sld [smem:$0x3FFB];
	_ =	sdelay $0x3  }
0x94: {  	_ =	strace s5  }
0x95: {  	s5 =	sld [smem:$0x3FFC];
	_ =	sdelay $0x3  }
0x96: {  	_ =	strace s5  }
0x97: {  	s5 =	sld [smem:$0x3FFD];
	_ =	sdelay $0x3  }
0x98: {  	_ =	strace s5  }
0x99: {  	_ =	strace $0x8FFFFFFF  }
0x9a: {  	s20 =	sld [smem:$0x3FDB];
	_ =	sdelay $0x1  }
0x9b: {  	s6 =	simm.s32 $_scs_section_size  }
0x9c: {  	s7 =	simm.s32 $_size__tile_overlayer_lowered;
	s8 =	simm.s32 $_tile_overlayer_lowered  }
0x9d: {  	s23 =	simm.s32 $0x1BFF;
	s22 =	sshll.u32 s8, $0x1;
	s5 =	sadd.s32 s6, s20  }
0x9e: {  	s9 =	simm.s32 $0x0;
	s21 =	sshll.u32 s7, $0x1;
	s7 =	sadd.s32 s22, s5  }
0x9f: {  	[timem:s9], [sflag:s23] =	dma.local [hbm:s7], s21  }
0xa0: {  	_ =	swait.ge [sflag:s23], s21  }
0xa1: {  	s6 =	ssub.s32 $0x0, s21;
	[sflag:s23] =	ssyncset.done $0x0  }
0xa2: {  	[sflag:s23] =	ssyncadd.s32 s6;
	_ =	sdelay $0x1  }
0xa3: {  	s24 =	simm.s32 $0x1B8B  }
0xa4: {  	_ =	swait.ge [sflag:s24], $0x1  }
0xa5: {  	[sflag:s24] =	ssyncset.done $0x0  }
0xa6: {  	s25 =	simm.s32 $0x1B8E;
	[sflag:s24] =	ssyncadd.s32 $0xFFFFFFFF  }
0xa7: {  	s26 =	simm.s32 $execute0_lowered;
	[smem:$0x3FD2] =	sst s25  }
0xa8: {  	s6 =	sshll.u32 s26, $0x1;
	_ =	strace $0x80000046;
	[dreg:$0x1] =	wrdreg $0xFFFFFFFF  }
0xa9: {  	s28 =	simm.s32 $_size_execute0_lowered;
	s5 =	sadd.s32 s5, s6;
	[dreg:$0x0] =	wrdreg $0x0  }
0xaa: {  	s6 =	sshll.u32 s28, $0x1;
	[dreg:$0x2] =	wrdreg s5  }
0xab: {  	[dreg:$0x3] =	wrdreg s6  }
0xac: {  	[dreg:$0x4] =	wrdreg $0xC0  }
0xad: {  	_ =	task [dreg:s9], $0x5FFFF  }
0xae: {  	[dreg:$0x1] =	wrdreg $0xFFFFFFFF  }
0xaf: {  	[dreg:$0x0] =	wrdreg $0x60  }
0xb0: {  	[dreg:$0x2] =	wrdreg s2  }
0xb1: {  	[dreg:$0x3] =	wrdreg s19  }
0xb2: {  	[dreg:$0x4] =	wrdreg s4  }
0xb3: {  	[dreg:$0x5] =	wrdreg $0x9  }
0xb4: {  	_ =	task.clear_ibuf [dreg:s9], $0x6FFFF;
	_ =	strace $0x90000046  }
0xb5: {  	s29 =	simm.s32 $0x9;
	_ =	strace $0x80000048  }
0xb6: {  	_ =	swait.ge [sflag:s29], $0x1  }
0xb7: {  	[sflag:s29] =	ssyncadd.s32 $0xFFFFFFFF  }
0xb8: {  	_ =	strace $0x90000048  }
0xb9: {  	_ =	sfence  }
0xba: {  	s30 =	sld [smem:$0x0];
	_ =	sdelay $0x2  }
0xbb: {  	s31 =	sshll.u32 s1, $0xD;
	s1 =	sshrl.u32 s1, $0x2  }
0xbc: {  	s3 =	sand.u32 $0x4000, s31;
	s1 =	sadd.s32 s1, s30  }
0xbd: {  	s0 =	sor.u32 s3, s0;
	s1 =	sshll.u32 s1, $0x11  }
0xbe: {  	s0 =	sor.u32 s1, s0  }
0xbf: {  	s0 =	sadd.s32 $0x8F2B, s0  }
0xc0: {  	[sflag:s0] =	ssyncadd.remote.s32 $0x1  }
0xc1: {  	_ =	sfence.sel $0xFFFF  }
0xc2: {  	[dreg:$0x0] =	wrdreg $0xFFFFFFFF;
	(pc) =	sbr.abs _section_cstart, $3  }
0xc3: {  	[dreg:$0x1] =	wrdreg $0xFFFFFFFF  }
0xc4: {  	_ =	task.clear_ibuf [dreg:s9], $0x2FFFF;
	_ =	strace $0x9FFFFFFF  }
0xc5: {  	(tm) =	ssettm $0x7FFFFFFF  }
tec
execute0_lowered:
.L_overlay_start_1:
0x0: {  	(tag) =	ssettag $0x1  }
0x1: {  	s1 =	srdreg.scid  }
0x2: {  	s4 =	rddreg [dreg:$0x0];
	s0 =	stileid.u32;
	s1 =	sand.u32 $0x1, s1  }
0x3: {  	s2 =	rddreg [dreg:$0x1];
	s6 =	sshll.u32 s0, $0xA;
	s7 =	sshll.u32 s1, $0x9  }
0x4: {  	s5 =	rddreg [dreg:$0x2];
	s6 =	sor.u32 s7, s6  }
0x5: {  	s3 =	simm.s32 $0x0;
	s7 =	sshrl.u32 s6, $0x3;
	s6 =	sshll.u32 s6, $0x4  }
0x6: {  	[smem:$0x7FF] =	sst s3;
	s7 =	sadd.s32 s4, s7;
	s4 =	sadd.s32 s5, s6  }
0x7: {  	_ =	strace $0x80000047;
	[dreg:$0x4] =	wrdreg s7;
	s5 =	sadd.s32 $0x800, s4  }
0x8: {  	s0 =	sadd.s32 $0x1000, s4;
	[dreg:$0x5] =	wrdreg s5  }
0x9: {  	s6 =	sadd.s32 $0x1800, s4;
	[dreg:$0x6] =	wrdreg s0  }
0xa: {  	s7 =	sadd.s32 $0x40000, s4;
	[dreg:$0x7] =	wrdreg s6  }
0xb: {  	s8 =	sadd.s32 $0x40800, s4;
	[dreg:$0x8] =	wrdreg s7  }
0xc: {  	s9 =	sadd.s32 $0x41000, s4;
	[dreg:$0x9] =	wrdreg s8  }
0xd: {  	s10 =	sadd.s32 $0x41800, s4;
	[dreg:$0xa] =	wrdreg s9  }
0xe: {  	s11 =	sadd.s32 $0x80000, s4;
	[dreg:$0xb] =	wrdreg s10  }
0xf: {  	s12 =	sadd.s32 $0x80800, s4;
	[dreg:$0xc] =	wrdreg s11  }
0x10: {  	s13 =	sadd.s32 $0x81000, s4;
	[dreg:$0xd] =	wrdreg s12  }
0x11: {  	s14 =	sadd.s32 $0x81800, s4;
	[dreg:$0xe] =	wrdreg s13  }
0x12: {  	s15 =	sadd.s32 $0xC0000, s4;
	[dreg:$0xf] =	wrdreg s14  }
0x13: {  	s16 =	sadd.s32 $0xC0800, s4;
	[dreg:$0x10] =	wrdreg s15  }
0x14: {  	s17 =	sadd.s32 $0xC1000, s4;
	[dreg:$0x11] =	wrdreg s16  }
0x15: {  	s18 =	sadd.s32 $0xC1800, s4;
	[dreg:$0x12] =	wrdreg s17  }
0x16: {  	s19 =	sadd.s32 $0x100000, s4;
	[dreg:$0x13] =	wrdreg s18  }
0x17: {  	s20 =	sadd.s32 $0x100800, s4;
	[dreg:$0x14] =	wrdreg s19  }
0x18: {  	s21 =	sadd.s32 $0x101000, s4;
	[dreg:$0x15] =	wrdreg s20  }
0x19: {  	s22 =	sadd.s32 $0x101800, s4;
	[dreg:$0x16] =	wrdreg s21  }
0x1a: {  	s23 =	sadd.s32 $0x140000, s4;
	[dreg:$0x17] =	wrdreg s22  }
0x1b: {  	s24 =	sadd.s32 $0x140800, s4;
	[dreg:$0x18] =	wrdreg s23  }
0x1c: {  	s25 =	sadd.s32 $0x141000, s4;
	[dreg:$0x19] =	wrdreg s24  }
0x1d: {  	s26 =	sadd.s32 $0x141800, s4;
	[dreg:$0x1a] =	wrdreg s25  }
0x1e: {  	[dreg:$0x1b] =	wrdreg s26;
	s0 =	sadd.s32 $0x180000, s4  }
0x1f: {  	s6 =	sadd.s32 $0x180800, s4;
	[dreg:$0x1c] =	wrdreg s0  }
0x20: {  	s7 =	sadd.s32 $0x181000, s4;
	[dreg:$0x1d] =	wrdreg s6  }
0x21: {  	s8 =	sadd.s32 $0x181800, s4;
	[dreg:$0x1e] =	wrdreg s7  }
0x22: {  	s9 =	sadd.s32 $0x1C0000, s4;
	[dreg:$0x1f] =	wrdreg s8  }
0x23: {  	s10 =	sadd.s32 $0x1C0800, s4;
	[smem:$0x7D8] =	sst s9  }
0x24: {  	s11 =	sadd.s32 $0x1C1000, s4;
	[smem:$0x7D9] =	sst s10  }
0x25: {  	s12 =	sadd.s32 $0x1C1800, s4;
	[smem:$0x7DA] =	sst s11  }
0x26: {  	s13 =	sadd.s32 $0x200000, s4;
	[smem:$0x7DB] =	sst s12  }
0x27: {  	s14 =	sadd.s32 $0x200800, s4;
	[smem:$0x7DC] =	sst s13  }
0x28: {  	s15 =	sadd.s32 $0x201000, s4;
	[smem:$0x7DD] =	sst s14  }
0x29: {  	s16 =	sadd.s32 $0x201800, s4;
	[smem:$0x7DE] =	sst s15  }
0x2a: {  	s17 =	simm.s32 $0x200;
	[smem:$0x7DF] =	sst s16  }
0x2b: {  	s18 =	simm.s32 $0x280;
	[smem:$0x7E0] =	sst s17  }
0x2c: {  	s19 =	simm.s32 $0x300;
	[smem:$0x7E1] =	sst s18  }
0x2d: {  	s28 =	simm.s32 $0x1180;
	s20 =	simm.s32 $0x380;
	[smem:$0x7E2] =	sst s19  }
0x2e: {  	s29 =	simm.s32 $0x1200;
	s21 =	simm.s32 $0x400;
	[smem:$0x7E3] =	sst s20  }
0x2f: {  	s30 =	simm.s32 $0x1280;
	s22 =	simm.s32 $0x480;
	[smem:$0x7E4] =	sst s21  }
0x30: {  	s31 =	simm.s32 $0x1300;
	s23 =	simm.s32 $0x500;
	[smem:$0x7E5] =	sst s22  }
0x31: {  	s1 =	ssub.s32 $0x2, s1;
	s24 =	simm.s32 $0x580;
	[smem:$0x7E6] =	sst s23  }
0x32: {  	s25 =	simm.s32 $0x600;
	s26 =	sshrl.u32 s1, $0x1;
	[smem:$0x7E7] =	sst s24  }
0x33: {  	[smem:$0x7E8] =	sst s25;
	s0 =	simm.s32 $0x680;
	s1 =	ssub.s32 s1, s26  }
0x34: {  	s7 =	simm.s32 $0x700;
	s8 =	simm.s32 $0x780;
	[smem:$0x7E9] =	sst s0  }
0x35: {  	s6 =	simm.s32 $0xD;
	s9 =	simm.s32 $0x800;
	[smem:$0x7EA] =	sst s7  }
0x36: {  	s10 =	simm.s32 $0x880;
	s11 =	simm.s32 $0x900;
	[smem:$0x7EB] =	sst s8  }
0x37: {  	s12 =	simm.s32 $0x980;
	s13 =	simm.s32 $0xA00;
	[smem:$0x7EC] =	sst s9  }
0x38: {  	s14 =	simm.s32 $0xA80;
	s15 =	simm.s32 $0xB00;
	[smem:$0x7ED] =	sst s10  }
0x39: {  	s16 =	simm.s32 $0xB80;
	s17 =	simm.s32 $0xC00;
	[smem:$0x7EE] =	sst s11  }
0x3a: {  	s18 =	simm.s32 $0xC80;
	s19 =	simm.s32 $0xD00;
	[smem:$0x7EF] =	sst s12  }
0x3b: {  	s20 =	simm.s32 $0xD80;
	s21 =	simm.s32 $0xE00;
	[smem:$0x7F0] =	sst s13  }
0x3c: {  	s22 =	simm.s32 $0xE80;
	s23 =	simm.s32 $0xF00;
	[smem:$0x7F1] =	sst s14  }
0x3d: {  	s24 =	simm.s32 $0xF80;
	s25 =	simm.s32 $0x1000;
	[smem:$0x7F2] =	sst s15  }
0x3e: {  	s26 =	simm.s32 $0x1080;
	s5 =	smax.u32 s1, $0x1;
	[smem:$0x7F3] =	sst s16  }
0x3f: {  	s7 =	simm.s32 $0x80;
	s8 =	simm.s32 $0x1400;
	[smem:$0x7F4] =	sst s17  }
0x40: {  	s9 =	simm.s32 $0x5400;
	s10 =	simm.s32 $0x9400;
	[smem:$0x7F5] =	sst s18  }
0x41: {  	s11 =	simm.s32 $0xD400;
	s12 =	simm.s32 $0x11400;
	[smem:$0x7F6] =	sst s19  }
0x42: {  	s13 =	simm.s32 $0x1;
	s14 =	simm.s32 $0x15400;
	[smem:$0x7F7] =	sst s20  }
0x43: {  	s15 =	simm.s32 $0x2;
	s16 =	simm.s32 $0x7;
	[smem:$0x7F8] =	sst s21  }
0x44: {  	s17 =	simm.s32 $0x3;
	s18 =	simm.s32 $0x8;
	[smem:$0x7F9] =	sst s22  }
0x45: {  	s19 =	simm.s32 $0x4;
	s20 =	simm.s32 $0x9;
	[smem:$0x7FA] =	sst s23  }
0x46: {  	s21 =	simm.s32 $0x5;
	s22 =	simm.s32 $0xA;
	[smem:$0x7FB] =	sst s24  }
0x47: {  	s23 =	simm.s32 $0x6;
	[smem:$0x7FC] =	sst s25;
	s24 =	simm.s32 $0xB  }
0x48: {  	[smem:$0x7FD] =	sst s26;
	s25 =	simm.s32 $0xC;
	s1 =	simm.s32 $0x1380  }
.LBB2_1:
0x49: {  	s0 =	rddreg [dreg:$0x4]  }
0x4a: {  	[tilespmem:s3], [sflag:$0xD] =	stream.linear.gather [hbm4b:s0+s3], $0x200, $0x38;
	[tilespmem:$0x19400] =	vst v63  }
0x4b: {  	_ =	swait.ge [sflag:s6], $0x200  }
0x4c: {  	[sflag:s6] =	ssyncset.done $0x0  }
0x4d: {  	[sflag:s6] =	ssyncadd.s32 $0xFFFFFE00  }
0x4e: {  	v0 =	vld [tilespmem:$0x0]  }
0x4f: {  	v2 =	vld [tilespmem:$0x10]  }
0x50: {  	v61 =	vld [tilespmem:$0x20]  }
0x51: {  	v11 =	vld [tilespmem:$0x30]  }
0x52: {  	v21 =	vld [tilespmem:$0x40]  }
0x53: {  	v31 =	vld [tilespmem:$0x50];
	v0 =	vmul.u32 $0x9, v0  }
0x54: {  	v41 =	vld [tilespmem:$0x60];
	v57 =	vmul.u32 $0x9, v2  }
0x55: {  	v7 =	vmul.u32 $0x9, v61;
	[tilespmem:$0x200] =	vst v0  }
0x56: {  	v17 =	vmul.u32 $0x9, v11;
	[tilespmem:$0x210] =	vst v57  }
0x57: {  	v27 =	vmul.u32 $0x9, v21;
	[tilespmem:$0x220] =	vst v7  }
0x58: {  	v37 =	vmul.u32 $0x9, v31;
	[tilespmem:$0x230] =	vst v17  }
0x59: {  	v47 =	vmul.u32 $0x9, v41;
	[tilespmem:$0x240] =	vst v27  }
0x5a: {  	[tilespmem:$0x250] =	vst v37  }
0x5b: {  	v1 =	vadd.s32 $0x1, v0;
	[tilespmem:$0x260] =	vst v47  }
0x5c: {  	v51 =	vadd.s32 $0x2, v0;
	[tilespmem:$0x400] =	vst v1  }
0x5d: {  	v52 =	vadd.s32 $0x3, v0;
	[tilespmem:$0x600] =	vst v51  }
0x5e: {  	v53 =	vadd.s32 $0x4, v0;
	[tilespmem:$0x800] =	vst v52  }
0x5f: {  	v54 =	vadd.s32 $0x5, v0;
	[tilespmem:$0xA00] =	vst v53  }
0x60: {  	v55 =	vadd.s32 $0x6, v0;
	[tilespmem:$0xC00] =	vst v54  }
0x61: {  	v56 =	vadd.s32 $0x7, v0;
	[tilespmem:$0xE00] =	vst v55  }
0x62: {  	v0 =	vadd.s32 $0x8, v0;
	[tilespmem:$0x1000] =	vst v56  }
0x63: {  	v58 =	vadd.s32 $0x1, v57;
	[tilespmem:$0x1200] =	vst v0  }
0x64: {  	v59 =	vadd.s32 $0x2, v57;
	[tilespmem:$0x410] =	vst v58  }
0x65: {  	v60 =	vadd.s32 $0x3, v57;
	[tilespmem:$0x610] =	vst v59  }
0x66: {  	v62 =	vadd.s32 $0x4, v57;
	[tilespmem:$0x810] =	vst v60  }
0x67: {  	v63 =	vadd.s32 $0x5, v57;
	[tilespmem:$0xA10] =	vst v62  }
0x68: {  	v4 =	vadd.s32 $0x6, v57;
	[tilespmem:$0xC10] =	vst v63  }
0x69: {  	v5 =	vadd.s32 $0x7, v57;
	[tilespmem:$0xE10] =	vst v4  }
0x6a: {  	v6 =	vadd.s32 $0x8, v57;
	[tilespmem:$0x1010] =	vst v5  }
0x6b: {  	v8 =	vadd.s32 $0x1, v7;
	[tilespmem:$0x1210] =	vst v6  }
0x6c: {  	v9 =	vadd.s32 $0x2, v7;
	[tilespmem:$0x420] =	vst v8  }
0x6d: {  	v10 =	vadd.s32 $0x3, v7;
	[tilespmem:$0x620] =	vst v9  }
0x6e: {  	v12 =	vadd.s32 $0x4, v7;
	[tilespmem:$0x820] =	vst v10  }
0x6f: {  	v13 =	vadd.s32 $0x5, v7;
	[tilespmem:$0xA20] =	vst v12  }
0x70: {  	v14 =	vadd.s32 $0x6, v7;
	[tilespmem:$0xC20] =	vst v13  }
0x71: {  	v15 =	vadd.s32 $0x7, v7;
	[tilespmem:$0xE20] =	vst v14  }
0x72: {  	v16 =	vadd.s32 $0x8, v7;
	[tilespmem:$0x1020] =	vst v15  }
0x73: {  	v18 =	vadd.s32 $0x1, v17;
	[tilespmem:$0x1220] =	vst v16  }
0x74: {  	v19 =	vadd.s32 $0x2, v17;
	[tilespmem:$0x430] =	vst v18  }
0x75: {  	v20 =	vadd.s32 $0x3, v17;
	[tilespmem:$0x630] =	vst v19  }
0x76: {  	v22 =	vadd.s32 $0x4, v17;
	[tilespmem:$0x830] =	vst v20  }
0x77: {  	v23 =	vadd.s32 $0x5, v17;
	[tilespmem:$0xA30] =	vst v22  }
0x78: {  	v24 =	vadd.s32 $0x6, v17;
	[tilespmem:$0xC30] =	vst v23  }
0x79: {  	v25 =	vadd.s32 $0x7, v17;
	[tilespmem:$0xE30] =	vst v24  }
0x7a: {  	v26 =	vadd.s32 $0x8, v17;
	[tilespmem:$0x1030] =	vst v25  }
0x7b: {  	v28 =	vadd.s32 $0x1, v27;
	[tilespmem:$0x1230] =	vst v26  }
0x7c: {  	v29 =	vadd.s32 $0x2, v27;
	[tilespmem:$0x440] =	vst v28  }
0x7d: {  	v30 =	vadd.s32 $0x3, v27;
	[tilespmem:$0x640] =	vst v29  }
0x7e: {  	v32 =	vadd.s32 $0x4, v27;
	[tilespmem:$0x840] =	vst v30  }
0x7f: {  	v33 =	vadd.s32 $0x5, v27;
	[tilespmem:$0xA40] =	vst v32  }
0x80: {  	v34 =	vadd.s32 $0x6, v27;
	[tilespmem:$0xC40] =	vst v33  }
0x81: {  	v35 =	vadd.s32 $0x7, v27;
	[tilespmem:$0xE40] =	vst v34  }
0x82: {  	v36 =	vadd.s32 $0x8, v27;
	[tilespmem:$0x1040] =	vst v35  }
0x83: {  	v38 =	vadd.s32 $0x1, v37;
	[tilespmem:$0x1240] =	vst v36  }
0x84: {  	v39 =	vadd.s32 $0x2, v37;
	[tilespmem:$0x450] =	vst v38  }
0x85: {  	v40 =	vadd.s32 $0x3, v37;
	[tilespmem:$0x650] =	vst v39  }
0x86: {  	v42 =	vadd.s32 $0x4, v37;
	[tilespmem:$0x850] =	vst v40  }
0x87: {  	v43 =	vadd.s32 $0x5, v37;
	[tilespmem:$0xA50] =	vst v42  }
0x88: {  	v44 =	vadd.s32 $0x6, v37;
	[tilespmem:$0xC50] =	vst v43  }
0x89: {  	v45 =	vadd.s32 $0x7, v37;
	[tilespmem:$0xE50] =	vst v44  }
0x8a: {  	v46 =	vadd.s32 $0x8, v37;
	[tilespmem:$0x1050] =	vst v45  }
0x8b: {  	v48 =	vadd.s32 $0x1, v47;
	[tilespmem:$0x1250] =	vst v46  }
0x8c: {  	v49 =	vadd.s32 $0x2, v47;
	[tilespmem:$0x460] =	vst v48  }
0x8d: {  	v61 =	vld [tilespmem:$0x80];
	v50 =	vadd.s32 $0x3, v47;
	[tilespmem:$0x660] =	vst v49  }
0x8e: {  	v11 =	vld [tilespmem:$0x90];
	[tilespmem:$0x860] =	vst v50;
	v52 =	vadd.s32 $0x4, v47  }
0x8f: {  	v53 =	vadd.s32 $0x5, v47;
	[tilespmem:$0xA60] =	vst v52  }
0x90: {  	v54 =	vadd.s32 $0x6, v47;
	[tilespmem:$0xC60] =	vst v53  }
0x91: {  	v55 =	vadd.s32 $0x7, v47;
	[tilespmem:$0xE60] =	vst v54  }
0x92: {  	v56 =	vadd.s32 $0x8, v47;
	[tilespmem:$0x1060] =	vst v55;
	v7 =	vmul.u32 $0x9, v61  }
0x93: {  	[tilespmem:$0x1260] =	vst v56;
	v17 =	vmul.u32 $0x9, v11  }
0x94: {  	[tilespmem:$0x280] =	vst v7  }
0x95: {  	v8 =	vadd.s32 $0x1, v7;
	[tilespmem:$0x290] =	vst v17  }
0x96: {  	v9 =	vadd.s32 $0x2, v7;
	[tilespmem:$0x480] =	vst v8  }
0x97: {  	v10 =	vadd.s32 $0x3, v7;
	[tilespmem:$0x680] =	vst v9  }
0x98: {  	v12 =	vadd.s32 $0x4, v7;
	[tilespmem:$0x880] =	vst v10  }
0x99: {  	v13 =	vadd.s32 $0x5, v7;
	[tilespmem:$0xA80] =	vst v12  }
0x9a: {  	v14 =	vadd.s32 $0x6, v7;
	[tilespmem:$0xC80] =	vst v13  }
0x9b: {  	v15 =	vadd.s32 $0x7, v7;
	[tilespmem:$0xE80] =	vst v14  }
0x9c: {  	v16 =	vadd.s32 $0x8, v7;
	[tilespmem:$0x1080] =	vst v15  }
0x9d: {  	v18 =	vadd.s32 $0x1, v17;
	[tilespmem:$0x1280] =	vst v16  }
0x9e: {  	v19 =	vadd.s32 $0x2, v17;
	[tilespmem:$0x490] =	vst v18  }
0x9f: {  	v51 =	vld [tilespmem:$0x70];
	v20 =	vadd.s32 $0x3, v17;
	[tilespmem:$0x690] =	vst v19  }
0xa0: {  	v22 =	vadd.s32 $0x4, v17;
	[tilespmem:$0x890] =	vst v20  }
0xa1: {  	v23 =	vadd.s32 $0x5, v17;
	[tilespmem:$0xA90] =	vst v22  }
0xa2: {  	v24 =	vadd.s32 $0x6, v17;
	[tilespmem:$0xC90] =	vst v23  }
0xa3: {  	v25 =	vadd.s32 $0x7, v17;
	[tilespmem:$0xE90] =	vst v24  }
0xa4: {  	v26 =	vadd.s32 $0x8, v17;
	v57 =	vmul.u32 $0x9, v51;
	[tilespmem:$0x1090] =	vst v25  }
0xa5: {  	[tilespmem:$0x1290] =	vst v26  }
0xa6: {  	[tilespmem:$0x270] =	vst v57;
	v58 =	vadd.s32 $0x1, v57  }
0xa7: {  	v59 =	vadd.s32 $0x2, v57;
	[tilespmem:$0x470] =	vst v58  }
0xa8: {  	v21 =	vld [tilespmem:$0xA0];
	v60 =	vadd.s32 $0x3, v57;
	[tilespmem:$0x670] =	vst v59  }
0xa9: {  	v62 =	vadd.s32 $0x4, v57;
	[tilespmem:$0x870] =	vst v60  }
0xaa: {  	v63 =	vadd.s32 $0x5, v57;
	[tilespmem:$0xA70] =	vst v62  }
0xab: {  	v4 =	vadd.s32 $0x6, v57;
	[tilespmem:$0xC70] =	vst v63  }
0xac: {  	v5 =	vadd.s32 $0x7, v57;
	[tilespmem:$0xE70] =	vst v4  }
0xad: {  	v27 =	vmul.u32 $0x9, v21;
	v6 =	vadd.s32 $0x8, v57;
	[tilespmem:$0x1070] =	vst v5  }
0xae: {  	[tilespmem:$0x1270] =	vst v6  }
0xaf: {  	v28 =	vadd.s32 $0x1, v27;
	[tilespmem:$0x2A0] =	vst v27  }
0xb0: {  	v29 =	vadd.s32 $0x2, v27;
	[tilespmem:$0x4A0] =	vst v28  }
0xb1: {  	v30 =	vadd.s32 $0x3, v27;
	[tilespmem:$0x6A0] =	vst v29;
	v31 =	vld [tilespmem:$0xB0]  }
0xb2: {  	v32 =	vadd.s32 $0x4, v27;
	[tilespmem:$0x8A0] =	vst v30;
	v41 =	vld [tilespmem:$0xC0]  }
0xb3: {  	v33 =	vadd.s32 $0x5, v27;
	[tilespmem:$0xAA0] =	vst v32;
	v51 =	vld [tilespmem:$0xD0]  }
0xb4: {  	v34 =	vadd.s32 $0x6, v27;
	[tilespmem:$0xCA0] =	vst v33;
	v61 =	vld [tilespmem:$0xE0]  }
0xb5: {  	v35 =	vadd.s32 $0x7, v27;
	[tilespmem:$0xEA0] =	vst v34;
	v11 =	vld [tilespmem:$0xF0]  }
0xb6: {  	v36 =	vadd.s32 $0x8, v27;
	[tilespmem:$0x10A0] =	vst v35;
	v21 =	vld [tilespmem:$0x100];
	v37 =	vmul.u32 $0x9, v31  }
0xb7: {  	[tilespmem:$0x12A0] =	vst v36;
	v47 =	vmul.u32 $0x9, v41  }
0xb8: {  	v57 =	vmul.u32 $0x9, v51;
	[tilespmem:$0x2B0] =	vst v37  }
0xb9: {  	v7 =	vmul.u32 $0x9, v61;
	[tilespmem:$0x2C0] =	vst v47  }
0xba: {  	v17 =	vmul.u32 $0x9, v11;
	[tilespmem:$0x2D0] =	vst v57  }
0xbb: {  	v27 =	vmul.u32 $0x9, v21;
	[tilespmem:$0x2E0] =	vst v7  }
0xbc: {  	[tilespmem:$0x2F0] =	vst v17  }
0xbd: {  	v38 =	vadd.s32 $0x1, v37;
	[tilespmem:$0x300] =	vst v27  }
0xbe: {  	v39 =	vadd.s32 $0x2, v37;
	[tilespmem:$0x4B0] =	vst v38  }
0xbf: {  	v40 =	vadd.s32 $0x3, v37;
	[tilespmem:$0x6B0] =	vst v39  }
0xc0: {  	v42 =	vadd.s32 $0x4, v37;
	[tilespmem:$0x8B0] =	vst v40  }
0xc1: {  	v43 =	vadd.s32 $0x5, v37;
	[tilespmem:$0xAB0] =	vst v42  }
0xc2: {  	v44 =	vadd.s32 $0x6, v37;
	[tilespmem:$0xCB0] =	vst v43  }
0xc3: {  	v45 =	vadd.s32 $0x7, v37;
	[tilespmem:$0xEB0] =	vst v44  }
0xc4: {  	v46 =	vadd.s32 $0x8, v37;
	[tilespmem:$0x10B0] =	vst v45  }
0xc5: {  	v48 =	vadd.s32 $0x1, v47;
	[tilespmem:$0x12B0] =	vst v46  }
0xc6: {  	v49 =	vadd.s32 $0x2, v47;
	[tilespmem:$0x4C0] =	vst v48  }
0xc7: {  	v50 =	vadd.s32 $0x3, v47;
	[tilespmem:$0x6C0] =	vst v49  }
0xc8: {  	v52 =	vadd.s32 $0x4, v47;
	[tilespmem:$0x8C0] =	vst v50  }
0xc9: {  	v53 =	vadd.s32 $0x5, v47;
	[tilespmem:$0xAC0] =	vst v52  }
0xca: {  	v54 =	vadd.s32 $0x6, v47;
	[tilespmem:$0xCC0] =	vst v53  }
0xcb: {  	v55 =	vadd.s32 $0x7, v47;
	[tilespmem:$0xEC0] =	vst v54  }
0xcc: {  	v56 =	vadd.s32 $0x8, v47;
	[tilespmem:$0x10C0] =	vst v55  }
0xcd: {  	v58 =	vadd.s32 $0x1, v57;
	[tilespmem:$0x12C0] =	vst v56  }
0xce: {  	v59 =	vadd.s32 $0x2, v57;
	[tilespmem:$0x4D0] =	vst v58  }
0xcf: {  	v60 =	vadd.s32 $0x3, v57;
	[tilespmem:$0x6D0] =	vst v59  }
0xd0: {  	v62 =	vadd.s32 $0x4, v57;
	[tilespmem:$0x8D0] =	vst v60  }
0xd1: {  	v63 =	vadd.s32 $0x5, v57;
	[tilespmem:$0xAD0] =	vst v62  }
0xd2: {  	v4 =	vadd.s32 $0x6, v57;
	[tilespmem:$0xCD0] =	vst v63  }
0xd3: {  	v5 =	vadd.s32 $0x7, v57;
	[tilespmem:$0xED0] =	vst v4  }
0xd4: {  	v6 =	vadd.s32 $0x8, v57;
	[tilespmem:$0x10D0] =	vst v5  }
0xd5: {  	v8 =	vadd.s32 $0x1, v7;
	[tilespmem:$0x12D0] =	vst v6  }
0xd6: {  	v9 =	vadd.s32 $0x2, v7;
	[tilespmem:$0x4E0] =	vst v8  }
0xd7: {  	v10 =	vadd.s32 $0x3, v7;
	[tilespmem:$0x6E0] =	vst v9  }
0xd8: {  	v12 =	vadd.s32 $0x4, v7;
	[tilespmem:$0x8E0] =	vst v10  }
0xd9: {  	v13 =	vadd.s32 $0x5, v7;
	[tilespmem:$0xAE0] =	vst v12  }
0xda: {  	v14 =	vadd.s32 $0x6, v7;
	[tilespmem:$0xCE0] =	vst v13  }
0xdb: {  	v15 =	vadd.s32 $0x7, v7;
	[tilespmem:$0xEE0] =	vst v14  }
0xdc: {  	v16 =	vadd.s32 $0x8, v7;
	[tilespmem:$0x10E0] =	vst v15  }
0xdd: {  	v18 =	vadd.s32 $0x1, v17;
	[tilespmem:$0x12E0] =	vst v16  }
0xde: {  	v19 =	vadd.s32 $0x2, v17;
	[tilespmem:$0x4F0] =	vst v18  }
0xdf: {  	v20 =	vadd.s32 $0x3, v17;
	[tilespmem:$0x6F0] =	vst v19  }
0xe0: {  	v22 =	vadd.s32 $0x4, v17;
	[tilespmem:$0x8F0] =	vst v20  }
0xe1: {  	v23 =	vadd.s32 $0x5, v17;
	[tilespmem:$0xAF0] =	vst v22  }
0xe2: {  	v24 =	vadd.s32 $0x6, v17;
	[tilespmem:$0xCF0] =	vst v23  }
0xe3: {  	v25 =	vadd.s32 $0x7, v17;
	[tilespmem:$0xEF0] =	vst v24  }
0xe4: {  	v26 =	vadd.s32 $0x8, v17;
	[tilespmem:$0x10F0] =	vst v25  }
0xe5: {  	v28 =	vadd.s32 $0x1, v27;
	[tilespmem:$0x12F0] =	vst v26  }
0xe6: {  	v29 =	vadd.s32 $0x2, v27;
	[tilespmem:$0x500] =	vst v28  }
0xe7: {  	v31 =	vld [tilespmem:$0x110];
	v30 =	vadd.s32 $0x3, v27;
	[tilespmem:$0x700] =	vst v29  }
0xe8: {  	v41 =	vld [tilespmem:$0x120];
	v32 =	vadd.s32 $0x4, v27;
	[tilespmem:$0x900] =	vst v30  }
0xe9: {  	v51 =	vld [tilespmem:$0x130];
	v33 =	vadd.s32 $0x5, v27;
	[tilespmem:$0xB00] =	vst v32  }
0xea: {  	v61 =	vld [tilespmem:$0x140];
	v34 =	vadd.s32 $0x6, v27;
	[tilespmem:$0xD00] =	vst v33  }
0xeb: {  	v11 =	vld [tilespmem:$0x150];
	v35 =	vadd.s32 $0x7, v27;
	[tilespmem:$0xF00] =	vst v34  }
0xec: {  	v21 =	vld [tilespmem:$0x160];
	v36 =	vadd.s32 $0x8, v27;
	[tilespmem:$0x1100] =	vst v35;
	v37 =	vmul.u32 $0x9, v31  }
0xed: {  	[tilespmem:$0x1300] =	vst v36;
	v47 =	vmul.u32 $0x9, v41  }
0xee: {  	v57 =	vmul.u32 $0x9, v51;
	[tilespmem:$0x310] =	vst v37  }
0xef: {  	v7 =	vmul.u32 $0x9, v61;
	[tilespmem:$0x320] =	vst v47  }
0xf0: {  	v17 =	vmul.u32 $0x9, v11;
	[tilespmem:$0x330] =	vst v57  }
0xf1: {  	v27 =	vmul.u32 $0x9, v21;
	[tilespmem:$0x340] =	vst v7  }
0xf2: {  	[tilespmem:$0x350] =	vst v17  }
0xf3: {  	v38 =	vadd.s32 $0x1, v37;
	[tilespmem:$0x360] =	vst v27  }
0xf4: {  	v39 =	vadd.s32 $0x2, v37;
	[tilespmem:$0x510] =	vst v38  }
0xf5: {  	v40 =	vadd.s32 $0x3, v37;
	[tilespmem:$0x710] =	vst v39  }
0xf6: {  	v42 =	vadd.s32 $0x4, v37;
	[tilespmem:$0x910] =	vst v40  }
0xf7: {  	v43 =	vadd.s32 $0x5, v37;
	[tilespmem:$0xB10] =	vst v42  }
0xf8: {  	v44 =	vadd.s32 $0x6, v37;
	[tilespmem:$0xD10] =	vst v43  }
0xf9: {  	v45 =	vadd.s32 $0x7, v37;
	[tilespmem:$0xF10] =	vst v44  }
0xfa: {  	v46 =	vadd.s32 $0x8, v37;
	[tilespmem:$0x1110] =	vst v45  }
0xfb: {  	v48 =	vadd.s32 $0x1, v47;
	[tilespmem:$0x1310] =	vst v46  }
0xfc: {  	v49 =	vadd.s32 $0x2, v47;
	[tilespmem:$0x520] =	vst v48  }
0xfd: {  	v50 =	vadd.s32 $0x3, v47;
	[tilespmem:$0x720] =	vst v49  }
0xfe: {  	v52 =	vadd.s32 $0x4, v47;
	[tilespmem:$0x920] =	vst v50  }
0xff: {  	v53 =	vadd.s32 $0x5, v47;
	[tilespmem:$0xB20] =	vst v52  }
0x100: {  	v54 =	vadd.s32 $0x6, v47;
	[tilespmem:$0xD20] =	vst v53  }
0x101: {  	v55 =	vadd.s32 $0x7, v47;
	[tilespmem:$0xF20] =	vst v54  }
0x102: {  	v56 =	vadd.s32 $0x8, v47;
	[tilespmem:$0x1120] =	vst v55  }
0x103: {  	v58 =	vadd.s32 $0x1, v57;
	[tilespmem:$0x1320] =	vst v56  }
0x104: {  	v59 =	vadd.s32 $0x2, v57;
	[tilespmem:$0x530] =	vst v58  }
0x105: {  	v60 =	vadd.s32 $0x3, v57;
	[tilespmem:$0x730] =	vst v59  }
0x106: {  	v62 =	vadd.s32 $0x4, v57;
	[tilespmem:$0x930] =	vst v60  }
0x107: {  	v63 =	vadd.s32 $0x5, v57;
	[tilespmem:$0xB30] =	vst v62  }
0x108: {  	v4 =	vadd.s32 $0x6, v57;
	[tilespmem:$0xD30] =	vst v63  }
0x109: {  	v5 =	vadd.s32 $0x7, v57;
	[tilespmem:$0xF30] =	vst v4  }
0x10a: {  	v6 =	vadd.s32 $0x8, v57;
	[tilespmem:$0x1130] =	vst v5  }
0x10b: {  	v8 =	vadd.s32 $0x1, v7;
	[tilespmem:$0x1330] =	vst v6  }
0x10c: {  	v9 =	vadd.s32 $0x2, v7;
	[tilespmem:$0x540] =	vst v8  }
0x10d: {  	v10 =	vadd.s32 $0x3, v7;
	[tilespmem:$0x740] =	vst v9  }
0x10e: {  	v12 =	vadd.s32 $0x4, v7;
	[tilespmem:$0x940] =	vst v10  }
0x10f: {  	v13 =	vadd.s32 $0x5, v7;
	[tilespmem:$0xB40] =	vst v12  }
0x110: {  	v14 =	vadd.s32 $0x6, v7;
	[tilespmem:$0xD40] =	vst v13  }
0x111: {  	v15 =	vadd.s32 $0x7, v7;
	[tilespmem:$0xF40] =	vst v14  }
0x112: {  	v16 =	vadd.s32 $0x8, v7;
	[tilespmem:$0x1140] =	vst v15  }
0x113: {  	v18 =	vadd.s32 $0x1, v17;
	[tilespmem:$0x1340] =	vst v16  }
0x114: {  	v19 =	vadd.s32 $0x2, v17;
	[tilespmem:$0x550] =	vst v18  }
0x115: {  	v20 =	vadd.s32 $0x3, v17;
	[tilespmem:$0x750] =	vst v19  }
0x116: {  	v22 =	vadd.s32 $0x4, v17;
	[tilespmem:$0x950] =	vst v20  }
0x117: {  	v23 =	vadd.s32 $0x5, v17;
	[tilespmem:$0xB50] =	vst v22  }
0x118: {  	v24 =	vadd.s32 $0x6, v17;
	[tilespmem:$0xD50] =	vst v23  }
0x119: {  	v25 =	vadd.s32 $0x7, v17;
	[tilespmem:$0xF50] =	vst v24  }
0x11a: {  	v26 =	vadd.s32 $0x8, v17;
	[tilespmem:$0x1150] =	vst v25  }
0x11b: {  	v28 =	vadd.s32 $0x1, v27;
	[tilespmem:$0x1350] =	vst v26  }
0x11c: {  	v29 =	vadd.s32 $0x2, v27;
	[tilespmem:$0x560] =	vst v28  }
0x11d: {  	v31 =	vld [tilespmem:$0x170];
	v30 =	vadd.s32 $0x3, v27;
	[tilespmem:$0x760] =	vst v29  }
0x11e: {  	v41 =	vld [tilespmem:$0x180];
	v32 =	vadd.s32 $0x4, v27;
	[tilespmem:$0x960] =	vst v30  }
0x11f: {  	v51 =	vld [tilespmem:$0x190];
	v33 =	vadd.s32 $0x5, v27;
	[tilespmem:$0xB60] =	vst v32  }
0x120: {  	v61 =	vld [tilespmem:$0x1A0];
	v34 =	vadd.s32 $0x6, v27;
	[tilespmem:$0xD60] =	vst v33  }
0x121: {  	v11 =	vld [tilespmem:$0x1B0];
	v35 =	vadd.s32 $0x7, v27;
	[tilespmem:$0xF60] =	vst v34  }
0x122: {  	v21 =	vld [tilespmem:$0x1C0];
	v36 =	vadd.s32 $0x8, v27;
	[tilespmem:$0x1160] =	vst v35;
	v37 =	vmul.u32 $0x9, v31  }
0x123: {  	[tilespmem:$0x1360] =	vst v36;
	v47 =	vmul.u32 $0x9, v41  }
0x124: {  	v57 =	vmul.u32 $0x9, v51;
	[tilespmem:$0x370] =	vst v37  }
0x125: {  	v7 =	vmul.u32 $0x9, v61;
	[tilespmem:$0x380] =	vst v47  }
0x126: {  	v17 =	vmul.u32 $0x9, v11;
	[tilespmem:$0x390] =	vst v57  }
0x127: {  	v27 =	vmul.u32 $0x9, v21;
	[tilespmem:$0x3A0] =	vst v7  }
0x128: {  	[tilespmem:$0x3B0] =	vst v17  }
0x129: {  	v38 =	vadd.s32 $0x1, v37;
	[tilespmem:$0x3C0] =	vst v27  }
0x12a: {  	v39 =	vadd.s32 $0x2, v37;
	[tilespmem:$0x570] =	vst v38  }
0x12b: {  	v40 =	vadd.s32 $0x3, v37;
	[tilespmem:$0x770] =	vst v39  }
0x12c: {  	v42 =	vadd.s32 $0x4, v37;
	[tilespmem:$0x970] =	vst v40  }
0x12d: {  	v43 =	vadd.s32 $0x5, v37;
	[tilespmem:$0xB70] =	vst v42  }
0x12e: {  	v44 =	vadd.s32 $0x6, v37;
	[tilespmem:$0xD70] =	vst v43  }
0x12f: {  	v45 =	vadd.s32 $0x7, v37;
	[tilespmem:$0xF70] =	vst v44  }
0x130: {  	v46 =	vadd.s32 $0x8, v37;
	[tilespmem:$0x1170] =	vst v45  }
0x131: {  	v48 =	vadd.s32 $0x1, v47;
	[tilespmem:$0x1370] =	vst v46  }
0x132: {  	v49 =	vadd.s32 $0x2, v47;
	[tilespmem:$0x580] =	vst v48  }
0x133: {  	v50 =	vadd.s32 $0x3, v47;
	[tilespmem:$0x780] =	vst v49  }
0x134: {  	v52 =	vadd.s32 $0x4, v47;
	[tilespmem:$0x980] =	vst v50  }
0x135: {  	v53 =	vadd.s32 $0x5, v47;
	[tilespmem:$0xB80] =	vst v52  }
0x136: {  	v54 =	vadd.s32 $0x6, v47;
	[tilespmem:$0xD80] =	vst v53  }
0x137: {  	v55 =	vadd.s32 $0x7, v47;
	[tilespmem:$0xF80] =	vst v54  }
0x138: {  	v56 =	vadd.s32 $0x8, v47;
	[tilespmem:$0x1180] =	vst v55  }
0x139: {  	v58 =	vadd.s32 $0x1, v57;
	[tilespmem:$0x1380] =	vst v56  }
0x13a: {  	v59 =	vadd.s32 $0x2, v57;
	[tilespmem:$0x590] =	vst v58  }
0x13b: {  	v60 =	vadd.s32 $0x3, v57;
	[tilespmem:$0x790] =	vst v59  }
0x13c: {  	v62 =	vadd.s32 $0x4, v57;
	[tilespmem:$0x990] =	vst v60  }
0x13d: {  	v63 =	vadd.s32 $0x5, v57;
	[tilespmem:$0xB90] =	vst v62  }
0x13e: {  	v4 =	vadd.s32 $0x6, v57;
	[tilespmem:$0xD90] =	vst v63  }
0x13f: {  	v5 =	vadd.s32 $0x7, v57;
	[tilespmem:$0xF90] =	vst v4  }
0x140: {  	v6 =	vadd.s32 $0x8, v57;
	[tilespmem:$0x1190] =	vst v5  }
0x141: {  	v8 =	vadd.s32 $0x1, v7;
	[tilespmem:$0x1390] =	vst v6  }
0x142: {  	v9 =	vadd.s32 $0x2, v7;
	[tilespmem:$0x5A0] =	vst v8  }
0x143: {  	v10 =	vadd.s32 $0x3, v7;
	[tilespmem:$0x7A0] =	vst v9  }
0x144: {  	v12 =	vadd.s32 $0x4, v7;
	[tilespmem:$0x9A0] =	vst v10  }
0x145: {  	v13 =	vadd.s32 $0x5, v7;
	[tilespmem:$0xBA0] =	vst v12  }
0x146: {  	v14 =	vadd.s32 $0x6, v7;
	[tilespmem:$0xDA0] =	vst v13  }
0x147: {  	v15 =	vadd.s32 $0x7, v7;
	[tilespmem:$0xFA0] =	vst v14  }
0x148: {  	v16 =	vadd.s32 $0x8, v7;
	[tilespmem:$0x11A0] =	vst v15  }
0x149: {  	v18 =	vadd.s32 $0x1, v17;
	[tilespmem:$0x13A0] =	vst v16  }
0x14a: {  	v19 =	vadd.s32 $0x2, v17;
	[tilespmem:$0x5B0] =	vst v18  }
0x14b: {  	v20 =	vadd.s32 $0x3, v17;
	[tilespmem:$0x7B0] =	vst v19  }
0x14c: {  	v22 =	vadd.s32 $0x4, v17;
	[tilespmem:$0x9B0] =	vst v20  }
0x14d: {  	v23 =	vadd.s32 $0x5, v17;
	[tilespmem:$0xBB0] =	vst v22  }
0x14e: {  	v24 =	vadd.s32 $0x6, v17;
	[tilespmem:$0xDB0] =	vst v23  }
0x14f: {  	v25 =	vadd.s32 $0x7, v17;
	[tilespmem:$0xFB0] =	vst v24  }
0x150: {  	v26 =	vadd.s32 $0x8, v17;
	[tilespmem:$0x11B0] =	vst v25  }
0x151: {  	v28 =	vadd.s32 $0x1, v27;
	[tilespmem:$0x13B0] =	vst v26  }
0x152: {  	v29 =	vadd.s32 $0x2, v27;
	[tilespmem:$0x5C0] =	vst v28  }
0x153: {  	v31 =	vld [tilespmem:$0x1D0];
	v30 =	vadd.s32 $0x3, v27;
	[tilespmem:$0x7C0] =	vst v29  }
0x154: {  	v51 =	vld [tilespmem:$0x1F0];
	v32 =	vadd.s32 $0x4, v27;
	[tilespmem:$0x9C0] =	vst v30  }
0x155: {  	v33 =	vadd.s32 $0x5, v27;
	[tilespmem:$0xBC0] =	vst v32  }
0x156: {  	v34 =	vadd.s32 $0x6, v27;
	[tilespmem:$0xDC0] =	vst v33  }
0x157: {  	v35 =	vadd.s32 $0x7, v27;
	[tilespmem:$0xFC0] =	vst v34  }
0x158: {  	v36 =	vadd.s32 $0x8, v27;
	[tilespmem:$0x11C0] =	vst v35;
	v37 =	vmul.u32 $0x9, v31  }
0x159: {  	[tilespmem:$0x13C0] =	vst v36;
	v1 =	vmul.u32 $0x9, v51  }
0x15a: {  	[tilespmem:$0x3D0] =	vst v37  }
0x15b: {  	v38 =	vadd.s32 $0x1, v37;
	[tilespmem:$0x3F0] =	vst v1  }
0x15c: {  	v39 =	vadd.s32 $0x2, v37;
	[tilespmem:$0x5D0] =	vst v38  }
0x15d: {  	v41 =	vadd.s32 $0x3, v37;
	[tilespmem:$0x7D0] =	vst v39  }
0x15e: {  	v42 =	vadd.s32 $0x4, v37;
	[tilespmem:$0x9D0] =	vst v41  }
0x15f: {  	v43 =	vadd.s32 $0x5, v37;
	[tilespmem:$0xBD0] =	vst v42  }
0x160: {  	v44 =	vadd.s32 $0x6, v37;
	[tilespmem:$0xDD0] =	vst v43  }
0x161: {  	v45 =	vadd.s32 $0x7, v37;
	[tilespmem:$0xFD0] =	vst v44  }
0x162: {  	v46 =	vadd.s32 $0x8, v37;
	[tilespmem:$0x11D0] =	vst v45  }
0x163: {  	v56 =	vadd.s32 $0x1, v1;
	[tilespmem:$0x13D0] =	vst v46  }
0x164: {  	v57 =	vadd.s32 $0x2, v1;
	[tilespmem:$0x5F0] =	vst v56  }
0x165: {  	v40 =	vld [tilespmem:$0x1E0];
	v58 =	vadd.s32 $0x3, v1;
	[tilespmem:$0x7F0] =	vst v57  }
0x166: {  	v59 =	vadd.s32 $0x4, v1;
	[tilespmem:$0x9F0] =	vst v58  }
0x167: {  	v60 =	vadd.s32 $0x5, v1;
	[tilespmem:$0xBF0] =	vst v59  }
0x168: {  	v61 =	vadd.s32 $0x6, v1;
	[tilespmem:$0xDF0] =	vst v60  }
0x169: {  	v62 =	vadd.s32 $0x7, v1;
	[tilespmem:$0xFF0] =	vst v61  }
0x16a: {  	v63 =	vadd.s32 $0x8, v1;
	v2 =	vmul.u32 $0x9, v40;
	[tilespmem:$0x11F0] =	vst v62  }
0x16b: {  	[tilespmem:$0x13F0] =	vst v63  }
0x16c: {  	v47 =	vadd.s32 $0x1, v2;
	[tilespmem:$0x3E0] =	vst v2  }
0x16d: {  	v48 =	vadd.s32 $0x2, v2;
	[tilespmem:$0x5E0] =	vst v47  }
0x16e: {  	v49 =	vadd.s32 $0x3, v2;
	[tilespmem:$0x7E0] =	vst v48  }
0x16f: {  	v50 =	vadd.s32 $0x4, v2;
	[tilespmem:$0x9E0] =	vst v49  }
0x170: {  	v52 =	vadd.s32 $0x5, v2;
	[tilespmem:$0xBE0] =	vst v50  }
0x171: {  	v53 =	vadd.s32 $0x6, v2;
	[tilespmem:$0xDE0] =	vst v52  }
0x172: {  	s0 =	sld [smem:$0x7E0];
	v54 =	vadd.s32 $0x7, v2;
	[tilespmem:$0xFE0] =	vst v53  }
0x173: {  	v55 =	vadd.s32 $0x8, v2;
	[tilespmem:$0x11E0] =	vst v54  }
0x174: {  	s26 =	sld [smem:$0x7E1];
	[tilespmem:$0x13E0] =	vst v55  }
0x175: {  	[tilespmem:s8], [sflag:$0x1] =	stream.indirect.gather [hbm4b:s2+s7], $0x80, s0, s7, $0xb8;
	[tilespmem:$0x19400] =	vst v63  }
0x176: {  	s0 =	sld [smem:$0x7E2]  }
0x177: {  	[tilespmem:s9], [sflag:$0x2] =	stream.indirect.gather [hbm4b:s2+s7], $0x80, s26, s7, $0xb8;
	[tilespmem:$0x19400] =	vst v63  }
0x178: {  	s26 =	sld [smem:$0x7E3]  }
0x179: {  	[tilespmem:s10], [sflag:$0x3] =	stream.indirect.gather [hbm4b:s2+s7], $0x80, s0, s7, $0xb8;
	[tilespmem:$0x19400] =	vst v63  }
0x17a: {  	s0 =	sld [smem:$0x7E4]  }
0x17b: {  	[tilespmem:s11], [sflag:$0x4] =	stream.indirect.gather [hbm4b:s2+s7], $0x80, s26, s7, $0xb8;
	[tilespmem:$0x19400] =	vst v63  }
0x17c: {  	_ = 	snop  }
0x17d: {  	[tilespmem:s12], [sflag:$0x5] =	stream.indirect.gather [hbm4b:s2+s7], $0x80, s0, s7, $0xb8;
	[tilespmem:$0x19400] =	vst v63  }
0x17e: {  	_ =	swait.ge [sflag:s13], $0x4000  }
0x17f: {  	[sflag:s13] =	ssyncset.done $0x0  }
0x180: {  	s26 =	sld [smem:$0x7E5];
	[sflag:s13] =	ssyncadd.s32 $0xFFFFC000  }
0x181: {  	[hbm4b:s4+s3] =	stream.linear.scatter [tilespmem:s8], [sflag:$0x7], $0x4000, $0x38;
	[tilespmem:$0x19400] =	vst v63  }
0x182: {  	_ = 	snop  }
0x183: {  	[tilespmem:s14], [sflag:$0x6] =	stream.indirect.gather [hbm4b:s2+s7], $0x80, s26, s7, $0xb8;
	[tilespmem:$0x19400] =	vst v63  }
0x184: {  	_ =	swait.ge [sflag:s15], $0x4000  }
0x185: {  	[sflag:s15] =	ssyncset.done $0x0  }
0x186: {  	s26 =	rddreg [dreg:$0x5];
	[sflag:s15] =	ssyncadd.s32 $0xFFFFC000  }
0x187: {  	[hbm4b:s26+s3] =	stream.linear.scatter [tilespmem:s9], [sflag:$0x8], $0x4000, $0x38;
	[tilespmem:$0x19400] =	vst v63  }
0x188: {  	_ =	swait.ge [sflag:s16], $0x4000  }
0x189: {  	s26 =	sld [smem:$0x7E6]  }
0x18a: {  	[sflag:s16] =	ssyncset.done $0x0  }
0x18b: {  	[sflag:s16] =	ssyncadd.s32 $0xFFFFC000  }
0x18c: {  	[tilespmem:s8], [sflag:$0x1] =	stream.indirect.gather [hbm4b:s2+s7], $0x80, s26, s7, $0xb8;
	[tilespmem:$0x19400] =	vst v63  }
0x18d: {  	_ =	swait.ge [sflag:s17], $0x4000  }
0x18e: {  	[sflag:s17] =	ssyncset.done $0x0  }
0x18f: {  	s26 =	rddreg [dreg:$0x6];
	[sflag:s17] =	ssyncadd.s32 $0xFFFFC000  }
0x190: {  	[hbm4b:s26+s3] =	stream.linear.scatter [tilespmem:s10], [sflag:$0x9], $0x4000, $0x38;
	[tilespmem:$0x19400] =	vst v63  }
0x191: {  	_ =	swait.ge [sflag:s18], $0x4000  }
0x192: {  	s26 =	sld [smem:$0x7E7]  }
0x193: {  	[sflag:s18] =	ssyncset.done $0x0  }
0x194: {  	[sflag:s18] =	ssyncadd.s32 $0xFFFFC000  }
0x195: {  	[tilespmem:s9], [sflag:$0x2] =	stream.indirect.gather [hbm4b:s2+s7], $0x80, s26, s7, $0xb8;
	[tilespmem:$0x19400] =	vst v63  }
0x196: {  	_ =	swait.ge [sflag:s19], $0x4000  }
0x197: {  	[sflag:s19] =	ssyncset.done $0x0  }
0x198: {  	s26 =	rddreg [dreg:$0x7];
	[sflag:s19] =	ssyncadd.s32 $0xFFFFC000  }
0x199: {  	[hbm4b:s26+s3] =	stream.linear.scatter [tilespmem:s11], [sflag:$0xA], $0x4000, $0x38;
	[tilespmem:$0x19400] =	vst v63  }
0x19a: {  	_ =	swait.ge [sflag:s20], $0x4000  }
0x19b: {  	s26 =	sld [smem:$0x7E8]  }
0x19c: {  	[sflag:s20] =	ssyncset.done $0x0  }
0x19d: {  	[sflag:s20] =	ssyncadd.s32 $0xFFFFC000  }
0x19e: {  	[tilespmem:s10], [sflag:$0x3] =	stream.indirect.gather [hbm4b:s2+s7], $0x80, s26, s7, $0xb8;
	[tilespmem:$0x19400] =	vst v63  }
0x19f: {  	_ =	swait.ge [sflag:s21], $0x4000  }
0x1a0: {  	[sflag:s21] =	ssyncset.done $0x0  }
0x1a1: {  	s26 =	rddreg [dreg:$0x8];
	[sflag:s21] =	ssyncadd.s32 $0xFFFFC000  }
0x1a2: {  	[hbm4b:s26+s3] =	stream.linear.scatter [tilespmem:s12], [sflag:$0xB], $0x4000, $0x38;
	[tilespmem:$0x19400] =	vst v63  }
0x1a3: {  	_ =	swait.ge [sflag:s22], $0x4000  }
0x1a4: {  	s26 =	sld [smem:$0x7E9]  }
0x1a5: {  	[sflag:s22] =	ssyncset.done $0x0  }
0x1a6: {  	[sflag:s22] =	ssyncadd.s32 $0xFFFFC000  }
0x1a7: {  	[tilespmem:s11], [sflag:$0x4] =	stream.indirect.gather [hbm4b:s2+s7], $0x80, s26, s7, $0xb8;
	[tilespmem:$0x19400] =	vst v63  }
0x1a8: {  	_ =	swait.ge [sflag:s23], $0x4000  }
0x1a9: {  	[sflag:s23] =	ssyncset.done $0x0  }
0x1aa: {  	s26 =	rddreg [dreg:$0x9];
	[sflag:s23] =	ssyncadd.s32 $0xFFFFC000  }
0x1ab: {  	[hbm4b:s26+s3] =	stream.linear.scatter [tilespmem:s14], [sflag:$0xC], $0x4000, $0x38;
	[tilespmem:$0x19400] =	vst v63  }
0x1ac: {  	_ =	swait.ge [sflag:s24], $0x4000  }
0x1ad: {  	s26 =	sld [smem:$0x7EA]  }
0x1ae: {  	[sflag:s24] =	ssyncset.done $0x0  }
0x1af: {  	[sflag:s24] =	ssyncadd.s32 $0xFFFFC000  }
0x1b0: {  	[tilespmem:s12], [sflag:$0x5] =	stream.indirect.gather [hbm4b:s2+s7], $0x80, s26, s7, $0xb8;
	[tilespmem:$0x19400] =	vst v63  }
0x1b1: {  	_ =	swait.ge [sflag:s13], $0x4000  }
0x1b2: {  	[sflag:s13] =	ssyncset.done $0x0  }
0x1b3: {  	s26 =	rddreg [dreg:$0xa];
	[sflag:s13] =	ssyncadd.s32 $0xFFFFC000  }
0x1b4: {  	[hbm4b:s26+s3] =	stream.linear.scatter [tilespmem:s8], [sflag:$0x7], $0x4000, $0x38;
	[tilespmem:$0x19400] =	vst v63  }
0x1b5: {  	_ =	swait.ge [sflag:s25], $0x4000  }
0x1b6: {  	s26 =	sld [smem:$0x7EB]  }
0x1b7: {  	[sflag:s25] =	ssyncset.done $0x0  }
0x1b8: {  	[sflag:s25] =	ssyncadd.s32 $0xFFFFC000  }
0x1b9: {  	[tilespmem:s14], [sflag:$0x6] =	stream.indirect.gather [hbm4b:s2+s7], $0x80, s26, s7, $0xb8;
	[tilespmem:$0x19400] =	vst v63  }
0x1ba: {  	_ =	swait.ge [sflag:s15], $0x4000  }
0x1bb: {  	[sflag:s15] =	ssyncset.done $0x0  }
0x1bc: {  	s26 =	rddreg [dreg:$0xb];
	[sflag:s15] =	ssyncadd.s32 $0xFFFFC000  }
0x1bd: {  	[hbm4b:s26+s3] =	stream.linear.scatter [tilespmem:s9], [sflag:$0x8], $0x4000, $0x38;
	[tilespmem:$0x19400] =	vst v63  }
0x1be: {  	_ =	swait.ge [sflag:s16], $0x4000  }
0x1bf: {  	s26 =	sld [smem:$0x7EC]  }
0x1c0: {  	[sflag:s16] =	ssyncset.done $0x0  }
0x1c1: {  	[sflag:s16] =	ssyncadd.s32 $0xFFFFC000  }
0x1c2: {  	[tilespmem:s8], [sflag:$0x1] =	stream.indirect.gather [hbm4b:s2+s7], $0x80, s26, s7, $0xb8;
	[tilespmem:$0x19400] =	vst v63  }
0x1c3: {  	_ =	swait.ge [sflag:s17], $0x4000  }
0x1c4: {  	[sflag:s17] =	ssyncset.done $0x0  }
0x1c5: {  	s26 =	rddreg [dreg:$0xc];
	[sflag:s17] =	ssyncadd.s32 $0xFFFFC000  }
0x1c6: {  	[hbm4b:s26+s3] =	stream.linear.scatter [tilespmem:s10], [sflag:$0x9], $0x4000, $0x38;
	[tilespmem:$0x19400] =	vst v63  }
0x1c7: {  	_ =	swait.ge [sflag:s18], $0x4000  }
0x1c8: {  	s26 =	sld [smem:$0x7ED]  }
0x1c9: {  	[sflag:s18] =	ssyncset.done $0x0  }
0x1ca: {  	[sflag:s18] =	ssyncadd.s32 $0xFFFFC000  }
0x1cb: {  	[tilespmem:s9], [sflag:$0x2] =	stream.indirect.gather [hbm4b:s2+s7], $0x80, s26, s7, $0xb8;
	[tilespmem:$0x19400] =	vst v63  }
0x1cc: {  	_ =	swait.ge [sflag:s19], $0x4000  }
0x1cd: {  	[sflag:s19] =	ssyncset.done $0x0  }
0x1ce: {  	s26 =	rddreg [dreg:$0xd];
	[sflag:s19] =	ssyncadd.s32 $0xFFFFC000  }
0x1cf: {  	[hbm4b:s26+s3] =	stream.linear.scatter [tilespmem:s11], [sflag:$0xA], $0x4000, $0x38;
	[tilespmem:$0x19400] =	vst v63  }
0x1d0: {  	_ =	swait.ge [sflag:s20], $0x4000  }
0x1d1: {  	s26 =	sld [smem:$0x7EE]  }
0x1d2: {  	[sflag:s20] =	ssyncset.done $0x0  }
0x1d3: {  	[sflag:s20] =	ssyncadd.s32 $0xFFFFC000  }
0x1d4: {  	[tilespmem:s10], [sflag:$0x3] =	stream.indirect.gather [hbm4b:s2+s7], $0x80, s26, s7, $0xb8;
	[tilespmem:$0x19400] =	vst v63  }
0x1d5: {  	_ =	swait.ge [sflag:s21], $0x4000  }
0x1d6: {  	[sflag:s21] =	ssyncset.done $0x0  }
0x1d7: {  	s26 =	rddreg [dreg:$0xe];
	[sflag:s21] =	ssyncadd.s32 $0xFFFFC000  }
0x1d8: {  	[hbm4b:s26+s3] =	stream.linear.scatter [tilespmem:s12], [sflag:$0xB], $0x4000, $0x38;
	[tilespmem:$0x19400] =	vst v63  }
0x1d9: {  	_ =	swait.ge [sflag:s22], $0x4000  }
0x1da: {  	s26 =	sld [smem:$0x7EF]  }
0x1db: {  	[sflag:s22] =	ssyncset.done $0x0  }
0x1dc: {  	[sflag:s22] =	ssyncadd.s32 $0xFFFFC000  }
0x1dd: {  	[tilespmem:s11], [sflag:$0x4] =	stream.indirect.gather [hbm4b:s2+s7], $0x80, s26, s7, $0xb8;
	[tilespmem:$0x19400] =	vst v63  }
0x1de: {  	_ =	swait.ge [sflag:s23], $0x4000  }
0x1df: {  	[sflag:s23] =	ssyncset.done $0x0  }
0x1e0: {  	s26 =	rddreg [dreg:$0xf];
	[sflag:s23] =	ssyncadd.s32 $0xFFFFC000  }
0x1e1: {  	[hbm4b:s26+s3] =	stream.linear.scatter [tilespmem:s14], [sflag:$0xC], $0x4000, $0x38;
	[tilespmem:$0x19400] =	vst v63  }
0x1e2: {  	_ =	swait.ge [sflag:s24], $0x4000  }
0x1e3: {  	s26 =	sld [smem:$0x7F0]  }
0x1e4: {  	[sflag:s24] =	ssyncset.done $0x0  }
0x1e5: {  	[sflag:s24] =	ssyncadd.s32 $0xFFFFC000  }
0x1e6: {  	[tilespmem:s12], [sflag:$0x5] =	stream.indirect.gather [hbm4b:s2+s7], $0x80, s26, s7, $0xb8;
	[tilespmem:$0x19400] =	vst v63  }
0x1e7: {  	_ =	swait.ge [sflag:s13], $0x4000  }
0x1e8: {  	[sflag:s13] =	ssyncset.done $0x0  }
0x1e9: {  	s26 =	rddreg [dreg:$0x10];
	[sflag:s13] =	ssyncadd.s32 $0xFFFFC000  }
0x1ea: {  	[hbm4b:s26+s3] =	stream.linear.scatter [tilespmem:s8], [sflag:$0x7], $0x4000, $0x38;
	[tilespmem:$0x19400] =	vst v63  }
0x1eb: {  	_ =	swait.ge [sflag:s25], $0x4000  }
0x1ec: {  	s26 =	sld [smem:$0x7F1]  }
0x1ed: {  	[sflag:s25] =	ssyncset.done $0x0  }
0x1ee: {  	[sflag:s25] =	ssyncadd.s32 $0xFFFFC000  }
0x1ef: {  	[tilespmem:s14], [sflag:$0x6] =	stream.indirect.gather [hbm4b:s2+s7], $0x80, s26, s7, $0xb8;
	[tilespmem:$0x19400] =	vst v63  }
0x1f0: {  	_ =	swait.ge [sflag:s15], $0x4000  }
0x1f1: {  	[sflag:s15] =	ssyncset.done $0x0  }
0x1f2: {  	s26 =	rddreg [dreg:$0x11];
	[sflag:s15] =	ssyncadd.s32 $0xFFFFC000  }
0x1f3: {  	[hbm4b:s26+s3] =	stream.linear.scatter [tilespmem:s9], [sflag:$0x8], $0x4000, $0x38;
	[tilespmem:$0x19400] =	vst v63  }
0x1f4: {  	_ =	swait.ge [sflag:s16], $0x4000  }
0x1f5: {  	s26 =	sld [smem:$0x7F2]  }
0x1f6: {  	[sflag:s16] =	ssyncset.done $0x0  }
0x1f7: {  	[sflag:s16] =	ssyncadd.s32 $0xFFFFC000  }
0x1f8: {  	[tilespmem:s8], [sflag:$0x1] =	stream.indirect.gather [hbm4b:s2+s7], $0x80, s26, s7, $0xb8;
	[tilespmem:$0x19400] =	vst v63  }
0x1f9: {  	_ =	swait.ge [sflag:s17], $0x4000  }
0x1fa: {  	[sflag:s17] =	ssyncset.done $0x0  }
0x1fb: {  	s26 =	rddreg [dreg:$0x12];
	[sflag:s17] =	ssyncadd.s32 $0xFFFFC000  }
0x1fc: {  	[hbm4b:s26+s3] =	stream.linear.scatter [tilespmem:s10], [sflag:$0x9], $0x4000, $0x38;
	[tilespmem:$0x19400] =	vst v63  }
0x1fd: {  	_ =	swait.ge [sflag:s18], $0x4000  }
0x1fe: {  	s26 =	sld [smem:$0x7F3]  }
0x1ff: {  	[sflag:s18] =	ssyncset.done $0x0  }
0x200: {  	[sflag:s18] =	ssyncadd.s32 $0xFFFFC000  }
0x201: {  	[tilespmem:s9], [sflag:$0x2] =	stream.indirect.gather [hbm4b:s2+s7], $0x80, s26, s7, $0xb8;
	[tilespmem:$0x19400] =	vst v63  }
0x202: {  	_ =	swait.ge [sflag:s19], $0x4000  }
0x203: {  	[sflag:s19] =	ssyncset.done $0x0  }
0x204: {  	s26 =	rddreg [dreg:$0x13];
	[sflag:s19] =	ssyncadd.s32 $0xFFFFC000  }
0x205: {  	[hbm4b:s26+s3] =	stream.linear.scatter [tilespmem:s11], [sflag:$0xA], $0x4000, $0x38;
	[tilespmem:$0x19400] =	vst v63  }
0x206: {  	_ =	swait.ge [sflag:s20], $0x4000  }
0x207: {  	s26 =	sld [smem:$0x7F4]  }
0x208: {  	[sflag:s20] =	ssyncset.done $0x0  }
0x209: {  	[sflag:s20] =	ssyncadd.s32 $0xFFFFC000  }
0x20a: {  	[tilespmem:s10], [sflag:$0x3] =	stream.indirect.gather [hbm4b:s2+s7], $0x80, s26, s7, $0xb8;
	[tilespmem:$0x19400] =	vst v63  }
0x20b: {  	_ =	swait.ge [sflag:s21], $0x4000  }
0x20c: {  	[sflag:s21] =	ssyncset.done $0x0  }
0x20d: {  	s26 =	rddreg [dreg:$0x14];
	[sflag:s21] =	ssyncadd.s32 $0xFFFFC000  }
0x20e: {  	[hbm4b:s26+s3] =	stream.linear.scatter [tilespmem:s12], [sflag:$0xB], $0x4000, $0x38;
	[tilespmem:$0x19400] =	vst v63  }
0x20f: {  	_ =	swait.ge [sflag:s22], $0x4000  }
0x210: {  	s26 =	sld [smem:$0x7F5]  }
0x211: {  	[sflag:s22] =	ssyncset.done $0x0  }
0x212: {  	[sflag:s22] =	ssyncadd.s32 $0xFFFFC000  }
0x213: {  	[tilespmem:s11], [sflag:$0x4] =	stream.indirect.gather [hbm4b:s2+s7], $0x80, s26, s7, $0xb8;
	[tilespmem:$0x19400] =	vst v63  }
0x214: {  	_ =	swait.ge [sflag:s23], $0x4000  }
0x215: {  	[sflag:s23] =	ssyncset.done $0x0  }
0x216: {  	s26 =	rddreg [dreg:$0x15];
	[sflag:s23] =	ssyncadd.s32 $0xFFFFC000  }
0x217: {  	[hbm4b:s26+s3] =	stream.linear.scatter [tilespmem:s14], [sflag:$0xC], $0x4000, $0x38;
	[tilespmem:$0x19400] =	vst v63  }
0x218: {  	_ =	swait.ge [sflag:s24], $0x4000  }
0x219: {  	s26 =	sld [smem:$0x7F6]  }
0x21a: {  	[sflag:s24] =	ssyncset.done $0x0  }
0x21b: {  	[sflag:s24] =	ssyncadd.s32 $0xFFFFC000  }
0x21c: {  	[tilespmem:s12], [sflag:$0x5] =	stream.indirect.gather [hbm4b:s2+s7], $0x80, s26, s7, $0xb8;
	[tilespmem:$0x19400] =	vst v63  }
0x21d: {  	_ =	swait.ge [sflag:s13], $0x4000  }
0x21e: {  	[sflag:s13] =	ssyncset.done $0x0  }
0x21f: {  	s26 =	rddreg [dreg:$0x16];
	[sflag:s13] =	ssyncadd.s32 $0xFFFFC000  }
0x220: {  	[hbm4b:s26+s3] =	stream.linear.scatter [tilespmem:s8], [sflag:$0x7], $0x4000, $0x38;
	[tilespmem:$0x19400] =	vst v63  }
0x221: {  	_ =	swait.ge [sflag:s25], $0x4000  }
0x222: {  	s26 =	sld [smem:$0x7F7]  }
0x223: {  	[sflag:s25] =	ssyncset.done $0x0  }
0x224: {  	[sflag:s25] =	ssyncadd.s32 $0xFFFFC000  }
0x225: {  	[tilespmem:s14], [sflag:$0x6] =	stream.indirect.gather [hbm4b:s2+s7], $0x80, s26, s7, $0xb8;
	[tilespmem:$0x19400] =	vst v63  }
0x226: {  	_ =	swait.ge [sflag:s15], $0x4000  }
0x227: {  	[sflag:s15] =	ssyncset.done $0x0  }
0x228: {  	s26 =	rddreg [dreg:$0x17];
	[sflag:s15] =	ssyncadd.s32 $0xFFFFC000  }
0x229: {  	[hbm4b:s26+s3] =	stream.linear.scatter [tilespmem:s9], [sflag:$0x8], $0x4000, $0x38;
	[tilespmem:$0x19400] =	vst v63  }
0x22a: {  	_ =	swait.ge [sflag:s16], $0x4000  }
0x22b: {  	s26 =	sld [smem:$0x7F8]  }
0x22c: {  	[sflag:s16] =	ssyncset.done $0x0  }
0x22d: {  	[sflag:s16] =	ssyncadd.s32 $0xFFFFC000  }
0x22e: {  	[tilespmem:s8], [sflag:$0x1] =	stream.indirect.gather [hbm4b:s2+s7], $0x80, s26, s7, $0xb8;
	[tilespmem:$0x19400] =	vst v63  }
0x22f: {  	_ =	swait.ge [sflag:s17], $0x4000  }
0x230: {  	[sflag:s17] =	ssyncset.done $0x0  }
0x231: {  	s26 =	rddreg [dreg:$0x18];
	[sflag:s17] =	ssyncadd.s32 $0xFFFFC000  }
0x232: {  	[hbm4b:s26+s3] =	stream.linear.scatter [tilespmem:s10], [sflag:$0x9], $0x4000, $0x38;
	[tilespmem:$0x19400] =	vst v63  }
0x233: {  	_ =	swait.ge [sflag:s18], $0x4000  }
0x234: {  	s26 =	sld [smem:$0x7F9]  }
0x235: {  	[sflag:s18] =	ssyncset.done $0x0  }
0x236: {  	[sflag:s18] =	ssyncadd.s32 $0xFFFFC000  }
0x237: {  	[tilespmem:s9], [sflag:$0x2] =	stream.indirect.gather [hbm4b:s2+s7], $0x80, s26, s7, $0xb8;
	[tilespmem:$0x19400] =	vst v63  }
0x238: {  	_ =	swait.ge [sflag:s19], $0x4000  }
0x239: {  	[sflag:s19] =	ssyncset.done $0x0  }
0x23a: {  	s26 =	rddreg [dreg:$0x19];
	[sflag:s19] =	ssyncadd.s32 $0xFFFFC000  }
0x23b: {  	[hbm4b:s26+s3] =	stream.linear.scatter [tilespmem:s11], [sflag:$0xA], $0x4000, $0x38;
	[tilespmem:$0x19400] =	vst v63  }
0x23c: {  	_ =	swait.ge [sflag:s20], $0x4000  }
0x23d: {  	s26 =	sld [smem:$0x7FA]  }
0x23e: {  	[sflag:s20] =	ssyncset.done $0x0  }
0x23f: {  	[sflag:s20] =	ssyncadd.s32 $0xFFFFC000  }
0x240: {  	[tilespmem:s10], [sflag:$0x3] =	stream.indirect.gather [hbm4b:s2+s7], $0x80, s26, s7, $0xb8;
	[tilespmem:$0x19400] =	vst v63  }
0x241: {  	_ =	swait.ge [sflag:s21], $0x4000  }
0x242: {  	[sflag:s21] =	ssyncset.done $0x0  }
0x243: {  	s26 =	rddreg [dreg:$0x1a];
	[sflag:s21] =	ssyncadd.s32 $0xFFFFC000  }
0x244: {  	[hbm4b:s26+s3] =	stream.linear.scatter [tilespmem:s12], [sflag:$0xB], $0x4000, $0x38;
	[tilespmem:$0x19400] =	vst v63  }
0x245: {  	_ =	swait.ge [sflag:s22], $0x4000  }
0x246: {  	s26 =	sld [smem:$0x7FB]  }
0x247: {  	[sflag:s22] =	ssyncset.done $0x0  }
0x248: {  	[sflag:s22] =	ssyncadd.s32 $0xFFFFC000  }
0x249: {  	[tilespmem:s11], [sflag:$0x4] =	stream.indirect.gather [hbm4b:s2+s7], $0x80, s26, s7, $0xb8;
	[tilespmem:$0x19400] =	vst v63  }
0x24a: {  	_ =	swait.ge [sflag:s23], $0x4000  }
0x24b: {  	[sflag:s23] =	ssyncset.done $0x0  }
0x24c: {  	s26 =	rddreg [dreg:$0x1b];
	[sflag:s23] =	ssyncadd.s32 $0xFFFFC000  }
0x24d: {  	[hbm4b:s26+s3] =	stream.linear.scatter [tilespmem:s14], [sflag:$0xC], $0x4000, $0x38;
	[tilespmem:$0x19400] =	vst v63  }
0x24e: {  	_ =	swait.ge [sflag:s24], $0x4000  }
0x24f: {  	s26 =	sld [smem:$0x7FC]  }
0x250: {  	[sflag:s24] =	ssyncset.done $0x0  }
0x251: {  	[sflag:s24] =	ssyncadd.s32 $0xFFFFC000  }
0x252: {  	[tilespmem:s12], [sflag:$0x5] =	stream.indirect.gather [hbm4b:s2+s7], $0x80, s26, s7, $0xb8;
	[tilespmem:$0x19400] =	vst v63  }
0x253: {  	_ =	swait.ge [sflag:s13], $0x4000  }
0x254: {  	[sflag:s13] =	ssyncset.done $0x0  }
0x255: {  	s26 =	rddreg [dreg:$0x1c];
	[sflag:s13] =	ssyncadd.s32 $0xFFFFC000  }
0x256: {  	[hbm4b:s26+s3] =	stream.linear.scatter [tilespmem:s8], [sflag:$0x7], $0x4000, $0x38;
	[tilespmem:$0x19400] =	vst v63  }
0x257: {  	_ =	swait.ge [sflag:s25], $0x4000  }
0x258: {  	s26 =	sld [smem:$0x7FD]  }
0x259: {  	[sflag:s25] =	ssyncset.done $0x0  }
0x25a: {  	[sflag:s25] =	ssyncadd.s32 $0xFFFFC000  }
0x25b: {  	[tilespmem:s14], [sflag:$0x6] =	stream.indirect.gather [hbm4b:s2+s7], $0x80, s26, s7, $0xb8;
	[tilespmem:$0x19400] =	vst v63  }
0x25c: {  	_ =	swait.ge [sflag:s15], $0x4000  }
0x25d: {  	[sflag:s15] =	ssyncset.done $0x0  }
0x25e: {  	s26 =	rddreg [dreg:$0x1d];
	[sflag:s15] =	ssyncadd.s32 $0xFFFFC000  }
0x25f: {  	[hbm4b:s26+s3] =	stream.linear.scatter [tilespmem:s9], [sflag:$0x8], $0x4000, $0x38;
	[tilespmem:$0x19400] =	vst v63  }
0x260: {  	_ =	swait.ge [sflag:s16], $0x4000  }
0x261: {  	[sflag:s16] =	ssyncset.done $0x0  }
0x262: {  	s26 =	simm.s32 $0x1100;
	[sflag:s16] =	ssyncadd.s32 $0xFFFFC000  }
0x263: {  	[tilespmem:s8], [sflag:$0x1] =	stream.indirect.gather [hbm4b:s2+s7], $0x80, s26, s7, $0xb8;
	[tilespmem:$0x19400] =	vst v63  }
0x264: {  	_ =	swait.ge [sflag:s17], $0x4000  }
0x265: {  	[sflag:s17] =	ssyncset.done $0x0  }
0x266: {  	s26 =	rddreg [dreg:$0x1e];
	[sflag:s17] =	ssyncadd.s32 $0xFFFFC000  }
0x267: {  	[hbm4b:s26+s3] =	stream.linear.scatter [tilespmem:s10], [sflag:$0x9], $0x4000, $0x38;
	[tilespmem:$0x19400] =	vst v63  }
0x268: {  	_ =	swait.ge [sflag:s18], $0x4000  }
0x269: {  	[sflag:s18] =	ssyncset.done $0x0  }
0x26a: {  	[sflag:s18] =	ssyncadd.s32 $0xFFFFC000  }
0x26b: {  	[tilespmem:s9], [sflag:$0x2] =	stream.indirect.gather [hbm4b:s2+s7], $0x80, s28, s7, $0xb8;
	[tilespmem:$0x19400] =	vst v63  }
0x26c: {  	_ =	swait.ge [sflag:s19], $0x4000  }
0x26d: {  	[sflag:s19] =	ssyncset.done $0x0  }
0x26e: {  	s26 =	rddreg [dreg:$0x1f];
	[sflag:s19] =	ssyncadd.s32 $0xFFFFC000  }
0x26f: {  	[hbm4b:s26+s3] =	stream.linear.scatter [tilespmem:s11], [sflag:$0xA], $0x4000, $0x38;
	[tilespmem:$0x19400] =	vst v63  }
0x270: {  	_ =	swait.ge [sflag:s20], $0x4000  }
0x271: {  	[sflag:s20] =	ssyncset.done $0x0  }
0x272: {  	[sflag:s20] =	ssyncadd.s32 $0xFFFFC000  }
0x273: {  	[tilespmem:s10], [sflag:$0x3] =	stream.indirect.gather [hbm4b:s2+s7], $0x80, s29, s7, $0xb8;
	[tilespmem:$0x19400] =	vst v63  }
0x274: {  	_ =	swait.ge [sflag:s21], $0x4000  }
0x275: {  	s26 =	sld [smem:$0x7D8]  }
0x276: {  	[sflag:s21] =	ssyncset.done $0x0  }
0x277: {  	[sflag:s21] =	ssyncadd.s32 $0xFFFFC000  }
0x278: {  	[hbm4b:s26+s3] =	stream.linear.scatter [tilespmem:s12], [sflag:$0xB], $0x4000, $0x38;
	[tilespmem:$0x19400] =	vst v63  }
0x279: {  	_ =	swait.ge [sflag:s22], $0x4000  }
0x27a: {  	[sflag:s22] =	ssyncset.done $0x0  }
0x27b: {  	[sflag:s22] =	ssyncadd.s32 $0xFFFFC000  }
0x27c: {  	[tilespmem:s11], [sflag:$0x4] =	stream.indirect.gather [hbm4b:s2+s7], $0x80, s30, s7, $0xb8;
	[tilespmem:$0x19400] =	vst v63  }
0x27d: {  	_ =	swait.ge [sflag:s23], $0x4000  }
0x27e: {  	s26 =	sld [smem:$0x7D9]  }
0x27f: {  	[sflag:s23] =	ssyncset.done $0x0  }
0x280: {  	[sflag:s23] =	ssyncadd.s32 $0xFFFFC000  }
0x281: {  	[hbm4b:s26+s3] =	stream.linear.scatter [tilespmem:s14], [sflag:$0xC], $0x4000, $0x38;
	[tilespmem:$0x19400] =	vst v63  }
0x282: {  	_ =	swait.ge [sflag:s24], $0x4000  }
0x283: {  	[sflag:s24] =	ssyncset.done $0x0  }
0x284: {  	[sflag:s24] =	ssyncadd.s32 $0xFFFFC000  }
0x285: {  	[tilespmem:s12], [sflag:$0x5] =	stream.indirect.gather [hbm4b:s2+s7], $0x80, s31, s7, $0xb8;
	[tilespmem:$0x19400] =	vst v63  }
0x286: {  	_ =	swait.ge [sflag:s13], $0x4000  }
0x287: {  	s26 =	sld [smem:$0x7DA]  }
0x288: {  	[sflag:s13] =	ssyncset.done $0x0  }
0x289: {  	[sflag:s13] =	ssyncadd.s32 $0xFFFFC000  }
0x28a: {  	[hbm4b:s26+s3] =	stream.linear.scatter [tilespmem:s8], [sflag:$0x7], $0x4000, $0x38;
	[tilespmem:$0x19400] =	vst v63  }
0x28b: {  	_ =	swait.ge [sflag:s25], $0x4000  }
0x28c: {  	[sflag:s25] =	ssyncset.done $0x0  }
0x28d: {  	[sflag:s25] =	ssyncadd.s32 $0xFFFFC000  }
0x28e: {  	[tilespmem:s14], [sflag:$0x6] =	stream.indirect.gather [hbm4b:s2+s7], $0x80, s1, s7, $0xb8;
	[tilespmem:$0x19400] =	vst v63  }
0x28f: {  	_ =	swait.ge [sflag:s15], $0x4000  }
0x290: {  	s26 =	sld [smem:$0x7DB]  }
0x291: {  	[sflag:s15] =	ssyncset.done $0x0  }
0x292: {  	[sflag:s15] =	ssyncadd.s32 $0xFFFFC000  }
0x293: {  	[hbm4b:s26+s3] =	stream.linear.scatter [tilespmem:s9], [sflag:$0x8], $0x4000, $0x38;
	[tilespmem:$0x19400] =	vst v63  }
0x294: {  	_ =	swait.ge [sflag:s17], $0x4000  }
0x295: {  	s26 =	sld [smem:$0x7DC]  }
0x296: {  	[sflag:s17] =	ssyncset.done $0x0  }
0x297: {  	[sflag:s17] =	ssyncadd.s32 $0xFFFFC000  }
0x298: {  	[hbm4b:s26+s3] =	stream.linear.scatter [tilespmem:s10], [sflag:$0x9], $0x4000, $0x38;
	[tilespmem:$0x19400] =	vst v63  }
0x299: {  	_ =	swait.ge [sflag:s19], $0x4000  }
0x29a: {  	s26 =	sld [smem:$0x7DD]  }
0x29b: {  	[sflag:s19] =	ssyncset.done $0x0  }
0x29c: {  	[sflag:s19] =	ssyncadd.s32 $0xFFFFC000  }
0x29d: {  	[hbm4b:s26+s3] =	stream.linear.scatter [tilespmem:s11], [sflag:$0xA], $0x4000, $0x38;
	[tilespmem:$0x19400] =	vst v63  }
0x29e: {  	_ =	swait.ge [sflag:s21], $0x4000  }
0x29f: {  	s26 =	sld [smem:$0x7DE]  }
0x2a0: {  	[sflag:s21] =	ssyncset.done $0x0  }
0x2a1: {  	[sflag:s21] =	ssyncadd.s32 $0xFFFFC000  }
0x2a2: {  	[hbm4b:s26+s3] =	stream.linear.scatter [tilespmem:s12], [sflag:$0xB], $0x4000, $0x38;
	[tilespmem:$0x19400] =	vst v63  }
0x2a3: {  	_ =	swait.ge [sflag:s23], $0x4000  }
0x2a4: {  	s26 =	sld [smem:$0x7DF]  }
0x2a5: {  	[sflag:s23] =	ssyncset.done $0x0  }
0x2a6: {  	[sflag:s23] =	ssyncadd.s32 $0xFFFFC000  }
0x2a7: {  	[hbm4b:s26+s3] =	stream.linear.scatter [tilespmem:s14], [sflag:$0xC], $0x4000, $0x38;
	[tilespmem:$0x19400] =	vst v63  }
0x2a8: {  	_ =	swait.ge [sflag:s16], $0x4000  }
0x2a9: {  	[sflag:s16] =	ssyncset.done $0x0  }
0x2aa: {  	[sflag:s16] =	ssyncadd.s32 $0xFFFFC000  }
0x2ab: {  	_ =	swait.ge [sflag:s18], $0x4000  }
0x2ac: {  	[sflag:s18] =	ssyncset.done $0x0  }
0x2ad: {  	[sflag:s18] =	ssyncadd.s32 $0xFFFFC000  }
0x2ae: {  	_ =	swait.ge [sflag:s20], $0x4000  }
0x2af: {  	[sflag:s20] =	ssyncset.done $0x0  }
0x2b0: {  	[sflag:s20] =	ssyncadd.s32 $0xFFFFC000  }
0x2b1: {  	_ =	swait.ge [sflag:s22], $0x4000  }
0x2b2: {  	[sflag:s22] =	ssyncset.done $0x0  }
0x2b3: {  	[sflag:s22] =	ssyncadd.s32 $0xFFFFC000  }
0x2b4: {  	p0 =	sne.s32 s5, $0x1;
	_ =	swait.ge [sflag:s24], $0x4000  }
.Ltmp0:
0x2b5: {  	[sflag:s24] =	ssyncset.done $0x0;
	(pc) =	sbr.rel @p0 .LBB2_1-.Ltmp0, $4  }
0x2b6: {  	[sflag:s24] =	ssyncadd.s32 $0xFFFFC000  }
0x2b7: {  	_ =	swait.ge [sflag:s25], $0x4000  }
0x2b8: {  	[sflag:s25] =	ssyncset.done $0x0  }
0x2b9: {  	s5 =	sadd.s32 $0xFFFFFFFF, s5;
	[sflag:s25] =	ssyncadd.s32 $0xFFFFC000  }
0x2ba: {  	_ =	sfence.sel $0x180000  }
0x2bb: {  	[bflag:$0x0] =	sbarrier.arrive $0xFFFF  }
0x2bc: {  	_ =	strace $0x90000047  }
0x2bd: {  	s0 =	stileid.u32;
	[bflag:$0x2] =	sbarrier.arrive $0xFFFF  }
0x2be: {  	p0 =	sne.s32 s0, $0x0;
	s0 =	rddreg [dreg:$0x3]  }
0x2bf: {  	s0 =	sadd.s32 @!p0 $0x100000, s0  }
0x2c0: {  	[sflag:s0] =	ssyncadd.tile.s32 @!p0 $0x1;
	_ =	shalt  }
.Lfunc_end2:
_tile_overlayer_lowered:
.L_overlay_start_2:
0x2c1: {  	(tag) =	ssettag $0x2  }
0x2c2: {  	s0 =	rddreg [dreg:$0x0];
	s2 =	stileid.u32  }
0x2c3: {  	s1 =	rddreg [dreg:$0x1];
	p0 =	sne.s32 s2, $0x0  }
0x2c4: {  	s3 =	rddreg [dreg:$0x2];
	[bflag:$0x3] =	sbarrier.arrive $0xFFFF;
	s2 =	simm.s32 @!p0 $0x1C0D  }
0x2c5: {  	[timem:s3], [sflag:s2] =	dma.local @!p0 [hbm:s0], s1  }
0x2c6: {  	s0 =	simm.s32 @!p0 $0xD  }
0x2c7: {  	_ =	swait.ge @!p0 [sflag:s0], s1  }
0x2c8: {  	s1 =	ssub.s32 @!p0 $0x0, s1;
	[sflag:s0] =	ssyncset.done @!p0 $0x0  }
0x2c9: {  	[sflag:s0] =	ssyncadd.s32 @!p0 s1  }
0x2ca: {  	[bflag:$0x3] =	sbarrier.arrive $0xFFFF  }
0x2cb: {  	_ =	shalt  }

</sc_bundles>
